<compile_context>
chip_gen: v7x
topology: tpu7x:2x2x1
jax: 0.10.2.dev20260603
libtpu: 0.0.44.dev20260713+nightly
codegen_flags: <defaults>
</compile_context>

<pallas_src>
import jax
import jax.numpy as jnp
from jax import lax
from jax.experimental import pallas as pl
from jax.experimental.pallas import tpu as pltpu
from jax.experimental.pallas import tpu_sc as plsc

DIM = 64
NF = 50
B = 16384
NC = 2
NS = 16
NW = NC * NS
BPW = B // NW
CHUNK = 128
NCHUNK = BPW // CHUNK
RING = 8


def _lanesum(x):
    idx = jnp.arange(16, dtype=jnp.int32)
    dnums = lax.GatherDimensionNumbers(
        offset_dims=(), collapsed_slice_dims=(0,), start_index_map=(0,))
    for sh in (8, 4, 2, 1):
        perm = jnp.bitwise_xor(idx, sh)
        x = x + lax.gather(x, perm[:, None], dimension_numbers=dnums,
                           slice_sizes=(1,),
                           mode=lax.GatherScatterMode.PROMISE_IN_BOUNDS)
    return x


def _rsqrt16(x):
    i = plsc.bitcast(x, jnp.int32)
    i = jnp.int32(0x5F3759DF) - jnp.right_shift(i, 1)
    y = plsc.bitcast(i, jnp.float32)
    half = x * jnp.float32(0.5)
    for _ in range(3):
        y = y * (jnp.float32(1.5) - half * y * y)
    return y


def _b16(v):
    return jnp.full((16,), v, jnp.int32)


def _body(idx_hbm, e_hbm, r_hbm, wk_hbm, out_hbm,
          idx_v, hr, rr, tr, wkv, score_v, sem):
    wid = lax.axis_index("s") * NC + lax.axis_index("c")
    base_row = wid * NCHUNK
    lanes = jnp.arange(16, dtype=jnp.int32)

    pltpu.sync_copy(idx_hbm.at[:, pl.ds(base_row, NCHUNK)], idx_v)
    pltpu.sync_copy(wk_hbm, wkv)

    s012 = jnp.minimum(lanes, 2)

    def idx3(i):
        g = plsc.load_gather(
            idx_v, [s012, _b16(lax.div(i, CHUNK)), _b16(lax.rem(i, CHUNK))])
        return g[0], g[1], g[2]

    def issue(j):
        ih, ir_, it = idx3(j)
        slot = jnp.bitwise_and(j, RING - 1) * 8
        ds = pl.ds(pl.multiple_of(slot, 8), 8)
        pltpu.async_copy(
            e_hbm.at[pl.ds(pl.multiple_of(
                lax.shift_left(lax.shift_right_logical(ih, 3), 3), 8), 8)],
            hr.at[ds], sem)
        pltpu.async_copy(
            r_hbm.at[pl.ds(pl.multiple_of(
                lax.shift_left(lax.shift_right_logical(ir_, 3), 3), 8), 8)],
            rr.at[ds], sem)
        pltpu.async_copy(
            e_hbm.at[pl.ds(pl.multiple_of(
                lax.shift_left(lax.shift_right_logical(it, 3), 3), 8), 8)],
            tr.at[ds], sem)

    def drain3():
        for ref in (hr, rr, tr):
            pltpu.make_async_copy(
                e_hbm.at[pl.ds(0, 8)], ref.at[pl.ds(0, 8)], sem).wait()

    for j in range(RING):
        issue(j)

    lane0 = lanes == 0

    def triple(i, carry):
        drain3()
        ih, ir_, it = idx3(i)
        slot = jnp.bitwise_and(i, RING - 1) * 8

        def rows(sub, ref):
            base = slot + sub
            return [plsc.load_gather(ref, [_b16(base), _b16(16 * k) + lanes])
                    for k in range(4)]

        h = rows(jnp.bitwise_and(ih, 7), hr)
        r = rows(jnp.bitwise_and(ir_, 7), rr)
        t = rows(jnp.bitwise_and(it, 7), tr)

        def nxt(_):
            issue(i + RING)
            return 0

        lax.cond(i + RING < BPW, nxt, lambda _: 0, 0)

        def inv_norm(x):
            ssq = x[0] * x[0] + x[1] * x[1] + x[2] * x[2] + x[3] * x[3]
            s = _lanesum(ssq)
            return _rsqrt16(jnp.maximum(s, jnp.float32(1e-24)))

        ihn, irn, itn = inv_norm(h), inv_norm(r), inv_norm(t)
        h = [x * ihn for x in h]
        r = [x * irn for x in r]
        t = [x * itn for x in t]

        acc = [jnp.zeros((16,), jnp.float32) for _ in range(4)]
        for f in range(NF):
            ka = wkv[f, pl.ds(DIM, 16)]
            kb = wkv[f, pl.ds(DIM + 16, 16)]
            kc = wkv[f, pl.ds(DIM + 32, 16)]
            for k in range(4):
                z = h[k] * ka + r[k] * kb + t[k] * kc
                z = jnp.maximum(z, jnp.float32(0.0))
                acc[k] = acc[k] + z * wkv[f, pl.ds(16 * k, 16)]
        tot = -_lanesum(acc[0] + acc[1] + acc[2] + acc[3])
        plsc.store_scatter(score_v, [_b16(i)], tot, mask=lane0)
        return carry

    lax.fori_loop(0, BPW, triple, 0)
    pltpu.sync_copy(score_v, out_hbm.at[pl.ds(wid * BPW, BPW)])


def kernel(T, E_table, R_table, kernel, fc_W):
    idx = T.T.reshape(3, B // CHUNK, CHUNK).astype(jnp.int32)
    k3 = kernel[:, 0, 0, :]
    kbt = jnp.repeat(k3, 16, axis=1).astype(jnp.float32)
    W = fc_W.reshape(NF, DIM)
    wk = jnp.concatenate(
        [W, kbt, jnp.zeros((NF, 128 - DIM - 48), jnp.float32)], axis=1)

    mesh = plsc.VectorSubcoreMesh(core_axis_name="c", subcore_axis_name="s")
    run = pl.kernel(
        _body,
        out_type=jax.ShapeDtypeStruct((B,), jnp.float32),
        mesh=mesh,
        compiler_params=pltpu.CompilerParams(needs_layout_passes=False,
                                             use_tc_tiling_on_sc=True),
        scratch_types=[
            pltpu.VMEM((3, NCHUNK, CHUNK), jnp.int32),
            pltpu.VMEM((RING * 8, DIM), jnp.float32),
            pltpu.VMEM((RING * 8, DIM), jnp.float32),
            pltpu.VMEM((RING * 8, DIM), jnp.float32),
            pltpu.VMEM((NF, 128), jnp.float32),
            pltpu.VMEM((BPW,), jnp.float32),
            pltpu.SemaphoreType.DMA,
        ],
    )
    return run(idx, E_table, R_table, wk)

# --- scband reference (transcript-rebuilt; emitter-appended) ---
"""Pipeline reference for scband-conv-kb-84524956385878 (READ-ONLY COPY).

The authoritative reference and input builder live on the scoring server;
editing this copy changes nothing except your own understanding.
"""

import jax, jax.numpy as jnp
import numpy as np

DIM = 64
NF = 50
N_E = 1000000
N_R = 1000000
B = 16384


def setup_inputs(seed: int = 0) -> dict:
    key = jax.random.key(seed)
    k1, k2, k3, k4, k5 = jax.random.split(key, 5)
    K = float(np.sqrt(6.0 / DIM))
    E_table = jax.random.uniform(k1, (N_E, DIM), minval=-K, maxval=K, dtype=jnp.float32)
    R_table = jax.random.uniform(k2, (N_R, DIM), minval=-K, maxval=K, dtype=jnp.float32)
    kernel = 0.5 + 0.05 * jax.random.normal(k3, (NF, 1, 1, 3), dtype=jnp.float32)
    kernel = kernel.at[:, :, :, -1].multiply(-1.0)
    lim = float(np.sqrt(1.0 / (DIM * NF)))
    fc_W = jax.random.uniform(k4, (1, DIM * NF), minval=-lim, maxval=lim, dtype=jnp.float32)
    T = jax.random.randint(k5, (B, 3), 0, N_E, dtype=jnp.int32)
    return {"T": T, "E_table": E_table, "R_table": R_table, "kernel": kernel, "fc_W": fc_W}


def _normalize(x):
    n = jnp.linalg.norm(x, ord=2, axis=-1, keepdims=True)
    return x / jnp.maximum(n, 1e-12)


def reference(T, E_table, R_table, kernel, fc_W):
    # Embedding gathers (memory-bound)
    h = jnp.take(E_table, T[:, 0], axis=0)
    r = jnp.take(R_table, T[:, 1], axis=0)
    t = jnp.take(E_table, T[:, 2], axis=0)
    h = _normalize(h)
    r = _normalize(r)
    t = _normalize(t)
    h = h.reshape(-1, 1, DIM, 1)
    r = r.reshape(-1, 1, DIM, 1)
    t = t.reshape(-1, 1, DIM, 1)
    x = jnp.concatenate([h, r, t], axis=-1)  # [B, 1, DIM, 3]
    s = jax.lax.conv_general_dilated(
        x, kernel, window_strides=(1, 1), padding='VALID',
        dimension_numbers=('NCHW', 'OIHW', 'NCHW'))  # [B, NF, DIM, 1]
    s_flat = jax.nn.relu(s).reshape(-1, DIM * NF)
    score_s = jnp.squeeze(s_flat @ fc_W.T, -1)
    score = -score_s
    return score

if __name__ == "__main__":
    import jax
    _d = setup_inputs()
    print(jax.jit(kernel)(*tuple(_d.values())))

</pallas_src>

<mosaic_0001>
#map = affine_map<(d0, d1) -> (0, 0, 0)>
#map1 = affine_map<(d0, d1) -> (0, 0)>
#map2 = affine_map<(d0, d1) -> (0)>
module attributes {stable_mosaic.version = 14 : i64} {
  func.func @_body(%arg0: i32, %arg1: i32, %arg2: memref<3x128x128xi32, #tpu.memory_space<hbm>>, %arg3: memref<1000000x64xf32, #tpu.memory_space<hbm>>, %arg4: memref<1000000x64xf32, #tpu.memory_space<hbm>>, %arg5: memref<50x128xf32, #tpu.memory_space<hbm>>, %arg6: memref<16384xf32, #tpu.memory_space<hbm>>, %arg7: memref<3x4x128xi32, #tpu.memory_space<vmem>>, %arg8: memref<64x64xf32, #tpu.memory_space<vmem>>, %arg9: memref<64x64xf32, #tpu.memory_space<vmem>>, %arg10: memref<64x64xf32, #tpu.memory_space<vmem>>, %arg11: memref<50x128xf32, #tpu.memory_space<vmem>>, %arg12: memref<512xf32, #tpu.memory_space<vmem>>, %arg13: memref<!tpu.dma_semaphore, #tpu.memory_space<semaphore_mem>>) attributes {dimension_semantics = [#tpu.dimension_semantics<core_parallel>, #tpu.dimension_semantics<subcore_parallel>], iteration_bounds = array<i64: 2, 16>, scalar_prefetch = 0 : i64, scratch_operands = 7 : i64, tpu.core_type = #tpu.core_type<sc_vector_subcore>, window_params = [{transform_indices = #map}, {transform_indices = #map1}, {transform_indices = #map1}, {transform_indices = #map1}, {transform_indices = #map2}]} {
    %mul3A = arith.constant 2 : i32
    %mul3A_0 = arith.muli %arg1, %mul3A : i32
    %add3A = arith.addi %mul3A_0, %arg0 : i32
    %mul3A_1 = arith.constant 4 : i32
    %mul3A_2 = arith.muli %add3A, %mul3A_1 : i32
    %iota3A = tpu.iota {dimensions = array<i32: 0>} : vector<16xi32>
    "tpu.region"() ({
      %run_scoped3A = tpu.sem_alloc : memref<!tpu.dma_semaphore, #tpu.memory_space<semaphore_mem>>
      %dma_start3A_483 = arith.constant 0 : i32
      %dma_start3A_484 = arith.constant 0 : i32
      %dma_start3A_485 = tpu.memref_slice %arg2[%dma_start3A_483, %mul3A_2, %dma_start3A_484] : memref<3x128x128xi32, #tpu.memory_space<hbm>> -> memref<3x4x128xi32, #tpu.memory_space<hbm>>
      %dma_start3A_486 = arith.constant 0 : i32
      %dma_start3A_487 = arith.constant 0 : i32
      %dma_start3A_488 = tpu.memref_slice %arg2[%dma_start3A_486, %mul3A_2, %dma_start3A_487] : memref<3x128x128xi32, #tpu.memory_space<hbm>> -> memref<3x4x128xi32, #tpu.memory_space<hbm>>
      tpu.enqueue_dma source(%dma_start3A_488 : memref<3x4x128xi32, #tpu.memory_space<hbm>>) target(%arg7 : memref<3x4x128xi32, #tpu.memory_space<vmem>>) target_semaphore(%run_scoped3A : memref<!tpu.dma_semaphore, #tpu.memory_space<semaphore_mem>>)
      %dma_wait3A = arith.constant 0 : i32
      %dma_wait3A_489 = arith.constant 0 : i32
      %dma_wait3A_490 = tpu.memref_slice %arg2[%dma_wait3A, %mul3A_2, %dma_wait3A_489] : memref<3x128x128xi32, #tpu.memory_space<hbm>> -> memref<3x4x128xi32, #tpu.memory_space<hbm>>
      %dma_wait3A_491 = arith.constant 0 : i32
      %dma_wait3A_492 = arith.constant 0 : i32
      %dma_wait3A_493 = tpu.memref_slice %arg2[%dma_wait3A_491, %mul3A_2, %dma_wait3A_492] : memref<3x128x128xi32, #tpu.memory_space<hbm>> -> memref<3x4x128xi32, #tpu.memory_space<hbm>>
      tpu.wait_dma2 semaphore(%run_scoped3A : memref<!tpu.dma_semaphore, #tpu.memory_space<semaphore_mem>>) src(%dma_wait3A_493 : memref<3x4x128xi32, #tpu.memory_space<hbm>>) dst(%arg7 : memref<3x4x128xi32, #tpu.memory_space<vmem>>)
      tpu.yield
    }) : () -> ()
    "tpu.region"() ({
      %run_scoped3A = tpu.sem_alloc : memref<!tpu.dma_semaphore, #tpu.memory_space<semaphore_mem>>
      tpu.enqueue_dma source(%arg5 : memref<50x128xf32, #tpu.memory_space<hbm>>) target(%arg11 : memref<50x128xf32, #tpu.memory_space<vmem>>) target_semaphore(%run_scoped3A : memref<!tpu.dma_semaphore, #tpu.memory_space<semaphore_mem>>)
      tpu.wait_dma2 semaphore(%run_scoped3A : memref<!tpu.dma_semaphore, #tpu.memory_space<semaphore_mem>>) src(%arg5 : memref<50x128xf32, #tpu.memory_space<hbm>>) dst(%arg11 : memref<50x128xf32, #tpu.memory_space<vmem>>)
      tpu.yield
    }) : () -> ()
    %min3A = arith.constant 2 : i32
    %min3A_3 = vector.broadcast %min3A : i32 to vector<16xi32>
    %min3A_4 = arith.minsi %iota3A, %min3A_3 : vector<16xi32>
    %div3A = arith.constant 0 : i32
    %div3A_5 = arith.constant 128 : i32
    %div3A_6 = arith.divsi %div3A, %div3A_5 : i32
    %broadcast_in_dim3A = vector.broadcast %div3A_6 : i32 to vector<16xi32>
    %rem3A = arith.constant 0 : i32
    %rem3A_7 = arith.constant 128 : i32
    %rem3A_8 = arith.remsi %rem3A, %rem3A_7 : i32
    %broadcast_in_dim3A_9 = vector.broadcast %rem3A_8 : i32 to vector<16xi32>
    %gather3A = tpu.vector_load_idx %arg7[%min3A_4, %broadcast_in_dim3A, %broadcast_in_dim3A_9] : memref<3x4x128xi32, #tpu.memory_space<vmem>>[vector<16xi32>, vector<16xi32>, vector<16xi32>], vector<16xi32>,
    %slice3A = vector.extract_strided_slice %gather3A {offsets = [0], sizes = [1], strides = [1]} : vector<16xi32> to vector<1xi32>
    %squeeze3A = vector.extract %slice3A[0] : i32 from vector<1xi32>
    %slice3A_10 = vector.extract_strided_slice %gather3A {offsets = [1], sizes = [1], strides = [1]} : vector<16xi32> to vector<1xi32>
    %squeeze3A_11 = vector.extract %slice3A_10[0] : i32 from vector<1xi32>
    %slice3A_12 = vector.extract_strided_slice %gather3A {offsets = [2], sizes = [1], strides = [1]} : vector<16xi32> to vector<1xi32>
    %squeeze3A_13 = vector.extract %slice3A_12[0] : i32 from vector<1xi32>
    %and3A = arith.constant 0 : i32
    %and3A_14 = arith.constant 7 : i32
    %and3A_15 = arith.andi %and3A, %and3A_14 : i32
    %mul3A_16 = arith.constant 8 : i32
    %mul3A_17 = arith.muli %and3A_15, %mul3A_16 : i32
    %multiple_of3A = tpu.assume_multiple %mul3A_17, 8 : i32
    %shift_right_logical3A = arith.constant 3 : i32
    %shift_right_logical3A_18 = arith.shrui %squeeze3A, %shift_right_logical3A : i32
    %shift_left3A = arith.constant 3 : i32
    %shift_left3A_19 = arith.shli %shift_right_logical3A_18, %shift_left3A : i32
    %multiple_of3A_20 = tpu.assume_multiple %shift_left3A_19, 8 : i32
    %dma_start3A = arith.constant 0 : i32
    %dma_start3A_21 = tpu.memref_slice %arg8[%multiple_of3A, %dma_start3A] : memref<64x64xf32, #tpu.memory_space<vmem>> -> memref<8x64xf32, #tpu.memory_space<vmem>>
    %dma_start3A_22 = arith.constant 0 : i32
    %dma_start3A_23 = tpu.memref_slice %arg3[%multiple_of3A_20, %dma_start3A_22] : memref<1000000x64xf32, #tpu.memory_space<hbm>> -> memref<8x64xf32, #tpu.memory_space<hbm>>
    %dma_start3A_24 = arith.constant 0 : i32
    %dma_start3A_25 = tpu.memref_slice %arg8[%multiple_of3A, %dma_start3A_24] : memref<64x64xf32, #tpu.memory_space<vmem>> -> memref<8x64xf32, #tpu.memory_space<vmem>>
    %dma_start3A_26 = arith.constant 0 : i32
    %dma_start3A_27 = tpu.memref_slice %arg3[%multiple_of3A_20, %dma_start3A_26] : memref<1000000x64xf32, #tpu.memory_space<hbm>> -> memref<8x64xf32, #tpu.memory_space<hbm>>
    tpu.enqueue_dma source(%dma_start3A_27 : memref<8x64xf32, #tpu.memory_space<hbm>>) target(%dma_start3A_25 : memref<8x64xf32, #tpu.memory_space<vmem>>) target_semaphore(%arg13 : memref<!tpu.dma_semaphore, #tpu.memory_space<semaphore_mem>>)
    %shift_right_logical3A_28 = arith.constant 3 : i32
    %shift_right_logical3A_29 = arith.shrui %squeeze3A_11, %shift_right_logical3A_28 : i32
    %shift_left3A_30 = arith.constant 3 : i32
    %shift_left3A_31 = arith.shli %shift_right_logical3A_29, %shift_left3A_30 : i32
    %multiple_of3A_32 = tpu.assume_multiple %shift_left3A_31, 8 : i32
    %dma_start3A_33 = arith.constant 0 : i32
    %dma_start3A_34 = tpu.memref_slice %arg9[%multiple_of3A, %dma_start3A_33] : memref<64x64xf32, #tpu.memory_space<vmem>> -> memref<8x64xf32, #tpu.memory_space<vmem>>
    %dma_start3A_35 = arith.constant 0 : i32
    %dma_start3A_36 = tpu.memref_slice %arg4[%multiple_of3A_32, %dma_start3A_35] : memref<1000000x64xf32, #tpu.memory_space<hbm>> -> memref<8x64xf32, #tpu.memory_space<hbm>>
    %dma_start3A_37 = arith.constant 0 : i32
    %dma_start3A_38 = tpu.memref_slice %arg9[%multiple_of3A, %dma_start3A_37] : memref<64x64xf32, #tpu.memory_space<vmem>> -> memref<8x64xf32, #tpu.memory_space<vmem>>
    %dma_start3A_39 = arith.constant 0 : i32
    %dma_start3A_40 = tpu.memref_slice %arg4[%multiple_of3A_32, %dma_start3A_39] : memref<1000000x64xf32, #tpu.memory_space<hbm>> -> memref<8x64xf32, #tpu.memory_space<hbm>>
    tpu.enqueue_dma source(%dma_start3A_40 : memref<8x64xf32, #tpu.memory_space<hbm>>) target(%dma_start3A_38 : memref<8x64xf32, #tpu.memory_space<vmem>>) target_semaphore(%arg13 : memref<!tpu.dma_semaphore, #tpu.memory_space<semaphore_mem>>)
    %shift_right_logical3A_41 = arith.constant 3 : i32
    %shift_right_logical3A_42 = arith.shrui %squeeze3A_13, %shift_right_logical3A_41 : i32
    %shift_left3A_43 = arith.constant 3 : i32
    %shift_left3A_44 = arith.shli %shift_right_logical3A_42, %shift_left3A_43 : i32
    %multiple_of3A_45 = tpu.assume_multiple %shift_left3A_44, 8 : i32
    %dma_start3A_46 = arith.constant 0 : i32
    %dma_start3A_47 = tpu.memref_slice %arg10[%multiple_of3A, %dma_start3A_46] : memref<64x64xf32, #tpu.memory_space<vmem>> -> memref<8x64xf32, #tpu.memory_space<vmem>>
    %dma_start3A_48 = arith.constant 0 : i32
    %dma_start3A_49 = tpu.memref_slice %arg3[%multiple_of3A_45, %dma_start3A_48] : memref<1000000x64xf32, #tpu.memory_space<hbm>> -> memref<8x64xf32, #tpu.memory_space<hbm>>
    %dma_start3A_50 = arith.constant 0 : i32
    %dma_start3A_51 = tpu.memref_slice %arg10[%multiple_of3A, %dma_start3A_50] : memref<64x64xf32, #tpu.memory_space<vmem>> -> memref<8x64xf32, #tpu.memory_space<vmem>>
    %dma_start3A_52 = arith.constant 0 : i32
    %dma_start3A_53 = tpu.memref_slice %arg3[%multiple_of3A_45, %dma_start3A_52] : memref<1000000x64xf32, #tpu.memory_space<hbm>> -> memref<8x64xf32, #tpu.memory_space<hbm>>
    tpu.enqueue_dma source(%dma_start3A_53 : memref<8x64xf32, #tpu.memory_space<hbm>>) target(%dma_start3A_51 : memref<8x64xf32, #tpu.memory_space<vmem>>) target_semaphore(%arg13 : memref<!tpu.dma_semaphore, #tpu.memory_space<semaphore_mem>>)
    %div3A_54 = arith.constant 1 : i32
    %div3A_55 = arith.constant 128 : i32
    %div3A_56 = arith.divsi %div3A_54, %div3A_55 : i32
    %broadcast_in_dim3A_57 = vector.broadcast %div3A_56 : i32 to vector<16xi32>
    %rem3A_58 = arith.constant 1 : i32
    %rem3A_59 = arith.constant 128 : i32
    %rem3A_60 = arith.remsi %rem3A_58, %rem3A_59 : i32
    %broadcast_in_dim3A_61 = vector.broadcast %rem3A_60 : i32 to vector<16xi32>
    %gather3A_62 = tpu.vector_load_idx %arg7[%min3A_4, %broadcast_in_dim3A_57, %broadcast_in_dim3A_61] : memref<3x4x128xi32, #tpu.memory_space<vmem>>[vector<16xi32>, vector<16xi32>, vector<16xi32>], vector<16xi32>,
    %slice3A_63 = vector.extract_strided_slice %gather3A_62 {offsets = [0], sizes = [1], strides = [1]} : vector<16xi32> to vector<1xi32>
    %squeeze3A_64 = vector.extract %slice3A_63[0] : i32 from vector<1xi32>
    %slice3A_65 = vector.extract_strided_slice %gather3A_62 {offsets = [1], sizes = [1], strides = [1]} : vector<16xi32> to vector<1xi32>
    %squeeze3A_66 = vector.extract %slice3A_65[0] : i32 from vector<1xi32>
    %slice3A_67 = vector.extract_strided_slice %gather3A_62 {offsets = [2], sizes = [1], strides = [1]} : vector<16xi32> to vector<1xi32>
    %squeeze3A_68 = vector.extract %slice3A_67[0] : i32 from vector<1xi32>
    %and3A_69 = arith.constant 1 : i32
    %and3A_70 = arith.constant 7 : i32
    %and3A_71 = arith.andi %and3A_69, %and3A_70 : i32
    %mul3A_72 = arith.constant 8 : i32
    %mul3A_73 = arith.muli %and3A_71, %mul3A_72 : i32
    %multiple_of3A_74 = tpu.assume_multiple %mul3A_73, 8 : i32
    %shift_right_logical3A_75 = arith.constant 3 : i32
    %shift_right_logical3A_76 = arith.shrui %squeeze3A_64, %shift_right_logical3A_75 : i32
    %shift_left3A_77 = arith.constant 3 : i32
    %shift_left3A_78 = arith.shli %shift_right_logical3A_76, %shift_left3A_77 : i32
    %multiple_of3A_79 = tpu.assume_multiple %shift_left3A_78, 8 : i32
    %dma_start3A_80 = arith.constant 0 : i32
    %dma_start3A_81 = tpu.memref_slice %arg8[%multiple_of3A_74, %dma_start3A_80] : memref<64x64xf32, #tpu.memory_space<vmem>> -> memref<8x64xf32, #tpu.memory_space<vmem>>
    %dma_start3A_82 = arith.constant 0 : i32
    %dma_start3A_83 = tpu.memref_slice %arg3[%multiple_of3A_79, %dma_start3A_82] : memref<1000000x64xf32, #tpu.memory_space<hbm>> -> memref<8x64xf32, #tpu.memory_space<hbm>>
    %dma_start3A_84 = arith.constant 0 : i32
    %dma_start3A_85 = tpu.memref_slice %arg8[%multiple_of3A_74, %dma_start3A_84] : memref<64x64xf32, #tpu.memory_space<vmem>> -> memref<8x64xf32, #tpu.memory_space<vmem>>
    %dma_start3A_86 = arith.constant 0 : i32
    %dma_start3A_87 = tpu.memref_slice %arg3[%multiple_of3A_79, %dma_start3A_86] : memref<1000000x64xf32, #tpu.memory_space<hbm>> -> memref<8x64xf32, #tpu.memory_space<hbm>>
    tpu.enqueue_dma source(%dma_start3A_87 : memref<8x64xf32, #tpu.memory_space<hbm>>) target(%dma_start3A_85 : memref<8x64xf32, #tpu.memory_space<vmem>>) target_semaphore(%arg13 : memref<!tpu.dma_semaphore, #tpu.memory_space<semaphore_mem>>)
    %shift_right_logical3A_88 = arith.constant 3 : i32
    %shift_right_logical3A_89 = arith.shrui %squeeze3A_66, %shift_right_logical3A_88 : i32
    %shift_left3A_90 = arith.constant 3 : i32
    %shift_left3A_91 = arith.shli %shift_right_logical3A_89, %shift_left3A_90 : i32
    %multiple_of3A_92 = tpu.assume_multiple %shift_left3A_91, 8 : i32
    %dma_start3A_93 = arith.constant 0 : i32
    %dma_start3A_94 = tpu.memref_slice %arg9[%multiple_of3A_74, %dma_start3A_93] : memref<64x64xf32, #tpu.memory_space<vmem>> -> memref<8x64xf32, #tpu.memory_space<vmem>>
    %dma_start3A_95 = arith.constant 0 : i32
    %dma_start3A_96 = tpu.memref_slice %arg4[%multiple_of3A_92, %dma_start3A_95] : memref<1000000x64xf32, #tpu.memory_space<hbm>> -> memref<8x64xf32, #tpu.memory_space<hbm>>
    %dma_start3A_97 = arith.constant 0 : i32
    %dma_start3A_98 = tpu.memref_slice %arg9[%multiple_of3A_74, %dma_start3A_97] : memref<64x64xf32, #tpu.memory_space<vmem>> -> memref<8x64xf32, #tpu.memory_space<vmem>>
    %dma_start3A_99 = arith.constant 0 : i32
    %dma_start3A_100 = tpu.memref_slice %arg4[%multiple_of3A_92, %dma_start3A_99] : memref<1000000x64xf32, #tpu.memory_space<hbm>> -> memref<8x64xf32, #tpu.memory_space<hbm>>
    tpu.enqueue_dma source(%dma_start3A_100 : memref<8x64xf32, #tpu.memory_space<hbm>>) target(%dma_start3A_98 : memref<8x64xf32, #tpu.memory_space<vmem>>) target_semaphore(%arg13 : memref<!tpu.dma_semaphore, #tpu.memory_space<semaphore_mem>>)
    %shift_right_logical3A_101 = arith.constant 3 : i32
    %shift_right_logical3A_102 = arith.shrui %squeeze3A_68, %shift_right_logical3A_101 : i32
    %shift_left3A_103 = arith.constant 3 : i32
    %shift_left3A_104 = arith.shli %shift_right_logical3A_102, %shift_left3A_103 : i32
    %multiple_of3A_105 = tpu.assume_multiple %shift_left3A_104, 8 : i32
    %dma_start3A_106 = arith.constant 0 : i32
    %dma_start3A_107 = tpu.memref_slice %arg10[%multiple_of3A_74, %dma_start3A_106] : memref<64x64xf32, #tpu.memory_space<vmem>> -> memref<8x64xf32, #tpu.memory_space<vmem>>
    %dma_start3A_108 = arith.constant 0 : i32
    %dma_start3A_109 = tpu.memref_slice %arg3[%multiple_of3A_105, %dma_start3A_108] : memref<1000000x64xf32, #tpu.memory_space<hbm>> -> memref<8x64xf32, #tpu.memory_space<hbm>>
    %dma_start3A_110 = arith.constant 0 : i32
    %dma_start3A_111 = tpu.memref_slice %arg10[%multiple_of3A_74, %dma_start3A_110] : memref<64x64xf32, #tpu.memory_space<vmem>> -> memref<8x64xf32, #tpu.memory_space<vmem>>
    %dma_start3A_112 = arith.constant 0 : i32
    %dma_start3A_113 = tpu.memref_slice %arg3[%multiple_of3A_105, %dma_start3A_112] : memref<1000000x64xf32, #tpu.memory_space<hbm>> -> memref<8x64xf32, #tpu.memory_space<hbm>>
    tpu.enqueue_dma source(%dma_start3A_113 : memref<8x64xf32, #tpu.memory_space<hbm>>) target(%dma_start3A_111 : memref<8x64xf32, #tpu.memory_space<vmem>>) target_semaphore(%arg13 : memref<!tpu.dma_semaphore, #tpu.memory_space<semaphore_mem>>)
    %div3A_114 = arith.constant 2 : i32
    %div3A_115 = arith.constant 128 : i32
    %div3A_116 = arith.divsi %div3A_114, %div3A_115 : i32
    %broadcast_in_dim3A_117 = vector.broadcast %div3A_116 : i32 to vector<16xi32>
    %rem3A_118 = arith.constant 2 : i32
    %rem3A_119 = arith.constant 128 : i32
    %rem3A_120 = arith.remsi %rem3A_118, %rem3A_119 : i32
    %broadcast_in_dim3A_121 = vector.broadcast %rem3A_120 : i32 to vector<16xi32>
    %gather3A_122 = tpu.vector_load_idx %arg7[%min3A_4, %broadcast_in_dim3A_117, %broadcast_in_dim3A_121] : memref<3x4x128xi32, #tpu.memory_space<vmem>>[vector<16xi32>, vector<16xi32>, vector<16xi32>], vector<16xi32>,
    %slice3A_123 = vector.extract_strided_slice %gather3A_122 {offsets = [0], sizes = [1], strides = [1]} : vector<16xi32> to vector<1xi32>
    %squeeze3A_124 = vector.extract %slice3A_123[0] : i32 from vector<1xi32>
    %slice3A_125 = vector.extract_strided_slice %gather3A_122 {offsets = [1], sizes = [1], strides = [1]} : vector<16xi32> to vector<1xi32>
    %squeeze3A_126 = vector.extract %slice3A_125[0] : i32 from vector<1xi32>
    %slice3A_127 = vector.extract_strided_slice %gather3A_122 {offsets = [2], sizes = [1], strides = [1]} : vector<16xi32> to vector<1xi32>
    %squeeze3A_128 = vector.extract %slice3A_127[0] : i32 from vector<1xi32>
    %and3A_129 = arith.constant 2 : i32
    %and3A_130 = arith.constant 7 : i32
    %and3A_131 = arith.andi %and3A_129, %and3A_130 : i32
    %mul3A_132 = arith.constant 8 : i32
    %mul3A_133 = arith.muli %and3A_131, %mul3A_132 : i32
    %multiple_of3A_134 = tpu.assume_multiple %mul3A_133, 8 : i32
    %shift_right_logical3A_135 = arith.constant 3 : i32
    %shift_right_logical3A_136 = arith.shrui %squeeze3A_124, %shift_right_logical3A_135 : i32
    %shift_left3A_137 = arith.constant 3 : i32
    %shift_left3A_138 = arith.shli %shift_right_logical3A_136, %shift_left3A_137 : i32
    %multiple_of3A_139 = tpu.assume_multiple %shift_left3A_138, 8 : i32
    %dma_start3A_140 = arith.constant 0 : i32
    %dma_start3A_141 = tpu.memref_slice %arg8[%multiple_of3A_134, %dma_start3A_140] : memref<64x64xf32, #tpu.memory_space<vmem>> -> memref<8x64xf32, #tpu.memory_space<vmem>>
    %dma_start3A_142 = arith.constant 0 : i32
    %dma_start3A_143 = tpu.memref_slice %arg3[%multiple_of3A_139, %dma_start3A_142] : memref<1000000x64xf32, #tpu.memory_space<hbm>> -> memref<8x64xf32, #tpu.memory_space<hbm>>
    %dma_start3A_144 = arith.constant 0 : i32
    %dma_start3A_145 = tpu.memref_slice %arg8[%multiple_of3A_134, %dma_start3A_144] : memref<64x64xf32, #tpu.memory_space<vmem>> -> memref<8x64xf32, #tpu.memory_space<vmem>>
    %dma_start3A_146 = arith.constant 0 : i32
    %dma_start3A_147 = tpu.memref_slice %arg3[%multiple_of3A_139, %dma_start3A_146] : memref<1000000x64xf32, #tpu.memory_space<hbm>> -> memref<8x64xf32, #tpu.memory_space<hbm>>
    tpu.enqueue_dma source(%dma_start3A_147 : memref<8x64xf32, #tpu.memory_space<hbm>>) target(%dma_start3A_145 : memref<8x64xf32, #tpu.memory_space<vmem>>) target_semaphore(%arg13 : memref<!tpu.dma_semaphore, #tpu.memory_space<semaphore_mem>>)
    %shift_right_logical3A_148 = arith.constant 3 : i32
    %shift_right_logical3A_149 = arith.shrui %squeeze3A_126, %shift_right_logical3A_148 : i32
    %shift_left3A_150 = arith.constant 3 : i32
    %shift_left3A_151 = arith.shli %shift_right_logical3A_149, %shift_left3A_150 : i32
    %multiple_of3A_152 = tpu.assume_multiple %shift_left3A_151, 8 : i32
    %dma_start3A_153 = arith.constant 0 : i32
    %dma_start3A_154 = tpu.memref_slice %arg9[%multiple_of3A_134, %dma_start3A_153] : memref<64x64xf32, #tpu.memory_space<vmem>> -> memref<8x64xf32, #tpu.memory_space<vmem>>
    %dma_start3A_155 = arith.constant 0 : i32
    %dma_start3A_156 = tpu.memref_slice %arg4[%multiple_of3A_152, %dma_start3A_155] : memref<1000000x64xf32, #tpu.memory_space<hbm>> -> memref<8x64xf32, #tpu.memory_space<hbm>>
    %dma_start3A_157 = arith.constant 0 : i32
    %dma_start3A_158 = tpu.memref_slice %arg9[%multiple_of3A_134, %dma_start3A_157] : memref<64x64xf32, #tpu.memory_space<vmem>> -> memref<8x64xf32, #tpu.memory_space<vmem>>
    %dma_start3A_159 = arith.constant 0 : i32
    %dma_start3A_160 = tpu.memref_slice %arg4[%multiple_of3A_152, %dma_start3A_159] : memref<1000000x64xf32, #tpu.memory_space<hbm>> -> memref<8x64xf32, #tpu.memory_space<hbm>>
    tpu.enqueue_dma source(%dma_start3A_160 : memref<8x64xf32, #tpu.memory_space<hbm>>) target(%dma_start3A_158 : memref<8x64xf32, #tpu.memory_space<vmem>>) target_semaphore(%arg13 : memref<!tpu.dma_semaphore, #tpu.memory_space<semaphore_mem>>)
    %shift_right_logical3A_161 = arith.constant 3 : i32
    %shift_right_logical3A_162 = arith.shrui %squeeze3A_128, %shift_right_logical3A_161 : i32
    %shift_left3A_163 = arith.constant 3 : i32
    %shift_left3A_164 = arith.shli %shift_right_logical3A_162, %shift_left3A_163 : i32
    %multiple_of3A_165 = tpu.assume_multiple %shift_left3A_164, 8 : i32
    %dma_start3A_166 = arith.constant 0 : i32
    %dma_start3A_167 = tpu.memref_slice %arg10[%multiple_of3A_134, %dma_start3A_166] : memref<64x64xf32, #tpu.memory_space<vmem>> -> memref<8x64xf32, #tpu.memory_space<vmem>>
    %dma_start3A_168 = arith.constant 0 : i32
    %dma_start3A_169 = tpu.memref_slice %arg3[%multiple_of3A_165, %dma_start3A_168] : memref<1000000x64xf32, #tpu.memory_space<hbm>> -> memref<8x64xf32, #tpu.memory_space<hbm>>
    %dma_start3A_170 = arith.constant 0 : i32
    %dma_start3A_171 = tpu.memref_slice %arg10[%multiple_of3A_134, %dma_start3A_170] : memref<64x64xf32, #tpu.memory_space<vmem>> -> memref<8x64xf32, #tpu.memory_space<vmem>>
    %dma_start3A_172 = arith.constant 0 : i32
    %dma_start3A_173 = tpu.memref_slice %arg3[%multiple_of3A_165, %dma_start3A_172] : memref<1000000x64xf32, #tpu.memory_space<hbm>> -> memref<8x64xf32, #tpu.memory_space<hbm>>
    tpu.enqueue_dma source(%dma_start3A_173 : memref<8x64xf32, #tpu.memory_space<hbm>>) target(%dma_start3A_171 : memref<8x64xf32, #tpu.memory_space<vmem>>) target_semaphore(%arg13 : memref<!tpu.dma_semaphore, #tpu.memory_space<semaphore_mem>>)
    %div3A_174 = arith.constant 3 : i32
    %div3A_175 = arith.constant 128 : i32
    %div3A_176 = arith.divsi %div3A_174, %div3A_175 : i32
    %broadcast_in_dim3A_177 = vector.broadcast %div3A_176 : i32 to vector<16xi32>
    %rem3A_178 = arith.constant 3 : i32
    %rem3A_179 = arith.constant 128 : i32
    %rem3A_180 = arith.remsi %rem3A_178, %rem3A_179 : i32
    %broadcast_in_dim3A_181 = vector.broadcast %rem3A_180 : i32 to vector<16xi32>
    %gather3A_182 = tpu.vector_load_idx %arg7[%min3A_4, %broadcast_in_dim3A_177, %broadcast_in_dim3A_181] : memref<3x4x128xi32, #tpu.memory_space<vmem>>[vector<16xi32>, vector<16xi32>, vector<16xi32>], vector<16xi32>,
    %slice3A_183 = vector.extract_strided_slice %gather3A_182 {offsets = [0], sizes = [1], strides = [1]} : vector<16xi32> to vector<1xi32>
    %squeeze3A_184 = vector.extract %slice3A_183[0] : i32 from vector<1xi32>
    %slice3A_185 = vector.extract_strided_slice %gather3A_182 {offsets = [1], sizes = [1], strides = [1]} : vector<16xi32> to vector<1xi32>
    %squeeze3A_186 = vector.extract %slice3A_185[0] : i32 from vector<1xi32>
    %slice3A_187 = vector.extract_strided_slice %gather3A_182 {offsets = [2], sizes = [1], strides = [1]} : vector<16xi32> to vector<1xi32>
    %squeeze3A_188 = vector.extract %slice3A_187[0] : i32 from vector<1xi32>
    %and3A_189 = arith.constant 3 : i32
    %and3A_190 = arith.constant 7 : i32
    %and3A_191 = arith.andi %and3A_189, %and3A_190 : i32
    %mul3A_192 = arith.constant 8 : i32
    %mul3A_193 = arith.muli %and3A_191, %mul3A_192 : i32
    %multiple_of3A_194 = tpu.assume_multiple %mul3A_193, 8 : i32
    %shift_right_logical3A_195 = arith.constant 3 : i32
    %shift_right_logical3A_196 = arith.shrui %squeeze3A_184, %shift_right_logical3A_195 : i32
    %shift_left3A_197 = arith.constant 3 : i32
    %shift_left3A_198 = arith.shli %shift_right_logical3A_196, %shift_left3A_197 : i32
    %multiple_of3A_199 = tpu.assume_multiple %shift_left3A_198, 8 : i32
    %dma_start3A_200 = arith.constant 0 : i32
    %dma_start3A_201 = tpu.memref_slice %arg8[%multiple_of3A_194, %dma_start3A_200] : memref<64x64xf32, #tpu.memory_space<vmem>> -> memref<8x64xf32, #tpu.memory_space<vmem>>
    %dma_start3A_202 = arith.constant 0 : i32
    %dma_start3A_203 = tpu.memref_slice %arg3[%multiple_of3A_199, %dma_start3A_202] : memref<1000000x64xf32, #tpu.memory_space<hbm>> -> memref<8x64xf32, #tpu.memory_space<hbm>>
    %dma_start3A_204 = arith.constant 0 : i32
    %dma_start3A_205 = tpu.memref_slice %arg8[%multiple_of3A_194, %dma_start3A_204] : memref<64x64xf32, #tpu.memory_space<vmem>> -> memref<8x64xf32, #tpu.memory_space<vmem>>
    %dma_start3A_206 = arith.constant 0 : i32
    %dma_start3A_207 = tpu.memref_slice %arg3[%multiple_of3A_199, %dma_start3A_206] : memref<1000000x64xf32, #tpu.memory_space<hbm>> -> memref<8x64xf32, #tpu.memory_space<hbm>>
    tpu.enqueue_dma source(%dma_start3A_207 : memref<8x64xf32, #tpu.memory_space<hbm>>) target(%dma_start3A_205 : memref<8x64xf32, #tpu.memory_space<vmem>>) target_semaphore(%arg13 : memref<!tpu.dma_semaphore, #tpu.memory_space<semaphore_mem>>)
    %shift_right_logical3A_208 = arith.constant 3 : i32
    %shift_right_logical3A_209 = arith.shrui %squeeze3A_186, %shift_right_logical3A_208 : i32
    %shift_left3A_210 = arith.constant 3 : i32
    %shift_left3A_211 = arith.shli %shift_right_logical3A_209, %shift_left3A_210 : i32
    %multiple_of3A_212 = tpu.assume_multiple %shift_left3A_211, 8 : i32
    %dma_start3A_213 = arith.constant 0 : i32
    %dma_start3A_214 = tpu.memref_slice %arg9[%multiple_of3A_194, %dma_start3A_213] : memref<64x64xf32, #tpu.memory_space<vmem>> -> memref<8x64xf32, #tpu.memory_space<vmem>>
    %dma_start3A_215 = arith.constant 0 : i32
    %dma_start3A_216 = tpu.memref_slice %arg4[%multiple_of3A_212, %dma_start3A_215] : memref<1000000x64xf32, #tpu.memory_space<hbm>> -> memref<8x64xf32, #tpu.memory_space<hbm>>
    %dma_start3A_217 = arith.constant 0 : i32
    %dma_start3A_218 = tpu.memref_slice %arg9[%multiple_of3A_194, %dma_start3A_217] : memref<64x64xf32, #tpu.memory_space<vmem>> -> memref<8x64xf32, #tpu.memory_space<vmem>>
    %dma_start3A_219 = arith.constant 0 : i32
    %dma_start3A_220 = tpu.memref_slice %arg4[%multiple_of3A_212, %dma_start3A_219] : memref<1000000x64xf32, #tpu.memory_space<hbm>> -> memref<8x64xf32, #tpu.memory_space<hbm>>
    tpu.enqueue_dma source(%dma_start3A_220 : memref<8x64xf32, #tpu.memory_space<hbm>>) target(%dma_start3A_218 : memref<8x64xf32, #tpu.memory_space<vmem>>) target_semaphore(%arg13 : memref<!tpu.dma_semaphore, #tpu.memory_space<semaphore_mem>>)
    %shift_right_logical3A_221 = arith.constant 3 : i32
    %shift_right_logical3A_222 = arith.shrui %squeeze3A_188, %shift_right_logical3A_221 : i32
    %shift_left3A_223 = arith.constant 3 : i32
    %shift_left3A_224 = arith.shli %shift_right_logical3A_222, %shift_left3A_223 : i32
    %multiple_of3A_225 = tpu.assume_multiple %shift_left3A_224, 8 : i32
    %dma_start3A_226 = arith.constant 0 : i32
    %dma_start3A_227 = tpu.memref_slice %arg10[%multiple_of3A_194, %dma_start3A_226] : memref<64x64xf32, #tpu.memory_space<vmem>> -> memref<8x64xf32, #tpu.memory_space<vmem>>
    %dma_start3A_228 = arith.constant 0 : i32
    %dma_start3A_229 = tpu.memref_slice %arg3[%multiple_of3A_225, %dma_start3A_228] : memref<1000000x64xf32, #tpu.memory_space<hbm>> -> memref<8x64xf32, #tpu.memory_space<hbm>>
    %dma_start3A_230 = arith.constant 0 : i32
    %dma_start3A_231 = tpu.memref_slice %arg10[%multiple_of3A_194, %dma_start3A_230] : memref<64x64xf32, #tpu.memory_space<vmem>> -> memref<8x64xf32, #tpu.memory_space<vmem>>
    %dma_start3A_232 = arith.constant 0 : i32
    %dma_start3A_233 = tpu.memref_slice %arg3[%multiple_of3A_225, %dma_start3A_232] : memref<1000000x64xf32, #tpu.memory_space<hbm>> -> memref<8x64xf32, #tpu.memory_space<hbm>>
    tpu.enqueue_dma source(%dma_start3A_233 : memref<8x64xf32, #tpu.memory_space<hbm>>) target(%dma_start3A_231 : memref<8x64xf32, #tpu.memory_space<vmem>>) target_semaphore(%arg13 : memref<!tpu.dma_semaphore, #tpu.memory_space<semaphore_mem>>)
    %div3A_234 = arith.constant 4 : i32
    %div3A_235 = arith.constant 128 : i32
    %div3A_236 = arith.divsi %div3A_234, %div3A_235 : i32
    %broadcast_in_dim3A_237 = vector.broadcast %div3A_236 : i32 to vector<16xi32>
    %rem3A_238 = arith.constant 4 : i32
    %rem3A_239 = arith.constant 128 : i32
    %rem3A_240 = arith.remsi %rem3A_238, %rem3A_239 : i32
    %broadcast_in_dim3A_241 = vector.broadcast %rem3A_240 : i32 to vector<16xi32>
    %gather3A_242 = tpu.vector_load_idx %arg7[%min3A_4, %broadcast_in_dim3A_237, %broadcast_in_dim3A_241] : memref<3x4x128xi32, #tpu.memory_space<vmem>>[vector<16xi32>, vector<16xi32>, vector<16xi32>], vector<16xi32>,
    %slice3A_243 = vector.extract_strided_slice %gather3A_242 {offsets = [0], sizes = [1], strides = [1]} : vector<16xi32> to vector<1xi32>
    %squeeze3A_244 = vector.extract %slice3A_243[0] : i32 from vector<1xi32>
    %slice3A_245 = vector.extract_strided_slice %gather3A_242 {offsets = [1], sizes = [1], strides = [1]} : vector<16xi32> to vector<1xi32>
    %squeeze3A_246 = vector.extract %slice3A_245[0] : i32 from vector<1xi32>
    %slice3A_247 = vector.extract_strided_slice %gather3A_242 {offsets = [2], sizes = [1], strides = [1]} : vector<16xi32> to vector<1xi32>
    %squeeze3A_248 = vector.extract %slice3A_247[0] : i32 from vector<1xi32>
    %and3A_249 = arith.constant 4 : i32
    %and3A_250 = arith.constant 7 : i32
    %and3A_251 = arith.andi %and3A_249, %and3A_250 : i32
    %mul3A_252 = arith.constant 8 : i32
    %mul3A_253 = arith.muli %and3A_251, %mul3A_252 : i32
    %multiple_of3A_254 = tpu.assume_multiple %mul3A_253, 8 : i32
    %shift_right_logical3A_255 = arith.constant 3 : i32
    %shift_right_logical3A_256 = arith.shrui %squeeze3A_244, %shift_right_logical3A_255 : i32
    %shift_left3A_257 = arith.constant 3 : i32
    %shift_left3A_258 = arith.shli %shift_right_logical3A_256, %shift_left3A_257 : i32
    %multiple_of3A_259 = tpu.assume_multiple %shift_left3A_258, 8 : i32
    %dma_start3A_260 = arith.constant 0 : i32
    %dma_start3A_261 = tpu.memref_slice %arg8[%multiple_of3A_254, %dma_start3A_260] : memref<64x64xf32, #tpu.memory_space<vmem>> -> memref<8x64xf32, #tpu.memory_space<vmem>>
    %dma_start3A_262 = arith.constant 0 : i32
    %dma_start3A_263 = tpu.memref_slice %arg3[%multiple_of3A_259, %dma_start3A_262] : memref<1000000x64xf32, #tpu.memory_space<hbm>> -> memref<8x64xf32, #tpu.memory_space<hbm>>
    %dma_start3A_264 = arith.constant 0 : i32
    %dma_start3A_265 = tpu.memref_slice %arg8[%multiple_of3A_254, %dma_start3A_264] : memref<64x64xf32, #tpu.memory_space<vmem>> -> memref<8x64xf32, #tpu.memory_space<vmem>>
    %dma_start3A_266 = arith.constant 0 : i32
    %dma_start3A_267 = tpu.memref_slice %arg3[%multiple_of3A_259, %dma_start3A_266] : memref<1000000x64xf32, #tpu.memory_space<hbm>> -> memref<8x64xf32, #tpu.memory_space<hbm>>
    tpu.enqueue_dma source(%dma_start3A_267 : memref<8x64xf32, #tpu.memory_space<hbm>>) target(%dma_start3A_265 : memref<8x64xf32, #tpu.memory_space<vmem>>) target_semaphore(%arg13 : memref<!tpu.dma_semaphore, #tpu.memory_space<semaphore_mem>>)
    %shift_right_logical3A_268 = arith.constant 3 : i32
    %shift_right_logical3A_269 = arith.shrui %squeeze3A_246, %shift_right_logical3A_268 : i32
    %shift_left3A_270 = arith.constant 3 : i32
    %shift_left3A_271 = arith.shli %shift_right_logical3A_269, %shift_left3A_270 : i32
    %multiple_of3A_272 = tpu.assume_multiple %shift_left3A_271, 8 : i32
    %dma_start3A_273 = arith.constant 0 : i32
    %dma_start3A_274 = tpu.memref_slice %arg9[%multiple_of3A_254, %dma_start3A_273] : memref<64x64xf32, #tpu.memory_space<vmem>> -> memref<8x64xf32, #tpu.memory_space<vmem>>
    %dma_start3A_275 = arith.constant 0 : i32
    %dma_start3A_276 = tpu.memref_slice %arg4[%multiple_of3A_272, %dma_start3A_275] : memref<1000000x64xf32, #tpu.memory_space<hbm>> -> memref<8x64xf32, #tpu.memory_space<hbm>>
    %dma_start3A_277 = arith.constant 0 : i32
    %dma_start3A_278 = tpu.memref_slice %arg9[%multiple_of3A_254, %dma_start3A_277] : memref<64x64xf32, #tpu.memory_space<vmem>> -> memref<8x64xf32, #tpu.memory_space<vmem>>
    %dma_start3A_279 = arith.constant 0 : i32
    %dma_start3A_280 = tpu.memref_slice %arg4[%multiple_of3A_272, %dma_start3A_279] : memref<1000000x64xf32, #tpu.memory_space<hbm>> -> memref<8x64xf32, #tpu.memory_space<hbm>>
    tpu.enqueue_dma source(%dma_start3A_280 : memref<8x64xf32, #tpu.memory_space<hbm>>) target(%dma_start3A_278 : memref<8x64xf32, #tpu.memory_space<vmem>>) target_semaphore(%arg13 : memref<!tpu.dma_semaphore, #tpu.memory_space<semaphore_mem>>)
    %shift_right_logical3A_281 = arith.constant 3 : i32
    %shift_right_logical3A_282 = arith.shrui %squeeze3A_248, %shift_right_logical3A_281 : i32
    %shift_left3A_283 = arith.constant 3 : i32
    %shift_left3A_284 = arith.shli %shift_right_logical3A_282, %shift_left3A_283 : i32
    %multiple_of3A_285 = tpu.assume_multiple %shift_left3A_284, 8 : i32
    %dma_start3A_286 = arith.constant 0 : i32
    %dma_start3A_287 = tpu.memref_slice %arg10[%multiple_of3A_254, %dma_start3A_286] : memref<64x64xf32, #tpu.memory_space<vmem>> -> memref<8x64xf32, #tpu.memory_space<vmem>>
    %dma_start3A_288 = arith.constant 0 : i32
    %dma_start3A_289 = tpu.memref_slice %arg3[%multiple_of3A_285, %dma_start3A_288] : memref<1000000x64xf32, #tpu.memory_space<hbm>> -> memref<8x64xf32, #tpu.memory_space<hbm>>
    %dma_start3A_290 = arith.constant 0 : i32
    %dma_start3A_291 = tpu.memref_slice %arg10[%multiple_of3A_254, %dma_start3A_290] : memref<64x64xf32, #tpu.memory_space<vmem>> -> memref<8x64xf32, #tpu.memory_space<vmem>>
    %dma_start3A_292 = arith.constant 0 : i32
    %dma_start3A_293 = tpu.memref_slice %arg3[%multiple_of3A_285, %dma_start3A_292] : memref<1000000x64xf32, #tpu.memory_space<hbm>> -> memref<8x64xf32, #tpu.memory_space<hbm>>
    tpu.enqueue_dma source(%dma_start3A_293 : memref<8x64xf32, #tpu.memory_space<hbm>>) target(%dma_start3A_291 : memref<8x64xf32, #tpu.memory_space<vmem>>) target_semaphore(%arg13 : memref<!tpu.dma_semaphore, #tpu.memory_space<semaphore_mem>>)
    %div3A_294 = arith.constant 5 : i32
    %div3A_295 = arith.constant 128 : i32
    %div3A_296 = arith.divsi %div3A_294, %div3A_295 : i32
    %broadcast_in_dim3A_297 = vector.broadcast %div3A_296 : i32 to vector<16xi32>
    %rem3A_298 = arith.constant 5 : i32
    %rem3A_299 = arith.constant 128 : i32
    %rem3A_300 = arith.remsi %rem3A_298, %rem3A_299 : i32
    %broadcast_in_dim3A_301 = vector.broadcast %rem3A_300 : i32 to vector<16xi32>
    %gather3A_302 = tpu.vector_load_idx %arg7[%min3A_4, %broadcast_in_dim3A_297, %broadcast_in_dim3A_301] : memref<3x4x128xi32, #tpu.memory_space<vmem>>[vector<16xi32>, vector<16xi32>, vector<16xi32>], vector<16xi32>,
    %slice3A_303 = vector.extract_strided_slice %gather3A_302 {offsets = [0], sizes = [1], strides = [1]} : vector<16xi32> to vector<1xi32>
    %squeeze3A_304 = vector.extract %slice3A_303[0] : i32 from vector<1xi32>
    %slice3A_305 = vector.extract_strided_slice %gather3A_302 {offsets = [1], sizes = [1], strides = [1]} : vector<16xi32> to vector<1xi32>
    %squeeze3A_306 = vector.extract %slice3A_305[0] : i32 from vector<1xi32>
    %slice3A_307 = vector.extract_strided_slice %gather3A_302 {offsets = [2], sizes = [1], strides = [1]} : vector<16xi32> to vector<1xi32>
    %squeeze3A_308 = vector.extract %slice3A_307[0] : i32 from vector<1xi32>
    %and3A_309 = arith.constant 5 : i32
    %and3A_310 = arith.constant 7 : i32
    %and3A_311 = arith.andi %and3A_309, %and3A_310 : i32
    %mul3A_312 = arith.constant 8 : i32
    %mul3A_313 = arith.muli %and3A_311, %mul3A_312 : i32
    %multiple_of3A_314 = tpu.assume_multiple %mul3A_313, 8 : i32
    %shift_right_logical3A_315 = arith.constant 3 : i32
    %shift_right_logical3A_316 = arith.shrui %squeeze3A_304, %shift_right_logical3A_315 : i32
    %shift_left3A_317 = arith.constant 3 : i32
    %shift_left3A_318 = arith.shli %shift_right_logical3A_316, %shift_left3A_317 : i32
    %multiple_of3A_319 = tpu.assume_multiple %shift_left3A_318, 8 : i32
    %dma_start3A_320 = arith.constant 0 : i32
    %dma_start3A_321 = tpu.memref_slice %arg8[%multiple_of3A_314, %dma_start3A_320] : memref<64x64xf32, #tpu.memory_space<vmem>> -> memref<8x64xf32, #tpu.memory_space<vmem>>
    %dma_start3A_322 = arith.constant 0 : i32
    %dma_start3A_323 = tpu.memref_slice %arg3[%multiple_of3A_319, %dma_start3A_322] : memref<1000000x64xf32, #tpu.memory_space<hbm>> -> memref<8x64xf32, #tpu.memory_space<hbm>>
    %dma_start3A_324 = arith.constant 0 : i32
    %dma_start3A_325 = tpu.memref_slice %arg8[%multiple_of3A_314, %dma_start3A_324] : memref<64x64xf32, #tpu.memory_space<vmem>> -> memref<8x64xf32, #tpu.memory_space<vmem>>
    %dma_start3A_326 = arith.constant 0 : i32
    %dma_start3A_327 = tpu.memref_slice %arg3[%multiple_of3A_319, %dma_start3A_326] : memref<1000000x64xf32, #tpu.memory_space<hbm>> -> memref<8x64xf32, #tpu.memory_space<hbm>>
    tpu.enqueue_dma source(%dma_start3A_327 : memref<8x64xf32, #tpu.memory_space<hbm>>) target(%dma_start3A_325 : memref<8x64xf32, #tpu.memory_space<vmem>>) target_semaphore(%arg13 : memref<!tpu.dma_semaphore, #tpu.memory_space<semaphore_mem>>)
    %shift_right_logical3A_328 = arith.constant 3 : i32
    %shift_right_logical3A_329 = arith.shrui %squeeze3A_306, %shift_right_logical3A_328 : i32
    %shift_left3A_330 = arith.constant 3 : i32
    %shift_left3A_331 = arith.shli %shift_right_logical3A_329, %shift_left3A_330 : i32
    %multiple_of3A_332 = tpu.assume_multiple %shift_left3A_331, 8 : i32
    %dma_start3A_333 = arith.constant 0 : i32
    %dma_start3A_334 = tpu.memref_slice %arg9[%multiple_of3A_314, %dma_start3A_333] : memref<64x64xf32, #tpu.memory_space<vmem>> -> memref<8x64xf32, #tpu.memory_space<vmem>>
    %dma_start3A_335 = arith.constant 0 : i32
    %dma_start3A_336 = tpu.memref_slice %arg4[%multiple_of3A_332, %dma_start3A_335] : memref<1000000x64xf32, #tpu.memory_space<hbm>> -> memref<8x64xf32, #tpu.memory_space<hbm>>
    %dma_start3A_337 = arith.constant 0 : i32
    %dma_start3A_338 = tpu.memref_slice %arg9[%multiple_of3A_314, %dma_start3A_337] : memref<64x64xf32, #tpu.memory_space<vmem>> -> memref<8x64xf32, #tpu.memory_space<vmem>>
    %dma_start3A_339 = arith.constant 0 : i32
    %dma_start3A_340 = tpu.memref_slice %arg4[%multiple_of3A_332, %dma_start3A_339] : memref<1000000x64xf32, #tpu.memory_space<hbm>> -> memref<8x64xf32, #tpu.memory_space<hbm>>
    tpu.enqueue_dma source(%dma_start3A_340 : memref<8x64xf32, #tpu.memory_space<hbm>>) target(%dma_start3A_338 : memref<8x64xf32, #tpu.memory_space<vmem>>) target_semaphore(%arg13 : memref<!tpu.dma_semaphore, #tpu.memory_space<semaphore_mem>>)
    %shift_right_logical3A_341 = arith.constant 3 : i32
    %shift_right_logical3A_342 = arith.shrui %squeeze3A_308, %shift_right_logical3A_341 : i32
    %shift_left3A_343 = arith.constant 3 : i32
    %shift_left3A_344 = arith.shli %shift_right_logical3A_342, %shift_left3A_343 : i32
    %multiple_of3A_345 = tpu.assume_multiple %shift_left3A_344, 8 : i32
    %dma_start3A_346 = arith.constant 0 : i32
    %dma_start3A_347 = tpu.memref_slice %arg10[%multiple_of3A_314, %dma_start3A_346] : memref<64x64xf32, #tpu.memory_space<vmem>> -> memref<8x64xf32, #tpu.memory_space<vmem>>
    %dma_start3A_348 = arith.constant 0 : i32
    %dma_start3A_349 = tpu.memref_slice %arg3[%multiple_of3A_345, %dma_start3A_348] : memref<1000000x64xf32, #tpu.memory_space<hbm>> -> memref<8x64xf32, #tpu.memory_space<hbm>>
    %dma_start3A_350 = arith.constant 0 : i32
    %dma_start3A_351 = tpu.memref_slice %arg10[%multiple_of3A_314, %dma_start3A_350] : memref<64x64xf32, #tpu.memory_space<vmem>> -> memref<8x64xf32, #tpu.memory_space<vmem>>
    %dma_start3A_352 = arith.constant 0 : i32
    %dma_start3A_353 = tpu.memref_slice %arg3[%multiple_of3A_345, %dma_start3A_352] : memref<1000000x64xf32, #tpu.memory_space<hbm>> -> memref<8x64xf32, #tpu.memory_space<hbm>>
    tpu.enqueue_dma source(%dma_start3A_353 : memref<8x64xf32, #tpu.memory_space<hbm>>) target(%dma_start3A_351 : memref<8x64xf32, #tpu.memory_space<vmem>>) target_semaphore(%arg13 : memref<!tpu.dma_semaphore, #tpu.memory_space<semaphore_mem>>)
    %div3A_354 = arith.constant 6 : i32
    %div3A_355 = arith.constant 128 : i32
    %div3A_356 = arith.divsi %div3A_354, %div3A_355 : i32
    %broadcast_in_dim3A_357 = vector.broadcast %div3A_356 : i32 to vector<16xi32>
    %rem3A_358 = arith.constant 6 : i32
    %rem3A_359 = arith.constant 128 : i32
    %rem3A_360 = arith.remsi %rem3A_358, %rem3A_359 : i32
    %broadcast_in_dim3A_361 = vector.broadcast %rem3A_360 : i32 to vector<16xi32>
    %gather3A_362 = tpu.vector_load_idx %arg7[%min3A_4, %broadcast_in_dim3A_357, %broadcast_in_dim3A_361] : memref<3x4x128xi32, #tpu.memory_space<vmem>>[vector<16xi32>, vector<16xi32>, vector<16xi32>], vector<16xi32>,
    %slice3A_363 = vector.extract_strided_slice %gather3A_362 {offsets = [0], sizes = [1], strides = [1]} : vector<16xi32> to vector<1xi32>
    %squeeze3A_364 = vector.extract %slice3A_363[0] : i32 from vector<1xi32>
    %slice3A_365 = vector.extract_strided_slice %gather3A_362 {offsets = [1], sizes = [1], strides = [1]} : vector<16xi32> to vector<1xi32>
    %squeeze3A_366 = vector.extract %slice3A_365[0] : i32 from vector<1xi32>
    %slice3A_367 = vector.extract_strided_slice %gather3A_362 {offsets = [2], sizes = [1], strides = [1]} : vector<16xi32> to vector<1xi32>
    %squeeze3A_368 = vector.extract %slice3A_367[0] : i32 from vector<1xi32>
    %and3A_369 = arith.constant 6 : i32
    %and3A_370 = arith.constant 7 : i32
    %and3A_371 = arith.andi %and3A_369, %and3A_370 : i32
    %mul3A_372 = arith.constant 8 : i32
    %mul3A_373 = arith.muli %and3A_371, %mul3A_372 : i32
    %multiple_of3A_374 = tpu.assume_multiple %mul3A_373, 8 : i32
    %shift_right_logical3A_375 = arith.constant 3 : i32
    %shift_right_logical3A_376 = arith.shrui %squeeze3A_364, %shift_right_logical3A_375 : i32
    %shift_left3A_377 = arith.constant 3 : i32
    %shift_left3A_378 = arith.shli %shift_right_logical3A_376, %shift_left3A_377 : i32
    %multiple_of3A_379 = tpu.assume_multiple %shift_left3A_378, 8 : i32
    %dma_start3A_380 = arith.constant 0 : i32
    %dma_start3A_381 = tpu.memref_slice %arg8[%multiple_of3A_374, %dma_start3A_380] : memref<64x64xf32, #tpu.memory_space<vmem>> -> memref<8x64xf32, #tpu.memory_space<vmem>>
    %dma_start3A_382 = arith.constant 0 : i32
    %dma_start3A_383 = tpu.memref_slice %arg3[%multiple_of3A_379, %dma_start3A_382] : memref<1000000x64xf32, #tpu.memory_space<hbm>> -> memref<8x64xf32, #tpu.memory_space<hbm>>
    %dma_start3A_384 = arith.constant 0 : i32
    %dma_start3A_385 = tpu.memref_slice %arg8[%multiple_of3A_374, %dma_start3A_384] : memref<64x64xf32, #tpu.memory_space<vmem>> -> memref<8x64xf32, #tpu.memory_space<vmem>>
    %dma_start3A_386 = arith.constant 0 : i32
    %dma_start3A_387 = tpu.memref_slice %arg3[%multiple_of3A_379, %dma_start3A_386] : memref<1000000x64xf32, #tpu.memory_space<hbm>> -> memref<8x64xf32, #tpu.memory_space<hbm>>
    tpu.enqueue_dma source(%dma_start3A_387 : memref<8x64xf32, #tpu.memory_space<hbm>>) target(%dma_start3A_385 : memref<8x64xf32, #tpu.memory_space<vmem>>) target_semaphore(%arg13 : memref<!tpu.dma_semaphore, #tpu.memory_space<semaphore_mem>>)
    %shift_right_logical3A_388 = arith.constant 3 : i32
    %shift_right_logical3A_389 = arith.shrui %squeeze3A_366, %shift_right_logical3A_388 : i32
    %shift_left3A_390 = arith.constant 3 : i32
    %shift_left3A_391 = arith.shli %shift_right_logical3A_389, %shift_left3A_390 : i32
    %multiple_of3A_392 = tpu.assume_multiple %shift_left3A_391, 8 : i32
    %dma_start3A_393 = arith.constant 0 : i32
    %dma_start3A_394 = tpu.memref_slice %arg9[%multiple_of3A_374, %dma_start3A_393] : memref<64x64xf32, #tpu.memory_space<vmem>> -> memref<8x64xf32, #tpu.memory_space<vmem>>
    %dma_start3A_395 = arith.constant 0 : i32
    %dma_start3A_396 = tpu.memref_slice %arg4[%multiple_of3A_392, %dma_start3A_395] : memref<1000000x64xf32, #tpu.memory_space<hbm>> -> memref<8x64xf32, #tpu.memory_space<hbm>>
    %dma_start3A_397 = arith.constant 0 : i32
    %dma_start3A_398 = tpu.memref_slice %arg9[%multiple_of3A_374, %dma_start3A_397] : memref<64x64xf32, #tpu.memory_space<vmem>> -> memref<8x64xf32, #tpu.memory_space<vmem>>
    %dma_start3A_399 = arith.constant 0 : i32
    %dma_start3A_400 = tpu.memref_slice %arg4[%multiple_of3A_392, %dma_start3A_399] : memref<1000000x64xf32, #tpu.memory_space<hbm>> -> memref<8x64xf32, #tpu.memory_space<hbm>>
    tpu.enqueue_dma source(%dma_start3A_400 : memref<8x64xf32, #tpu.memory_space<hbm>>) target(%dma_start3A_398 : memref<8x64xf32, #tpu.memory_space<vmem>>) target_semaphore(%arg13 : memref<!tpu.dma_semaphore, #tpu.memory_space<semaphore_mem>>)
    %shift_right_logical3A_401 = arith.constant 3 : i32
    %shift_right_logical3A_402 = arith.shrui %squeeze3A_368, %shift_right_logical3A_401 : i32
    %shift_left3A_403 = arith.constant 3 : i32
    %shift_left3A_404 = arith.shli %shift_right_logical3A_402, %shift_left3A_403 : i32
    %multiple_of3A_405 = tpu.assume_multiple %shift_left3A_404, 8 : i32
    %dma_start3A_406 = arith.constant 0 : i32
    %dma_start3A_407 = tpu.memref_slice %arg10[%multiple_of3A_374, %dma_start3A_406] : memref<64x64xf32, #tpu.memory_space<vmem>> -> memref<8x64xf32, #tpu.memory_space<vmem>>
    %dma_start3A_408 = arith.constant 0 : i32
    %dma_start3A_409 = tpu.memref_slice %arg3[%multiple_of3A_405, %dma_start3A_408] : memref<1000000x64xf32, #tpu.memory_space<hbm>> -> memref<8x64xf32, #tpu.memory_space<hbm>>
    %dma_start3A_410 = arith.constant 0 : i32
    %dma_start3A_411 = tpu.memref_slice %arg10[%multiple_of3A_374, %dma_start3A_410] : memref<64x64xf32, #tpu.memory_space<vmem>> -> memref<8x64xf32, #tpu.memory_space<vmem>>
    %dma_start3A_412 = arith.constant 0 : i32
    %dma_start3A_413 = tpu.memref_slice %arg3[%multiple_of3A_405, %dma_start3A_412] : memref<1000000x64xf32, #tpu.memory_space<hbm>> -> memref<8x64xf32, #tpu.memory_space<hbm>>
    tpu.enqueue_dma source(%dma_start3A_413 : memref<8x64xf32, #tpu.memory_space<hbm>>) target(%dma_start3A_411 : memref<8x64xf32, #tpu.memory_space<vmem>>) target_semaphore(%arg13 : memref<!tpu.dma_semaphore, #tpu.memory_space<semaphore_mem>>)
    %div3A_414 = arith.constant 7 : i32
    %div3A_415 = arith.constant 128 : i32
    %div3A_416 = arith.divsi %div3A_414, %div3A_415 : i32
    %broadcast_in_dim3A_417 = vector.broadcast %div3A_416 : i32 to vector<16xi32>
    %rem3A_418 = arith.constant 7 : i32
    %rem3A_419 = arith.constant 128 : i32
    %rem3A_420 = arith.remsi %rem3A_418, %rem3A_419 : i32
    %broadcast_in_dim3A_421 = vector.broadcast %rem3A_420 : i32 to vector<16xi32>
    %gather3A_422 = tpu.vector_load_idx %arg7[%min3A_4, %broadcast_in_dim3A_417, %broadcast_in_dim3A_421] : memref<3x4x128xi32, #tpu.memory_space<vmem>>[vector<16xi32>, vector<16xi32>, vector<16xi32>], vector<16xi32>,
    %slice3A_423 = vector.extract_strided_slice %gather3A_422 {offsets = [0], sizes = [1], strides = [1]} : vector<16xi32> to vector<1xi32>
    %squeeze3A_424 = vector.extract %slice3A_423[0] : i32 from vector<1xi32>
    %slice3A_425 = vector.extract_strided_slice %gather3A_422 {offsets = [1], sizes = [1], strides = [1]} : vector<16xi32> to vector<1xi32>
    %squeeze3A_426 = vector.extract %slice3A_425[0] : i32 from vector<1xi32>
    %slice3A_427 = vector.extract_strided_slice %gather3A_422 {offsets = [2], sizes = [1], strides = [1]} : vector<16xi32> to vector<1xi32>
    %squeeze3A_428 = vector.extract %slice3A_427[0] : i32 from vector<1xi32>
    %and3A_429 = arith.constant 7 : i32
    %and3A_430 = arith.constant 7 : i32
    %and3A_431 = arith.andi %and3A_429, %and3A_430 : i32
    %mul3A_432 = arith.constant 8 : i32
    %mul3A_433 = arith.muli %and3A_431, %mul3A_432 : i32
    %multiple_of3A_434 = tpu.assume_multiple %mul3A_433, 8 : i32
    %shift_right_logical3A_435 = arith.constant 3 : i32
    %shift_right_logical3A_436 = arith.shrui %squeeze3A_424, %shift_right_logical3A_435 : i32
    %shift_left3A_437 = arith.constant 3 : i32
    %shift_left3A_438 = arith.shli %shift_right_logical3A_436, %shift_left3A_437 : i32
    %multiple_of3A_439 = tpu.assume_multiple %shift_left3A_438, 8 : i32
    %dma_start3A_440 = arith.constant 0 : i32
    %dma_start3A_441 = tpu.memref_slice %arg8[%multiple_of3A_434, %dma_start3A_440] : memref<64x64xf32, #tpu.memory_space<vmem>> -> memref<8x64xf32, #tpu.memory_space<vmem>>
    %dma_start3A_442 = arith.constant 0 : i32
    %dma_start3A_443 = tpu.memref_slice %arg3[%multiple_of3A_439, %dma_start3A_442] : memref<1000000x64xf32, #tpu.memory_space<hbm>> -> memref<8x64xf32, #tpu.memory_space<hbm>>
    %dma_start3A_444 = arith.constant 0 : i32
    %dma_start3A_445 = tpu.memref_slice %arg8[%multiple_of3A_434, %dma_start3A_444] : memref<64x64xf32, #tpu.memory_space<vmem>> -> memref<8x64xf32, #tpu.memory_space<vmem>>
    %dma_start3A_446 = arith.constant 0 : i32
    %dma_start3A_447 = tpu.memref_slice %arg3[%multiple_of3A_439, %dma_start3A_446] : memref<1000000x64xf32, #tpu.memory_space<hbm>> -> memref<8x64xf32, #tpu.memory_space<hbm>>
    tpu.enqueue_dma source(%dma_start3A_447 : memref<8x64xf32, #tpu.memory_space<hbm>>) target(%dma_start3A_445 : memref<8x64xf32, #tpu.memory_space<vmem>>) target_semaphore(%arg13 : memref<!tpu.dma_semaphore, #tpu.memory_space<semaphore_mem>>)
    %shift_right_logical3A_448 = arith.constant 3 : i32
    %shift_right_logical3A_449 = arith.shrui %squeeze3A_426, %shift_right_logical3A_448 : i32
    %shift_left3A_450 = arith.constant 3 : i32
    %shift_left3A_451 = arith.shli %shift_right_logical3A_449, %shift_left3A_450 : i32
    %multiple_of3A_452 = tpu.assume_multiple %shift_left3A_451, 8 : i32
    %dma_start3A_453 = arith.constant 0 : i32
    %dma_start3A_454 = tpu.memref_slice %arg9[%multiple_of3A_434, %dma_start3A_453] : memref<64x64xf32, #tpu.memory_space<vmem>> -> memref<8x64xf32, #tpu.memory_space<vmem>>
    %dma_start3A_455 = arith.constant 0 : i32
    %dma_start3A_456 = tpu.memref_slice %arg4[%multiple_of3A_452, %dma_start3A_455] : memref<1000000x64xf32, #tpu.memory_space<hbm>> -> memref<8x64xf32, #tpu.memory_space<hbm>>
    %dma_start3A_457 = arith.constant 0 : i32
    %dma_start3A_458 = tpu.memref_slice %arg9[%multiple_of3A_434, %dma_start3A_457] : memref<64x64xf32, #tpu.memory_space<vmem>> -> memref<8x64xf32, #tpu.memory_space<vmem>>
    %dma_start3A_459 = arith.constant 0 : i32
    %dma_start3A_460 = tpu.memref_slice %arg4[%multiple_of3A_452, %dma_start3A_459] : memref<1000000x64xf32, #tpu.memory_space<hbm>> -> memref<8x64xf32, #tpu.memory_space<hbm>>
    tpu.enqueue_dma source(%dma_start3A_460 : memref<8x64xf32, #tpu.memory_space<hbm>>) target(%dma_start3A_458 : memref<8x64xf32, #tpu.memory_space<vmem>>) target_semaphore(%arg13 : memref<!tpu.dma_semaphore, #tpu.memory_space<semaphore_mem>>)
    %shift_right_logical3A_461 = arith.constant 3 : i32
    %shift_right_logical3A_462 = arith.shrui %squeeze3A_428, %shift_right_logical3A_461 : i32
    %shift_left3A_463 = arith.constant 3 : i32
    %shift_left3A_464 = arith.shli %shift_right_logical3A_462, %shift_left3A_463 : i32
    %multiple_of3A_465 = tpu.assume_multiple %shift_left3A_464, 8 : i32
    %dma_start3A_466 = arith.constant 0 : i32
    %dma_start3A_467 = tpu.memref_slice %arg10[%multiple_of3A_434, %dma_start3A_466] : memref<64x64xf32, #tpu.memory_space<vmem>> -> memref<8x64xf32, #tpu.memory_space<vmem>>
    %dma_start3A_468 = arith.constant 0 : i32
    %dma_start3A_469 = tpu.memref_slice %arg3[%multiple_of3A_465, %dma_start3A_468] : memref<1000000x64xf32, #tpu.memory_space<hbm>> -> memref<8x64xf32, #tpu.memory_space<hbm>>
    %dma_start3A_470 = arith.constant 0 : i32
    %dma_start3A_471 = tpu.memref_slice %arg10[%multiple_of3A_434, %dma_start3A_470] : memref<64x64xf32, #tpu.memory_space<vmem>> -> memref<8x64xf32, #tpu.memory_space<vmem>>
    %dma_start3A_472 = arith.constant 0 : i32
    %dma_start3A_473 = tpu.memref_slice %arg3[%multiple_of3A_465, %dma_start3A_472] : memref<1000000x64xf32, #tpu.memory_space<hbm>> -> memref<8x64xf32, #tpu.memory_space<hbm>>
    tpu.enqueue_dma source(%dma_start3A_473 : memref<8x64xf32, #tpu.memory_space<hbm>>) target(%dma_start3A_471 : memref<8x64xf32, #tpu.memory_space<vmem>>) target_semaphore(%arg13 : memref<!tpu.dma_semaphore, #tpu.memory_space<semaphore_mem>>)
    %eq3A = arith.constant 0 : i32
    %eq3A_474 = vector.broadcast %eq3A : i32 to vector<16xi32>
    %eq3A_475 = arith.cmpi eq, %iota3A, %eq3A_474 : vector<16xi32>
    %scan3A = arith.constant 0 : i32
    %scan3A_476 = arith.constant 0 : i32
    %scan3A_477 = arith.constant 512 : i32
    %scan3A_478 = arith.addi %scan3A_476, %scan3A_477 : i32
    %scan3A_479 = arith.constant 1 : i32
    scf.for %scan3A_483 = %scan3A_476 to %scan3A_478 step %scan3A_479  : i32 {
      %dma_wait3A = arith.constant 0 : i32
      %dma_wait3A_484 = arith.constant 0 : i32
      %dma_wait3A_485 = tpu.memref_slice %arg8[%dma_wait3A, %dma_wait3A_484] : memref<64x64xf32, #tpu.memory_space<vmem>> -> memref<8x64xf32, #tpu.memory_space<vmem>>
      %dma_wait3A_486 = arith.constant 0 : i32
      %dma_wait3A_487 = arith.constant 0 : i32
      %dma_wait3A_488 = tpu.memref_slice %arg3[%dma_wait3A_486, %dma_wait3A_487] : memref<1000000x64xf32, #tpu.memory_space<hbm>> -> memref<8x64xf32, #tpu.memory_space<hbm>>
      %dma_wait3A_489 = arith.constant 0 : i32
      %dma_wait3A_490 = arith.constant 0 : i32
      %dma_wait3A_491 = tpu.memref_slice %arg8[%dma_wait3A_489, %dma_wait3A_490] : memref<64x64xf32, #tpu.memory_space<vmem>> -> memref<8x64xf32, #tpu.memory_space<vmem>>
      %dma_wait3A_492 = arith.constant 0 : i32
      %dma_wait3A_493 = arith.constant 0 : i32
      %dma_wait3A_494 = tpu.memref_slice %arg3[%dma_wait3A_492, %dma_wait3A_493] : memref<1000000x64xf32, #tpu.memory_space<hbm>> -> memref<8x64xf32, #tpu.memory_space<hbm>>
      tpu.wait_dma2 semaphore(%arg13 : memref<!tpu.dma_semaphore, #tpu.memory_space<semaphore_mem>>) src(%dma_wait3A_494 : memref<8x64xf32, #tpu.memory_space<hbm>>) dst(%dma_wait3A_491 : memref<8x64xf32, #tpu.memory_space<vmem>>)
      %dma_wait3A_495 = arith.constant 0 : i32
      %dma_wait3A_496 = arith.constant 0 : i32
      %dma_wait3A_497 = tpu.memref_slice %arg9[%dma_wait3A_495, %dma_wait3A_496] : memref<64x64xf32, #tpu.memory_space<vmem>> -> memref<8x64xf32, #tpu.memory_space<vmem>>
      %dma_wait3A_498 = arith.constant 0 : i32
      %dma_wait3A_499 = arith.constant 0 : i32
      %dma_wait3A_500 = tpu.memref_slice %arg3[%dma_wait3A_498, %dma_wait3A_499] : memref<1000000x64xf32, #tpu.memory_space<hbm>> -> memref<8x64xf32, #tpu.memory_space<hbm>>
      %dma_wait3A_501 = arith.constant 0 : i32
      %dma_wait3A_502 = arith.constant 0 : i32
      %dma_wait3A_503 = tpu.memref_slice %arg9[%dma_wait3A_501, %dma_wait3A_502] : memref<64x64xf32, #tpu.memory_space<vmem>> -> memref<8x64xf32, #tpu.memory_space<vmem>>
      %dma_wait3A_504 = arith.constant 0 : i32
      %dma_wait3A_505 = arith.constant 0 : i32
      %dma_wait3A_506 = tpu.memref_slice %arg3[%dma_wait3A_504, %dma_wait3A_505] : memref<1000000x64xf32, #tpu.memory_space<hbm>> -> memref<8x64xf32, #tpu.memory_space<hbm>>
      tpu.wait_dma2 semaphore(%arg13 : memref<!tpu.dma_semaphore, #tpu.memory_space<semaphore_mem>>) src(%dma_wait3A_506 : memref<8x64xf32, #tpu.memory_space<hbm>>) dst(%dma_wait3A_503 : memref<8x64xf32, #tpu.memory_space<vmem>>)
      %dma_wait3A_507 = arith.constant 0 : i32
      %dma_wait3A_508 = arith.constant 0 : i32
      %dma_wait3A_509 = tpu.memref_slice %arg10[%dma_wait3A_507, %dma_wait3A_508] : memref<64x64xf32, #tpu.memory_space<vmem>> -> memref<8x64xf32, #tpu.memory_space<vmem>>
      %dma_wait3A_510 = arith.constant 0 : i32
      %dma_wait3A_511 = arith.constant 0 : i32
      %dma_wait3A_512 = tpu.memref_slice %arg3[%dma_wait3A_510, %dma_wait3A_511] : memref<1000000x64xf32, #tpu.memory_space<hbm>> -> memref<8x64xf32, #tpu.memory_space<hbm>>
      %dma_wait3A_513 = arith.constant 0 : i32
      %dma_wait3A_514 = arith.constant 0 : i32
      %dma_wait3A_515 = tpu.memref_slice %arg10[%dma_wait3A_513, %dma_wait3A_514] : memref<64x64xf32, #tpu.memory_space<vmem>> -> memref<8x64xf32, #tpu.memory_space<vmem>>
      %dma_wait3A_516 = arith.constant 0 : i32
      %dma_wait3A_517 = arith.constant 0 : i32
      %dma_wait3A_518 = tpu.memref_slice %arg3[%dma_wait3A_516, %dma_wait3A_517] : memref<1000000x64xf32, #tpu.memory_space<hbm>> -> memref<8x64xf32, #tpu.memory_space<hbm>>
      tpu.wait_dma2 semaphore(%arg13 : memref<!tpu.dma_semaphore, #tpu.memory_space<semaphore_mem>>) src(%dma_wait3A_518 : memref<8x64xf32, #tpu.memory_space<hbm>>) dst(%dma_wait3A_515 : memref<8x64xf32, #tpu.memory_space<vmem>>)
      %div3A_519 = arith.constant 128 : i32
      %div3A_520 = arith.divsi %scan3A_483, %div3A_519 : i32
      %broadcast_in_dim3A_521 = vector.broadcast %div3A_520 : i32 to vector<16xi32>
      %rem3A_522 = arith.constant 128 : i32
      %rem3A_523 = arith.remsi %scan3A_483, %rem3A_522 : i32
      %broadcast_in_dim3A_524 = vector.broadcast %rem3A_523 : i32 to vector<16xi32>
      %gather3A_525 = tpu.vector_load_idx %arg7[%min3A_4, %broadcast_in_dim3A_521, %broadcast_in_dim3A_524] : memref<3x4x128xi32, #tpu.memory_space<vmem>>[vector<16xi32>, vector<16xi32>, vector<16xi32>], vector<16xi32>,
      %slice3A_526 = vector.extract_strided_slice %gather3A_525 {offsets = [0], sizes = [1], strides = [1]} : vector<16xi32> to vector<1xi32>
      %squeeze3A_527 = vector.extract %slice3A_526[0] : i32 from vector<1xi32>
      %slice3A_528 = vector.extract_strided_slice %gather3A_525 {offsets = [1], sizes = [1], strides = [1]} : vector<16xi32> to vector<1xi32>
      %squeeze3A_529 = vector.extract %slice3A_528[0] : i32 from vector<1xi32>
      %slice3A_530 = vector.extract_strided_slice %gather3A_525 {offsets = [2], sizes = [1], strides = [1]} : vector<16xi32> to vector<1xi32>
      %squeeze3A_531 = vector.extract %slice3A_530[0] : i32 from vector<1xi32>
      %and3A_532 = arith.constant 7 : i32
      %and3A_533 = arith.andi %scan3A_483, %and3A_532 : i32
      %mul3A_534 = arith.constant 8 : i32
      %mul3A_535 = arith.muli %and3A_533, %mul3A_534 : i32
      %and3A_536 = arith.constant 7 : i32
      %and3A_537 = arith.andi %squeeze3A_527, %and3A_536 : i32
      %add3A_538 = arith.addi %mul3A_535, %and3A_537 : i32
      %broadcast_in_dim3A_539 = vector.broadcast %add3A_538 : i32 to vector<16xi32>
      %broadcast_in_dim3A_540 = arith.constant 0 : i32
      %broadcast_in_dim3A_541 = vector.broadcast %broadcast_in_dim3A_540 : i32 to vector<16xi32>
      %add3A_542 = arith.addi %broadcast_in_dim3A_541, %iota3A : vector<16xi32>
      %gather3A_543 = tpu.vector_load_idx %arg8[%broadcast_in_dim3A_539, %add3A_542] : memref<64x64xf32, #tpu.memory_space<vmem>>[vector<16xi32>, vector<16xi32>], vector<16xf32>,
      %broadcast_in_dim3A_544 = vector.broadcast %add3A_538 : i32 to vector<16xi32>
      %broadcast_in_dim3A_545 = arith.constant 16 : i32
      %broadcast_in_dim3A_546 = vector.broadcast %broadcast_in_dim3A_545 : i32 to vector<16xi32>
      %add3A_547 = arith.addi %broadcast_in_dim3A_546, %iota3A : vector<16xi32>
      %gather3A_548 = tpu.vector_load_idx %arg8[%broadcast_in_dim3A_544, %add3A_547] : memref<64x64xf32, #tpu.memory_space<vmem>>[vector<16xi32>, vector<16xi32>], vector<16xf32>,
      %broadcast_in_dim3A_549 = vector.broadcast %add3A_538 : i32 to vector<16xi32>
      %broadcast_in_dim3A_550 = arith.constant 32 : i32
      %broadcast_in_dim3A_551 = vector.broadcast %broadcast_in_dim3A_550 : i32 to vector<16xi32>
      %add3A_552 = arith.addi %broadcast_in_dim3A_551, %iota3A : vector<16xi32>
      %gather3A_553 = tpu.vector_load_idx %arg8[%broadcast_in_dim3A_549, %add3A_552] : memref<64x64xf32, #tpu.memory_space<vmem>>[vector<16xi32>, vector<16xi32>], vector<16xf32>,
      %broadcast_in_dim3A_554 = vector.broadcast %add3A_538 : i32 to vector<16xi32>
      %broadcast_in_dim3A_555 = arith.constant 48 : i32
      %broadcast_in_dim3A_556 = vector.broadcast %broadcast_in_dim3A_555 : i32 to vector<16xi32>
      %add3A_557 = arith.addi %broadcast_in_dim3A_556, %iota3A : vector<16xi32>
      %gather3A_558 = tpu.vector_load_idx %arg8[%broadcast_in_dim3A_554, %add3A_557] : memref<64x64xf32, #tpu.memory_space<vmem>>[vector<16xi32>, vector<16xi32>], vector<16xf32>,
      %and3A_559 = arith.constant 7 : i32
      %and3A_560 = arith.andi %squeeze3A_529, %and3A_559 : i32
      %add3A_561 = arith.addi %mul3A_535, %and3A_560 : i32
      %broadcast_in_dim3A_562 = vector.broadcast %add3A_561 : i32 to vector<16xi32>
      %broadcast_in_dim3A_563 = arith.constant 0 : i32
      %broadcast_in_dim3A_564 = vector.broadcast %broadcast_in_dim3A_563 : i32 to vector<16xi32>
      %add3A_565 = arith.addi %broadcast_in_dim3A_564, %iota3A : vector<16xi32>
      %gather3A_566 = tpu.vector_load_idx %arg9[%broadcast_in_dim3A_562, %add3A_565] : memref<64x64xf32, #tpu.memory_space<vmem>>[vector<16xi32>, vector<16xi32>], vector<16xf32>,
      %broadcast_in_dim3A_567 = vector.broadcast %add3A_561 : i32 to vector<16xi32>
      %broadcast_in_dim3A_568 = arith.constant 16 : i32
      %broadcast_in_dim3A_569 = vector.broadcast %broadcast_in_dim3A_568 : i32 to vector<16xi32>
      %add3A_570 = arith.addi %broadcast_in_dim3A_569, %iota3A : vector<16xi32>
      %gather3A_571 = tpu.vector_load_idx %arg9[%broadcast_in_dim3A_567, %add3A_570] : memref<64x64xf32, #tpu.memory_space<vmem>>[vector<16xi32>, vector<16xi32>], vector<16xf32>,
      %broadcast_in_dim3A_572 = vector.broadcast %add3A_561 : i32 to vector<16xi32>
      %broadcast_in_dim3A_573 = arith.constant 32 : i32
      %broadcast_in_dim3A_574 = vector.broadcast %broadcast_in_dim3A_573 : i32 to vector<16xi32>
      %add3A_575 = arith.addi %broadcast_in_dim3A_574, %iota3A : vector<16xi32>
      %gather3A_576 = tpu.vector_load_idx %arg9[%broadcast_in_dim3A_572, %add3A_575] : memref<64x64xf32, #tpu.memory_space<vmem>>[vector<16xi32>, vector<16xi32>], vector<16xf32>,
      %broadcast_in_dim3A_577 = vector.broadcast %add3A_561 : i32 to vector<16xi32>
      %broadcast_in_dim3A_578 = arith.constant 48 : i32
      %broadcast_in_dim3A_579 = vector.broadcast %broadcast_in_dim3A_578 : i32 to vector<16xi32>
      %add3A_580 = arith.addi %broadcast_in_dim3A_579, %iota3A : vector<16xi32>
      %gather3A_581 = tpu.vector_load_idx %arg9[%broadcast_in_dim3A_577, %add3A_580] : memref<64x64xf32, #tpu.memory_space<vmem>>[vector<16xi32>, vector<16xi32>], vector<16xf32>,
      %and3A_582 = arith.constant 7 : i32
      %and3A_583 = arith.andi %squeeze3A_531, %and3A_582 : i32
      %add3A_584 = arith.addi %mul3A_535, %and3A_583 : i32
      %broadcast_in_dim3A_585 = vector.broadcast %add3A_584 : i32 to vector<16xi32>
      %broadcast_in_dim3A_586 = arith.constant 0 : i32
      %broadcast_in_dim3A_587 = vector.broadcast %broadcast_in_dim3A_586 : i32 to vector<16xi32>
      %add3A_588 = arith.addi %broadcast_in_dim3A_587, %iota3A : vector<16xi32>
      %gather3A_589 = tpu.vector_load_idx %arg10[%broadcast_in_dim3A_585, %add3A_588] : memref<64x64xf32, #tpu.memory_space<vmem>>[vector<16xi32>, vector<16xi32>], vector<16xf32>,
      %broadcast_in_dim3A_590 = vector.broadcast %add3A_584 : i32 to vector<16xi32>
      %broadcast_in_dim3A_591 = arith.constant 16 : i32
      %broadcast_in_dim3A_592 = vector.broadcast %broadcast_in_dim3A_591 : i32 to vector<16xi32>
      %add3A_593 = arith.addi %broadcast_in_dim3A_592, %iota3A : vector<16xi32>
      %gather3A_594 = tpu.vector_load_idx %arg10[%broadcast_in_dim3A_590, %add3A_593] : memref<64x64xf32, #tpu.memory_space<vmem>>[vector<16xi32>, vector<16xi32>], vector<16xf32>,
      %broadcast_in_dim3A_595 = vector.broadcast %add3A_584 : i32 to vector<16xi32>
      %broadcast_in_dim3A_596 = arith.constant 32 : i32
      %broadcast_in_dim3A_597 = vector.broadcast %broadcast_in_dim3A_596 : i32 to vector<16xi32>
      %add3A_598 = arith.addi %broadcast_in_dim3A_597, %iota3A : vector<16xi32>
      %gather3A_599 = tpu.vector_load_idx %arg10[%broadcast_in_dim3A_595, %add3A_598] : memref<64x64xf32, #tpu.memory_space<vmem>>[vector<16xi32>, vector<16xi32>], vector<16xf32>,
      %broadcast_in_dim3A_600 = vector.broadcast %add3A_584 : i32 to vector<16xi32>
      %broadcast_in_dim3A_601 = arith.constant 48 : i32
      %broadcast_in_dim3A_602 = vector.broadcast %broadcast_in_dim3A_601 : i32 to vector<16xi32>
      %add3A_603 = arith.addi %broadcast_in_dim3A_602, %iota3A : vector<16xi32>
      %gather3A_604 = tpu.vector_load_idx %arg10[%broadcast_in_dim3A_600, %add3A_603] : memref<64x64xf32, #tpu.memory_space<vmem>>[vector<16xi32>, vector<16xi32>], vector<16xf32>,
      %add3A_605 = arith.constant 8 : i32
      %add3A_606 = arith.addi %scan3A_483, %add3A_605 : i32
      %lt3A = arith.constant 512 : i32
      %lt3A_607 = arith.cmpi slt, %add3A_606, %lt3A : i32
      %convert_element_type3A = arith.extui %lt3A_607 : i1 to i32
      %cond3A = arith.constant 0 : i32
      %cond3A_608 = arith.constant 0 : i32
      %cond3A_609 = arith.cmpi ne, %convert_element_type3A, %cond3A_608 : i32
      %cond3A_610 = scf.if %cond3A_609 -> (i32) {
        %add3A_4264 = arith.constant 8 : i32
        %add3A_4265 = arith.addi %scan3A_483, %add3A_4264 : i32
        %div3A_4266 = arith.constant 128 : i32
        %div3A_4267 = arith.divsi %add3A_4265, %div3A_4266 : i32
        %broadcast_in_dim3A_4268 = vector.broadcast %div3A_4267 : i32 to vector<16xi32>
        %rem3A_4269 = arith.constant 128 : i32
        %rem3A_4270 = arith.remsi %add3A_4265, %rem3A_4269 : i32
        %broadcast_in_dim3A_4271 = vector.broadcast %rem3A_4270 : i32 to vector<16xi32>
        %gather3A_4272 = tpu.vector_load_idx %arg7[%min3A_4, %broadcast_in_dim3A_4268, %broadcast_in_dim3A_4271] : memref<3x4x128xi32, #tpu.memory_space<vmem>>[vector<16xi32>, vector<16xi32>, vector<16xi32>], vector<16xi32>,
        %slice3A_4273 = vector.extract_strided_slice %gather3A_4272 {offsets = [0], sizes = [1], strides = [1]} : vector<16xi32> to vector<1xi32>
        %squeeze3A_4274 = vector.extract %slice3A_4273[0] : i32 from vector<1xi32>
        %slice3A_4275 = vector.extract_strided_slice %gather3A_4272 {offsets = [1], sizes = [1], strides = [1]} : vector<16xi32> to vector<1xi32>
        %squeeze3A_4276 = vector.extract %slice3A_4275[0] : i32 from vector<1xi32>
        %slice3A_4277 = vector.extract_strided_slice %gather3A_4272 {offsets = [2], sizes = [1], strides = [1]} : vector<16xi32> to vector<1xi32>
        %squeeze3A_4278 = vector.extract %slice3A_4277[0] : i32 from vector<1xi32>
        %and3A_4279 = arith.constant 7 : i32
        %and3A_4280 = arith.andi %add3A_4265, %and3A_4279 : i32
        %mul3A_4281 = arith.constant 8 : i32
        %mul3A_4282 = arith.muli %and3A_4280, %mul3A_4281 : i32
        %multiple_of3A_4283 = tpu.assume_multiple %mul3A_4282, 8 : i32
        %shift_right_logical3A_4284 = arith.constant 3 : i32
        %shift_right_logical3A_4285 = arith.shrui %squeeze3A_4274, %shift_right_logical3A_4284 : i32
        %shift_left3A_4286 = arith.constant 3 : i32
        %shift_left3A_4287 = arith.shli %shift_right_logical3A_4285, %shift_left3A_4286 : i32
        %multiple_of3A_4288 = tpu.assume_multiple %shift_left3A_4287, 8 : i32
        %dma_start3A_4289 = arith.constant 0 : i32
        %dma_start3A_4290 = tpu.memref_slice %arg8[%multiple_of3A_4283, %dma_start3A_4289] : memref<64x64xf32, #tpu.memory_space<vmem>> -> memref<8x64xf32, #tpu.memory_space<vmem>>
        %dma_start3A_4291 = arith.constant 0 : i32
        %dma_start3A_4292 = tpu.memref_slice %arg3[%multiple_of3A_4288, %dma_start3A_4291] : memref<1000000x64xf32, #tpu.memory_space<hbm>> -> memref<8x64xf32, #tpu.memory_space<hbm>>
        %dma_start3A_4293 = arith.constant 0 : i32
        %dma_start3A_4294 = tpu.memref_slice %arg8[%multiple_of3A_4283, %dma_start3A_4293] : memref<64x64xf32, #tpu.memory_space<vmem>> -> memref<8x64xf32, #tpu.memory_space<vmem>>
        %dma_start3A_4295 = arith.constant 0 : i32
        %dma_start3A_4296 = tpu.memref_slice %arg3[%multiple_of3A_4288, %dma_start3A_4295] : memref<1000000x64xf32, #tpu.memory_space<hbm>> -> memref<8x64xf32, #tpu.memory_space<hbm>>
        tpu.enqueue_dma source(%dma_start3A_4296 : memref<8x64xf32, #tpu.memory_space<hbm>>) target(%dma_start3A_4294 : memref<8x64xf32, #tpu.memory_space<vmem>>) target_semaphore(%arg13 : memref<!tpu.dma_semaphore, #tpu.memory_space<semaphore_mem>>)
        %shift_right_logical3A_4297 = arith.constant 3 : i32
        %shift_right_logical3A_4298 = arith.shrui %squeeze3A_4276, %shift_right_logical3A_4297 : i32
        %shift_left3A_4299 = arith.constant 3 : i32
        %shift_left3A_4300 = arith.shli %shift_right_logical3A_4298, %shift_left3A_4299 : i32
        %multiple_of3A_4301 = tpu.assume_multiple %shift_left3A_4300, 8 : i32
        %dma_start3A_4302 = arith.constant 0 : i32
        %dma_start3A_4303 = tpu.memref_slice %arg9[%multiple_of3A_4283, %dma_start3A_4302] : memref<64x64xf32, #tpu.memory_space<vmem>> -> memref<8x64xf32, #tpu.memory_space<vmem>>
        %dma_start3A_4304 = arith.constant 0 : i32
        %dma_start3A_4305 = tpu.memref_slice %arg4[%multiple_of3A_4301, %dma_start3A_4304] : memref<1000000x64xf32, #tpu.memory_space<hbm>> -> memref<8x64xf32, #tpu.memory_space<hbm>>
        %dma_start3A_4306 = arith.constant 0 : i32
        %dma_start3A_4307 = tpu.memref_slice %arg9[%multiple_of3A_4283, %dma_start3A_4306] : memref<64x64xf32, #tpu.memory_space<vmem>> -> memref<8x64xf32, #tpu.memory_space<vmem>>
        %dma_start3A_4308 = arith.constant 0 : i32
        %dma_start3A_4309 = tpu.memref_slice %arg4[%multiple_of3A_4301, %dma_start3A_4308] : memref<1000000x64xf32, #tpu.memory_space<hbm>> -> memref<8x64xf32, #tpu.memory_space<hbm>>
        tpu.enqueue_dma source(%dma_start3A_4309 : memref<8x64xf32, #tpu.memory_space<hbm>>) target(%dma_start3A_4307 : memref<8x64xf32, #tpu.memory_space<vmem>>) target_semaphore(%arg13 : memref<!tpu.dma_semaphore, #tpu.memory_space<semaphore_mem>>)
        %shift_right_logical3A_4310 = arith.constant 3 : i32
        %shift_right_logical3A_4311 = arith.shrui %squeeze3A_4278, %shift_right_logical3A_4310 : i32
        %shift_left3A_4312 = arith.constant 3 : i32
        %shift_left3A_4313 = arith.shli %shift_right_logical3A_4311, %shift_left3A_4312 : i32
        %multiple_of3A_4314 = tpu.assume_multiple %shift_left3A_4313, 8 : i32
        %dma_start3A_4315 = arith.constant 0 : i32
        %dma_start3A_4316 = tpu.memref_slice %arg10[%multiple_of3A_4283, %dma_start3A_4315] : memref<64x64xf32, #tpu.memory_space<vmem>> -> memref<8x64xf32, #tpu.memory_space<vmem>>
        %dma_start3A_4317 = arith.constant 0 : i32
        %dma_start3A_4318 = tpu.memref_slice %arg3[%multiple_of3A_4314, %dma_start3A_4317] : memref<1000000x64xf32, #tpu.memory_space<hbm>> -> memref<8x64xf32, #tpu.memory_space<hbm>>
        %dma_start3A_4319 = arith.constant 0 : i32
        %dma_start3A_4320 = tpu.memref_slice %arg10[%multiple_of3A_4283, %dma_start3A_4319] : memref<64x64xf32, #tpu.memory_space<vmem>> -> memref<8x64xf32, #tpu.memory_space<vmem>>
        %dma_start3A_4321 = arith.constant 0 : i32
        %dma_start3A_4322 = tpu.memref_slice %arg3[%multiple_of3A_4314, %dma_start3A_4321] : memref<1000000x64xf32, #tpu.memory_space<hbm>> -> memref<8x64xf32, #tpu.memory_space<hbm>>
        tpu.enqueue_dma source(%dma_start3A_4322 : memref<8x64xf32, #tpu.memory_space<hbm>>) target(%dma_start3A_4320 : memref<8x64xf32, #tpu.memory_space<vmem>>) target_semaphore(%arg13 : memref<!tpu.dma_semaphore, #tpu.memory_space<semaphore_mem>>)
        %cond3A_4323 = arith.constant 0 : i32
        scf.yield %cond3A_4323 : i32
      } else {
        %cond3A_4264 = arith.constant 0 : i32
        scf.yield %cond3A_4264 : i32
      }
      %mul3A_611 = arith.mulf %gather3A_543, %gather3A_543 : vector<16xf32>
      %mul3A_612 = arith.mulf %gather3A_548, %gather3A_548 : vector<16xf32>
      %add3A_613 = arith.addf %mul3A_611, %mul3A_612 : vector<16xf32>
      %mul3A_614 = arith.mulf %gather3A_553, %gather3A_553 : vector<16xf32>
      %add3A_615 = arith.addf %add3A_613, %mul3A_614 : vector<16xf32>
      %mul3A_616 = arith.mulf %gather3A_558, %gather3A_558 : vector<16xf32>
      %add3A_617 = arith.addf %add3A_615, %mul3A_616 : vector<16xf32>
      %iota3A_618 = tpu.iota {dimensions = array<i32: 0>} : vector<16xi32>
      %xor3A = arith.constant 8 : i32
      %xor3A_619 = vector.broadcast %xor3A : i32 to vector<16xi32>
      %xor3A_620 = arith.xori %iota3A_618, %xor3A_619 : vector<16xi32>
      %broadcast_in_dim3A_621 = vector.shape_cast %xor3A_620 : vector<16xi32> to vector<16x1xi32>
      %gather3A_622 = vector.shape_cast %broadcast_in_dim3A_621 : vector<16x1xi32> to vector<16xi32>
      %gather3A_623 = tpu.dynamic_gather %add3A_617[%gather3A_622] in [0] : vector<16xf32>, vector<16xi32> -> vector<16xf32>
      %add3A_624 = arith.addf %add3A_617, %gather3A_623 : vector<16xf32>
      %xor3A_625 = arith.constant 4 : i32
      %xor3A_626 = vector.broadcast %xor3A_625 : i32 to vector<16xi32>
      %xor3A_627 = arith.xori %iota3A_618, %xor3A_626 : vector<16xi32>
      %broadcast_in_dim3A_628 = vector.shape_cast %xor3A_627 : vector<16xi32> to vector<16x1xi32>
      %gather3A_629 = vector.shape_cast %broadcast_in_dim3A_628 : vector<16x1xi32> to vector<16xi32>
      %gather3A_630 = tpu.dynamic_gather %add3A_624[%gather3A_629] in [0] : vector<16xf32>, vector<16xi32> -> vector<16xf32>
      %add3A_631 = arith.addf %add3A_624, %gather3A_630 : vector<16xf32>
      %xor3A_632 = arith.constant 2 : i32
      %xor3A_633 = vector.broadcast %xor3A_632 : i32 to vector<16xi32>
      %xor3A_634 = arith.xori %iota3A_618, %xor3A_633 : vector<16xi32>
      %broadcast_in_dim3A_635 = vector.shape_cast %xor3A_634 : vector<16xi32> to vector<16x1xi32>
      %gather3A_636 = vector.shape_cast %broadcast_in_dim3A_635 : vector<16x1xi32> to vector<16xi32>
      %gather3A_637 = tpu.dynamic_gather %add3A_631[%gather3A_636] in [0] : vector<16xf32>, vector<16xi32> -> vector<16xf32>
      %add3A_638 = arith.addf %add3A_631, %gather3A_637 : vector<16xf32>
      %xor3A_639 = arith.constant 1 : i32
      %xor3A_640 = vector.broadcast %xor3A_639 : i32 to vector<16xi32>
      %xor3A_641 = arith.xori %iota3A_618, %xor3A_640 : vector<16xi32>
      %broadcast_in_dim3A_642 = vector.shape_cast %xor3A_641 : vector<16xi32> to vector<16x1xi32>
      %gather3A_643 = vector.shape_cast %broadcast_in_dim3A_642 : vector<16x1xi32> to vector<16xi32>
      %gather3A_644 = tpu.dynamic_gather %add3A_638[%gather3A_643] in [0] : vector<16xf32>, vector<16xi32> -> vector<16xf32>
      %add3A_645 = arith.addf %add3A_638, %gather3A_644 : vector<16xf32>
      %max3A = arith.constant 1.000000e-24 : f32
      %max3A_646 = vector.broadcast %max3A : f32 to vector<16xf32>
      %max3A_647 = arith.maximumf %add3A_645, %max3A_646 : vector<16xf32>
      %bitcast3A = vector.bitcast %max3A_647 : vector<16xf32> to vector<16xi32>
      %shift_right_arithmetic3A = arith.constant 1 : i32
      %shift_right_arithmetic3A_648 = vector.broadcast %shift_right_arithmetic3A : i32 to vector<16xi32>
      %shift_right_arithmetic3A_649 = arith.shrsi %bitcast3A, %shift_right_arithmetic3A_648 : vector<16xi32>
      %sub3A = arith.constant 1597463007 : i32
      %sub3A_650 = vector.broadcast %sub3A : i32 to vector<16xi32>
      %sub3A_651 = arith.subi %sub3A_650, %shift_right_arithmetic3A_649 : vector<16xi32>
      %bitcast3A_652 = vector.bitcast %sub3A_651 : vector<16xi32> to vector<16xf32>
      %mul3A_653 = arith.constant 5.000000e-01 : f32
      %mul3A_654 = vector.broadcast %mul3A_653 : f32 to vector<16xf32>
      %mul3A_655 = arith.mulf %max3A_647, %mul3A_654 : vector<16xf32>
      %mul3A_656 = arith.mulf %mul3A_655, %bitcast3A_652 : vector<16xf32>
      %mul3A_657 = arith.mulf %mul3A_656, %bitcast3A_652 : vector<16xf32>
      %sub3A_658 = arith.constant 1.500000e+00 : f32
      %sub3A_659 = vector.broadcast %sub3A_658 : f32 to vector<16xf32>
      %sub3A_660 = arith.subf %sub3A_659, %mul3A_657 : vector<16xf32>
      %mul3A_661 = arith.mulf %bitcast3A_652, %sub3A_660 : vector<16xf32>
      %mul3A_662 = arith.mulf %mul3A_655, %mul3A_661 : vector<16xf32>
      %mul3A_663 = arith.mulf %mul3A_662, %mul3A_661 : vector<16xf32>
      %sub3A_664 = arith.constant 1.500000e+00 : f32
      %sub3A_665 = vector.broadcast %sub3A_664 : f32 to vector<16xf32>
      %sub3A_666 = arith.subf %sub3A_665, %mul3A_663 : vector<16xf32>
      %mul3A_667 = arith.mulf %mul3A_661, %sub3A_666 : vector<16xf32>
      %mul3A_668 = arith.mulf %mul3A_655, %mul3A_667 : vector<16xf32>
      %mul3A_669 = arith.mulf %mul3A_668, %mul3A_667 : vector<16xf32>
      %sub3A_670 = arith.constant 1.500000e+00 : f32
      %sub3A_671 = vector.broadcast %sub3A_670 : f32 to vector<16xf32>
      %sub3A_672 = arith.subf %sub3A_671, %mul3A_669 : vector<16xf32>
      %mul3A_673 = arith.mulf %mul3A_667, %sub3A_672 : vector<16xf32>
      %mul3A_674 = arith.mulf %gather3A_566, %gather3A_566 : vector<16xf32>
      %mul3A_675 = arith.mulf %gather3A_571, %gather3A_571 : vector<16xf32>
      %add3A_676 = arith.addf %mul3A_674, %mul3A_675 : vector<16xf32>
      %mul3A_677 = arith.mulf %gather3A_576, %gather3A_576 : vector<16xf32>
      %add3A_678 = arith.addf %add3A_676, %mul3A_677 : vector<16xf32>
      %mul3A_679 = arith.mulf %gather3A_581, %gather3A_581 : vector<16xf32>
      %add3A_680 = arith.addf %add3A_678, %mul3A_679 : vector<16xf32>
      %iota3A_681 = tpu.iota {dimensions = array<i32: 0>} : vector<16xi32>
      %xor3A_682 = arith.constant 8 : i32
      %xor3A_683 = vector.broadcast %xor3A_682 : i32 to vector<16xi32>
      %xor3A_684 = arith.xori %iota3A_681, %xor3A_683 : vector<16xi32>
      %broadcast_in_dim3A_685 = vector.shape_cast %xor3A_684 : vector<16xi32> to vector<16x1xi32>
      %gather3A_686 = vector.shape_cast %broadcast_in_dim3A_685 : vector<16x1xi32> to vector<16xi32>
      %gather3A_687 = tpu.dynamic_gather %add3A_680[%gather3A_686] in [0] : vector<16xf32>, vector<16xi32> -> vector<16xf32>
      %add3A_688 = arith.addf %add3A_680, %gather3A_687 : vector<16xf32>
      %xor3A_689 = arith.constant 4 : i32
      %xor3A_690 = vector.broadcast %xor3A_689 : i32 to vector<16xi32>
      %xor3A_691 = arith.xori %iota3A_681, %xor3A_690 : vector<16xi32>
      %broadcast_in_dim3A_692 = vector.shape_cast %xor3A_691 : vector<16xi32> to vector<16x1xi32>
      %gather3A_693 = vector.shape_cast %broadcast_in_dim3A_692 : vector<16x1xi32> to vector<16xi32>
      %gather3A_694 = tpu.dynamic_gather %add3A_688[%gather3A_693] in [0] : vector<16xf32>, vector<16xi32> -> vector<16xf32>
      %add3A_695 = arith.addf %add3A_688, %gather3A_694 : vector<16xf32>
      %xor3A_696 = arith.constant 2 : i32
      %xor3A_697 = vector.broadcast %xor3A_696 : i32 to vector<16xi32>
      %xor3A_698 = arith.xori %iota3A_681, %xor3A_697 : vector<16xi32>
      %broadcast_in_dim3A_699 = vector.shape_cast %xor3A_698 : vector<16xi32> to vector<16x1xi32>
      %gather3A_700 = vector.shape_cast %broadcast_in_dim3A_699 : vector<16x1xi32> to vector<16xi32>
      %gather3A_701 = tpu.dynamic_gather %add3A_695[%gather3A_700] in [0] : vector<16xf32>, vector<16xi32> -> vector<16xf32>
      %add3A_702 = arith.addf %add3A_695, %gather3A_701 : vector<16xf32>
      %xor3A_703 = arith.constant 1 : i32
      %xor3A_704 = vector.broadcast %xor3A_703 : i32 to vector<16xi32>
      %xor3A_705 = arith.xori %iota3A_681, %xor3A_704 : vector<16xi32>
      %broadcast_in_dim3A_706 = vector.shape_cast %xor3A_705 : vector<16xi32> to vector<16x1xi32>
      %gather3A_707 = vector.shape_cast %broadcast_in_dim3A_706 : vector<16x1xi32> to vector<16xi32>
      %gather3A_708 = tpu.dynamic_gather %add3A_702[%gather3A_707] in [0] : vector<16xf32>, vector<16xi32> -> vector<16xf32>
      %add3A_709 = arith.addf %add3A_702, %gather3A_708 : vector<16xf32>
      %max3A_710 = arith.constant 1.000000e-24 : f32
      %max3A_711 = vector.broadcast %max3A_710 : f32 to vector<16xf32>
      %max3A_712 = arith.maximumf %add3A_709, %max3A_711 : vector<16xf32>
      %bitcast3A_713 = vector.bitcast %max3A_712 : vector<16xf32> to vector<16xi32>
      %shift_right_arithmetic3A_714 = arith.constant 1 : i32
      %shift_right_arithmetic3A_715 = vector.broadcast %shift_right_arithmetic3A_714 : i32 to vector<16xi32>
      %shift_right_arithmetic3A_716 = arith.shrsi %bitcast3A_713, %shift_right_arithmetic3A_715 : vector<16xi32>
      %sub3A_717 = arith.constant 1597463007 : i32
      %sub3A_718 = vector.broadcast %sub3A_717 : i32 to vector<16xi32>
      %sub3A_719 = arith.subi %sub3A_718, %shift_right_arithmetic3A_716 : vector<16xi32>
      %bitcast3A_720 = vector.bitcast %sub3A_719 : vector<16xi32> to vector<16xf32>
      %mul3A_721 = arith.constant 5.000000e-01 : f32
      %mul3A_722 = vector.broadcast %mul3A_721 : f32 to vector<16xf32>
      %mul3A_723 = arith.mulf %max3A_712, %mul3A_722 : vector<16xf32>
      %mul3A_724 = arith.mulf %mul3A_723, %bitcast3A_720 : vector<16xf32>
      %mul3A_725 = arith.mulf %mul3A_724, %bitcast3A_720 : vector<16xf32>
      %sub3A_726 = arith.constant 1.500000e+00 : f32
      %sub3A_727 = vector.broadcast %sub3A_726 : f32 to vector<16xf32>
      %sub3A_728 = arith.subf %sub3A_727, %mul3A_725 : vector<16xf32>
      %mul3A_729 = arith.mulf %bitcast3A_720, %sub3A_728 : vector<16xf32>
      %mul3A_730 = arith.mulf %mul3A_723, %mul3A_729 : vector<16xf32>
      %mul3A_731 = arith.mulf %mul3A_730, %mul3A_729 : vector<16xf32>
      %sub3A_732 = arith.constant 1.500000e+00 : f32
      %sub3A_733 = vector.broadcast %sub3A_732 : f32 to vector<16xf32>
      %sub3A_734 = arith.subf %sub3A_733, %mul3A_731 : vector<16xf32>
      %mul3A_735 = arith.mulf %mul3A_729, %sub3A_734 : vector<16xf32>
      %mul3A_736 = arith.mulf %mul3A_723, %mul3A_735 : vector<16xf32>
      %mul3A_737 = arith.mulf %mul3A_736, %mul3A_735 : vector<16xf32>
      %sub3A_738 = arith.constant 1.500000e+00 : f32
      %sub3A_739 = vector.broadcast %sub3A_738 : f32 to vector<16xf32>
      %sub3A_740 = arith.subf %sub3A_739, %mul3A_737 : vector<16xf32>
      %mul3A_741 = arith.mulf %mul3A_735, %sub3A_740 : vector<16xf32>
      %mul3A_742 = arith.mulf %gather3A_589, %gather3A_589 : vector<16xf32>
      %mul3A_743 = arith.mulf %gather3A_594, %gather3A_594 : vector<16xf32>
      %add3A_744 = arith.addf %mul3A_742, %mul3A_743 : vector<16xf32>
      %mul3A_745 = arith.mulf %gather3A_599, %gather3A_599 : vector<16xf32>
      %add3A_746 = arith.addf %add3A_744, %mul3A_745 : vector<16xf32>
      %mul3A_747 = arith.mulf %gather3A_604, %gather3A_604 : vector<16xf32>
      %add3A_748 = arith.addf %add3A_746, %mul3A_747 : vector<16xf32>
      %iota3A_749 = tpu.iota {dimensions = array<i32: 0>} : vector<16xi32>
      %xor3A_750 = arith.constant 8 : i32
      %xor3A_751 = vector.broadcast %xor3A_750 : i32 to vector<16xi32>
      %xor3A_752 = arith.xori %iota3A_749, %xor3A_751 : vector<16xi32>
      %broadcast_in_dim3A_753 = vector.shape_cast %xor3A_752 : vector<16xi32> to vector<16x1xi32>
      %gather3A_754 = vector.shape_cast %broadcast_in_dim3A_753 : vector<16x1xi32> to vector<16xi32>
      %gather3A_755 = tpu.dynamic_gather %add3A_748[%gather3A_754] in [0] : vector<16xf32>, vector<16xi32> -> vector<16xf32>
      %add3A_756 = arith.addf %add3A_748, %gather3A_755 : vector<16xf32>
      %xor3A_757 = arith.constant 4 : i32
      %xor3A_758 = vector.broadcast %xor3A_757 : i32 to vector<16xi32>
      %xor3A_759 = arith.xori %iota3A_749, %xor3A_758 : vector<16xi32>
      %broadcast_in_dim3A_760 = vector.shape_cast %xor3A_759 : vector<16xi32> to vector<16x1xi32>
      %gather3A_761 = vector.shape_cast %broadcast_in_dim3A_760 : vector<16x1xi32> to vector<16xi32>
      %gather3A_762 = tpu.dynamic_gather %add3A_756[%gather3A_761] in [0] : vector<16xf32>, vector<16xi32> -> vector<16xf32>
      %add3A_763 = arith.addf %add3A_756, %gather3A_762 : vector<16xf32>
      %xor3A_764 = arith.constant 2 : i32
      %xor3A_765 = vector.broadcast %xor3A_764 : i32 to vector<16xi32>
      %xor3A_766 = arith.xori %iota3A_749, %xor3A_765 : vector<16xi32>
      %broadcast_in_dim3A_767 = vector.shape_cast %xor3A_766 : vector<16xi32> to vector<16x1xi32>
      %gather3A_768 = vector.shape_cast %broadcast_in_dim3A_767 : vector<16x1xi32> to vector<16xi32>
      %gather3A_769 = tpu.dynamic_gather %add3A_763[%gather3A_768] in [0] : vector<16xf32>, vector<16xi32> -> vector<16xf32>
      %add3A_770 = arith.addf %add3A_763, %gather3A_769 : vector<16xf32>
      %xor3A_771 = arith.constant 1 : i32
      %xor3A_772 = vector.broadcast %xor3A_771 : i32 to vector<16xi32>
      %xor3A_773 = arith.xori %iota3A_749, %xor3A_772 : vector<16xi32>
      %broadcast_in_dim3A_774 = vector.shape_cast %xor3A_773 : vector<16xi32> to vector<16x1xi32>
      %gather3A_775 = vector.shape_cast %broadcast_in_dim3A_774 : vector<16x1xi32> to vector<16xi32>
      %gather3A_776 = tpu.dynamic_gather %add3A_770[%gather3A_775] in [0] : vector<16xf32>, vector<16xi32> -> vector<16xf32>
      %add3A_777 = arith.addf %add3A_770, %gather3A_776 : vector<16xf32>
      %max3A_778 = arith.constant 1.000000e-24 : f32
      %max3A_779 = vector.broadcast %max3A_778 : f32 to vector<16xf32>
      %max3A_780 = arith.maximumf %add3A_777, %max3A_779 : vector<16xf32>
      %bitcast3A_781 = vector.bitcast %max3A_780 : vector<16xf32> to vector<16xi32>
      %shift_right_arithmetic3A_782 = arith.constant 1 : i32
      %shift_right_arithmetic3A_783 = vector.broadcast %shift_right_arithmetic3A_782 : i32 to vector<16xi32>
      %shift_right_arithmetic3A_784 = arith.shrsi %bitcast3A_781, %shift_right_arithmetic3A_783 : vector<16xi32>
      %sub3A_785 = arith.constant 1597463007 : i32
      %sub3A_786 = vector.broadcast %sub3A_785 : i32 to vector<16xi32>
      %sub3A_787 = arith.subi %sub3A_786, %shift_right_arithmetic3A_784 : vector<16xi32>
      %bitcast3A_788 = vector.bitcast %sub3A_787 : vector<16xi32> to vector<16xf32>
      %mul3A_789 = arith.constant 5.000000e-01 : f32
      %mul3A_790 = vector.broadcast %mul3A_789 : f32 to vector<16xf32>
      %mul3A_791 = arith.mulf %max3A_780, %mul3A_790 : vector<16xf32>
      %mul3A_792 = arith.mulf %mul3A_791, %bitcast3A_788 : vector<16xf32>
      %mul3A_793 = arith.mulf %mul3A_792, %bitcast3A_788 : vector<16xf32>
      %sub3A_794 = arith.constant 1.500000e+00 : f32
      %sub3A_795 = vector.broadcast %sub3A_794 : f32 to vector<16xf32>
      %sub3A_796 = arith.subf %sub3A_795, %mul3A_793 : vector<16xf32>
      %mul3A_797 = arith.mulf %bitcast3A_788, %sub3A_796 : vector<16xf32>
      %mul3A_798 = arith.mulf %mul3A_791, %mul3A_797 : vector<16xf32>
      %mul3A_799 = arith.mulf %mul3A_798, %mul3A_797 : vector<16xf32>
      %sub3A_800 = arith.constant 1.500000e+00 : f32
      %sub3A_801 = vector.broadcast %sub3A_800 : f32 to vector<16xf32>
      %sub3A_802 = arith.subf %sub3A_801, %mul3A_799 : vector<16xf32>
      %mul3A_803 = arith.mulf %mul3A_797, %sub3A_802 : vector<16xf32>
      %mul3A_804 = arith.mulf %mul3A_791, %mul3A_803 : vector<16xf32>
      %mul3A_805 = arith.mulf %mul3A_804, %mul3A_803 : vector<16xf32>
      %sub3A_806 = arith.constant 1.500000e+00 : f32
      %sub3A_807 = vector.broadcast %sub3A_806 : f32 to vector<16xf32>
      %sub3A_808 = arith.subf %sub3A_807, %mul3A_805 : vector<16xf32>
      %mul3A_809 = arith.mulf %mul3A_803, %sub3A_808 : vector<16xf32>
      %mul3A_810 = arith.mulf %gather3A_543, %mul3A_673 : vector<16xf32>
      %mul3A_811 = arith.mulf %gather3A_548, %mul3A_673 : vector<16xf32>
      %mul3A_812 = arith.mulf %gather3A_553, %mul3A_673 : vector<16xf32>
      %mul3A_813 = arith.mulf %gather3A_558, %mul3A_673 : vector<16xf32>
      %mul3A_814 = arith.mulf %gather3A_566, %mul3A_741 : vector<16xf32>
      %mul3A_815 = arith.mulf %gather3A_571, %mul3A_741 : vector<16xf32>
      %mul3A_816 = arith.mulf %gather3A_576, %mul3A_741 : vector<16xf32>
      %mul3A_817 = arith.mulf %gather3A_581, %mul3A_741 : vector<16xf32>
      %mul3A_818 = arith.mulf %gather3A_589, %mul3A_809 : vector<16xf32>
      %mul3A_819 = arith.mulf %gather3A_594, %mul3A_809 : vector<16xf32>
      %mul3A_820 = arith.mulf %gather3A_599, %mul3A_809 : vector<16xf32>
      %mul3A_821 = arith.mulf %gather3A_604, %mul3A_809 : vector<16xf32>
      %broadcast_in_dim3A_822 = arith.constant 0.000000e+00 : f32
      %broadcast_in_dim3A_823 = vector.broadcast %broadcast_in_dim3A_822 : f32 to vector<16xf32>
      %broadcast_in_dim3A_824 = arith.constant 0.000000e+00 : f32
      %broadcast_in_dim3A_825 = vector.broadcast %broadcast_in_dim3A_824 : f32 to vector<16xf32>
      %broadcast_in_dim3A_826 = arith.constant 0.000000e+00 : f32
      %broadcast_in_dim3A_827 = vector.broadcast %broadcast_in_dim3A_826 : f32 to vector<16xf32>
      %broadcast_in_dim3A_828 = arith.constant 0.000000e+00 : f32
      %broadcast_in_dim3A_829 = vector.broadcast %broadcast_in_dim3A_828 : f32 to vector<16xf32>
      %get3A = arith.constant 0 : i32
      %get3A_830 = arith.index_cast %get3A : i32 to index
      %get3A_831 = arith.constant 64 : index
      %get3A_832 = tpu.vector_load %arg11[%get3A_830, %get3A_831] {strides = array<i32>} : memref<50x128xf32, #tpu.memory_space<vmem>>, vector<16xf32>,
      %get3A_833 = arith.constant 0 : i32
      %get3A_834 = arith.index_cast %get3A_833 : i32 to index
      %get3A_835 = arith.constant 80 : index
      %get3A_836 = tpu.vector_load %arg11[%get3A_834, %get3A_835] {strides = array<i32>} : memref<50x128xf32, #tpu.memory_space<vmem>>, vector<16xf32>,
      %get3A_837 = arith.constant 0 : i32
      %get3A_838 = arith.index_cast %get3A_837 : i32 to index
      %get3A_839 = arith.constant 96 : index
      %get3A_840 = tpu.vector_load %arg11[%get3A_838, %get3A_839] {strides = array<i32>} : memref<50x128xf32, #tpu.memory_space<vmem>>, vector<16xf32>,
      %mul3A_841 = arith.mulf %mul3A_810, %get3A_832 : vector<16xf32>
      %mul3A_842 = arith.mulf %mul3A_814, %get3A_836 : vector<16xf32>
      %add3A_843 = arith.addf %mul3A_841, %mul3A_842 : vector<16xf32>
      %mul3A_844 = arith.mulf %mul3A_818, %get3A_840 : vector<16xf32>
      %add3A_845 = arith.addf %add3A_843, %mul3A_844 : vector<16xf32>
      %max3A_846 = arith.constant 0.000000e+00 : f32
      %max3A_847 = vector.broadcast %max3A_846 : f32 to vector<16xf32>
      %max3A_848 = arith.maximumf %add3A_845, %max3A_847 : vector<16xf32>
      %get3A_849 = arith.constant 0 : i32
      %get3A_850 = arith.index_cast %get3A_849 : i32 to index
      %get3A_851 = arith.constant 0 : index
      %get3A_852 = tpu.vector_load %arg11[%get3A_850, %get3A_851] {strides = array<i32>} : memref<50x128xf32, #tpu.memory_space<vmem>>, vector<16xf32>,
      %mul3A_853 = arith.mulf %max3A_848, %get3A_852 : vector<16xf32>
      %add3A_854 = arith.addf %broadcast_in_dim3A_823, %mul3A_853 : vector<16xf32>
      %mul3A_855 = arith.mulf %mul3A_811, %get3A_832 : vector<16xf32>
      %mul3A_856 = arith.mulf %mul3A_815, %get3A_836 : vector<16xf32>
      %add3A_857 = arith.addf %mul3A_855, %mul3A_856 : vector<16xf32>
      %mul3A_858 = arith.mulf %mul3A_819, %get3A_840 : vector<16xf32>
      %add3A_859 = arith.addf %add3A_857, %mul3A_858 : vector<16xf32>
      %max3A_860 = arith.constant 0.000000e+00 : f32
      %max3A_861 = vector.broadcast %max3A_860 : f32 to vector<16xf32>
      %max3A_862 = arith.maximumf %add3A_859, %max3A_861 : vector<16xf32>
      %get3A_863 = arith.constant 0 : i32
      %get3A_864 = arith.index_cast %get3A_863 : i32 to index
      %get3A_865 = arith.constant 16 : index
      %get3A_866 = tpu.vector_load %arg11[%get3A_864, %get3A_865] {strides = array<i32>} : memref<50x128xf32, #tpu.memory_space<vmem>>, vector<16xf32>,
      %mul3A_867 = arith.mulf %max3A_862, %get3A_866 : vector<16xf32>
      %add3A_868 = arith.addf %broadcast_in_dim3A_825, %mul3A_867 : vector<16xf32>
      %mul3A_869 = arith.mulf %mul3A_812, %get3A_832 : vector<16xf32>
      %mul3A_870 = arith.mulf %mul3A_816, %get3A_836 : vector<16xf32>
      %add3A_871 = arith.addf %mul3A_869, %mul3A_870 : vector<16xf32>
      %mul3A_872 = arith.mulf %mul3A_820, %get3A_840 : vector<16xf32>
      %add3A_873 = arith.addf %add3A_871, %mul3A_872 : vector<16xf32>
      %max3A_874 = arith.constant 0.000000e+00 : f32
      %max3A_875 = vector.broadcast %max3A_874 : f32 to vector<16xf32>
      %max3A_876 = arith.maximumf %add3A_873, %max3A_875 : vector<16xf32>
      %get3A_877 = arith.constant 0 : i32
      %get3A_878 = arith.index_cast %get3A_877 : i32 to index
      %get3A_879 = arith.constant 32 : index
      %get3A_880 = tpu.vector_load %arg11[%get3A_878, %get3A_879] {strides = array<i32>} : memref<50x128xf32, #tpu.memory_space<vmem>>, vector<16xf32>,
      %mul3A_881 = arith.mulf %max3A_876, %get3A_880 : vector<16xf32>
      %add3A_882 = arith.addf %broadcast_in_dim3A_827, %mul3A_881 : vector<16xf32>
      %mul3A_883 = arith.mulf %mul3A_813, %get3A_832 : vector<16xf32>
      %mul3A_884 = arith.mulf %mul3A_817, %get3A_836 : vector<16xf32>
      %add3A_885 = arith.addf %mul3A_883, %mul3A_884 : vector<16xf32>
      %mul3A_886 = arith.mulf %mul3A_821, %get3A_840 : vector<16xf32>
      %add3A_887 = arith.addf %add3A_885, %mul3A_886 : vector<16xf32>
      %max3A_888 = arith.constant 0.000000e+00 : f32
      %max3A_889 = vector.broadcast %max3A_888 : f32 to vector<16xf32>
      %max3A_890 = arith.maximumf %add3A_887, %max3A_889 : vector<16xf32>
      %get3A_891 = arith.constant 0 : i32
      %get3A_892 = arith.index_cast %get3A_891 : i32 to index
      %get3A_893 = arith.constant 48 : index
      %get3A_894 = tpu.vector_load %arg11[%get3A_892, %get3A_893] {strides = array<i32>} : memref<50x128xf32, #tpu.memory_space<vmem>>, vector<16xf32>,
      %mul3A_895 = arith.mulf %max3A_890, %get3A_894 : vector<16xf32>
      %add3A_896 = arith.addf %broadcast_in_dim3A_829, %mul3A_895 : vector<16xf32>
      %get3A_897 = arith.constant 1 : i32
      %get3A_898 = arith.index_cast %get3A_897 : i32 to index
      %get3A_899 = arith.constant 64 : index
      %get3A_900 = tpu.vector_load %arg11[%get3A_898, %get3A_899] {strides = array<i32>} : memref<50x128xf32, #tpu.memory_space<vmem>>, vector<16xf32>,
      %get3A_901 = arith.constant 1 : i32
      %get3A_902 = arith.index_cast %get3A_901 : i32 to index
      %get3A_903 = arith.constant 80 : index
      %get3A_904 = tpu.vector_load %arg11[%get3A_902, %get3A_903] {strides = array<i32>} : memref<50x128xf32, #tpu.memory_space<vmem>>, vector<16xf32>,
      %get3A_905 = arith.constant 1 : i32
      %get3A_906 = arith.index_cast %get3A_905 : i32 to index
      %get3A_907 = arith.constant 96 : index
      %get3A_908 = tpu.vector_load %arg11[%get3A_906, %get3A_907] {strides = array<i32>} : memref<50x128xf32, #tpu.memory_space<vmem>>, vector<16xf32>,
      %mul3A_909 = arith.mulf %mul3A_810, %get3A_900 : vector<16xf32>
      %mul3A_910 = arith.mulf %mul3A_814, %get3A_904 : vector<16xf32>
      %add3A_911 = arith.addf %mul3A_909, %mul3A_910 : vector<16xf32>
      %mul3A_912 = arith.mulf %mul3A_818, %get3A_908 : vector<16xf32>
      %add3A_913 = arith.addf %add3A_911, %mul3A_912 : vector<16xf32>
      %max3A_914 = arith.constant 0.000000e+00 : f32
      %max3A_915 = vector.broadcast %max3A_914 : f32 to vector<16xf32>
      %max3A_916 = arith.maximumf %add3A_913, %max3A_915 : vector<16xf32>
      %get3A_917 = arith.constant 1 : i32
      %get3A_918 = arith.index_cast %get3A_917 : i32 to index
      %get3A_919 = arith.constant 0 : index
      %get3A_920 = tpu.vector_load %arg11[%get3A_918, %get3A_919] {strides = array<i32>} : memref<50x128xf32, #tpu.memory_space<vmem>>, vector<16xf32>,
      %mul3A_921 = arith.mulf %max3A_916, %get3A_920 : vector<16xf32>
      %add3A_922 = arith.addf %add3A_854, %mul3A_921 : vector<16xf32>
      %mul3A_923 = arith.mulf %mul3A_811, %get3A_900 : vector<16xf32>
      %mul3A_924 = arith.mulf %mul3A_815, %get3A_904 : vector<16xf32>
      %add3A_925 = arith.addf %mul3A_923, %mul3A_924 : vector<16xf32>
      %mul3A_926 = arith.mulf %mul3A_819, %get3A_908 : vector<16xf32>
      %add3A_927 = arith.addf %add3A_925, %mul3A_926 : vector<16xf32>
      %max3A_928 = arith.constant 0.000000e+00 : f32
      %max3A_929 = vector.broadcast %max3A_928 : f32 to vector<16xf32>
      %max3A_930 = arith.maximumf %add3A_927, %max3A_929 : vector<16xf32>
      %get3A_931 = arith.constant 1 : i32
      %get3A_932 = arith.index_cast %get3A_931 : i32 to index
      %get3A_933 = arith.constant 16 : index
      %get3A_934 = tpu.vector_load %arg11[%get3A_932, %get3A_933] {strides = array<i32>} : memref<50x128xf32, #tpu.memory_space<vmem>>, vector<16xf32>,
      %mul3A_935 = arith.mulf %max3A_930, %get3A_934 : vector<16xf32>
      %add3A_936 = arith.addf %add3A_868, %mul3A_935 : vector<16xf32>
      %mul3A_937 = arith.mulf %mul3A_812, %get3A_900 : vector<16xf32>
      %mul3A_938 = arith.mulf %mul3A_816, %get3A_904 : vector<16xf32>
      %add3A_939 = arith.addf %mul3A_937, %mul3A_938 : vector<16xf32>
      %mul3A_940 = arith.mulf %mul3A_820, %get3A_908 : vector<16xf32>
      %add3A_941 = arith.addf %add3A_939, %mul3A_940 : vector<16xf32>
      %max3A_942 = arith.constant 0.000000e+00 : f32
      %max3A_943 = vector.broadcast %max3A_942 : f32 to vector<16xf32>
      %max3A_944 = arith.maximumf %add3A_941, %max3A_943 : vector<16xf32>
      %get3A_945 = arith.constant 1 : i32
      %get3A_946 = arith.index_cast %get3A_945 : i32 to index
      %get3A_947 = arith.constant 32 : index
      %get3A_948 = tpu.vector_load %arg11[%get3A_946, %get3A_947] {strides = array<i32>} : memref<50x128xf32, #tpu.memory_space<vmem>>, vector<16xf32>,
      %mul3A_949 = arith.mulf %max3A_944, %get3A_948 : vector<16xf32>
      %add3A_950 = arith.addf %add3A_882, %mul3A_949 : vector<16xf32>
      %mul3A_951 = arith.mulf %mul3A_813, %get3A_900 : vector<16xf32>
      %mul3A_952 = arith.mulf %mul3A_817, %get3A_904 : vector<16xf32>
      %add3A_953 = arith.addf %mul3A_951, %mul3A_952 : vector<16xf32>
      %mul3A_954 = arith.mulf %mul3A_821, %get3A_908 : vector<16xf32>
      %add3A_955 = arith.addf %add3A_953, %mul3A_954 : vector<16xf32>
      %max3A_956 = arith.constant 0.000000e+00 : f32
      %max3A_957 = vector.broadcast %max3A_956 : f32 to vector<16xf32>
      %max3A_958 = arith.maximumf %add3A_955, %max3A_957 : vector<16xf32>
      %get3A_959 = arith.constant 1 : i32
      %get3A_960 = arith.index_cast %get3A_959 : i32 to index
      %get3A_961 = arith.constant 48 : index
      %get3A_962 = tpu.vector_load %arg11[%get3A_960, %get3A_961] {strides = array<i32>} : memref<50x128xf32, #tpu.memory_space<vmem>>, vector<16xf32>,
      %mul3A_963 = arith.mulf %max3A_958, %get3A_962 : vector<16xf32>
      %add3A_964 = arith.addf %add3A_896, %mul3A_963 : vector<16xf32>
      %get3A_965 = arith.constant 2 : i32
      %get3A_966 = arith.index_cast %get3A_965 : i32 to index
      %get3A_967 = arith.constant 64 : index
      %get3A_968 = tpu.vector_load %arg11[%get3A_966, %get3A_967] {strides = array<i32>} : memref<50x128xf32, #tpu.memory_space<vmem>>, vector<16xf32>,
      %get3A_969 = arith.constant 2 : i32
      %get3A_970 = arith.index_cast %get3A_969 : i32 to index
      %get3A_971 = arith.constant 80 : index
      %get3A_972 = tpu.vector_load %arg11[%get3A_970, %get3A_971] {strides = array<i32>} : memref<50x128xf32, #tpu.memory_space<vmem>>, vector<16xf32>,
      %get3A_973 = arith.constant 2 : i32
      %get3A_974 = arith.index_cast %get3A_973 : i32 to index
      %get3A_975 = arith.constant 96 : index
      %get3A_976 = tpu.vector_load %arg11[%get3A_974, %get3A_975] {strides = array<i32>} : memref<50x128xf32, #tpu.memory_space<vmem>>, vector<16xf32>,
      %mul3A_977 = arith.mulf %mul3A_810, %get3A_968 : vector<16xf32>
      %mul3A_978 = arith.mulf %mul3A_814, %get3A_972 : vector<16xf32>
      %add3A_979 = arith.addf %mul3A_977, %mul3A_978 : vector<16xf32>
      %mul3A_980 = arith.mulf %mul3A_818, %get3A_976 : vector<16xf32>
      %add3A_981 = arith.addf %add3A_979, %mul3A_980 : vector<16xf32>
      %max3A_982 = arith.constant 0.000000e+00 : f32
      %max3A_983 = vector.broadcast %max3A_982 : f32 to vector<16xf32>
      %max3A_984 = arith.maximumf %add3A_981, %max3A_983 : vector<16xf32>
      %get3A_985 = arith.constant 2 : i32
      %get3A_986 = arith.index_cast %get3A_985 : i32 to index
      %get3A_987 = arith.constant 0 : index
      %get3A_988 = tpu.vector_load %arg11[%get3A_986, %get3A_987] {strides = array<i32>} : memref<50x128xf32, #tpu.memory_space<vmem>>, vector<16xf32>,
      %mul3A_989 = arith.mulf %max3A_984, %get3A_988 : vector<16xf32>
      %add3A_990 = arith.addf %add3A_922, %mul3A_989 : vector<16xf32>
      %mul3A_991 = arith.mulf %mul3A_811, %get3A_968 : vector<16xf32>
      %mul3A_992 = arith.mulf %mul3A_815, %get3A_972 : vector<16xf32>
      %add3A_993 = arith.addf %mul3A_991, %mul3A_992 : vector<16xf32>
      %mul3A_994 = arith.mulf %mul3A_819, %get3A_976 : vector<16xf32>
      %add3A_995 = arith.addf %add3A_993, %mul3A_994 : vector<16xf32>
      %max3A_996 = arith.constant 0.000000e+00 : f32
      %max3A_997 = vector.broadcast %max3A_996 : f32 to vector<16xf32>
      %max3A_998 = arith.maximumf %add3A_995, %max3A_997 : vector<16xf32>
      %get3A_999 = arith.constant 2 : i32
      %get3A_1000 = arith.index_cast %get3A_999 : i32 to index
      %get3A_1001 = arith.constant 16 : index
      %get3A_1002 = tpu.vector_load %arg11[%get3A_1000, %get3A_1001] {strides = array<i32>} : memref<50x128xf32, #tpu.memory_space<vmem>>, vector<16xf32>,
      %mul3A_1003 = arith.mulf %max3A_998, %get3A_1002 : vector<16xf32>
      %add3A_1004 = arith.addf %add3A_936, %mul3A_1003 : vector<16xf32>
      %mul3A_1005 = arith.mulf %mul3A_812, %get3A_968 : vector<16xf32>
      %mul3A_1006 = arith.mulf %mul3A_816, %get3A_972 : vector<16xf32>
      %add3A_1007 = arith.addf %mul3A_1005, %mul3A_1006 : vector<16xf32>
      %mul3A_1008 = arith.mulf %mul3A_820, %get3A_976 : vector<16xf32>
      %add3A_1009 = arith.addf %add3A_1007, %mul3A_1008 : vector<16xf32>
      %max3A_1010 = arith.constant 0.000000e+00 : f32
      %max3A_1011 = vector.broadcast %max3A_1010 : f32 to vector<16xf32>
      %max3A_1012 = arith.maximumf %add3A_1009, %max3A_1011 : vector<16xf32>
      %get3A_1013 = arith.constant 2 : i32
      %get3A_1014 = arith.index_cast %get3A_1013 : i32 to index
      %get3A_1015 = arith.constant 32 : index
      %get3A_1016 = tpu.vector_load %arg11[%get3A_1014, %get3A_1015] {strides = array<i32>} : memref<50x128xf32, #tpu.memory_space<vmem>>, vector<16xf32>,
      %mul3A_1017 = arith.mulf %max3A_1012, %get3A_1016 : vector<16xf32>
      %add3A_1018 = arith.addf %add3A_950, %mul3A_1017 : vector<16xf32>
      %mul3A_1019 = arith.mulf %mul3A_813, %get3A_968 : vector<16xf32>
      %mul3A_1020 = arith.mulf %mul3A_817, %get3A_972 : vector<16xf32>
      %add3A_1021 = arith.addf %mul3A_1019, %mul3A_1020 : vector<16xf32>
      %mul3A_1022 = arith.mulf %mul3A_821, %get3A_976 : vector<16xf32>
      %add3A_1023 = arith.addf %add3A_1021, %mul3A_1022 : vector<16xf32>
      %max3A_1024 = arith.constant 0.000000e+00 : f32
      %max3A_1025 = vector.broadcast %max3A_1024 : f32 to vector<16xf32>
      %max3A_1026 = arith.maximumf %add3A_1023, %max3A_1025 : vector<16xf32>
      %get3A_1027 = arith.constant 2 : i32
      %get3A_1028 = arith.index_cast %get3A_1027 : i32 to index
      %get3A_1029 = arith.constant 48 : index
      %get3A_1030 = tpu.vector_load %arg11[%get3A_1028, %get3A_1029] {strides = array<i32>} : memref<50x128xf32, #tpu.memory_space<vmem>>, vector<16xf32>,
      %mul3A_1031 = arith.mulf %max3A_1026, %get3A_1030 : vector<16xf32>
      %add3A_1032 = arith.addf %add3A_964, %mul3A_1031 : vector<16xf32>
      %get3A_1033 = arith.constant 3 : i32
      %get3A_1034 = arith.index_cast %get3A_1033 : i32 to index
      %get3A_1035 = arith.constant 64 : index
      %get3A_1036 = tpu.vector_load %arg11[%get3A_1034, %get3A_1035] {strides = array<i32>} : memref<50x128xf32, #tpu.memory_space<vmem>>, vector<16xf32>,
      %get3A_1037 = arith.constant 3 : i32
      %get3A_1038 = arith.index_cast %get3A_1037 : i32 to index
      %get3A_1039 = arith.constant 80 : index
      %get3A_1040 = tpu.vector_load %arg11[%get3A_1038, %get3A_1039] {strides = array<i32>} : memref<50x128xf32, #tpu.memory_space<vmem>>, vector<16xf32>,
      %get3A_1041 = arith.constant 3 : i32
      %get3A_1042 = arith.index_cast %get3A_1041 : i32 to index
      %get3A_1043 = arith.constant 96 : index
      %get3A_1044 = tpu.vector_load %arg11[%get3A_1042, %get3A_1043] {strides = array<i32>} : memref<50x128xf32, #tpu.memory_space<vmem>>, vector<16xf32>,
      %mul3A_1045 = arith.mulf %mul3A_810, %get3A_1036 : vector<16xf32>
      %mul3A_1046 = arith.mulf %mul3A_814, %get3A_1040 : vector<16xf32>
      %add3A_1047 = arith.addf %mul3A_1045, %mul3A_1046 : vector<16xf32>
      %mul3A_1048 = arith.mulf %mul3A_818, %get3A_1044 : vector<16xf32>
      %add3A_1049 = arith.addf %add3A_1047, %mul3A_1048 : vector<16xf32>
      %max3A_1050 = arith.constant 0.000000e+00 : f32
      %max3A_1051 = vector.broadcast %max3A_1050 : f32 to vector<16xf32>
      %max3A_1052 = arith.maximumf %add3A_1049, %max3A_1051 : vector<16xf32>
      %get3A_1053 = arith.constant 3 : i32
      %get3A_1054 = arith.index_cast %get3A_1053 : i32 to index
      %get3A_1055 = arith.constant 0 : index
      %get3A_1056 = tpu.vector_load %arg11[%get3A_1054, %get3A_1055] {strides = array<i32>} : memref<50x128xf32, #tpu.memory_space<vmem>>, vector<16xf32>,
      %mul3A_1057 = arith.mulf %max3A_1052, %get3A_1056 : vector<16xf32>
      %add3A_1058 = arith.addf %add3A_990, %mul3A_1057 : vector<16xf32>
      %mul3A_1059 = arith.mulf %mul3A_811, %get3A_1036 : vector<16xf32>
      %mul3A_1060 = arith.mulf %mul3A_815, %get3A_1040 : vector<16xf32>
      %add3A_1061 = arith.addf %mul3A_1059, %mul3A_1060 : vector<16xf32>
      %mul3A_1062 = arith.mulf %mul3A_819, %get3A_1044 : vector<16xf32>
      %add3A_1063 = arith.addf %add3A_1061, %mul3A_1062 : vector<16xf32>
      %max3A_1064 = arith.constant 0.000000e+00 : f32
      %max3A_1065 = vector.broadcast %max3A_1064 : f32 to vector<16xf32>
      %max3A_1066 = arith.maximumf %add3A_1063, %max3A_1065 : vector<16xf32>
      %get3A_1067 = arith.constant 3 : i32
      %get3A_1068 = arith.index_cast %get3A_1067 : i32 to index
      %get3A_1069 = arith.constant 16 : index
      %get3A_1070 = tpu.vector_load %arg11[%get3A_1068, %get3A_1069] {strides = array<i32>} : memref<50x128xf32, #tpu.memory_space<vmem>>, vector<16xf32>,
      %mul3A_1071 = arith.mulf %max3A_1066, %get3A_1070 : vector<16xf32>
      %add3A_1072 = arith.addf %add3A_1004, %mul3A_1071 : vector<16xf32>
      %mul3A_1073 = arith.mulf %mul3A_812, %get3A_1036 : vector<16xf32>
      %mul3A_1074 = arith.mulf %mul3A_816, %get3A_1040 : vector<16xf32>
      %add3A_1075 = arith.addf %mul3A_1073, %mul3A_1074 : vector<16xf32>
      %mul3A_1076 = arith.mulf %mul3A_820, %get3A_1044 : vector<16xf32>
      %add3A_1077 = arith.addf %add3A_1075, %mul3A_1076 : vector<16xf32>
      %max3A_1078 = arith.constant 0.000000e+00 : f32
      %max3A_1079 = vector.broadcast %max3A_1078 : f32 to vector<16xf32>
      %max3A_1080 = arith.maximumf %add3A_1077, %max3A_1079 : vector<16xf32>
      %get3A_1081 = arith.constant 3 : i32
      %get3A_1082 = arith.index_cast %get3A_1081 : i32 to index
      %get3A_1083 = arith.constant 32 : index
      %get3A_1084 = tpu.vector_load %arg11[%get3A_1082, %get3A_1083] {strides = array<i32>} : memref<50x128xf32, #tpu.memory_space<vmem>>, vector<16xf32>,
      %mul3A_1085 = arith.mulf %max3A_1080, %get3A_1084 : vector<16xf32>
      %add3A_1086 = arith.addf %add3A_1018, %mul3A_1085 : vector<16xf32>
      %mul3A_1087 = arith.mulf %mul3A_813, %get3A_1036 : vector<16xf32>
      %mul3A_1088 = arith.mulf %mul3A_817, %get3A_1040 : vector<16xf32>
      %add3A_1089 = arith.addf %mul3A_1087, %mul3A_1088 : vector<16xf32>
      %mul3A_1090 = arith.mulf %mul3A_821, %get3A_1044 : vector<16xf32>
      %add3A_1091 = arith.addf %add3A_1089, %mul3A_1090 : vector<16xf32>
      %max3A_1092 = arith.constant 0.000000e+00 : f32
      %max3A_1093 = vector.broadcast %max3A_1092 : f32 to vector<16xf32>
      %max3A_1094 = arith.maximumf %add3A_1091, %max3A_1093 : vector<16xf32>
      %get3A_1095 = arith.constant 3 : i32
      %get3A_1096 = arith.index_cast %get3A_1095 : i32 to index
      %get3A_1097 = arith.constant 48 : index
      %get3A_1098 = tpu.vector_load %arg11[%get3A_1096, %get3A_1097] {strides = array<i32>} : memref<50x128xf32, #tpu.memory_space<vmem>>, vector<16xf32>,
      %mul3A_1099 = arith.mulf %max3A_1094, %get3A_1098 : vector<16xf32>
      %add3A_1100 = arith.addf %add3A_1032, %mul3A_1099 : vector<16xf32>
      %get3A_1101 = arith.constant 4 : i32
      %get3A_1102 = arith.index_cast %get3A_1101 : i32 to index
      %get3A_1103 = arith.constant 64 : index
      %get3A_1104 = tpu.vector_load %arg11[%get3A_1102, %get3A_1103] {strides = array<i32>} : memref<50x128xf32, #tpu.memory_space<vmem>>, vector<16xf32>,
      %get3A_1105 = arith.constant 4 : i32
      %get3A_1106 = arith.index_cast %get3A_1105 : i32 to index
      %get3A_1107 = arith.constant 80 : index
      %get3A_1108 = tpu.vector_load %arg11[%get3A_1106, %get3A_1107] {strides = array<i32>} : memref<50x128xf32, #tpu.memory_space<vmem>>, vector<16xf32>,
      %get3A_1109 = arith.constant 4 : i32
      %get3A_1110 = arith.index_cast %get3A_1109 : i32 to index
      %get3A_1111 = arith.constant 96 : index
      %get3A_1112 = tpu.vector_load %arg11[%get3A_1110, %get3A_1111] {strides = array<i32>} : memref<50x128xf32, #tpu.memory_space<vmem>>, vector<16xf32>,
      %mul3A_1113 = arith.mulf %mul3A_810, %get3A_1104 : vector<16xf32>
      %mul3A_1114 = arith.mulf %mul3A_814, %get3A_1108 : vector<16xf32>
      %add3A_1115 = arith.addf %mul3A_1113, %mul3A_1114 : vector<16xf32>
      %mul3A_1116 = arith.mulf %mul3A_818, %get3A_1112 : vector<16xf32>
      %add3A_1117 = arith.addf %add3A_1115, %mul3A_1116 : vector<16xf32>
      %max3A_1118 = arith.constant 0.000000e+00 : f32
      %max3A_1119 = vector.broadcast %max3A_1118 : f32 to vector<16xf32>
      %max3A_1120 = arith.maximumf %add3A_1117, %max3A_1119 : vector<16xf32>
      %get3A_1121 = arith.constant 4 : i32
      %get3A_1122 = arith.index_cast %get3A_1121 : i32 to index
      %get3A_1123 = arith.constant 0 : index
      %get3A_1124 = tpu.vector_load %arg11[%get3A_1122, %get3A_1123] {strides = array<i32>} : memref<50x128xf32, #tpu.memory_space<vmem>>, vector<16xf32>,
      %mul3A_1125 = arith.mulf %max3A_1120, %get3A_1124 : vector<16xf32>
      %add3A_1126 = arith.addf %add3A_1058, %mul3A_1125 : vector<16xf32>
      %mul3A_1127 = arith.mulf %mul3A_811, %get3A_1104 : vector<16xf32>
      %mul3A_1128 = arith.mulf %mul3A_815, %get3A_1108 : vector<16xf32>
      %add3A_1129 = arith.addf %mul3A_1127, %mul3A_1128 : vector<16xf32>
      %mul3A_1130 = arith.mulf %mul3A_819, %get3A_1112 : vector<16xf32>
      %add3A_1131 = arith.addf %add3A_1129, %mul3A_1130 : vector<16xf32>
      %max3A_1132 = arith.constant 0.000000e+00 : f32
      %max3A_1133 = vector.broadcast %max3A_1132 : f32 to vector<16xf32>
      %max3A_1134 = arith.maximumf %add3A_1131, %max3A_1133 : vector<16xf32>
      %get3A_1135 = arith.constant 4 : i32
      %get3A_1136 = arith.index_cast %get3A_1135 : i32 to index
      %get3A_1137 = arith.constant 16 : index
      %get3A_1138 = tpu.vector_load %arg11[%get3A_1136, %get3A_1137] {strides = array<i32>} : memref<50x128xf32, #tpu.memory_space<vmem>>, vector<16xf32>,
      %mul3A_1139 = arith.mulf %max3A_1134, %get3A_1138 : vector<16xf32>
      %add3A_1140 = arith.addf %add3A_1072, %mul3A_1139 : vector<16xf32>
      %mul3A_1141 = arith.mulf %mul3A_812, %get3A_1104 : vector<16xf32>
      %mul3A_1142 = arith.mulf %mul3A_816, %get3A_1108 : vector<16xf32>
      %add3A_1143 = arith.addf %mul3A_1141, %mul3A_1142 : vector<16xf32>
      %mul3A_1144 = arith.mulf %mul3A_820, %get3A_1112 : vector<16xf32>
      %add3A_1145 = arith.addf %add3A_1143, %mul3A_1144 : vector<16xf32>
      %max3A_1146 = arith.constant 0.000000e+00 : f32
      %max3A_1147 = vector.broadcast %max3A_1146 : f32 to vector<16xf32>
      %max3A_1148 = arith.maximumf %add3A_1145, %max3A_1147 : vector<16xf32>
      %get3A_1149 = arith.constant 4 : i32
      %get3A_1150 = arith.index_cast %get3A_1149 : i32 to index
      %get3A_1151 = arith.constant 32 : index
      %get3A_1152 = tpu.vector_load %arg11[%get3A_1150, %get3A_1151] {strides = array<i32>} : memref<50x128xf32, #tpu.memory_space<vmem>>, vector<16xf32>,
      %mul3A_1153 = arith.mulf %max3A_1148, %get3A_1152 : vector<16xf32>
      %add3A_1154 = arith.addf %add3A_1086, %mul3A_1153 : vector<16xf32>
      %mul3A_1155 = arith.mulf %mul3A_813, %get3A_1104 : vector<16xf32>
      %mul3A_1156 = arith.mulf %mul3A_817, %get3A_1108 : vector<16xf32>
      %add3A_1157 = arith.addf %mul3A_1155, %mul3A_1156 : vector<16xf32>
      %mul3A_1158 = arith.mulf %mul3A_821, %get3A_1112 : vector<16xf32>
      %add3A_1159 = arith.addf %add3A_1157, %mul3A_1158 : vector<16xf32>
      %max3A_1160 = arith.constant 0.000000e+00 : f32
      %max3A_1161 = vector.broadcast %max3A_1160 : f32 to vector<16xf32>
      %max3A_1162 = arith.maximumf %add3A_1159, %max3A_1161 : vector<16xf32>
      %get3A_1163 = arith.constant 4 : i32
      %get3A_1164 = arith.index_cast %get3A_1163 : i32 to index
      %get3A_1165 = arith.constant 48 : index
      %get3A_1166 = tpu.vector_load %arg11[%get3A_1164, %get3A_1165] {strides = array<i32>} : memref<50x128xf32, #tpu.memory_space<vmem>>, vector<16xf32>,
      %mul3A_1167 = arith.mulf %max3A_1162, %get3A_1166 : vector<16xf32>
      %add3A_1168 = arith.addf %add3A_1100, %mul3A_1167 : vector<16xf32>
      %get3A_1169 = arith.constant 5 : i32
      %get3A_1170 = arith.index_cast %get3A_1169 : i32 to index
      %get3A_1171 = arith.constant 64 : index
      %get3A_1172 = tpu.vector_load %arg11[%get3A_1170, %get3A_1171] {strides = array<i32>} : memref<50x128xf32, #tpu.memory_space<vmem>>, vector<16xf32>,
      %get3A_1173 = arith.constant 5 : i32
      %get3A_1174 = arith.index_cast %get3A_1173 : i32 to index
      %get3A_1175 = arith.constant 80 : index
      %get3A_1176 = tpu.vector_load %arg11[%get3A_1174, %get3A_1175] {strides = array<i32>} : memref<50x128xf32, #tpu.memory_space<vmem>>, vector<16xf32>,
      %get3A_1177 = arith.constant 5 : i32
      %get3A_1178 = arith.index_cast %get3A_1177 : i32 to index
      %get3A_1179 = arith.constant 96 : index
      %get3A_1180 = tpu.vector_load %arg11[%get3A_1178, %get3A_1179] {strides = array<i32>} : memref<50x128xf32, #tpu.memory_space<vmem>>, vector<16xf32>,
      %mul3A_1181 = arith.mulf %mul3A_810, %get3A_1172 : vector<16xf32>
      %mul3A_1182 = arith.mulf %mul3A_814, %get3A_1176 : vector<16xf32>
      %add3A_1183 = arith.addf %mul3A_1181, %mul3A_1182 : vector<16xf32>
      %mul3A_1184 = arith.mulf %mul3A_818, %get3A_1180 : vector<16xf32>
      %add3A_1185 = arith.addf %add3A_1183, %mul3A_1184 : vector<16xf32>
      %max3A_1186 = arith.constant 0.000000e+00 : f32
      %max3A_1187 = vector.broadcast %max3A_1186 : f32 to vector<16xf32>
      %max3A_1188 = arith.maximumf %add3A_1185, %max3A_1187 : vector<16xf32>
      %get3A_1189 = arith.constant 5 : i32
      %get3A_1190 = arith.index_cast %get3A_1189 : i32 to index
      %get3A_1191 = arith.constant 0 : index
      %get3A_1192 = tpu.vector_load %arg11[%get3A_1190, %get3A_1191] {strides = array<i32>} : memref<50x128xf32, #tpu.memory_space<vmem>>, vector<16xf32>,
      %mul3A_1193 = arith.mulf %max3A_1188, %get3A_1192 : vector<16xf32>
      %add3A_1194 = arith.addf %add3A_1126, %mul3A_1193 : vector<16xf32>
      %mul3A_1195 = arith.mulf %mul3A_811, %get3A_1172 : vector<16xf32>
      %mul3A_1196 = arith.mulf %mul3A_815, %get3A_1176 : vector<16xf32>
      %add3A_1197 = arith.addf %mul3A_1195, %mul3A_1196 : vector<16xf32>
      %mul3A_1198 = arith.mulf %mul3A_819, %get3A_1180 : vector<16xf32>
      %add3A_1199 = arith.addf %add3A_1197, %mul3A_1198 : vector<16xf32>
      %max3A_1200 = arith.constant 0.000000e+00 : f32
      %max3A_1201 = vector.broadcast %max3A_1200 : f32 to vector<16xf32>
      %max3A_1202 = arith.maximumf %add3A_1199, %max3A_1201 : vector<16xf32>
      %get3A_1203 = arith.constant 5 : i32
      %get3A_1204 = arith.index_cast %get3A_1203 : i32 to index
      %get3A_1205 = arith.constant 16 : index
      %get3A_1206 = tpu.vector_load %arg11[%get3A_1204, %get3A_1205] {strides = array<i32>} : memref<50x128xf32, #tpu.memory_space<vmem>>, vector<16xf32>,
      %mul3A_1207 = arith.mulf %max3A_1202, %get3A_1206 : vector<16xf32>
      %add3A_1208 = arith.addf %add3A_1140, %mul3A_1207 : vector<16xf32>
      %mul3A_1209 = arith.mulf %mul3A_812, %get3A_1172 : vector<16xf32>
      %mul3A_1210 = arith.mulf %mul3A_816, %get3A_1176 : vector<16xf32>
      %add3A_1211 = arith.addf %mul3A_1209, %mul3A_1210 : vector<16xf32>
      %mul3A_1212 = arith.mulf %mul3A_820, %get3A_1180 : vector<16xf32>
      %add3A_1213 = arith.addf %add3A_1211, %mul3A_1212 : vector<16xf32>
      %max3A_1214 = arith.constant 0.000000e+00 : f32
      %max3A_1215 = vector.broadcast %max3A_1214 : f32 to vector<16xf32>
      %max3A_1216 = arith.maximumf %add3A_1213, %max3A_1215 : vector<16xf32>
      %get3A_1217 = arith.constant 5 : i32
      %get3A_1218 = arith.index_cast %get3A_1217 : i32 to index
      %get3A_1219 = arith.constant 32 : index
      %get3A_1220 = tpu.vector_load %arg11[%get3A_1218, %get3A_1219] {strides = array<i32>} : memref<50x128xf32, #tpu.memory_space<vmem>>, vector<16xf32>,
      %mul3A_1221 = arith.mulf %max3A_1216, %get3A_1220 : vector<16xf32>
      %add3A_1222 = arith.addf %add3A_1154, %mul3A_1221 : vector<16xf32>
      %mul3A_1223 = arith.mulf %mul3A_813, %get3A_1172 : vector<16xf32>
      %mul3A_1224 = arith.mulf %mul3A_817, %get3A_1176 : vector<16xf32>
      %add3A_1225 = arith.addf %mul3A_1223, %mul3A_1224 : vector<16xf32>
      %mul3A_1226 = arith.mulf %mul3A_821, %get3A_1180 : vector<16xf32>
      %add3A_1227 = arith.addf %add3A_1225, %mul3A_1226 : vector<16xf32>
      %max3A_1228 = arith.constant 0.000000e+00 : f32
      %max3A_1229 = vector.broadcast %max3A_1228 : f32 to vector<16xf32>
      %max3A_1230 = arith.maximumf %add3A_1227, %max3A_1229 : vector<16xf32>
      %get3A_1231 = arith.constant 5 : i32
      %get3A_1232 = arith.index_cast %get3A_1231 : i32 to index
      %get3A_1233 = arith.constant 48 : index
      %get3A_1234 = tpu.vector_load %arg11[%get3A_1232, %get3A_1233] {strides = array<i32>} : memref<50x128xf32, #tpu.memory_space<vmem>>, vector<16xf32>,
      %mul3A_1235 = arith.mulf %max3A_1230, %get3A_1234 : vector<16xf32>
      %add3A_1236 = arith.addf %add3A_1168, %mul3A_1235 : vector<16xf32>
      %get3A_1237 = arith.constant 6 : i32
      %get3A_1238 = arith.index_cast %get3A_1237 : i32 to index
      %get3A_1239 = arith.constant 64 : index
      %get3A_1240 = tpu.vector_load %arg11[%get3A_1238, %get3A_1239] {strides = array<i32>} : memref<50x128xf32, #tpu.memory_space<vmem>>, vector<16xf32>,
      %get3A_1241 = arith.constant 6 : i32
      %get3A_1242 = arith.index_cast %get3A_1241 : i32 to index
      %get3A_1243 = arith.constant 80 : index
      %get3A_1244 = tpu.vector_load %arg11[%get3A_1242, %get3A_1243] {strides = array<i32>} : memref<50x128xf32, #tpu.memory_space<vmem>>, vector<16xf32>,
      %get3A_1245 = arith.constant 6 : i32
      %get3A_1246 = arith.index_cast %get3A_1245 : i32 to index
      %get3A_1247 = arith.constant 96 : index
      %get3A_1248 = tpu.vector_load %arg11[%get3A_1246, %get3A_1247] {strides = array<i32>} : memref<50x128xf32, #tpu.memory_space<vmem>>, vector<16xf32>,
      %mul3A_1249 = arith.mulf %mul3A_810, %get3A_1240 : vector<16xf32>
      %mul3A_1250 = arith.mulf %mul3A_814, %get3A_1244 : vector<16xf32>
      %add3A_1251 = arith.addf %mul3A_1249, %mul3A_1250 : vector<16xf32>
      %mul3A_1252 = arith.mulf %mul3A_818, %get3A_1248 : vector<16xf32>
      %add3A_1253 = arith.addf %add3A_1251, %mul3A_1252 : vector<16xf32>
      %max3A_1254 = arith.constant 0.000000e+00 : f32
      %max3A_1255 = vector.broadcast %max3A_1254 : f32 to vector<16xf32>
      %max3A_1256 = arith.maximumf %add3A_1253, %max3A_1255 : vector<16xf32>
      %get3A_1257 = arith.constant 6 : i32
      %get3A_1258 = arith.index_cast %get3A_1257 : i32 to index
      %get3A_1259 = arith.constant 0 : index
      %get3A_1260 = tpu.vector_load %arg11[%get3A_1258, %get3A_1259] {strides = array<i32>} : memref<50x128xf32, #tpu.memory_space<vmem>>, vector<16xf32>,
      %mul3A_1261 = arith.mulf %max3A_1256, %get3A_1260 : vector<16xf32>
      %add3A_1262 = arith.addf %add3A_1194, %mul3A_1261 : vector<16xf32>
      %mul3A_1263 = arith.mulf %mul3A_811, %get3A_1240 : vector<16xf32>
      %mul3A_1264 = arith.mulf %mul3A_815, %get3A_1244 : vector<16xf32>
      %add3A_1265 = arith.addf %mul3A_1263, %mul3A_1264 : vector<16xf32>
      %mul3A_1266 = arith.mulf %mul3A_819, %get3A_1248 : vector<16xf32>
      %add3A_1267 = arith.addf %add3A_1265, %mul3A_1266 : vector<16xf32>
      %max3A_1268 = arith.constant 0.000000e+00 : f32
      %max3A_1269 = vector.broadcast %max3A_1268 : f32 to vector<16xf32>
      %max3A_1270 = arith.maximumf %add3A_1267, %max3A_1269 : vector<16xf32>
      %get3A_1271 = arith.constant 6 : i32
      %get3A_1272 = arith.index_cast %get3A_1271 : i32 to index
      %get3A_1273 = arith.constant 16 : index
      %get3A_1274 = tpu.vector_load %arg11[%get3A_1272, %get3A_1273] {strides = array<i32>} : memref<50x128xf32, #tpu.memory_space<vmem>>, vector<16xf32>,
      %mul3A_1275 = arith.mulf %max3A_1270, %get3A_1274 : vector<16xf32>
      %add3A_1276 = arith.addf %add3A_1208, %mul3A_1275 : vector<16xf32>
      %mul3A_1277 = arith.mulf %mul3A_812, %get3A_1240 : vector<16xf32>
      %mul3A_1278 = arith.mulf %mul3A_816, %get3A_1244 : vector<16xf32>
      %add3A_1279 = arith.addf %mul3A_1277, %mul3A_1278 : vector<16xf32>
      %mul3A_1280 = arith.mulf %mul3A_820, %get3A_1248 : vector<16xf32>
      %add3A_1281 = arith.addf %add3A_1279, %mul3A_1280 : vector<16xf32>
      %max3A_1282 = arith.constant 0.000000e+00 : f32
      %max3A_1283 = vector.broadcast %max3A_1282 : f32 to vector<16xf32>
      %max3A_1284 = arith.maximumf %add3A_1281, %max3A_1283 : vector<16xf32>
      %get3A_1285 = arith.constant 6 : i32
      %get3A_1286 = arith.index_cast %get3A_1285 : i32 to index
      %get3A_1287 = arith.constant 32 : index
      %get3A_1288 = tpu.vector_load %arg11[%get3A_1286, %get3A_1287] {strides = array<i32>} : memref<50x128xf32, #tpu.memory_space<vmem>>, vector<16xf32>,
      %mul3A_1289 = arith.mulf %max3A_1284, %get3A_1288 : vector<16xf32>
      %add3A_1290 = arith.addf %add3A_1222, %mul3A_1289 : vector<16xf32>
      %mul3A_1291 = arith.mulf %mul3A_813, %get3A_1240 : vector<16xf32>
      %mul3A_1292 = arith.mulf %mul3A_817, %get3A_1244 : vector<16xf32>
      %add3A_1293 = arith.addf %mul3A_1291, %mul3A_1292 : vector<16xf32>
      %mul3A_1294 = arith.mulf %mul3A_821, %get3A_1248 : vector<16xf32>
      %add3A_1295 = arith.addf %add3A_1293, %mul3A_1294 : vector<16xf32>
      %max3A_1296 = arith.constant 0.000000e+00 : f32
      %max3A_1297 = vector.broadcast %max3A_1296 : f32 to vector<16xf32>
      %max3A_1298 = arith.maximumf %add3A_1295, %max3A_1297 : vector<16xf32>
      %get3A_1299 = arith.constant 6 : i32
      %get3A_1300 = arith.index_cast %get3A_1299 : i32 to index
      %get3A_1301 = arith.constant 48 : index
      %get3A_1302 = tpu.vector_load %arg11[%get3A_1300, %get3A_1301] {strides = array<i32>} : memref<50x128xf32, #tpu.memory_space<vmem>>, vector<16xf32>,
      %mul3A_1303 = arith.mulf %max3A_1298, %get3A_1302 : vector<16xf32>
      %add3A_1304 = arith.addf %add3A_1236, %mul3A_1303 : vector<16xf32>
      %get3A_1305 = arith.constant 7 : i32
      %get3A_1306 = arith.index_cast %get3A_1305 : i32 to index
      %get3A_1307 = arith.constant 64 : index
      %get3A_1308 = tpu.vector_load %arg11[%get3A_1306, %get3A_1307] {strides = array<i32>} : memref<50x128xf32, #tpu.memory_space<vmem>>, vector<16xf32>,
      %get3A_1309 = arith.constant 7 : i32
      %get3A_1310 = arith.index_cast %get3A_1309 : i32 to index
      %get3A_1311 = arith.constant 80 : index
      %get3A_1312 = tpu.vector_load %arg11[%get3A_1310, %get3A_1311] {strides = array<i32>} : memref<50x128xf32, #tpu.memory_space<vmem>>, vector<16xf32>,
      %get3A_1313 = arith.constant 7 : i32
      %get3A_1314 = arith.index_cast %get3A_1313 : i32 to index
      %get3A_1315 = arith.constant 96 : index
      %get3A_1316 = tpu.vector_load %arg11[%get3A_1314, %get3A_1315] {strides = array<i32>} : memref<50x128xf32, #tpu.memory_space<vmem>>, vector<16xf32>,
      %mul3A_1317 = arith.mulf %mul3A_810, %get3A_1308 : vector<16xf32>
      %mul3A_1318 = arith.mulf %mul3A_814, %get3A_1312 : vector<16xf32>
      %add3A_1319 = arith.addf %mul3A_1317, %mul3A_1318 : vector<16xf32>
      %mul3A_1320 = arith.mulf %mul3A_818, %get3A_1316 : vector<16xf32>
      %add3A_1321 = arith.addf %add3A_1319, %mul3A_1320 : vector<16xf32>
      %max3A_1322 = arith.constant 0.000000e+00 : f32
      %max3A_1323 = vector.broadcast %max3A_1322 : f32 to vector<16xf32>
      %max3A_1324 = arith.maximumf %add3A_1321, %max3A_1323 : vector<16xf32>
      %get3A_1325 = arith.constant 7 : i32
      %get3A_1326 = arith.index_cast %get3A_1325 : i32 to index
      %get3A_1327 = arith.constant 0 : index
      %get3A_1328 = tpu.vector_load %arg11[%get3A_1326, %get3A_1327] {strides = array<i32>} : memref<50x128xf32, #tpu.memory_space<vmem>>, vector<16xf32>,
      %mul3A_1329 = arith.mulf %max3A_1324, %get3A_1328 : vector<16xf32>
      %add3A_1330 = arith.addf %add3A_1262, %mul3A_1329 : vector<16xf32>
      %mul3A_1331 = arith.mulf %mul3A_811, %get3A_1308 : vector<16xf32>
      %mul3A_1332 = arith.mulf %mul3A_815, %get3A_1312 : vector<16xf32>
      %add3A_1333 = arith.addf %mul3A_1331, %mul3A_1332 : vector<16xf32>
      %mul3A_1334 = arith.mulf %mul3A_819, %get3A_1316 : vector<16xf32>
      %add3A_1335 = arith.addf %add3A_1333, %mul3A_1334 : vector<16xf32>
      %max3A_1336 = arith.constant 0.000000e+00 : f32
      %max3A_1337 = vector.broadcast %max3A_1336 : f32 to vector<16xf32>
      %max3A_1338 = arith.maximumf %add3A_1335, %max3A_1337 : vector<16xf32>
      %get3A_1339 = arith.constant 7 : i32
      %get3A_1340 = arith.index_cast %get3A_1339 : i32 to index
      %get3A_1341 = arith.constant 16 : index
      %get3A_1342 = tpu.vector_load %arg11[%get3A_1340, %get3A_1341] {strides = array<i32>} : memref<50x128xf32, #tpu.memory_space<vmem>>, vector<16xf32>,
      %mul3A_1343 = arith.mulf %max3A_1338, %get3A_1342 : vector<16xf32>
      %add3A_1344 = arith.addf %add3A_1276, %mul3A_1343 : vector<16xf32>
      %mul3A_1345 = arith.mulf %mul3A_812, %get3A_1308 : vector<16xf32>
      %mul3A_1346 = arith.mulf %mul3A_816, %get3A_1312 : vector<16xf32>
      %add3A_1347 = arith.addf %mul3A_1345, %mul3A_1346 : vector<16xf32>
      %mul3A_1348 = arith.mulf %mul3A_820, %get3A_1316 : vector<16xf32>
      %add3A_1349 = arith.addf %add3A_1347, %mul3A_1348 : vector<16xf32>
      %max3A_1350 = arith.constant 0.000000e+00 : f32
      %max3A_1351 = vector.broadcast %max3A_1350 : f32 to vector<16xf32>
      %max3A_1352 = arith.maximumf %add3A_1349, %max3A_1351 : vector<16xf32>
      %get3A_1353 = arith.constant 7 : i32
      %get3A_1354 = arith.index_cast %get3A_1353 : i32 to index
      %get3A_1355 = arith.constant 32 : index
      %get3A_1356 = tpu.vector_load %arg11[%get3A_1354, %get3A_1355] {strides = array<i32>} : memref<50x128xf32, #tpu.memory_space<vmem>>, vector<16xf32>,
      %mul3A_1357 = arith.mulf %max3A_1352, %get3A_1356 : vector<16xf32>
      %add3A_1358 = arith.addf %add3A_1290, %mul3A_1357 : vector<16xf32>
      %mul3A_1359 = arith.mulf %mul3A_813, %get3A_1308 : vector<16xf32>
      %mul3A_1360 = arith.mulf %mul3A_817, %get3A_1312 : vector<16xf32>
      %add3A_1361 = arith.addf %mul3A_1359, %mul3A_1360 : vector<16xf32>
      %mul3A_1362 = arith.mulf %mul3A_821, %get3A_1316 : vector<16xf32>
      %add3A_1363 = arith.addf %add3A_1361, %mul3A_1362 : vector<16xf32>
      %max3A_1364 = arith.constant 0.000000e+00 : f32
      %max3A_1365 = vector.broadcast %max3A_1364 : f32 to vector<16xf32>
      %max3A_1366 = arith.maximumf %add3A_1363, %max3A_1365 : vector<16xf32>
      %get3A_1367 = arith.constant 7 : i32
      %get3A_1368 = arith.index_cast %get3A_1367 : i32 to index
      %get3A_1369 = arith.constant 48 : index
      %get3A_1370 = tpu.vector_load %arg11[%get3A_1368, %get3A_1369] {strides = array<i32>} : memref<50x128xf32, #tpu.memory_space<vmem>>, vector<16xf32>,
      %mul3A_1371 = arith.mulf %max3A_1366, %get3A_1370 : vector<16xf32>
      %add3A_1372 = arith.addf %add3A_1304, %mul3A_1371 : vector<16xf32>
      %get3A_1373 = arith.constant 8 : i32
      %get3A_1374 = arith.index_cast %get3A_1373 : i32 to index
      %get3A_1375 = arith.constant 64 : index
      %get3A_1376 = tpu.vector_load %arg11[%get3A_1374, %get3A_1375] {strides = array<i32>} : memref<50x128xf32, #tpu.memory_space<vmem>>, vector<16xf32>,
      %get3A_1377 = arith.constant 8 : i32
      %get3A_1378 = arith.index_cast %get3A_1377 : i32 to index
      %get3A_1379 = arith.constant 80 : index
      %get3A_1380 = tpu.vector_load %arg11[%get3A_1378, %get3A_1379] {strides = array<i32>} : memref<50x128xf32, #tpu.memory_space<vmem>>, vector<16xf32>,
      %get3A_1381 = arith.constant 8 : i32
      %get3A_1382 = arith.index_cast %get3A_1381 : i32 to index
      %get3A_1383 = arith.constant 96 : index
      %get3A_1384 = tpu.vector_load %arg11[%get3A_1382, %get3A_1383] {strides = array<i32>} : memref<50x128xf32, #tpu.memory_space<vmem>>, vector<16xf32>,
      %mul3A_1385 = arith.mulf %mul3A_810, %get3A_1376 : vector<16xf32>
      %mul3A_1386 = arith.mulf %mul3A_814, %get3A_1380 : vector<16xf32>
      %add3A_1387 = arith.addf %mul3A_1385, %mul3A_1386 : vector<16xf32>
      %mul3A_1388 = arith.mulf %mul3A_818, %get3A_1384 : vector<16xf32>
      %add3A_1389 = arith.addf %add3A_1387, %mul3A_1388 : vector<16xf32>
      %max3A_1390 = arith.constant 0.000000e+00 : f32
      %max3A_1391 = vector.broadcast %max3A_1390 : f32 to vector<16xf32>
      %max3A_1392 = arith.maximumf %add3A_1389, %max3A_1391 : vector<16xf32>
      %get3A_1393 = arith.constant 8 : i32
      %get3A_1394 = arith.index_cast %get3A_1393 : i32 to index
      %get3A_1395 = arith.constant 0 : index
      %get3A_1396 = tpu.vector_load %arg11[%get3A_1394, %get3A_1395] {strides = array<i32>} : memref<50x128xf32, #tpu.memory_space<vmem>>, vector<16xf32>,
      %mul3A_1397 = arith.mulf %max3A_1392, %get3A_1396 : vector<16xf32>
      %add3A_1398 = arith.addf %add3A_1330, %mul3A_1397 : vector<16xf32>
      %mul3A_1399 = arith.mulf %mul3A_811, %get3A_1376 : vector<16xf32>
      %mul3A_1400 = arith.mulf %mul3A_815, %get3A_1380 : vector<16xf32>
      %add3A_1401 = arith.addf %mul3A_1399, %mul3A_1400 : vector<16xf32>
      %mul3A_1402 = arith.mulf %mul3A_819, %get3A_1384 : vector<16xf32>
      %add3A_1403 = arith.addf %add3A_1401, %mul3A_1402 : vector<16xf32>
      %max3A_1404 = arith.constant 0.000000e+00 : f32
      %max3A_1405 = vector.broadcast %max3A_1404 : f32 to vector<16xf32>
      %max3A_1406 = arith.maximumf %add3A_1403, %max3A_1405 : vector<16xf32>
      %get3A_1407 = arith.constant 8 : i32
      %get3A_1408 = arith.index_cast %get3A_1407 : i32 to index
      %get3A_1409 = arith.constant 16 : index
      %get3A_1410 = tpu.vector_load %arg11[%get3A_1408, %get3A_1409] {strides = array<i32>} : memref<50x128xf32, #tpu.memory_space<vmem>>, vector<16xf32>,
      %mul3A_1411 = arith.mulf %max3A_1406, %get3A_1410 : vector<16xf32>
      %add3A_1412 = arith.addf %add3A_1344, %mul3A_1411 : vector<16xf32>
      %mul3A_1413 = arith.mulf %mul3A_812, %get3A_1376 : vector<16xf32>
      %mul3A_1414 = arith.mulf %mul3A_816, %get3A_1380 : vector<16xf32>
      %add3A_1415 = arith.addf %mul3A_1413, %mul3A_1414 : vector<16xf32>
      %mul3A_1416 = arith.mulf %mul3A_820, %get3A_1384 : vector<16xf32>
      %add3A_1417 = arith.addf %add3A_1415, %mul3A_1416 : vector<16xf32>
      %max3A_1418 = arith.constant 0.000000e+00 : f32
      %max3A_1419 = vector.broadcast %max3A_1418 : f32 to vector<16xf32>
      %max3A_1420 = arith.maximumf %add3A_1417, %max3A_1419 : vector<16xf32>
      %get3A_1421 = arith.constant 8 : i32
      %get3A_1422 = arith.index_cast %get3A_1421 : i32 to index
      %get3A_1423 = arith.constant 32 : index
      %get3A_1424 = tpu.vector_load %arg11[%get3A_1422, %get3A_1423] {strides = array<i32>} : memref<50x128xf32, #tpu.memory_space<vmem>>, vector<16xf32>,
      %mul3A_1425 = arith.mulf %max3A_1420, %get3A_1424 : vector<16xf32>
      %add3A_1426 = arith.addf %add3A_1358, %mul3A_1425 : vector<16xf32>
      %mul3A_1427 = arith.mulf %mul3A_813, %get3A_1376 : vector<16xf32>
      %mul3A_1428 = arith.mulf %mul3A_817, %get3A_1380 : vector<16xf32>
      %add3A_1429 = arith.addf %mul3A_1427, %mul3A_1428 : vector<16xf32>
      %mul3A_1430 = arith.mulf %mul3A_821, %get3A_1384 : vector<16xf32>
      %add3A_1431 = arith.addf %add3A_1429, %mul3A_1430 : vector<16xf32>
      %max3A_1432 = arith.constant 0.000000e+00 : f32
      %max3A_1433 = vector.broadcast %max3A_1432 : f32 to vector<16xf32>
      %max3A_1434 = arith.maximumf %add3A_1431, %max3A_1433 : vector<16xf32>
      %get3A_1435 = arith.constant 8 : i32
      %get3A_1436 = arith.index_cast %get3A_1435 : i32 to index
      %get3A_1437 = arith.constant 48 : index
      %get3A_1438 = tpu.vector_load %arg11[%get3A_1436, %get3A_1437] {strides = array<i32>} : memref<50x128xf32, #tpu.memory_space<vmem>>, vector<16xf32>,
      %mul3A_1439 = arith.mulf %max3A_1434, %get3A_1438 : vector<16xf32>
      %add3A_1440 = arith.addf %add3A_1372, %mul3A_1439 : vector<16xf32>
      %get3A_1441 = arith.constant 9 : i32
      %get3A_1442 = arith.index_cast %get3A_1441 : i32 to index
      %get3A_1443 = arith.constant 64 : index
      %get3A_1444 = tpu.vector_load %arg11[%get3A_1442, %get3A_1443] {strides = array<i32>} : memref<50x128xf32, #tpu.memory_space<vmem>>, vector<16xf32>,
      %get3A_1445 = arith.constant 9 : i32
      %get3A_1446 = arith.index_cast %get3A_1445 : i32 to index
      %get3A_1447 = arith.constant 80 : index
      %get3A_1448 = tpu.vector_load %arg11[%get3A_1446, %get3A_1447] {strides = array<i32>} : memref<50x128xf32, #tpu.memory_space<vmem>>, vector<16xf32>,
      %get3A_1449 = arith.constant 9 : i32
      %get3A_1450 = arith.index_cast %get3A_1449 : i32 to index
      %get3A_1451 = arith.constant 96 : index
      %get3A_1452 = tpu.vector_load %arg11[%get3A_1450, %get3A_1451] {strides = array<i32>} : memref<50x128xf32, #tpu.memory_space<vmem>>, vector<16xf32>,
      %mul3A_1453 = arith.mulf %mul3A_810, %get3A_1444 : vector<16xf32>
      %mul3A_1454 = arith.mulf %mul3A_814, %get3A_1448 : vector<16xf32>
      %add3A_1455 = arith.addf %mul3A_1453, %mul3A_1454 : vector<16xf32>
      %mul3A_1456 = arith.mulf %mul3A_818, %get3A_1452 : vector<16xf32>
      %add3A_1457 = arith.addf %add3A_1455, %mul3A_1456 : vector<16xf32>
      %max3A_1458 = arith.constant 0.000000e+00 : f32
      %max3A_1459 = vector.broadcast %max3A_1458 : f32 to vector<16xf32>
      %max3A_1460 = arith.maximumf %add3A_1457, %max3A_1459 : vector<16xf32>
      %get3A_1461 = arith.constant 9 : i32
      %get3A_1462 = arith.index_cast %get3A_1461 : i32 to index
      %get3A_1463 = arith.constant 0 : index
      %get3A_1464 = tpu.vector_load %arg11[%get3A_1462, %get3A_1463] {strides = array<i32>} : memref<50x128xf32, #tpu.memory_space<vmem>>, vector<16xf32>,
      %mul3A_1465 = arith.mulf %max3A_1460, %get3A_1464 : vector<16xf32>
      %add3A_1466 = arith.addf %add3A_1398, %mul3A_1465 : vector<16xf32>
      %mul3A_1467 = arith.mulf %mul3A_811, %get3A_1444 : vector<16xf32>
      %mul3A_1468 = arith.mulf %mul3A_815, %get3A_1448 : vector<16xf32>
      %add3A_1469 = arith.addf %mul3A_1467, %mul3A_1468 : vector<16xf32>
      %mul3A_1470 = arith.mulf %mul3A_819, %get3A_1452 : vector<16xf32>
      %add3A_1471 = arith.addf %add3A_1469, %mul3A_1470 : vector<16xf32>
      %max3A_1472 = arith.constant 0.000000e+00 : f32
      %max3A_1473 = vector.broadcast %max3A_1472 : f32 to vector<16xf32>
      %max3A_1474 = arith.maximumf %add3A_1471, %max3A_1473 : vector<16xf32>
      %get3A_1475 = arith.constant 9 : i32
      %get3A_1476 = arith.index_cast %get3A_1475 : i32 to index
      %get3A_1477 = arith.constant 16 : index
      %get3A_1478 = tpu.vector_load %arg11[%get3A_1476, %get3A_1477] {strides = array<i32>} : memref<50x128xf32, #tpu.memory_space<vmem>>, vector<16xf32>,
      %mul3A_1479 = arith.mulf %max3A_1474, %get3A_1478 : vector<16xf32>
      %add3A_1480 = arith.addf %add3A_1412, %mul3A_1479 : vector<16xf32>
      %mul3A_1481 = arith.mulf %mul3A_812, %get3A_1444 : vector<16xf32>
      %mul3A_1482 = arith.mulf %mul3A_816, %get3A_1448 : vector<16xf32>
      %add3A_1483 = arith.addf %mul3A_1481, %mul3A_1482 : vector<16xf32>
      %mul3A_1484 = arith.mulf %mul3A_820, %get3A_1452 : vector<16xf32>
      %add3A_1485 = arith.addf %add3A_1483, %mul3A_1484 : vector<16xf32>
      %max3A_1486 = arith.constant 0.000000e+00 : f32
      %max3A_1487 = vector.broadcast %max3A_1486 : f32 to vector<16xf32>
      %max3A_1488 = arith.maximumf %add3A_1485, %max3A_1487 : vector<16xf32>
      %get3A_1489 = arith.constant 9 : i32
      %get3A_1490 = arith.index_cast %get3A_1489 : i32 to index
      %get3A_1491 = arith.constant 32 : index
      %get3A_1492 = tpu.vector_load %arg11[%get3A_1490, %get3A_1491] {strides = array<i32>} : memref<50x128xf32, #tpu.memory_space<vmem>>, vector<16xf32>,
      %mul3A_1493 = arith.mulf %max3A_1488, %get3A_1492 : vector<16xf32>
      %add3A_1494 = arith.addf %add3A_1426, %mul3A_1493 : vector<16xf32>
      %mul3A_1495 = arith.mulf %mul3A_813, %get3A_1444 : vector<16xf32>
      %mul3A_1496 = arith.mulf %mul3A_817, %get3A_1448 : vector<16xf32>
      %add3A_1497 = arith.addf %mul3A_1495, %mul3A_1496 : vector<16xf32>
      %mul3A_1498 = arith.mulf %mul3A_821, %get3A_1452 : vector<16xf32>
      %add3A_1499 = arith.addf %add3A_1497, %mul3A_1498 : vector<16xf32>
      %max3A_1500 = arith.constant 0.000000e+00 : f32
      %max3A_1501 = vector.broadcast %max3A_1500 : f32 to vector<16xf32>
      %max3A_1502 = arith.maximumf %add3A_1499, %max3A_1501 : vector<16xf32>
      %get3A_1503 = arith.constant 9 : i32
      %get3A_1504 = arith.index_cast %get3A_1503 : i32 to index
      %get3A_1505 = arith.constant 48 : index
      %get3A_1506 = tpu.vector_load %arg11[%get3A_1504, %get3A_1505] {strides = array<i32>} : memref<50x128xf32, #tpu.memory_space<vmem>>, vector<16xf32>,
      %mul3A_1507 = arith.mulf %max3A_1502, %get3A_1506 : vector<16xf32>
      %add3A_1508 = arith.addf %add3A_1440, %mul3A_1507 : vector<16xf32>
      %get3A_1509 = arith.constant 10 : i32
      %get3A_1510 = arith.index_cast %get3A_1509 : i32 to index
      %get3A_1511 = arith.constant 64 : index
      %get3A_1512 = tpu.vector_load %arg11[%get3A_1510, %get3A_1511] {strides = array<i32>} : memref<50x128xf32, #tpu.memory_space<vmem>>, vector<16xf32>,
      %get3A_1513 = arith.constant 10 : i32
      %get3A_1514 = arith.index_cast %get3A_1513 : i32 to index
      %get3A_1515 = arith.constant 80 : index
      %get3A_1516 = tpu.vector_load %arg11[%get3A_1514, %get3A_1515] {strides = array<i32>} : memref<50x128xf32, #tpu.memory_space<vmem>>, vector<16xf32>,
      %get3A_1517 = arith.constant 10 : i32
      %get3A_1518 = arith.index_cast %get3A_1517 : i32 to index
      %get3A_1519 = arith.constant 96 : index
      %get3A_1520 = tpu.vector_load %arg11[%get3A_1518, %get3A_1519] {strides = array<i32>} : memref<50x128xf32, #tpu.memory_space<vmem>>, vector<16xf32>,
      %mul3A_1521 = arith.mulf %mul3A_810, %get3A_1512 : vector<16xf32>
      %mul3A_1522 = arith.mulf %mul3A_814, %get3A_1516 : vector<16xf32>
      %add3A_1523 = arith.addf %mul3A_1521, %mul3A_1522 : vector<16xf32>
      %mul3A_1524 = arith.mulf %mul3A_818, %get3A_1520 : vector<16xf32>
      %add3A_1525 = arith.addf %add3A_1523, %mul3A_1524 : vector<16xf32>
      %max3A_1526 = arith.constant 0.000000e+00 : f32
      %max3A_1527 = vector.broadcast %max3A_1526 : f32 to vector<16xf32>
      %max3A_1528 = arith.maximumf %add3A_1525, %max3A_1527 : vector<16xf32>
      %get3A_1529 = arith.constant 10 : i32
      %get3A_1530 = arith.index_cast %get3A_1529 : i32 to index
      %get3A_1531 = arith.constant 0 : index
      %get3A_1532 = tpu.vector_load %arg11[%get3A_1530, %get3A_1531] {strides = array<i32>} : memref<50x128xf32, #tpu.memory_space<vmem>>, vector<16xf32>,
      %mul3A_1533 = arith.mulf %max3A_1528, %get3A_1532 : vector<16xf32>
      %add3A_1534 = arith.addf %add3A_1466, %mul3A_1533 : vector<16xf32>
      %mul3A_1535 = arith.mulf %mul3A_811, %get3A_1512 : vector<16xf32>
      %mul3A_1536 = arith.mulf %mul3A_815, %get3A_1516 : vector<16xf32>
      %add3A_1537 = arith.addf %mul3A_1535, %mul3A_1536 : vector<16xf32>
      %mul3A_1538 = arith.mulf %mul3A_819, %get3A_1520 : vector<16xf32>
      %add3A_1539 = arith.addf %add3A_1537, %mul3A_1538 : vector<16xf32>
      %max3A_1540 = arith.constant 0.000000e+00 : f32
      %max3A_1541 = vector.broadcast %max3A_1540 : f32 to vector<16xf32>
      %max3A_1542 = arith.maximumf %add3A_1539, %max3A_1541 : vector<16xf32>
      %get3A_1543 = arith.constant 10 : i32
      %get3A_1544 = arith.index_cast %get3A_1543 : i32 to index
      %get3A_1545 = arith.constant 16 : index
      %get3A_1546 = tpu.vector_load %arg11[%get3A_1544, %get3A_1545] {strides = array<i32>} : memref<50x128xf32, #tpu.memory_space<vmem>>, vector<16xf32>,
      %mul3A_1547 = arith.mulf %max3A_1542, %get3A_1546 : vector<16xf32>
      %add3A_1548 = arith.addf %add3A_1480, %mul3A_1547 : vector<16xf32>
      %mul3A_1549 = arith.mulf %mul3A_812, %get3A_1512 : vector<16xf32>
      %mul3A_1550 = arith.mulf %mul3A_816, %get3A_1516 : vector<16xf32>
      %add3A_1551 = arith.addf %mul3A_1549, %mul3A_1550 : vector<16xf32>
      %mul3A_1552 = arith.mulf %mul3A_820, %get3A_1520 : vector<16xf32>
      %add3A_1553 = arith.addf %add3A_1551, %mul3A_1552 : vector<16xf32>
      %max3A_1554 = arith.constant 0.000000e+00 : f32
      %max3A_1555 = vector.broadcast %max3A_1554 : f32 to vector<16xf32>
      %max3A_1556 = arith.maximumf %add3A_1553, %max3A_1555 : vector<16xf32>
      %get3A_1557 = arith.constant 10 : i32
      %get3A_1558 = arith.index_cast %get3A_1557 : i32 to index
      %get3A_1559 = arith.constant 32 : index
      %get3A_1560 = tpu.vector_load %arg11[%get3A_1558, %get3A_1559] {strides = array<i32>} : memref<50x128xf32, #tpu.memory_space<vmem>>, vector<16xf32>,
      %mul3A_1561 = arith.mulf %max3A_1556, %get3A_1560 : vector<16xf32>
      %add3A_1562 = arith.addf %add3A_1494, %mul3A_1561 : vector<16xf32>
      %mul3A_1563 = arith.mulf %mul3A_813, %get3A_1512 : vector<16xf32>
      %mul3A_1564 = arith.mulf %mul3A_817, %get3A_1516 : vector<16xf32>
      %add3A_1565 = arith.addf %mul3A_1563, %mul3A_1564 : vector<16xf32>
      %mul3A_1566 = arith.mulf %mul3A_821, %get3A_1520 : vector<16xf32>
      %add3A_1567 = arith.addf %add3A_1565, %mul3A_1566 : vector<16xf32>
      %max3A_1568 = arith.constant 0.000000e+00 : f32
      %max3A_1569 = vector.broadcast %max3A_1568 : f32 to vector<16xf32>
      %max3A_1570 = arith.maximumf %add3A_1567, %max3A_1569 : vector<16xf32>
      %get3A_1571 = arith.constant 10 : i32
      %get3A_1572 = arith.index_cast %get3A_1571 : i32 to index
      %get3A_1573 = arith.constant 48 : index
      %get3A_1574 = tpu.vector_load %arg11[%get3A_1572, %get3A_1573] {strides = array<i32>} : memref<50x128xf32, #tpu.memory_space<vmem>>, vector<16xf32>,
      %mul3A_1575 = arith.mulf %max3A_1570, %get3A_1574 : vector<16xf32>
      %add3A_1576 = arith.addf %add3A_1508, %mul3A_1575 : vector<16xf32>
      %get3A_1577 = arith.constant 11 : i32
      %get3A_1578 = arith.index_cast %get3A_1577 : i32 to index
      %get3A_1579 = arith.constant 64 : index
      %get3A_1580 = tpu.vector_load %arg11[%get3A_1578, %get3A_1579] {strides = array<i32>} : memref<50x128xf32, #tpu.memory_space<vmem>>, vector<16xf32>,
      %get3A_1581 = arith.constant 11 : i32
      %get3A_1582 = arith.index_cast %get3A_1581 : i32 to index
      %get3A_1583 = arith.constant 80 : index
      %get3A_1584 = tpu.vector_load %arg11[%get3A_1582, %get3A_1583] {strides = array<i32>} : memref<50x128xf32, #tpu.memory_space<vmem>>, vector<16xf32>,
      %get3A_1585 = arith.constant 11 : i32
      %get3A_1586 = arith.index_cast %get3A_1585 : i32 to index
      %get3A_1587 = arith.constant 96 : index
      %get3A_1588 = tpu.vector_load %arg11[%get3A_1586, %get3A_1587] {strides = array<i32>} : memref<50x128xf32, #tpu.memory_space<vmem>>, vector<16xf32>,
      %mul3A_1589 = arith.mulf %mul3A_810, %get3A_1580 : vector<16xf32>
      %mul3A_1590 = arith.mulf %mul3A_814, %get3A_1584 : vector<16xf32>
      %add3A_1591 = arith.addf %mul3A_1589, %mul3A_1590 : vector<16xf32>
      %mul3A_1592 = arith.mulf %mul3A_818, %get3A_1588 : vector<16xf32>
      %add3A_1593 = arith.addf %add3A_1591, %mul3A_1592 : vector<16xf32>
      %max3A_1594 = arith.constant 0.000000e+00 : f32
      %max3A_1595 = vector.broadcast %max3A_1594 : f32 to vector<16xf32>
      %max3A_1596 = arith.maximumf %add3A_1593, %max3A_1595 : vector<16xf32>
      %get3A_1597 = arith.constant 11 : i32
      %get3A_1598 = arith.index_cast %get3A_1597 : i32 to index
      %get3A_1599 = arith.constant 0 : index
      %get3A_1600 = tpu.vector_load %arg11[%get3A_1598, %get3A_1599] {strides = array<i32>} : memref<50x128xf32, #tpu.memory_space<vmem>>, vector<16xf32>,
      %mul3A_1601 = arith.mulf %max3A_1596, %get3A_1600 : vector<16xf32>
      %add3A_1602 = arith.addf %add3A_1534, %mul3A_1601 : vector<16xf32>
      %mul3A_1603 = arith.mulf %mul3A_811, %get3A_1580 : vector<16xf32>
      %mul3A_1604 = arith.mulf %mul3A_815, %get3A_1584 : vector<16xf32>
      %add3A_1605 = arith.addf %mul3A_1603, %mul3A_1604 : vector<16xf32>
      %mul3A_1606 = arith.mulf %mul3A_819, %get3A_1588 : vector<16xf32>
      %add3A_1607 = arith.addf %add3A_1605, %mul3A_1606 : vector<16xf32>
      %max3A_1608 = arith.constant 0.000000e+00 : f32
      %max3A_1609 = vector.broadcast %max3A_1608 : f32 to vector<16xf32>
      %max3A_1610 = arith.maximumf %add3A_1607, %max3A_1609 : vector<16xf32>
      %get3A_1611 = arith.constant 11 : i32
      %get3A_1612 = arith.index_cast %get3A_1611 : i32 to index
      %get3A_1613 = arith.constant 16 : index
      %get3A_1614 = tpu.vector_load %arg11[%get3A_1612, %get3A_1613] {strides = array<i32>} : memref<50x128xf32, #tpu.memory_space<vmem>>, vector<16xf32>,
      %mul3A_1615 = arith.mulf %max3A_1610, %get3A_1614 : vector<16xf32>
      %add3A_1616 = arith.addf %add3A_1548, %mul3A_1615 : vector<16xf32>
      %mul3A_1617 = arith.mulf %mul3A_812, %get3A_1580 : vector<16xf32>
      %mul3A_1618 = arith.mulf %mul3A_816, %get3A_1584 : vector<16xf32>
      %add3A_1619 = arith.addf %mul3A_1617, %mul3A_1618 : vector<16xf32>
      %mul3A_1620 = arith.mulf %mul3A_820, %get3A_1588 : vector<16xf32>
      %add3A_1621 = arith.addf %add3A_1619, %mul3A_1620 : vector<16xf32>
      %max3A_1622 = arith.constant 0.000000e+00 : f32
      %max3A_1623 = vector.broadcast %max3A_1622 : f32 to vector<16xf32>
      %max3A_1624 = arith.maximumf %add3A_1621, %max3A_1623 : vector<16xf32>
      %get3A_1625 = arith.constant 11 : i32
      %get3A_1626 = arith.index_cast %get3A_1625 : i32 to index
      %get3A_1627 = arith.constant 32 : index
      %get3A_1628 = tpu.vector_load %arg11[%get3A_1626, %get3A_1627] {strides = array<i32>} : memref<50x128xf32, #tpu.memory_space<vmem>>, vector<16xf32>,
      %mul3A_1629 = arith.mulf %max3A_1624, %get3A_1628 : vector<16xf32>
      %add3A_1630 = arith.addf %add3A_1562, %mul3A_1629 : vector<16xf32>
      %mul3A_1631 = arith.mulf %mul3A_813, %get3A_1580 : vector<16xf32>
      %mul3A_1632 = arith.mulf %mul3A_817, %get3A_1584 : vector<16xf32>
      %add3A_1633 = arith.addf %mul3A_1631, %mul3A_1632 : vector<16xf32>
      %mul3A_1634 = arith.mulf %mul3A_821, %get3A_1588 : vector<16xf32>
      %add3A_1635 = arith.addf %add3A_1633, %mul3A_1634 : vector<16xf32>
      %max3A_1636 = arith.constant 0.000000e+00 : f32
      %max3A_1637 = vector.broadcast %max3A_1636 : f32 to vector<16xf32>
      %max3A_1638 = arith.maximumf %add3A_1635, %max3A_1637 : vector<16xf32>
      %get3A_1639 = arith.constant 11 : i32
      %get3A_1640 = arith.index_cast %get3A_1639 : i32 to index
      %get3A_1641 = arith.constant 48 : index
      %get3A_1642 = tpu.vector_load %arg11[%get3A_1640, %get3A_1641] {strides = array<i32>} : memref<50x128xf32, #tpu.memory_space<vmem>>, vector<16xf32>,
      %mul3A_1643 = arith.mulf %max3A_1638, %get3A_1642 : vector<16xf32>
      %add3A_1644 = arith.addf %add3A_1576, %mul3A_1643 : vector<16xf32>
      %get3A_1645 = arith.constant 12 : i32
      %get3A_1646 = arith.index_cast %get3A_1645 : i32 to index
      %get3A_1647 = arith.constant 64 : index
      %get3A_1648 = tpu.vector_load %arg11[%get3A_1646, %get3A_1647] {strides = array<i32>} : memref<50x128xf32, #tpu.memory_space<vmem>>, vector<16xf32>,
      %get3A_1649 = arith.constant 12 : i32
      %get3A_1650 = arith.index_cast %get3A_1649 : i32 to index
      %get3A_1651 = arith.constant 80 : index
      %get3A_1652 = tpu.vector_load %arg11[%get3A_1650, %get3A_1651] {strides = array<i32>} : memref<50x128xf32, #tpu.memory_space<vmem>>, vector<16xf32>,
      %get3A_1653 = arith.constant 12 : i32
      %get3A_1654 = arith.index_cast %get3A_1653 : i32 to index
      %get3A_1655 = arith.constant 96 : index
      %get3A_1656 = tpu.vector_load %arg11[%get3A_1654, %get3A_1655] {strides = array<i32>} : memref<50x128xf32, #tpu.memory_space<vmem>>, vector<16xf32>,
      %mul3A_1657 = arith.mulf %mul3A_810, %get3A_1648 : vector<16xf32>
      %mul3A_1658 = arith.mulf %mul3A_814, %get3A_1652 : vector<16xf32>
      %add3A_1659 = arith.addf %mul3A_1657, %mul3A_1658 : vector<16xf32>
      %mul3A_1660 = arith.mulf %mul3A_818, %get3A_1656 : vector<16xf32>
      %add3A_1661 = arith.addf %add3A_1659, %mul3A_1660 : vector<16xf32>
      %max3A_1662 = arith.constant 0.000000e+00 : f32
      %max3A_1663 = vector.broadcast %max3A_1662 : f32 to vector<16xf32>
      %max3A_1664 = arith.maximumf %add3A_1661, %max3A_1663 : vector<16xf32>
      %get3A_1665 = arith.constant 12 : i32
      %get3A_1666 = arith.index_cast %get3A_1665 : i32 to index
      %get3A_1667 = arith.constant 0 : index
      %get3A_1668 = tpu.vector_load %arg11[%get3A_1666, %get3A_1667] {strides = array<i32>} : memref<50x128xf32, #tpu.memory_space<vmem>>, vector<16xf32>,
      %mul3A_1669 = arith.mulf %max3A_1664, %get3A_1668 : vector<16xf32>
      %add3A_1670 = arith.addf %add3A_1602, %mul3A_1669 : vector<16xf32>
      %mul3A_1671 = arith.mulf %mul3A_811, %get3A_1648 : vector<16xf32>
      %mul3A_1672 = arith.mulf %mul3A_815, %get3A_1652 : vector<16xf32>
      %add3A_1673 = arith.addf %mul3A_1671, %mul3A_1672 : vector<16xf32>
      %mul3A_1674 = arith.mulf %mul3A_819, %get3A_1656 : vector<16xf32>
      %add3A_1675 = arith.addf %add3A_1673, %mul3A_1674 : vector<16xf32>
      %max3A_1676 = arith.constant 0.000000e+00 : f32
      %max3A_1677 = vector.broadcast %max3A_1676 : f32 to vector<16xf32>
      %max3A_1678 = arith.maximumf %add3A_1675, %max3A_1677 : vector<16xf32>
      %get3A_1679 = arith.constant 12 : i32
      %get3A_1680 = arith.index_cast %get3A_1679 : i32 to index
      %get3A_1681 = arith.constant 16 : index
      %get3A_1682 = tpu.vector_load %arg11[%get3A_1680, %get3A_1681] {strides = array<i32>} : memref<50x128xf32, #tpu.memory_space<vmem>>, vector<16xf32>,
      %mul3A_1683 = arith.mulf %max3A_1678, %get3A_1682 : vector<16xf32>
      %add3A_1684 = arith.addf %add3A_1616, %mul3A_1683 : vector<16xf32>
      %mul3A_1685 = arith.mulf %mul3A_812, %get3A_1648 : vector<16xf32>
      %mul3A_1686 = arith.mulf %mul3A_816, %get3A_1652 : vector<16xf32>
      %add3A_1687 = arith.addf %mul3A_1685, %mul3A_1686 : vector<16xf32>
      %mul3A_1688 = arith.mulf %mul3A_820, %get3A_1656 : vector<16xf32>
      %add3A_1689 = arith.addf %add3A_1687, %mul3A_1688 : vector<16xf32>
      %max3A_1690 = arith.constant 0.000000e+00 : f32
      %max3A_1691 = vector.broadcast %max3A_1690 : f32 to vector<16xf32>
      %max3A_1692 = arith.maximumf %add3A_1689, %max3A_1691 : vector<16xf32>
      %get3A_1693 = arith.constant 12 : i32
      %get3A_1694 = arith.index_cast %get3A_1693 : i32 to index
      %get3A_1695 = arith.constant 32 : index
      %get3A_1696 = tpu.vector_load %arg11[%get3A_1694, %get3A_1695] {strides = array<i32>} : memref<50x128xf32, #tpu.memory_space<vmem>>, vector<16xf32>,
      %mul3A_1697 = arith.mulf %max3A_1692, %get3A_1696 : vector<16xf32>
      %add3A_1698 = arith.addf %add3A_1630, %mul3A_1697 : vector<16xf32>
      %mul3A_1699 = arith.mulf %mul3A_813, %get3A_1648 : vector<16xf32>
      %mul3A_1700 = arith.mulf %mul3A_817, %get3A_1652 : vector<16xf32>
      %add3A_1701 = arith.addf %mul3A_1699, %mul3A_1700 : vector<16xf32>
      %mul3A_1702 = arith.mulf %mul3A_821, %get3A_1656 : vector<16xf32>
      %add3A_1703 = arith.addf %add3A_1701, %mul3A_1702 : vector<16xf32>
      %max3A_1704 = arith.constant 0.000000e+00 : f32
      %max3A_1705 = vector.broadcast %max3A_1704 : f32 to vector<16xf32>
      %max3A_1706 = arith.maximumf %add3A_1703, %max3A_1705 : vector<16xf32>
      %get3A_1707 = arith.constant 12 : i32
      %get3A_1708 = arith.index_cast %get3A_1707 : i32 to index
      %get3A_1709 = arith.constant 48 : index
      %get3A_1710 = tpu.vector_load %arg11[%get3A_1708, %get3A_1709] {strides = array<i32>} : memref<50x128xf32, #tpu.memory_space<vmem>>, vector<16xf32>,
      %mul3A_1711 = arith.mulf %max3A_1706, %get3A_1710 : vector<16xf32>
      %add3A_1712 = arith.addf %add3A_1644, %mul3A_1711 : vector<16xf32>
      %get3A_1713 = arith.constant 13 : i32
      %get3A_1714 = arith.index_cast %get3A_1713 : i32 to index
      %get3A_1715 = arith.constant 64 : index
      %get3A_1716 = tpu.vector_load %arg11[%get3A_1714, %get3A_1715] {strides = array<i32>} : memref<50x128xf32, #tpu.memory_space<vmem>>, vector<16xf32>,
      %get3A_1717 = arith.constant 13 : i32
      %get3A_1718 = arith.index_cast %get3A_1717 : i32 to index
      %get3A_1719 = arith.constant 80 : index
      %get3A_1720 = tpu.vector_load %arg11[%get3A_1718, %get3A_1719] {strides = array<i32>} : memref<50x128xf32, #tpu.memory_space<vmem>>, vector<16xf32>,
      %get3A_1721 = arith.constant 13 : i32
      %get3A_1722 = arith.index_cast %get3A_1721 : i32 to index
      %get3A_1723 = arith.constant 96 : index
      %get3A_1724 = tpu.vector_load %arg11[%get3A_1722, %get3A_1723] {strides = array<i32>} : memref<50x128xf32, #tpu.memory_space<vmem>>, vector<16xf32>,
      %mul3A_1725 = arith.mulf %mul3A_810, %get3A_1716 : vector<16xf32>
      %mul3A_1726 = arith.mulf %mul3A_814, %get3A_1720 : vector<16xf32>
      %add3A_1727 = arith.addf %mul3A_1725, %mul3A_1726 : vector<16xf32>
      %mul3A_1728 = arith.mulf %mul3A_818, %get3A_1724 : vector<16xf32>
      %add3A_1729 = arith.addf %add3A_1727, %mul3A_1728 : vector<16xf32>
      %max3A_1730 = arith.constant 0.000000e+00 : f32
      %max3A_1731 = vector.broadcast %max3A_1730 : f32 to vector<16xf32>
      %max3A_1732 = arith.maximumf %add3A_1729, %max3A_1731 : vector<16xf32>
      %get3A_1733 = arith.constant 13 : i32
      %get3A_1734 = arith.index_cast %get3A_1733 : i32 to index
      %get3A_1735 = arith.constant 0 : index
      %get3A_1736 = tpu.vector_load %arg11[%get3A_1734, %get3A_1735] {strides = array<i32>} : memref<50x128xf32, #tpu.memory_space<vmem>>, vector<16xf32>,
      %mul3A_1737 = arith.mulf %max3A_1732, %get3A_1736 : vector<16xf32>
      %add3A_1738 = arith.addf %add3A_1670, %mul3A_1737 : vector<16xf32>
      %mul3A_1739 = arith.mulf %mul3A_811, %get3A_1716 : vector<16xf32>
      %mul3A_1740 = arith.mulf %mul3A_815, %get3A_1720 : vector<16xf32>
      %add3A_1741 = arith.addf %mul3A_1739, %mul3A_1740 : vector<16xf32>
      %mul3A_1742 = arith.mulf %mul3A_819, %get3A_1724 : vector<16xf32>
      %add3A_1743 = arith.addf %add3A_1741, %mul3A_1742 : vector<16xf32>
      %max3A_1744 = arith.constant 0.000000e+00 : f32
      %max3A_1745 = vector.broadcast %max3A_1744 : f32 to vector<16xf32>
      %max3A_1746 = arith.maximumf %add3A_1743, %max3A_1745 : vector<16xf32>
      %get3A_1747 = arith.constant 13 : i32
      %get3A_1748 = arith.index_cast %get3A_1747 : i32 to index
      %get3A_1749 = arith.constant 16 : index
      %get3A_1750 = tpu.vector_load %arg11[%get3A_1748, %get3A_1749] {strides = array<i32>} : memref<50x128xf32, #tpu.memory_space<vmem>>, vector<16xf32>,
      %mul3A_1751 = arith.mulf %max3A_1746, %get3A_1750 : vector<16xf32>
      %add3A_1752 = arith.addf %add3A_1684, %mul3A_1751 : vector<16xf32>
      %mul3A_1753 = arith.mulf %mul3A_812, %get3A_1716 : vector<16xf32>
      %mul3A_1754 = arith.mulf %mul3A_816, %get3A_1720 : vector<16xf32>
      %add3A_1755 = arith.addf %mul3A_1753, %mul3A_1754 : vector<16xf32>
      %mul3A_1756 = arith.mulf %mul3A_820, %get3A_1724 : vector<16xf32>
      %add3A_1757 = arith.addf %add3A_1755, %mul3A_1756 : vector<16xf32>
      %max3A_1758 = arith.constant 0.000000e+00 : f32
      %max3A_1759 = vector.broadcast %max3A_1758 : f32 to vector<16xf32>
      %max3A_1760 = arith.maximumf %add3A_1757, %max3A_1759 : vector<16xf32>
      %get3A_1761 = arith.constant 13 : i32
      %get3A_1762 = arith.index_cast %get3A_1761 : i32 to index
      %get3A_1763 = arith.constant 32 : index
      %get3A_1764 = tpu.vector_load %arg11[%get3A_1762, %get3A_1763] {strides = array<i32>} : memref<50x128xf32, #tpu.memory_space<vmem>>, vector<16xf32>,
      %mul3A_1765 = arith.mulf %max3A_1760, %get3A_1764 : vector<16xf32>
      %add3A_1766 = arith.addf %add3A_1698, %mul3A_1765 : vector<16xf32>
      %mul3A_1767 = arith.mulf %mul3A_813, %get3A_1716 : vector<16xf32>
      %mul3A_1768 = arith.mulf %mul3A_817, %get3A_1720 : vector<16xf32>
      %add3A_1769 = arith.addf %mul3A_1767, %mul3A_1768 : vector<16xf32>
      %mul3A_1770 = arith.mulf %mul3A_821, %get3A_1724 : vector<16xf32>
      %add3A_1771 = arith.addf %add3A_1769, %mul3A_1770 : vector<16xf32>
      %max3A_1772 = arith.constant 0.000000e+00 : f32
      %max3A_1773 = vector.broadcast %max3A_1772 : f32 to vector<16xf32>
      %max3A_1774 = arith.maximumf %add3A_1771, %max3A_1773 : vector<16xf32>
      %get3A_1775 = arith.constant 13 : i32
      %get3A_1776 = arith.index_cast %get3A_1775 : i32 to index
      %get3A_1777 = arith.constant 48 : index
      %get3A_1778 = tpu.vector_load %arg11[%get3A_1776, %get3A_1777] {strides = array<i32>} : memref<50x128xf32, #tpu.memory_space<vmem>>, vector<16xf32>,
      %mul3A_1779 = arith.mulf %max3A_1774, %get3A_1778 : vector<16xf32>
      %add3A_1780 = arith.addf %add3A_1712, %mul3A_1779 : vector<16xf32>
      %get3A_1781 = arith.constant 14 : i32
      %get3A_1782 = arith.index_cast %get3A_1781 : i32 to index
      %get3A_1783 = arith.constant 64 : index
      %get3A_1784 = tpu.vector_load %arg11[%get3A_1782, %get3A_1783] {strides = array<i32>} : memref<50x128xf32, #tpu.memory_space<vmem>>, vector<16xf32>,
      %get3A_1785 = arith.constant 14 : i32
      %get3A_1786 = arith.index_cast %get3A_1785 : i32 to index
      %get3A_1787 = arith.constant 80 : index
      %get3A_1788 = tpu.vector_load %arg11[%get3A_1786, %get3A_1787] {strides = array<i32>} : memref<50x128xf32, #tpu.memory_space<vmem>>, vector<16xf32>,
      %get3A_1789 = arith.constant 14 : i32
      %get3A_1790 = arith.index_cast %get3A_1789 : i32 to index
      %get3A_1791 = arith.constant 96 : index
      %get3A_1792 = tpu.vector_load %arg11[%get3A_1790, %get3A_1791] {strides = array<i32>} : memref<50x128xf32, #tpu.memory_space<vmem>>, vector<16xf32>,
      %mul3A_1793 = arith.mulf %mul3A_810, %get3A_1784 : vector<16xf32>
      %mul3A_1794 = arith.mulf %mul3A_814, %get3A_1788 : vector<16xf32>
      %add3A_1795 = arith.addf %mul3A_1793, %mul3A_1794 : vector<16xf32>
      %mul3A_1796 = arith.mulf %mul3A_818, %get3A_1792 : vector<16xf32>
      %add3A_1797 = arith.addf %add3A_1795, %mul3A_1796 : vector<16xf32>
      %max3A_1798 = arith.constant 0.000000e+00 : f32
      %max3A_1799 = vector.broadcast %max3A_1798 : f32 to vector<16xf32>
      %max3A_1800 = arith.maximumf %add3A_1797, %max3A_1799 : vector<16xf32>
      %get3A_1801 = arith.constant 14 : i32
      %get3A_1802 = arith.index_cast %get3A_1801 : i32 to index
      %get3A_1803 = arith.constant 0 : index
      %get3A_1804 = tpu.vector_load %arg11[%get3A_1802, %get3A_1803] {strides = array<i32>} : memref<50x128xf32, #tpu.memory_space<vmem>>, vector<16xf32>,
      %mul3A_1805 = arith.mulf %max3A_1800, %get3A_1804 : vector<16xf32>
      %add3A_1806 = arith.addf %add3A_1738, %mul3A_1805 : vector<16xf32>
      %mul3A_1807 = arith.mulf %mul3A_811, %get3A_1784 : vector<16xf32>
      %mul3A_1808 = arith.mulf %mul3A_815, %get3A_1788 : vector<16xf32>
      %add3A_1809 = arith.addf %mul3A_1807, %mul3A_1808 : vector<16xf32>
      %mul3A_1810 = arith.mulf %mul3A_819, %get3A_1792 : vector<16xf32>
      %add3A_1811 = arith.addf %add3A_1809, %mul3A_1810 : vector<16xf32>
      %max3A_1812 = arith.constant 0.000000e+00 : f32
      %max3A_1813 = vector.broadcast %max3A_1812 : f32 to vector<16xf32>
      %max3A_1814 = arith.maximumf %add3A_1811, %max3A_1813 : vector<16xf32>
      %get3A_1815 = arith.constant 14 : i32
      %get3A_1816 = arith.index_cast %get3A_1815 : i32 to index
      %get3A_1817 = arith.constant 16 : index
      %get3A_1818 = tpu.vector_load %arg11[%get3A_1816, %get3A_1817] {strides = array<i32>} : memref<50x128xf32, #tpu.memory_space<vmem>>, vector<16xf32>,
      %mul3A_1819 = arith.mulf %max3A_1814, %get3A_1818 : vector<16xf32>
      %add3A_1820 = arith.addf %add3A_1752, %mul3A_1819 : vector<16xf32>
      %mul3A_1821 = arith.mulf %mul3A_812, %get3A_1784 : vector<16xf32>
      %mul3A_1822 = arith.mulf %mul3A_816, %get3A_1788 : vector<16xf32>
      %add3A_1823 = arith.addf %mul3A_1821, %mul3A_1822 : vector<16xf32>
      %mul3A_1824 = arith.mulf %mul3A_820, %get3A_1792 : vector<16xf32>
      %add3A_1825 = arith.addf %add3A_1823, %mul3A_1824 : vector<16xf32>
      %max3A_1826 = arith.constant 0.000000e+00 : f32
      %max3A_1827 = vector.broadcast %max3A_1826 : f32 to vector<16xf32>
      %max3A_1828 = arith.maximumf %add3A_1825, %max3A_1827 : vector<16xf32>
      %get3A_1829 = arith.constant 14 : i32
      %get3A_1830 = arith.index_cast %get3A_1829 : i32 to index
      %get3A_1831 = arith.constant 32 : index
      %get3A_1832 = tpu.vector_load %arg11[%get3A_1830, %get3A_1831] {strides = array<i32>} : memref<50x128xf32, #tpu.memory_space<vmem>>, vector<16xf32>,
      %mul3A_1833 = arith.mulf %max3A_1828, %get3A_1832 : vector<16xf32>
      %add3A_1834 = arith.addf %add3A_1766, %mul3A_1833 : vector<16xf32>
      %mul3A_1835 = arith.mulf %mul3A_813, %get3A_1784 : vector<16xf32>
      %mul3A_1836 = arith.mulf %mul3A_817, %get3A_1788 : vector<16xf32>
      %add3A_1837 = arith.addf %mul3A_1835, %mul3A_1836 : vector<16xf32>
      %mul3A_1838 = arith.mulf %mul3A_821, %get3A_1792 : vector<16xf32>
      %add3A_1839 = arith.addf %add3A_1837, %mul3A_1838 : vector<16xf32>
      %max3A_1840 = arith.constant 0.000000e+00 : f32
      %max3A_1841 = vector.broadcast %max3A_1840 : f32 to vector<16xf32>
      %max3A_1842 = arith.maximumf %add3A_1839, %max3A_1841 : vector<16xf32>
      %get3A_1843 = arith.constant 14 : i32
      %get3A_1844 = arith.index_cast %get3A_1843 : i32 to index
      %get3A_1845 = arith.constant 48 : index
      %get3A_1846 = tpu.vector_load %arg11[%get3A_1844, %get3A_1845] {strides = array<i32>} : memref<50x128xf32, #tpu.memory_space<vmem>>, vector<16xf32>,
      %mul3A_1847 = arith.mulf %max3A_1842, %get3A_1846 : vector<16xf32>
      %add3A_1848 = arith.addf %add3A_1780, %mul3A_1847 : vector<16xf32>
      %get3A_1849 = arith.constant 15 : i32
      %get3A_1850 = arith.index_cast %get3A_1849 : i32 to index
      %get3A_1851 = arith.constant 64 : index
      %get3A_1852 = tpu.vector_load %arg11[%get3A_1850, %get3A_1851] {strides = array<i32>} : memref<50x128xf32, #tpu.memory_space<vmem>>, vector<16xf32>,
      %get3A_1853 = arith.constant 15 : i32
      %get3A_1854 = arith.index_cast %get3A_1853 : i32 to index
      %get3A_1855 = arith.constant 80 : index
      %get3A_1856 = tpu.vector_load %arg11[%get3A_1854, %get3A_1855] {strides = array<i32>} : memref<50x128xf32, #tpu.memory_space<vmem>>, vector<16xf32>,
      %get3A_1857 = arith.constant 15 : i32
      %get3A_1858 = arith.index_cast %get3A_1857 : i32 to index
      %get3A_1859 = arith.constant 96 : index
      %get3A_1860 = tpu.vector_load %arg11[%get3A_1858, %get3A_1859] {strides = array<i32>} : memref<50x128xf32, #tpu.memory_space<vmem>>, vector<16xf32>,
      %mul3A_1861 = arith.mulf %mul3A_810, %get3A_1852 : vector<16xf32>
      %mul3A_1862 = arith.mulf %mul3A_814, %get3A_1856 : vector<16xf32>
      %add3A_1863 = arith.addf %mul3A_1861, %mul3A_1862 : vector<16xf32>
      %mul3A_1864 = arith.mulf %mul3A_818, %get3A_1860 : vector<16xf32>
      %add3A_1865 = arith.addf %add3A_1863, %mul3A_1864 : vector<16xf32>
      %max3A_1866 = arith.constant 0.000000e+00 : f32
      %max3A_1867 = vector.broadcast %max3A_1866 : f32 to vector<16xf32>
      %max3A_1868 = arith.maximumf %add3A_1865, %max3A_1867 : vector<16xf32>
      %get3A_1869 = arith.constant 15 : i32
      %get3A_1870 = arith.index_cast %get3A_1869 : i32 to index
      %get3A_1871 = arith.constant 0 : index
      %get3A_1872 = tpu.vector_load %arg11[%get3A_1870, %get3A_1871] {strides = array<i32>} : memref<50x128xf32, #tpu.memory_space<vmem>>, vector<16xf32>,
      %mul3A_1873 = arith.mulf %max3A_1868, %get3A_1872 : vector<16xf32>
      %add3A_1874 = arith.addf %add3A_1806, %mul3A_1873 : vector<16xf32>
      %mul3A_1875 = arith.mulf %mul3A_811, %get3A_1852 : vector<16xf32>
      %mul3A_1876 = arith.mulf %mul3A_815, %get3A_1856 : vector<16xf32>
      %add3A_1877 = arith.addf %mul3A_1875, %mul3A_1876 : vector<16xf32>
      %mul3A_1878 = arith.mulf %mul3A_819, %get3A_1860 : vector<16xf32>
      %add3A_1879 = arith.addf %add3A_1877, %mul3A_1878 : vector<16xf32>
      %max3A_1880 = arith.constant 0.000000e+00 : f32
      %max3A_1881 = vector.broadcast %max3A_1880 : f32 to vector<16xf32>
      %max3A_1882 = arith.maximumf %add3A_1879, %max3A_1881 : vector<16xf32>
      %get3A_1883 = arith.constant 15 : i32
      %get3A_1884 = arith.index_cast %get3A_1883 : i32 to index
      %get3A_1885 = arith.constant 16 : index
      %get3A_1886 = tpu.vector_load %arg11[%get3A_1884, %get3A_1885] {strides = array<i32>} : memref<50x128xf32, #tpu.memory_space<vmem>>, vector<16xf32>,
      %mul3A_1887 = arith.mulf %max3A_1882, %get3A_1886 : vector<16xf32>
      %add3A_1888 = arith.addf %add3A_1820, %mul3A_1887 : vector<16xf32>
      %mul3A_1889 = arith.mulf %mul3A_812, %get3A_1852 : vector<16xf32>
      %mul3A_1890 = arith.mulf %mul3A_816, %get3A_1856 : vector<16xf32>
      %add3A_1891 = arith.addf %mul3A_1889, %mul3A_1890 : vector<16xf32>
      %mul3A_1892 = arith.mulf %mul3A_820, %get3A_1860 : vector<16xf32>
      %add3A_1893 = arith.addf %add3A_1891, %mul3A_1892 : vector<16xf32>
      %max3A_1894 = arith.constant 0.000000e+00 : f32
      %max3A_1895 = vector.broadcast %max3A_1894 : f32 to vector<16xf32>
      %max3A_1896 = arith.maximumf %add3A_1893, %max3A_1895 : vector<16xf32>
      %get3A_1897 = arith.constant 15 : i32
      %get3A_1898 = arith.index_cast %get3A_1897 : i32 to index
      %get3A_1899 = arith.constant 32 : index
      %get3A_1900 = tpu.vector_load %arg11[%get3A_1898, %get3A_1899] {strides = array<i32>} : memref<50x128xf32, #tpu.memory_space<vmem>>, vector<16xf32>,
      %mul3A_1901 = arith.mulf %max3A_1896, %get3A_1900 : vector<16xf32>
      %add3A_1902 = arith.addf %add3A_1834, %mul3A_1901 : vector<16xf32>
      %mul3A_1903 = arith.mulf %mul3A_813, %get3A_1852 : vector<16xf32>
      %mul3A_1904 = arith.mulf %mul3A_817, %get3A_1856 : vector<16xf32>
      %add3A_1905 = arith.addf %mul3A_1903, %mul3A_1904 : vector<16xf32>
      %mul3A_1906 = arith.mulf %mul3A_821, %get3A_1860 : vector<16xf32>
      %add3A_1907 = arith.addf %add3A_1905, %mul3A_1906 : vector<16xf32>
      %max3A_1908 = arith.constant 0.000000e+00 : f32
      %max3A_1909 = vector.broadcast %max3A_1908 : f32 to vector<16xf32>
      %max3A_1910 = arith.maximumf %add3A_1907, %max3A_1909 : vector<16xf32>
      %get3A_1911 = arith.constant 15 : i32
      %get3A_1912 = arith.index_cast %get3A_1911 : i32 to index
      %get3A_1913 = arith.constant 48 : index
      %get3A_1914 = tpu.vector_load %arg11[%get3A_1912, %get3A_1913] {strides = array<i32>} : memref<50x128xf32, #tpu.memory_space<vmem>>, vector<16xf32>,
      %mul3A_1915 = arith.mulf %max3A_1910, %get3A_1914 : vector<16xf32>
      %add3A_1916 = arith.addf %add3A_1848, %mul3A_1915 : vector<16xf32>
      %get3A_1917 = arith.constant 16 : i32
      %get3A_1918 = arith.index_cast %get3A_1917 : i32 to index
      %get3A_1919 = arith.constant 64 : index
      %get3A_1920 = tpu.vector_load %arg11[%get3A_1918, %get3A_1919] {strides = array<i32>} : memref<50x128xf32, #tpu.memory_space<vmem>>, vector<16xf32>,
      %get3A_1921 = arith.constant 16 : i32
      %get3A_1922 = arith.index_cast %get3A_1921 : i32 to index
      %get3A_1923 = arith.constant 80 : index
      %get3A_1924 = tpu.vector_load %arg11[%get3A_1922, %get3A_1923] {strides = array<i32>} : memref<50x128xf32, #tpu.memory_space<vmem>>, vector<16xf32>,
      %get3A_1925 = arith.constant 16 : i32
      %get3A_1926 = arith.index_cast %get3A_1925 : i32 to index
      %get3A_1927 = arith.constant 96 : index
      %get3A_1928 = tpu.vector_load %arg11[%get3A_1926, %get3A_1927] {strides = array<i32>} : memref<50x128xf32, #tpu.memory_space<vmem>>, vector<16xf32>,
      %mul3A_1929 = arith.mulf %mul3A_810, %get3A_1920 : vector<16xf32>
      %mul3A_1930 = arith.mulf %mul3A_814, %get3A_1924 : vector<16xf32>
      %add3A_1931 = arith.addf %mul3A_1929, %mul3A_1930 : vector<16xf32>
      %mul3A_1932 = arith.mulf %mul3A_818, %get3A_1928 : vector<16xf32>
      %add3A_1933 = arith.addf %add3A_1931, %mul3A_1932 : vector<16xf32>
      %max3A_1934 = arith.constant 0.000000e+00 : f32
      %max3A_1935 = vector.broadcast %max3A_1934 : f32 to vector<16xf32>
      %max3A_1936 = arith.maximumf %add3A_1933, %max3A_1935 : vector<16xf32>
      %get3A_1937 = arith.constant 16 : i32
      %get3A_1938 = arith.index_cast %get3A_1937 : i32 to index
      %get3A_1939 = arith.constant 0 : index
      %get3A_1940 = tpu.vector_load %arg11[%get3A_1938, %get3A_1939] {strides = array<i32>} : memref<50x128xf32, #tpu.memory_space<vmem>>, vector<16xf32>,
      %mul3A_1941 = arith.mulf %max3A_1936, %get3A_1940 : vector<16xf32>
      %add3A_1942 = arith.addf %add3A_1874, %mul3A_1941 : vector<16xf32>
      %mul3A_1943 = arith.mulf %mul3A_811, %get3A_1920 : vector<16xf32>
      %mul3A_1944 = arith.mulf %mul3A_815, %get3A_1924 : vector<16xf32>
      %add3A_1945 = arith.addf %mul3A_1943, %mul3A_1944 : vector<16xf32>
      %mul3A_1946 = arith.mulf %mul3A_819, %get3A_1928 : vector<16xf32>
      %add3A_1947 = arith.addf %add3A_1945, %mul3A_1946 : vector<16xf32>
      %max3A_1948 = arith.constant 0.000000e+00 : f32
      %max3A_1949 = vector.broadcast %max3A_1948 : f32 to vector<16xf32>
      %max3A_1950 = arith.maximumf %add3A_1947, %max3A_1949 : vector<16xf32>
      %get3A_1951 = arith.constant 16 : i32
      %get3A_1952 = arith.index_cast %get3A_1951 : i32 to index
      %get3A_1953 = arith.constant 16 : index
      %get3A_1954 = tpu.vector_load %arg11[%get3A_1952, %get3A_1953] {strides = array<i32>} : memref<50x128xf32, #tpu.memory_space<vmem>>, vector<16xf32>,
      %mul3A_1955 = arith.mulf %max3A_1950, %get3A_1954 : vector<16xf32>
      %add3A_1956 = arith.addf %add3A_1888, %mul3A_1955 : vector<16xf32>
      %mul3A_1957 = arith.mulf %mul3A_812, %get3A_1920 : vector<16xf32>
      %mul3A_1958 = arith.mulf %mul3A_816, %get3A_1924 : vector<16xf32>
      %add3A_1959 = arith.addf %mul3A_1957, %mul3A_1958 : vector<16xf32>
      %mul3A_1960 = arith.mulf %mul3A_820, %get3A_1928 : vector<16xf32>
      %add3A_1961 = arith.addf %add3A_1959, %mul3A_1960 : vector<16xf32>
      %max3A_1962 = arith.constant 0.000000e+00 : f32
      %max3A_1963 = vector.broadcast %max3A_1962 : f32 to vector<16xf32>
      %max3A_1964 = arith.maximumf %add3A_1961, %max3A_1963 : vector<16xf32>
      %get3A_1965 = arith.constant 16 : i32
      %get3A_1966 = arith.index_cast %get3A_1965 : i32 to index
      %get3A_1967 = arith.constant 32 : index
      %get3A_1968 = tpu.vector_load %arg11[%get3A_1966, %get3A_1967] {strides = array<i32>} : memref<50x128xf32, #tpu.memory_space<vmem>>, vector<16xf32>,
      %mul3A_1969 = arith.mulf %max3A_1964, %get3A_1968 : vector<16xf32>
      %add3A_1970 = arith.addf %add3A_1902, %mul3A_1969 : vector<16xf32>
      %mul3A_1971 = arith.mulf %mul3A_813, %get3A_1920 : vector<16xf32>
      %mul3A_1972 = arith.mulf %mul3A_817, %get3A_1924 : vector<16xf32>
      %add3A_1973 = arith.addf %mul3A_1971, %mul3A_1972 : vector<16xf32>
      %mul3A_1974 = arith.mulf %mul3A_821, %get3A_1928 : vector<16xf32>
      %add3A_1975 = arith.addf %add3A_1973, %mul3A_1974 : vector<16xf32>
      %max3A_1976 = arith.constant 0.000000e+00 : f32
      %max3A_1977 = vector.broadcast %max3A_1976 : f32 to vector<16xf32>
      %max3A_1978 = arith.maximumf %add3A_1975, %max3A_1977 : vector<16xf32>
      %get3A_1979 = arith.constant 16 : i32
      %get3A_1980 = arith.index_cast %get3A_1979 : i32 to index
      %get3A_1981 = arith.constant 48 : index
      %get3A_1982 = tpu.vector_load %arg11[%get3A_1980, %get3A_1981] {strides = array<i32>} : memref<50x128xf32, #tpu.memory_space<vmem>>, vector<16xf32>,
      %mul3A_1983 = arith.mulf %max3A_1978, %get3A_1982 : vector<16xf32>
      %add3A_1984 = arith.addf %add3A_1916, %mul3A_1983 : vector<16xf32>
      %get3A_1985 = arith.constant 17 : i32
      %get3A_1986 = arith.index_cast %get3A_1985 : i32 to index
      %get3A_1987 = arith.constant 64 : index
      %get3A_1988 = tpu.vector_load %arg11[%get3A_1986, %get3A_1987] {strides = array<i32>} : memref<50x128xf32, #tpu.memory_space<vmem>>, vector<16xf32>,
      %get3A_1989 = arith.constant 17 : i32
      %get3A_1990 = arith.index_cast %get3A_1989 : i32 to index
      %get3A_1991 = arith.constant 80 : index
      %get3A_1992 = tpu.vector_load %arg11[%get3A_1990, %get3A_1991] {strides = array<i32>} : memref<50x128xf32, #tpu.memory_space<vmem>>, vector<16xf32>,
      %get3A_1993 = arith.constant 17 : i32
      %get3A_1994 = arith.index_cast %get3A_1993 : i32 to index
      %get3A_1995 = arith.constant 96 : index
      %get3A_1996 = tpu.vector_load %arg11[%get3A_1994, %get3A_1995] {strides = array<i32>} : memref<50x128xf32, #tpu.memory_space<vmem>>, vector<16xf32>,
      %mul3A_1997 = arith.mulf %mul3A_810, %get3A_1988 : vector<16xf32>
      %mul3A_1998 = arith.mulf %mul3A_814, %get3A_1992 : vector<16xf32>
      %add3A_1999 = arith.addf %mul3A_1997, %mul3A_1998 : vector<16xf32>
      %mul3A_2000 = arith.mulf %mul3A_818, %get3A_1996 : vector<16xf32>
      %add3A_2001 = arith.addf %add3A_1999, %mul3A_2000 : vector<16xf32>
      %max3A_2002 = arith.constant 0.000000e+00 : f32
      %max3A_2003 = vector.broadcast %max3A_2002 : f32 to vector<16xf32>
      %max3A_2004 = arith.maximumf %add3A_2001, %max3A_2003 : vector<16xf32>
      %get3A_2005 = arith.constant 17 : i32
      %get3A_2006 = arith.index_cast %get3A_2005 : i32 to index
      %get3A_2007 = arith.constant 0 : index
      %get3A_2008 = tpu.vector_load %arg11[%get3A_2006, %get3A_2007] {strides = array<i32>} : memref<50x128xf32, #tpu.memory_space<vmem>>, vector<16xf32>,
      %mul3A_2009 = arith.mulf %max3A_2004, %get3A_2008 : vector<16xf32>
      %add3A_2010 = arith.addf %add3A_1942, %mul3A_2009 : vector<16xf32>
      %mul3A_2011 = arith.mulf %mul3A_811, %get3A_1988 : vector<16xf32>
      %mul3A_2012 = arith.mulf %mul3A_815, %get3A_1992 : vector<16xf32>
      %add3A_2013 = arith.addf %mul3A_2011, %mul3A_2012 : vector<16xf32>
      %mul3A_2014 = arith.mulf %mul3A_819, %get3A_1996 : vector<16xf32>
      %add3A_2015 = arith.addf %add3A_2013, %mul3A_2014 : vector<16xf32>
      %max3A_2016 = arith.constant 0.000000e+00 : f32
      %max3A_2017 = vector.broadcast %max3A_2016 : f32 to vector<16xf32>
      %max3A_2018 = arith.maximumf %add3A_2015, %max3A_2017 : vector<16xf32>
      %get3A_2019 = arith.constant 17 : i32
      %get3A_2020 = arith.index_cast %get3A_2019 : i32 to index
      %get3A_2021 = arith.constant 16 : index
      %get3A_2022 = tpu.vector_load %arg11[%get3A_2020, %get3A_2021] {strides = array<i32>} : memref<50x128xf32, #tpu.memory_space<vmem>>, vector<16xf32>,
      %mul3A_2023 = arith.mulf %max3A_2018, %get3A_2022 : vector<16xf32>
      %add3A_2024 = arith.addf %add3A_1956, %mul3A_2023 : vector<16xf32>
      %mul3A_2025 = arith.mulf %mul3A_812, %get3A_1988 : vector<16xf32>
      %mul3A_2026 = arith.mulf %mul3A_816, %get3A_1992 : vector<16xf32>
      %add3A_2027 = arith.addf %mul3A_2025, %mul3A_2026 : vector<16xf32>
      %mul3A_2028 = arith.mulf %mul3A_820, %get3A_1996 : vector<16xf32>
      %add3A_2029 = arith.addf %add3A_2027, %mul3A_2028 : vector<16xf32>
      %max3A_2030 = arith.constant 0.000000e+00 : f32
      %max3A_2031 = vector.broadcast %max3A_2030 : f32 to vector<16xf32>
      %max3A_2032 = arith.maximumf %add3A_2029, %max3A_2031 : vector<16xf32>
      %get3A_2033 = arith.constant 17 : i32
      %get3A_2034 = arith.index_cast %get3A_2033 : i32 to index
      %get3A_2035 = arith.constant 32 : index
      %get3A_2036 = tpu.vector_load %arg11[%get3A_2034, %get3A_2035] {strides = array<i32>} : memref<50x128xf32, #tpu.memory_space<vmem>>, vector<16xf32>,
      %mul3A_2037 = arith.mulf %max3A_2032, %get3A_2036 : vector<16xf32>
      %add3A_2038 = arith.addf %add3A_1970, %mul3A_2037 : vector<16xf32>
      %mul3A_2039 = arith.mulf %mul3A_813, %get3A_1988 : vector<16xf32>
      %mul3A_2040 = arith.mulf %mul3A_817, %get3A_1992 : vector<16xf32>
      %add3A_2041 = arith.addf %mul3A_2039, %mul3A_2040 : vector<16xf32>
      %mul3A_2042 = arith.mulf %mul3A_821, %get3A_1996 : vector<16xf32>
      %add3A_2043 = arith.addf %add3A_2041, %mul3A_2042 : vector<16xf32>
      %max3A_2044 = arith.constant 0.000000e+00 : f32
      %max3A_2045 = vector.broadcast %max3A_2044 : f32 to vector<16xf32>
      %max3A_2046 = arith.maximumf %add3A_2043, %max3A_2045 : vector<16xf32>
      %get3A_2047 = arith.constant 17 : i32
      %get3A_2048 = arith.index_cast %get3A_2047 : i32 to index
      %get3A_2049 = arith.constant 48 : index
      %get3A_2050 = tpu.vector_load %arg11[%get3A_2048, %get3A_2049] {strides = array<i32>} : memref<50x128xf32, #tpu.memory_space<vmem>>, vector<16xf32>,
      %mul3A_2051 = arith.mulf %max3A_2046, %get3A_2050 : vector<16xf32>
      %add3A_2052 = arith.addf %add3A_1984, %mul3A_2051 : vector<16xf32>
      %get3A_2053 = arith.constant 18 : i32
      %get3A_2054 = arith.index_cast %get3A_2053 : i32 to index
      %get3A_2055 = arith.constant 64 : index
      %get3A_2056 = tpu.vector_load %arg11[%get3A_2054, %get3A_2055] {strides = array<i32>} : memref<50x128xf32, #tpu.memory_space<vmem>>, vector<16xf32>,
      %get3A_2057 = arith.constant 18 : i32
      %get3A_2058 = arith.index_cast %get3A_2057 : i32 to index
      %get3A_2059 = arith.constant 80 : index
      %get3A_2060 = tpu.vector_load %arg11[%get3A_2058, %get3A_2059] {strides = array<i32>} : memref<50x128xf32, #tpu.memory_space<vmem>>, vector<16xf32>,
      %get3A_2061 = arith.constant 18 : i32
      %get3A_2062 = arith.index_cast %get3A_2061 : i32 to index
      %get3A_2063 = arith.constant 96 : index
      %get3A_2064 = tpu.vector_load %arg11[%get3A_2062, %get3A_2063] {strides = array<i32>} : memref<50x128xf32, #tpu.memory_space<vmem>>, vector<16xf32>,
      %mul3A_2065 = arith.mulf %mul3A_810, %get3A_2056 : vector<16xf32>
      %mul3A_2066 = arith.mulf %mul3A_814, %get3A_2060 : vector<16xf32>
      %add3A_2067 = arith.addf %mul3A_2065, %mul3A_2066 : vector<16xf32>
      %mul3A_2068 = arith.mulf %mul3A_818, %get3A_2064 : vector<16xf32>
      %add3A_2069 = arith.addf %add3A_2067, %mul3A_2068 : vector<16xf32>
      %max3A_2070 = arith.constant 0.000000e+00 : f32
      %max3A_2071 = vector.broadcast %max3A_2070 : f32 to vector<16xf32>
      %max3A_2072 = arith.maximumf %add3A_2069, %max3A_2071 : vector<16xf32>
      %get3A_2073 = arith.constant 18 : i32
      %get3A_2074 = arith.index_cast %get3A_2073 : i32 to index
      %get3A_2075 = arith.constant 0 : index
      %get3A_2076 = tpu.vector_load %arg11[%get3A_2074, %get3A_2075] {strides = array<i32>} : memref<50x128xf32, #tpu.memory_space<vmem>>, vector<16xf32>,
      %mul3A_2077 = arith.mulf %max3A_2072, %get3A_2076 : vector<16xf32>
      %add3A_2078 = arith.addf %add3A_2010, %mul3A_2077 : vector<16xf32>
      %mul3A_2079 = arith.mulf %mul3A_811, %get3A_2056 : vector<16xf32>
      %mul3A_2080 = arith.mulf %mul3A_815, %get3A_2060 : vector<16xf32>
      %add3A_2081 = arith.addf %mul3A_2079, %mul3A_2080 : vector<16xf32>
      %mul3A_2082 = arith.mulf %mul3A_819, %get3A_2064 : vector<16xf32>
      %add3A_2083 = arith.addf %add3A_2081, %mul3A_2082 : vector<16xf32>
      %max3A_2084 = arith.constant 0.000000e+00 : f32
      %max3A_2085 = vector.broadcast %max3A_2084 : f32 to vector<16xf32>
      %max3A_2086 = arith.maximumf %add3A_2083, %max3A_2085 : vector<16xf32>
      %get3A_2087 = arith.constant 18 : i32
      %get3A_2088 = arith.index_cast %get3A_2087 : i32 to index
      %get3A_2089 = arith.constant 16 : index
      %get3A_2090 = tpu.vector_load %arg11[%get3A_2088, %get3A_2089] {strides = array<i32>} : memref<50x128xf32, #tpu.memory_space<vmem>>, vector<16xf32>,
      %mul3A_2091 = arith.mulf %max3A_2086, %get3A_2090 : vector<16xf32>
      %add3A_2092 = arith.addf %add3A_2024, %mul3A_2091 : vector<16xf32>
      %mul3A_2093 = arith.mulf %mul3A_812, %get3A_2056 : vector<16xf32>
      %mul3A_2094 = arith.mulf %mul3A_816, %get3A_2060 : vector<16xf32>
      %add3A_2095 = arith.addf %mul3A_2093, %mul3A_2094 : vector<16xf32>
      %mul3A_2096 = arith.mulf %mul3A_820, %get3A_2064 : vector<16xf32>
      %add3A_2097 = arith.addf %add3A_2095, %mul3A_2096 : vector<16xf32>
      %max3A_2098 = arith.constant 0.000000e+00 : f32
      %max3A_2099 = vector.broadcast %max3A_2098 : f32 to vector<16xf32>
      %max3A_2100 = arith.maximumf %add3A_2097, %max3A_2099 : vector<16xf32>
      %get3A_2101 = arith.constant 18 : i32
      %get3A_2102 = arith.index_cast %get3A_2101 : i32 to index
      %get3A_2103 = arith.constant 32 : index
      %get3A_2104 = tpu.vector_load %arg11[%get3A_2102, %get3A_2103] {strides = array<i32>} : memref<50x128xf32, #tpu.memory_space<vmem>>, vector<16xf32>,
      %mul3A_2105 = arith.mulf %max3A_2100, %get3A_2104 : vector<16xf32>
      %add3A_2106 = arith.addf %add3A_2038, %mul3A_2105 : vector<16xf32>
      %mul3A_2107 = arith.mulf %mul3A_813, %get3A_2056 : vector<16xf32>
      %mul3A_2108 = arith.mulf %mul3A_817, %get3A_2060 : vector<16xf32>
      %add3A_2109 = arith.addf %mul3A_2107, %mul3A_2108 : vector<16xf32>
      %mul3A_2110 = arith.mulf %mul3A_821, %get3A_2064 : vector<16xf32>
      %add3A_2111 = arith.addf %add3A_2109, %mul3A_2110 : vector<16xf32>
      %max3A_2112 = arith.constant 0.000000e+00 : f32
      %max3A_2113 = vector.broadcast %max3A_2112 : f32 to vector<16xf32>
      %max3A_2114 = arith.maximumf %add3A_2111, %max3A_2113 : vector<16xf32>
      %get3A_2115 = arith.constant 18 : i32
      %get3A_2116 = arith.index_cast %get3A_2115 : i32 to index
      %get3A_2117 = arith.constant 48 : index
      %get3A_2118 = tpu.vector_load %arg11[%get3A_2116, %get3A_2117] {strides = array<i32>} : memref<50x128xf32, #tpu.memory_space<vmem>>, vector<16xf32>,
      %mul3A_2119 = arith.mulf %max3A_2114, %get3A_2118 : vector<16xf32>
      %add3A_2120 = arith.addf %add3A_2052, %mul3A_2119 : vector<16xf32>
      %get3A_2121 = arith.constant 19 : i32
      %get3A_2122 = arith.index_cast %get3A_2121 : i32 to index
      %get3A_2123 = arith.constant 64 : index
      %get3A_2124 = tpu.vector_load %arg11[%get3A_2122, %get3A_2123] {strides = array<i32>} : memref<50x128xf32, #tpu.memory_space<vmem>>, vector<16xf32>,
      %get3A_2125 = arith.constant 19 : i32
      %get3A_2126 = arith.index_cast %get3A_2125 : i32 to index
      %get3A_2127 = arith.constant 80 : index
      %get3A_2128 = tpu.vector_load %arg11[%get3A_2126, %get3A_2127] {strides = array<i32>} : memref<50x128xf32, #tpu.memory_space<vmem>>, vector<16xf32>,
      %get3A_2129 = arith.constant 19 : i32
      %get3A_2130 = arith.index_cast %get3A_2129 : i32 to index
      %get3A_2131 = arith.constant 96 : index
      %get3A_2132 = tpu.vector_load %arg11[%get3A_2130, %get3A_2131] {strides = array<i32>} : memref<50x128xf32, #tpu.memory_space<vmem>>, vector<16xf32>,
      %mul3A_2133 = arith.mulf %mul3A_810, %get3A_2124 : vector<16xf32>
      %mul3A_2134 = arith.mulf %mul3A_814, %get3A_2128 : vector<16xf32>
      %add3A_2135 = arith.addf %mul3A_2133, %mul3A_2134 : vector<16xf32>
      %mul3A_2136 = arith.mulf %mul3A_818, %get3A_2132 : vector<16xf32>
      %add3A_2137 = arith.addf %add3A_2135, %mul3A_2136 : vector<16xf32>
      %max3A_2138 = arith.constant 0.000000e+00 : f32
      %max3A_2139 = vector.broadcast %max3A_2138 : f32 to vector<16xf32>
      %max3A_2140 = arith.maximumf %add3A_2137, %max3A_2139 : vector<16xf32>
      %get3A_2141 = arith.constant 19 : i32
      %get3A_2142 = arith.index_cast %get3A_2141 : i32 to index
      %get3A_2143 = arith.constant 0 : index
      %get3A_2144 = tpu.vector_load %arg11[%get3A_2142, %get3A_2143] {strides = array<i32>} : memref<50x128xf32, #tpu.memory_space<vmem>>, vector<16xf32>,
      %mul3A_2145 = arith.mulf %max3A_2140, %get3A_2144 : vector<16xf32>
      %add3A_2146 = arith.addf %add3A_2078, %mul3A_2145 : vector<16xf32>
      %mul3A_2147 = arith.mulf %mul3A_811, %get3A_2124 : vector<16xf32>
      %mul3A_2148 = arith.mulf %mul3A_815, %get3A_2128 : vector<16xf32>
      %add3A_2149 = arith.addf %mul3A_2147, %mul3A_2148 : vector<16xf32>
      %mul3A_2150 = arith.mulf %mul3A_819, %get3A_2132 : vector<16xf32>
      %add3A_2151 = arith.addf %add3A_2149, %mul3A_2150 : vector<16xf32>
      %max3A_2152 = arith.constant 0.000000e+00 : f32
      %max3A_2153 = vector.broadcast %max3A_2152 : f32 to vector<16xf32>
      %max3A_2154 = arith.maximumf %add3A_2151, %max3A_2153 : vector<16xf32>
      %get3A_2155 = arith.constant 19 : i32
      %get3A_2156 = arith.index_cast %get3A_2155 : i32 to index
      %get3A_2157 = arith.constant 16 : index
      %get3A_2158 = tpu.vector_load %arg11[%get3A_2156, %get3A_2157] {strides = array<i32>} : memref<50x128xf32, #tpu.memory_space<vmem>>, vector<16xf32>,
      %mul3A_2159 = arith.mulf %max3A_2154, %get3A_2158 : vector<16xf32>
      %add3A_2160 = arith.addf %add3A_2092, %mul3A_2159 : vector<16xf32>
      %mul3A_2161 = arith.mulf %mul3A_812, %get3A_2124 : vector<16xf32>
      %mul3A_2162 = arith.mulf %mul3A_816, %get3A_2128 : vector<16xf32>
      %add3A_2163 = arith.addf %mul3A_2161, %mul3A_2162 : vector<16xf32>
      %mul3A_2164 = arith.mulf %mul3A_820, %get3A_2132 : vector<16xf32>
      %add3A_2165 = arith.addf %add3A_2163, %mul3A_2164 : vector<16xf32>
      %max3A_2166 = arith.constant 0.000000e+00 : f32
      %max3A_2167 = vector.broadcast %max3A_2166 : f32 to vector<16xf32>
      %max3A_2168 = arith.maximumf %add3A_2165, %max3A_2167 : vector<16xf32>
      %get3A_2169 = arith.constant 19 : i32
      %get3A_2170 = arith.index_cast %get3A_2169 : i32 to index
      %get3A_2171 = arith.constant 32 : index
      %get3A_2172 = tpu.vector_load %arg11[%get3A_2170, %get3A_2171] {strides = array<i32>} : memref<50x128xf32, #tpu.memory_space<vmem>>, vector<16xf32>,
      %mul3A_2173 = arith.mulf %max3A_2168, %get3A_2172 : vector<16xf32>
      %add3A_2174 = arith.addf %add3A_2106, %mul3A_2173 : vector<16xf32>
      %mul3A_2175 = arith.mulf %mul3A_813, %get3A_2124 : vector<16xf32>
      %mul3A_2176 = arith.mulf %mul3A_817, %get3A_2128 : vector<16xf32>
      %add3A_2177 = arith.addf %mul3A_2175, %mul3A_2176 : vector<16xf32>
      %mul3A_2178 = arith.mulf %mul3A_821, %get3A_2132 : vector<16xf32>
      %add3A_2179 = arith.addf %add3A_2177, %mul3A_2178 : vector<16xf32>
      %max3A_2180 = arith.constant 0.000000e+00 : f32
      %max3A_2181 = vector.broadcast %max3A_2180 : f32 to vector<16xf32>
      %max3A_2182 = arith.maximumf %add3A_2179, %max3A_2181 : vector<16xf32>
      %get3A_2183 = arith.constant 19 : i32
      %get3A_2184 = arith.index_cast %get3A_2183 : i32 to index
      %get3A_2185 = arith.constant 48 : index
      %get3A_2186 = tpu.vector_load %arg11[%get3A_2184, %get3A_2185] {strides = array<i32>} : memref<50x128xf32, #tpu.memory_space<vmem>>, vector<16xf32>,
      %mul3A_2187 = arith.mulf %max3A_2182, %get3A_2186 : vector<16xf32>
      %add3A_2188 = arith.addf %add3A_2120, %mul3A_2187 : vector<16xf32>
      %get3A_2189 = arith.constant 20 : i32
      %get3A_2190 = arith.index_cast %get3A_2189 : i32 to index
      %get3A_2191 = arith.constant 64 : index
      %get3A_2192 = tpu.vector_load %arg11[%get3A_2190, %get3A_2191] {strides = array<i32>} : memref<50x128xf32, #tpu.memory_space<vmem>>, vector<16xf32>,
      %get3A_2193 = arith.constant 20 : i32
      %get3A_2194 = arith.index_cast %get3A_2193 : i32 to index
      %get3A_2195 = arith.constant 80 : index
      %get3A_2196 = tpu.vector_load %arg11[%get3A_2194, %get3A_2195] {strides = array<i32>} : memref<50x128xf32, #tpu.memory_space<vmem>>, vector<16xf32>,
      %get3A_2197 = arith.constant 20 : i32
      %get3A_2198 = arith.index_cast %get3A_2197 : i32 to index
      %get3A_2199 = arith.constant 96 : index
      %get3A_2200 = tpu.vector_load %arg11[%get3A_2198, %get3A_2199] {strides = array<i32>} : memref<50x128xf32, #tpu.memory_space<vmem>>, vector<16xf32>,
      %mul3A_2201 = arith.mulf %mul3A_810, %get3A_2192 : vector<16xf32>
      %mul3A_2202 = arith.mulf %mul3A_814, %get3A_2196 : vector<16xf32>
      %add3A_2203 = arith.addf %mul3A_2201, %mul3A_2202 : vector<16xf32>
      %mul3A_2204 = arith.mulf %mul3A_818, %get3A_2200 : vector<16xf32>
      %add3A_2205 = arith.addf %add3A_2203, %mul3A_2204 : vector<16xf32>
      %max3A_2206 = arith.constant 0.000000e+00 : f32
      %max3A_2207 = vector.broadcast %max3A_2206 : f32 to vector<16xf32>
      %max3A_2208 = arith.maximumf %add3A_2205, %max3A_2207 : vector<16xf32>
      %get3A_2209 = arith.constant 20 : i32
      %get3A_2210 = arith.index_cast %get3A_2209 : i32 to index
      %get3A_2211 = arith.constant 0 : index
      %get3A_2212 = tpu.vector_load %arg11[%get3A_2210, %get3A_2211] {strides = array<i32>} : memref<50x128xf32, #tpu.memory_space<vmem>>, vector<16xf32>,
      %mul3A_2213 = arith.mulf %max3A_2208, %get3A_2212 : vector<16xf32>
      %add3A_2214 = arith.addf %add3A_2146, %mul3A_2213 : vector<16xf32>
      %mul3A_2215 = arith.mulf %mul3A_811, %get3A_2192 : vector<16xf32>
      %mul3A_2216 = arith.mulf %mul3A_815, %get3A_2196 : vector<16xf32>
      %add3A_2217 = arith.addf %mul3A_2215, %mul3A_2216 : vector<16xf32>
      %mul3A_2218 = arith.mulf %mul3A_819, %get3A_2200 : vector<16xf32>
      %add3A_2219 = arith.addf %add3A_2217, %mul3A_2218 : vector<16xf32>
      %max3A_2220 = arith.constant 0.000000e+00 : f32
      %max3A_2221 = vector.broadcast %max3A_2220 : f32 to vector<16xf32>
      %max3A_2222 = arith.maximumf %add3A_2219, %max3A_2221 : vector<16xf32>
      %get3A_2223 = arith.constant 20 : i32
      %get3A_2224 = arith.index_cast %get3A_2223 : i32 to index
      %get3A_2225 = arith.constant 16 : index
      %get3A_2226 = tpu.vector_load %arg11[%get3A_2224, %get3A_2225] {strides = array<i32>} : memref<50x128xf32, #tpu.memory_space<vmem>>, vector<16xf32>,
      %mul3A_2227 = arith.mulf %max3A_2222, %get3A_2226 : vector<16xf32>
      %add3A_2228 = arith.addf %add3A_2160, %mul3A_2227 : vector<16xf32>
      %mul3A_2229 = arith.mulf %mul3A_812, %get3A_2192 : vector<16xf32>
      %mul3A_2230 = arith.mulf %mul3A_816, %get3A_2196 : vector<16xf32>
      %add3A_2231 = arith.addf %mul3A_2229, %mul3A_2230 : vector<16xf32>
      %mul3A_2232 = arith.mulf %mul3A_820, %get3A_2200 : vector<16xf32>
      %add3A_2233 = arith.addf %add3A_2231, %mul3A_2232 : vector<16xf32>
      %max3A_2234 = arith.constant 0.000000e+00 : f32
      %max3A_2235 = vector.broadcast %max3A_2234 : f32 to vector<16xf32>
      %max3A_2236 = arith.maximumf %add3A_2233, %max3A_2235 : vector<16xf32>
      %get3A_2237 = arith.constant 20 : i32
      %get3A_2238 = arith.index_cast %get3A_2237 : i32 to index
      %get3A_2239 = arith.constant 32 : index
      %get3A_2240 = tpu.vector_load %arg11[%get3A_2238, %get3A_2239] {strides = array<i32>} : memref<50x128xf32, #tpu.memory_space<vmem>>, vector<16xf32>,
      %mul3A_2241 = arith.mulf %max3A_2236, %get3A_2240 : vector<16xf32>
      %add3A_2242 = arith.addf %add3A_2174, %mul3A_2241 : vector<16xf32>
      %mul3A_2243 = arith.mulf %mul3A_813, %get3A_2192 : vector<16xf32>
      %mul3A_2244 = arith.mulf %mul3A_817, %get3A_2196 : vector<16xf32>
      %add3A_2245 = arith.addf %mul3A_2243, %mul3A_2244 : vector<16xf32>
      %mul3A_2246 = arith.mulf %mul3A_821, %get3A_2200 : vector<16xf32>
      %add3A_2247 = arith.addf %add3A_2245, %mul3A_2246 : vector<16xf32>
      %max3A_2248 = arith.constant 0.000000e+00 : f32
      %max3A_2249 = vector.broadcast %max3A_2248 : f32 to vector<16xf32>
      %max3A_2250 = arith.maximumf %add3A_2247, %max3A_2249 : vector<16xf32>
      %get3A_2251 = arith.constant 20 : i32
      %get3A_2252 = arith.index_cast %get3A_2251 : i32 to index
      %get3A_2253 = arith.constant 48 : index
      %get3A_2254 = tpu.vector_load %arg11[%get3A_2252, %get3A_2253] {strides = array<i32>} : memref<50x128xf32, #tpu.memory_space<vmem>>, vector<16xf32>,
      %mul3A_2255 = arith.mulf %max3A_2250, %get3A_2254 : vector<16xf32>
      %add3A_2256 = arith.addf %add3A_2188, %mul3A_2255 : vector<16xf32>
      %get3A_2257 = arith.constant 21 : i32
      %get3A_2258 = arith.index_cast %get3A_2257 : i32 to index
      %get3A_2259 = arith.constant 64 : index
      %get3A_2260 = tpu.vector_load %arg11[%get3A_2258, %get3A_2259] {strides = array<i32>} : memref<50x128xf32, #tpu.memory_space<vmem>>, vector<16xf32>,
      %get3A_2261 = arith.constant 21 : i32
      %get3A_2262 = arith.index_cast %get3A_2261 : i32 to index
      %get3A_2263 = arith.constant 80 : index
      %get3A_2264 = tpu.vector_load %arg11[%get3A_2262, %get3A_2263] {strides = array<i32>} : memref<50x128xf32, #tpu.memory_space<vmem>>, vector<16xf32>,
      %get3A_2265 = arith.constant 21 : i32
      %get3A_2266 = arith.index_cast %get3A_2265 : i32 to index
      %get3A_2267 = arith.constant 96 : index
      %get3A_2268 = tpu.vector_load %arg11[%get3A_2266, %get3A_2267] {strides = array<i32>} : memref<50x128xf32, #tpu.memory_space<vmem>>, vector<16xf32>,
      %mul3A_2269 = arith.mulf %mul3A_810, %get3A_2260 : vector<16xf32>
      %mul3A_2270 = arith.mulf %mul3A_814, %get3A_2264 : vector<16xf32>
      %add3A_2271 = arith.addf %mul3A_2269, %mul3A_2270 : vector<16xf32>
      %mul3A_2272 = arith.mulf %mul3A_818, %get3A_2268 : vector<16xf32>
      %add3A_2273 = arith.addf %add3A_2271, %mul3A_2272 : vector<16xf32>
      %max3A_2274 = arith.constant 0.000000e+00 : f32
      %max3A_2275 = vector.broadcast %max3A_2274 : f32 to vector<16xf32>
      %max3A_2276 = arith.maximumf %add3A_2273, %max3A_2275 : vector<16xf32>
      %get3A_2277 = arith.constant 21 : i32
      %get3A_2278 = arith.index_cast %get3A_2277 : i32 to index
      %get3A_2279 = arith.constant 0 : index
      %get3A_2280 = tpu.vector_load %arg11[%get3A_2278, %get3A_2279] {strides = array<i32>} : memref<50x128xf32, #tpu.memory_space<vmem>>, vector<16xf32>,
      %mul3A_2281 = arith.mulf %max3A_2276, %get3A_2280 : vector<16xf32>
      %add3A_2282 = arith.addf %add3A_2214, %mul3A_2281 : vector<16xf32>
      %mul3A_2283 = arith.mulf %mul3A_811, %get3A_2260 : vector<16xf32>
      %mul3A_2284 = arith.mulf %mul3A_815, %get3A_2264 : vector<16xf32>
      %add3A_2285 = arith.addf %mul3A_2283, %mul3A_2284 : vector<16xf32>
      %mul3A_2286 = arith.mulf %mul3A_819, %get3A_2268 : vector<16xf32>
      %add3A_2287 = arith.addf %add3A_2285, %mul3A_2286 : vector<16xf32>
      %max3A_2288 = arith.constant 0.000000e+00 : f32
      %max3A_2289 = vector.broadcast %max3A_2288 : f32 to vector<16xf32>
      %max3A_2290 = arith.maximumf %add3A_2287, %max3A_2289 : vector<16xf32>
      %get3A_2291 = arith.constant 21 : i32
      %get3A_2292 = arith.index_cast %get3A_2291 : i32 to index
      %get3A_2293 = arith.constant 16 : index
      %get3A_2294 = tpu.vector_load %arg11[%get3A_2292, %get3A_2293] {strides = array<i32>} : memref<50x128xf32, #tpu.memory_space<vmem>>, vector<16xf32>,
      %mul3A_2295 = arith.mulf %max3A_2290, %get3A_2294 : vector<16xf32>
      %add3A_2296 = arith.addf %add3A_2228, %mul3A_2295 : vector<16xf32>
      %mul3A_2297 = arith.mulf %mul3A_812, %get3A_2260 : vector<16xf32>
      %mul3A_2298 = arith.mulf %mul3A_816, %get3A_2264 : vector<16xf32>
      %add3A_2299 = arith.addf %mul3A_2297, %mul3A_2298 : vector<16xf32>
      %mul3A_2300 = arith.mulf %mul3A_820, %get3A_2268 : vector<16xf32>
      %add3A_2301 = arith.addf %add3A_2299, %mul3A_2300 : vector<16xf32>
      %max3A_2302 = arith.constant 0.000000e+00 : f32
      %max3A_2303 = vector.broadcast %max3A_2302 : f32 to vector<16xf32>
      %max3A_2304 = arith.maximumf %add3A_2301, %max3A_2303 : vector<16xf32>
      %get3A_2305 = arith.constant 21 : i32
      %get3A_2306 = arith.index_cast %get3A_2305 : i32 to index
      %get3A_2307 = arith.constant 32 : index
      %get3A_2308 = tpu.vector_load %arg11[%get3A_2306, %get3A_2307] {strides = array<i32>} : memref<50x128xf32, #tpu.memory_space<vmem>>, vector<16xf32>,
      %mul3A_2309 = arith.mulf %max3A_2304, %get3A_2308 : vector<16xf32>
      %add3A_2310 = arith.addf %add3A_2242, %mul3A_2309 : vector<16xf32>
      %mul3A_2311 = arith.mulf %mul3A_813, %get3A_2260 : vector<16xf32>
      %mul3A_2312 = arith.mulf %mul3A_817, %get3A_2264 : vector<16xf32>
      %add3A_2313 = arith.addf %mul3A_2311, %mul3A_2312 : vector<16xf32>
      %mul3A_2314 = arith.mulf %mul3A_821, %get3A_2268 : vector<16xf32>
      %add3A_2315 = arith.addf %add3A_2313, %mul3A_2314 : vector<16xf32>
      %max3A_2316 = arith.constant 0.000000e+00 : f32
      %max3A_2317 = vector.broadcast %max3A_2316 : f32 to vector<16xf32>
      %max3A_2318 = arith.maximumf %add3A_2315, %max3A_2317 : vector<16xf32>
      %get3A_2319 = arith.constant 21 : i32
      %get3A_2320 = arith.index_cast %get3A_2319 : i32 to index
      %get3A_2321 = arith.constant 48 : index
      %get3A_2322 = tpu.vector_load %arg11[%get3A_2320, %get3A_2321] {strides = array<i32>} : memref<50x128xf32, #tpu.memory_space<vmem>>, vector<16xf32>,
      %mul3A_2323 = arith.mulf %max3A_2318, %get3A_2322 : vector<16xf32>
      %add3A_2324 = arith.addf %add3A_2256, %mul3A_2323 : vector<16xf32>
      %get3A_2325 = arith.constant 22 : i32
      %get3A_2326 = arith.index_cast %get3A_2325 : i32 to index
      %get3A_2327 = arith.constant 64 : index
      %get3A_2328 = tpu.vector_load %arg11[%get3A_2326, %get3A_2327] {strides = array<i32>} : memref<50x128xf32, #tpu.memory_space<vmem>>, vector<16xf32>,
      %get3A_2329 = arith.constant 22 : i32
      %get3A_2330 = arith.index_cast %get3A_2329 : i32 to index
      %get3A_2331 = arith.constant 80 : index
      %get3A_2332 = tpu.vector_load %arg11[%get3A_2330, %get3A_2331] {strides = array<i32>} : memref<50x128xf32, #tpu.memory_space<vmem>>, vector<16xf32>,
      %get3A_2333 = arith.constant 22 : i32
      %get3A_2334 = arith.index_cast %get3A_2333 : i32 to index
      %get3A_2335 = arith.constant 96 : index
      %get3A_2336 = tpu.vector_load %arg11[%get3A_2334, %get3A_2335] {strides = array<i32>} : memref<50x128xf32, #tpu.memory_space<vmem>>, vector<16xf32>,
      %mul3A_2337 = arith.mulf %mul3A_810, %get3A_2328 : vector<16xf32>
      %mul3A_2338 = arith.mulf %mul3A_814, %get3A_2332 : vector<16xf32>
      %add3A_2339 = arith.addf %mul3A_2337, %mul3A_2338 : vector<16xf32>
      %mul3A_2340 = arith.mulf %mul3A_818, %get3A_2336 : vector<16xf32>
      %add3A_2341 = arith.addf %add3A_2339, %mul3A_2340 : vector<16xf32>
      %max3A_2342 = arith.constant 0.000000e+00 : f32
      %max3A_2343 = vector.broadcast %max3A_2342 : f32 to vector<16xf32>
      %max3A_2344 = arith.maximumf %add3A_2341, %max3A_2343 : vector<16xf32>
      %get3A_2345 = arith.constant 22 : i32
      %get3A_2346 = arith.index_cast %get3A_2345 : i32 to index
      %get3A_2347 = arith.constant 0 : index
      %get3A_2348 = tpu.vector_load %arg11[%get3A_2346, %get3A_2347] {strides = array<i32>} : memref<50x128xf32, #tpu.memory_space<vmem>>, vector<16xf32>,
      %mul3A_2349 = arith.mulf %max3A_2344, %get3A_2348 : vector<16xf32>
      %add3A_2350 = arith.addf %add3A_2282, %mul3A_2349 : vector<16xf32>
      %mul3A_2351 = arith.mulf %mul3A_811, %get3A_2328 : vector<16xf32>
      %mul3A_2352 = arith.mulf %mul3A_815, %get3A_2332 : vector<16xf32>
      %add3A_2353 = arith.addf %mul3A_2351, %mul3A_2352 : vector<16xf32>
      %mul3A_2354 = arith.mulf %mul3A_819, %get3A_2336 : vector<16xf32>
      %add3A_2355 = arith.addf %add3A_2353, %mul3A_2354 : vector<16xf32>
      %max3A_2356 = arith.constant 0.000000e+00 : f32
      %max3A_2357 = vector.broadcast %max3A_2356 : f32 to vector<16xf32>
      %max3A_2358 = arith.maximumf %add3A_2355, %max3A_2357 : vector<16xf32>
      %get3A_2359 = arith.constant 22 : i32
      %get3A_2360 = arith.index_cast %get3A_2359 : i32 to index
      %get3A_2361 = arith.constant 16 : index
      %get3A_2362 = tpu.vector_load %arg11[%get3A_2360, %get3A_2361] {strides = array<i32>} : memref<50x128xf32, #tpu.memory_space<vmem>>, vector<16xf32>,
      %mul3A_2363 = arith.mulf %max3A_2358, %get3A_2362 : vector<16xf32>
      %add3A_2364 = arith.addf %add3A_2296, %mul3A_2363 : vector<16xf32>
      %mul3A_2365 = arith.mulf %mul3A_812, %get3A_2328 : vector<16xf32>
      %mul3A_2366 = arith.mulf %mul3A_816, %get3A_2332 : vector<16xf32>
      %add3A_2367 = arith.addf %mul3A_2365, %mul3A_2366 : vector<16xf32>
      %mul3A_2368 = arith.mulf %mul3A_820, %get3A_2336 : vector<16xf32>
      %add3A_2369 = arith.addf %add3A_2367, %mul3A_2368 : vector<16xf32>
      %max3A_2370 = arith.constant 0.000000e+00 : f32
      %max3A_2371 = vector.broadcast %max3A_2370 : f32 to vector<16xf32>
      %max3A_2372 = arith.maximumf %add3A_2369, %max3A_2371 : vector<16xf32>
      %get3A_2373 = arith.constant 22 : i32
      %get3A_2374 = arith.index_cast %get3A_2373 : i32 to index
      %get3A_2375 = arith.constant 32 : index
      %get3A_2376 = tpu.vector_load %arg11[%get3A_2374, %get3A_2375] {strides = array<i32>} : memref<50x128xf32, #tpu.memory_space<vmem>>, vector<16xf32>,
      %mul3A_2377 = arith.mulf %max3A_2372, %get3A_2376 : vector<16xf32>
      %add3A_2378 = arith.addf %add3A_2310, %mul3A_2377 : vector<16xf32>
      %mul3A_2379 = arith.mulf %mul3A_813, %get3A_2328 : vector<16xf32>
      %mul3A_2380 = arith.mulf %mul3A_817, %get3A_2332 : vector<16xf32>
      %add3A_2381 = arith.addf %mul3A_2379, %mul3A_2380 : vector<16xf32>
      %mul3A_2382 = arith.mulf %mul3A_821, %get3A_2336 : vector<16xf32>
      %add3A_2383 = arith.addf %add3A_2381, %mul3A_2382 : vector<16xf32>
      %max3A_2384 = arith.constant 0.000000e+00 : f32
      %max3A_2385 = vector.broadcast %max3A_2384 : f32 to vector<16xf32>
      %max3A_2386 = arith.maximumf %add3A_2383, %max3A_2385 : vector<16xf32>
      %get3A_2387 = arith.constant 22 : i32
      %get3A_2388 = arith.index_cast %get3A_2387 : i32 to index
      %get3A_2389 = arith.constant 48 : index
      %get3A_2390 = tpu.vector_load %arg11[%get3A_2388, %get3A_2389] {strides = array<i32>} : memref<50x128xf32, #tpu.memory_space<vmem>>, vector<16xf32>,
      %mul3A_2391 = arith.mulf %max3A_2386, %get3A_2390 : vector<16xf32>
      %add3A_2392 = arith.addf %add3A_2324, %mul3A_2391 : vector<16xf32>
      %get3A_2393 = arith.constant 23 : i32
      %get3A_2394 = arith.index_cast %get3A_2393 : i32 to index
      %get3A_2395 = arith.constant 64 : index
      %get3A_2396 = tpu.vector_load %arg11[%get3A_2394, %get3A_2395] {strides = array<i32>} : memref<50x128xf32, #tpu.memory_space<vmem>>, vector<16xf32>,
      %get3A_2397 = arith.constant 23 : i32
      %get3A_2398 = arith.index_cast %get3A_2397 : i32 to index
      %get3A_2399 = arith.constant 80 : index
      %get3A_2400 = tpu.vector_load %arg11[%get3A_2398, %get3A_2399] {strides = array<i32>} : memref<50x128xf32, #tpu.memory_space<vmem>>, vector<16xf32>,
      %get3A_2401 = arith.constant 23 : i32
      %get3A_2402 = arith.index_cast %get3A_2401 : i32 to index
      %get3A_2403 = arith.constant 96 : index
      %get3A_2404 = tpu.vector_load %arg11[%get3A_2402, %get3A_2403] {strides = array<i32>} : memref<50x128xf32, #tpu.memory_space<vmem>>, vector<16xf32>,
      %mul3A_2405 = arith.mulf %mul3A_810, %get3A_2396 : vector<16xf32>
      %mul3A_2406 = arith.mulf %mul3A_814, %get3A_2400 : vector<16xf32>
      %add3A_2407 = arith.addf %mul3A_2405, %mul3A_2406 : vector<16xf32>
      %mul3A_2408 = arith.mulf %mul3A_818, %get3A_2404 : vector<16xf32>
      %add3A_2409 = arith.addf %add3A_2407, %mul3A_2408 : vector<16xf32>
      %max3A_2410 = arith.constant 0.000000e+00 : f32
      %max3A_2411 = vector.broadcast %max3A_2410 : f32 to vector<16xf32>
      %max3A_2412 = arith.maximumf %add3A_2409, %max3A_2411 : vector<16xf32>
      %get3A_2413 = arith.constant 23 : i32
      %get3A_2414 = arith.index_cast %get3A_2413 : i32 to index
      %get3A_2415 = arith.constant 0 : index
      %get3A_2416 = tpu.vector_load %arg11[%get3A_2414, %get3A_2415] {strides = array<i32>} : memref<50x128xf32, #tpu.memory_space<vmem>>, vector<16xf32>,
      %mul3A_2417 = arith.mulf %max3A_2412, %get3A_2416 : vector<16xf32>
      %add3A_2418 = arith.addf %add3A_2350, %mul3A_2417 : vector<16xf32>
      %mul3A_2419 = arith.mulf %mul3A_811, %get3A_2396 : vector<16xf32>
      %mul3A_2420 = arith.mulf %mul3A_815, %get3A_2400 : vector<16xf32>
      %add3A_2421 = arith.addf %mul3A_2419, %mul3A_2420 : vector<16xf32>
      %mul3A_2422 = arith.mulf %mul3A_819, %get3A_2404 : vector<16xf32>
      %add3A_2423 = arith.addf %add3A_2421, %mul3A_2422 : vector<16xf32>
      %max3A_2424 = arith.constant 0.000000e+00 : f32
      %max3A_2425 = vector.broadcast %max3A_2424 : f32 to vector<16xf32>
      %max3A_2426 = arith.maximumf %add3A_2423, %max3A_2425 : vector<16xf32>
      %get3A_2427 = arith.constant 23 : i32
      %get3A_2428 = arith.index_cast %get3A_2427 : i32 to index
      %get3A_2429 = arith.constant 16 : index
      %get3A_2430 = tpu.vector_load %arg11[%get3A_2428, %get3A_2429] {strides = array<i32>} : memref<50x128xf32, #tpu.memory_space<vmem>>, vector<16xf32>,
      %mul3A_2431 = arith.mulf %max3A_2426, %get3A_2430 : vector<16xf32>
      %add3A_2432 = arith.addf %add3A_2364, %mul3A_2431 : vector<16xf32>
      %mul3A_2433 = arith.mulf %mul3A_812, %get3A_2396 : vector<16xf32>
      %mul3A_2434 = arith.mulf %mul3A_816, %get3A_2400 : vector<16xf32>
      %add3A_2435 = arith.addf %mul3A_2433, %mul3A_2434 : vector<16xf32>
      %mul3A_2436 = arith.mulf %mul3A_820, %get3A_2404 : vector<16xf32>
      %add3A_2437 = arith.addf %add3A_2435, %mul3A_2436 : vector<16xf32>
      %max3A_2438 = arith.constant 0.000000e+00 : f32
      %max3A_2439 = vector.broadcast %max3A_2438 : f32 to vector<16xf32>
      %max3A_2440 = arith.maximumf %add3A_2437, %max3A_2439 : vector<16xf32>
      %get3A_2441 = arith.constant 23 : i32
      %get3A_2442 = arith.index_cast %get3A_2441 : i32 to index
      %get3A_2443 = arith.constant 32 : index
      %get3A_2444 = tpu.vector_load %arg11[%get3A_2442, %get3A_2443] {strides = array<i32>} : memref<50x128xf32, #tpu.memory_space<vmem>>, vector<16xf32>,
      %mul3A_2445 = arith.mulf %max3A_2440, %get3A_2444 : vector<16xf32>
      %add3A_2446 = arith.addf %add3A_2378, %mul3A_2445 : vector<16xf32>
      %mul3A_2447 = arith.mulf %mul3A_813, %get3A_2396 : vector<16xf32>
      %mul3A_2448 = arith.mulf %mul3A_817, %get3A_2400 : vector<16xf32>
      %add3A_2449 = arith.addf %mul3A_2447, %mul3A_2448 : vector<16xf32>
      %mul3A_2450 = arith.mulf %mul3A_821, %get3A_2404 : vector<16xf32>
      %add3A_2451 = arith.addf %add3A_2449, %mul3A_2450 : vector<16xf32>
      %max3A_2452 = arith.constant 0.000000e+00 : f32
      %max3A_2453 = vector.broadcast %max3A_2452 : f32 to vector<16xf32>
      %max3A_2454 = arith.maximumf %add3A_2451, %max3A_2453 : vector<16xf32>
      %get3A_2455 = arith.constant 23 : i32
      %get3A_2456 = arith.index_cast %get3A_2455 : i32 to index
      %get3A_2457 = arith.constant 48 : index
      %get3A_2458 = tpu.vector_load %arg11[%get3A_2456, %get3A_2457] {strides = array<i32>} : memref<50x128xf32, #tpu.memory_space<vmem>>, vector<16xf32>,
      %mul3A_2459 = arith.mulf %max3A_2454, %get3A_2458 : vector<16xf32>
      %add3A_2460 = arith.addf %add3A_2392, %mul3A_2459 : vector<16xf32>
      %get3A_2461 = arith.constant 24 : i32
      %get3A_2462 = arith.index_cast %get3A_2461 : i32 to index
      %get3A_2463 = arith.constant 64 : index
      %get3A_2464 = tpu.vector_load %arg11[%get3A_2462, %get3A_2463] {strides = array<i32>} : memref<50x128xf32, #tpu.memory_space<vmem>>, vector<16xf32>,
      %get3A_2465 = arith.constant 24 : i32
      %get3A_2466 = arith.index_cast %get3A_2465 : i32 to index
      %get3A_2467 = arith.constant 80 : index
      %get3A_2468 = tpu.vector_load %arg11[%get3A_2466, %get3A_2467] {strides = array<i32>} : memref<50x128xf32, #tpu.memory_space<vmem>>, vector<16xf32>,
      %get3A_2469 = arith.constant 24 : i32
      %get3A_2470 = arith.index_cast %get3A_2469 : i32 to index
      %get3A_2471 = arith.constant 96 : index
      %get3A_2472 = tpu.vector_load %arg11[%get3A_2470, %get3A_2471] {strides = array<i32>} : memref<50x128xf32, #tpu.memory_space<vmem>>, vector<16xf32>,
      %mul3A_2473 = arith.mulf %mul3A_810, %get3A_2464 : vector<16xf32>
      %mul3A_2474 = arith.mulf %mul3A_814, %get3A_2468 : vector<16xf32>
      %add3A_2475 = arith.addf %mul3A_2473, %mul3A_2474 : vector<16xf32>
      %mul3A_2476 = arith.mulf %mul3A_818, %get3A_2472 : vector<16xf32>
      %add3A_2477 = arith.addf %add3A_2475, %mul3A_2476 : vector<16xf32>
      %max3A_2478 = arith.constant 0.000000e+00 : f32
      %max3A_2479 = vector.broadcast %max3A_2478 : f32 to vector<16xf32>
      %max3A_2480 = arith.maximumf %add3A_2477, %max3A_2479 : vector<16xf32>
      %get3A_2481 = arith.constant 24 : i32
      %get3A_2482 = arith.index_cast %get3A_2481 : i32 to index
      %get3A_2483 = arith.constant 0 : index
      %get3A_2484 = tpu.vector_load %arg11[%get3A_2482, %get3A_2483] {strides = array<i32>} : memref<50x128xf32, #tpu.memory_space<vmem>>, vector<16xf32>,
      %mul3A_2485 = arith.mulf %max3A_2480, %get3A_2484 : vector<16xf32>
      %add3A_2486 = arith.addf %add3A_2418, %mul3A_2485 : vector<16xf32>
      %mul3A_2487 = arith.mulf %mul3A_811, %get3A_2464 : vector<16xf32>
      %mul3A_2488 = arith.mulf %mul3A_815, %get3A_2468 : vector<16xf32>
      %add3A_2489 = arith.addf %mul3A_2487, %mul3A_2488 : vector<16xf32>
      %mul3A_2490 = arith.mulf %mul3A_819, %get3A_2472 : vector<16xf32>
      %add3A_2491 = arith.addf %add3A_2489, %mul3A_2490 : vector<16xf32>
      %max3A_2492 = arith.constant 0.000000e+00 : f32
      %max3A_2493 = vector.broadcast %max3A_2492 : f32 to vector<16xf32>
      %max3A_2494 = arith.maximumf %add3A_2491, %max3A_2493 : vector<16xf32>
      %get3A_2495 = arith.constant 24 : i32
      %get3A_2496 = arith.index_cast %get3A_2495 : i32 to index
      %get3A_2497 = arith.constant 16 : index
      %get3A_2498 = tpu.vector_load %arg11[%get3A_2496, %get3A_2497] {strides = array<i32>} : memref<50x128xf32, #tpu.memory_space<vmem>>, vector<16xf32>,
      %mul3A_2499 = arith.mulf %max3A_2494, %get3A_2498 : vector<16xf32>
      %add3A_2500 = arith.addf %add3A_2432, %mul3A_2499 : vector<16xf32>
      %mul3A_2501 = arith.mulf %mul3A_812, %get3A_2464 : vector<16xf32>
      %mul3A_2502 = arith.mulf %mul3A_816, %get3A_2468 : vector<16xf32>
      %add3A_2503 = arith.addf %mul3A_2501, %mul3A_2502 : vector<16xf32>
      %mul3A_2504 = arith.mulf %mul3A_820, %get3A_2472 : vector<16xf32>
      %add3A_2505 = arith.addf %add3A_2503, %mul3A_2504 : vector<16xf32>
      %max3A_2506 = arith.constant 0.000000e+00 : f32
      %max3A_2507 = vector.broadcast %max3A_2506 : f32 to vector<16xf32>
      %max3A_2508 = arith.maximumf %add3A_2505, %max3A_2507 : vector<16xf32>
      %get3A_2509 = arith.constant 24 : i32
      %get3A_2510 = arith.index_cast %get3A_2509 : i32 to index
      %get3A_2511 = arith.constant 32 : index
      %get3A_2512 = tpu.vector_load %arg11[%get3A_2510, %get3A_2511] {strides = array<i32>} : memref<50x128xf32, #tpu.memory_space<vmem>>, vector<16xf32>,
      %mul3A_2513 = arith.mulf %max3A_2508, %get3A_2512 : vector<16xf32>
      %add3A_2514 = arith.addf %add3A_2446, %mul3A_2513 : vector<16xf32>
      %mul3A_2515 = arith.mulf %mul3A_813, %get3A_2464 : vector<16xf32>
      %mul3A_2516 = arith.mulf %mul3A_817, %get3A_2468 : vector<16xf32>
      %add3A_2517 = arith.addf %mul3A_2515, %mul3A_2516 : vector<16xf32>
      %mul3A_2518 = arith.mulf %mul3A_821, %get3A_2472 : vector<16xf32>
      %add3A_2519 = arith.addf %add3A_2517, %mul3A_2518 : vector<16xf32>
      %max3A_2520 = arith.constant 0.000000e+00 : f32
      %max3A_2521 = vector.broadcast %max3A_2520 : f32 to vector<16xf32>
      %max3A_2522 = arith.maximumf %add3A_2519, %max3A_2521 : vector<16xf32>
      %get3A_2523 = arith.constant 24 : i32
      %get3A_2524 = arith.index_cast %get3A_2523 : i32 to index
      %get3A_2525 = arith.constant 48 : index
      %get3A_2526 = tpu.vector_load %arg11[%get3A_2524, %get3A_2525] {strides = array<i32>} : memref<50x128xf32, #tpu.memory_space<vmem>>, vector<16xf32>,
      %mul3A_2527 = arith.mulf %max3A_2522, %get3A_2526 : vector<16xf32>
      %add3A_2528 = arith.addf %add3A_2460, %mul3A_2527 : vector<16xf32>
      %get3A_2529 = arith.constant 25 : i32
      %get3A_2530 = arith.index_cast %get3A_2529 : i32 to index
      %get3A_2531 = arith.constant 64 : index
      %get3A_2532 = tpu.vector_load %arg11[%get3A_2530, %get3A_2531] {strides = array<i32>} : memref<50x128xf32, #tpu.memory_space<vmem>>, vector<16xf32>,
      %get3A_2533 = arith.constant 25 : i32
      %get3A_2534 = arith.index_cast %get3A_2533 : i32 to index
      %get3A_2535 = arith.constant 80 : index
      %get3A_2536 = tpu.vector_load %arg11[%get3A_2534, %get3A_2535] {strides = array<i32>} : memref<50x128xf32, #tpu.memory_space<vmem>>, vector<16xf32>,
      %get3A_2537 = arith.constant 25 : i32
      %get3A_2538 = arith.index_cast %get3A_2537 : i32 to index
      %get3A_2539 = arith.constant 96 : index
      %get3A_2540 = tpu.vector_load %arg11[%get3A_2538, %get3A_2539] {strides = array<i32>} : memref<50x128xf32, #tpu.memory_space<vmem>>, vector<16xf32>,
      %mul3A_2541 = arith.mulf %mul3A_810, %get3A_2532 : vector<16xf32>
      %mul3A_2542 = arith.mulf %mul3A_814, %get3A_2536 : vector<16xf32>
      %add3A_2543 = arith.addf %mul3A_2541, %mul3A_2542 : vector<16xf32>
      %mul3A_2544 = arith.mulf %mul3A_818, %get3A_2540 : vector<16xf32>
      %add3A_2545 = arith.addf %add3A_2543, %mul3A_2544 : vector<16xf32>
      %max3A_2546 = arith.constant 0.000000e+00 : f32
      %max3A_2547 = vector.broadcast %max3A_2546 : f32 to vector<16xf32>
      %max3A_2548 = arith.maximumf %add3A_2545, %max3A_2547 : vector<16xf32>
      %get3A_2549 = arith.constant 25 : i32
      %get3A_2550 = arith.index_cast %get3A_2549 : i32 to index
      %get3A_2551 = arith.constant 0 : index
      %get3A_2552 = tpu.vector_load %arg11[%get3A_2550, %get3A_2551] {strides = array<i32>} : memref<50x128xf32, #tpu.memory_space<vmem>>, vector<16xf32>,
      %mul3A_2553 = arith.mulf %max3A_2548, %get3A_2552 : vector<16xf32>
      %add3A_2554 = arith.addf %add3A_2486, %mul3A_2553 : vector<16xf32>
      %mul3A_2555 = arith.mulf %mul3A_811, %get3A_2532 : vector<16xf32>
      %mul3A_2556 = arith.mulf %mul3A_815, %get3A_2536 : vector<16xf32>
      %add3A_2557 = arith.addf %mul3A_2555, %mul3A_2556 : vector<16xf32>
      %mul3A_2558 = arith.mulf %mul3A_819, %get3A_2540 : vector<16xf32>
      %add3A_2559 = arith.addf %add3A_2557, %mul3A_2558 : vector<16xf32>
      %max3A_2560 = arith.constant 0.000000e+00 : f32
      %max3A_2561 = vector.broadcast %max3A_2560 : f32 to vector<16xf32>
      %max3A_2562 = arith.maximumf %add3A_2559, %max3A_2561 : vector<16xf32>
      %get3A_2563 = arith.constant 25 : i32
      %get3A_2564 = arith.index_cast %get3A_2563 : i32 to index
      %get3A_2565 = arith.constant 16 : index
      %get3A_2566 = tpu.vector_load %arg11[%get3A_2564, %get3A_2565] {strides = array<i32>} : memref<50x128xf32, #tpu.memory_space<vmem>>, vector<16xf32>,
      %mul3A_2567 = arith.mulf %max3A_2562, %get3A_2566 : vector<16xf32>
      %add3A_2568 = arith.addf %add3A_2500, %mul3A_2567 : vector<16xf32>
      %mul3A_2569 = arith.mulf %mul3A_812, %get3A_2532 : vector<16xf32>
      %mul3A_2570 = arith.mulf %mul3A_816, %get3A_2536 : vector<16xf32>
      %add3A_2571 = arith.addf %mul3A_2569, %mul3A_2570 : vector<16xf32>
      %mul3A_2572 = arith.mulf %mul3A_820, %get3A_2540 : vector<16xf32>
      %add3A_2573 = arith.addf %add3A_2571, %mul3A_2572 : vector<16xf32>
      %max3A_2574 = arith.constant 0.000000e+00 : f32
      %max3A_2575 = vector.broadcast %max3A_2574 : f32 to vector<16xf32>
      %max3A_2576 = arith.maximumf %add3A_2573, %max3A_2575 : vector<16xf32>
      %get3A_2577 = arith.constant 25 : i32
      %get3A_2578 = arith.index_cast %get3A_2577 : i32 to index
      %get3A_2579 = arith.constant 32 : index
      %get3A_2580 = tpu.vector_load %arg11[%get3A_2578, %get3A_2579] {strides = array<i32>} : memref<50x128xf32, #tpu.memory_space<vmem>>, vector<16xf32>,
      %mul3A_2581 = arith.mulf %max3A_2576, %get3A_2580 : vector<16xf32>
      %add3A_2582 = arith.addf %add3A_2514, %mul3A_2581 : vector<16xf32>
      %mul3A_2583 = arith.mulf %mul3A_813, %get3A_2532 : vector<16xf32>
      %mul3A_2584 = arith.mulf %mul3A_817, %get3A_2536 : vector<16xf32>
      %add3A_2585 = arith.addf %mul3A_2583, %mul3A_2584 : vector<16xf32>
      %mul3A_2586 = arith.mulf %mul3A_821, %get3A_2540 : vector<16xf32>
      %add3A_2587 = arith.addf %add3A_2585, %mul3A_2586 : vector<16xf32>
      %max3A_2588 = arith.constant 0.000000e+00 : f32
      %max3A_2589 = vector.broadcast %max3A_2588 : f32 to vector<16xf32>
      %max3A_2590 = arith.maximumf %add3A_2587, %max3A_2589 : vector<16xf32>
      %get3A_2591 = arith.constant 25 : i32
      %get3A_2592 = arith.index_cast %get3A_2591 : i32 to index
      %get3A_2593 = arith.constant 48 : index
      %get3A_2594 = tpu.vector_load %arg11[%get3A_2592, %get3A_2593] {strides = array<i32>} : memref<50x128xf32, #tpu.memory_space<vmem>>, vector<16xf32>,
      %mul3A_2595 = arith.mulf %max3A_2590, %get3A_2594 : vector<16xf32>
      %add3A_2596 = arith.addf %add3A_2528, %mul3A_2595 : vector<16xf32>
      %get3A_2597 = arith.constant 26 : i32
      %get3A_2598 = arith.index_cast %get3A_2597 : i32 to index
      %get3A_2599 = arith.constant 64 : index
      %get3A_2600 = tpu.vector_load %arg11[%get3A_2598, %get3A_2599] {strides = array<i32>} : memref<50x128xf32, #tpu.memory_space<vmem>>, vector<16xf32>,
      %get3A_2601 = arith.constant 26 : i32
      %get3A_2602 = arith.index_cast %get3A_2601 : i32 to index
      %get3A_2603 = arith.constant 80 : index
      %get3A_2604 = tpu.vector_load %arg11[%get3A_2602, %get3A_2603] {strides = array<i32>} : memref<50x128xf32, #tpu.memory_space<vmem>>, vector<16xf32>,
      %get3A_2605 = arith.constant 26 : i32
      %get3A_2606 = arith.index_cast %get3A_2605 : i32 to index
      %get3A_2607 = arith.constant 96 : index
      %get3A_2608 = tpu.vector_load %arg11[%get3A_2606, %get3A_2607] {strides = array<i32>} : memref<50x128xf32, #tpu.memory_space<vmem>>, vector<16xf32>,
      %mul3A_2609 = arith.mulf %mul3A_810, %get3A_2600 : vector<16xf32>
      %mul3A_2610 = arith.mulf %mul3A_814, %get3A_2604 : vector<16xf32>
      %add3A_2611 = arith.addf %mul3A_2609, %mul3A_2610 : vector<16xf32>
      %mul3A_2612 = arith.mulf %mul3A_818, %get3A_2608 : vector<16xf32>
      %add3A_2613 = arith.addf %add3A_2611, %mul3A_2612 : vector<16xf32>
      %max3A_2614 = arith.constant 0.000000e+00 : f32
      %max3A_2615 = vector.broadcast %max3A_2614 : f32 to vector<16xf32>
      %max3A_2616 = arith.maximumf %add3A_2613, %max3A_2615 : vector<16xf32>
      %get3A_2617 = arith.constant 26 : i32
      %get3A_2618 = arith.index_cast %get3A_2617 : i32 to index
      %get3A_2619 = arith.constant 0 : index
      %get3A_2620 = tpu.vector_load %arg11[%get3A_2618, %get3A_2619] {strides = array<i32>} : memref<50x128xf32, #tpu.memory_space<vmem>>, vector<16xf32>,
      %mul3A_2621 = arith.mulf %max3A_2616, %get3A_2620 : vector<16xf32>
      %add3A_2622 = arith.addf %add3A_2554, %mul3A_2621 : vector<16xf32>
      %mul3A_2623 = arith.mulf %mul3A_811, %get3A_2600 : vector<16xf32>
      %mul3A_2624 = arith.mulf %mul3A_815, %get3A_2604 : vector<16xf32>
      %add3A_2625 = arith.addf %mul3A_2623, %mul3A_2624 : vector<16xf32>
      %mul3A_2626 = arith.mulf %mul3A_819, %get3A_2608 : vector<16xf32>
      %add3A_2627 = arith.addf %add3A_2625, %mul3A_2626 : vector<16xf32>
      %max3A_2628 = arith.constant 0.000000e+00 : f32
      %max3A_2629 = vector.broadcast %max3A_2628 : f32 to vector<16xf32>
      %max3A_2630 = arith.maximumf %add3A_2627, %max3A_2629 : vector<16xf32>
      %get3A_2631 = arith.constant 26 : i32
      %get3A_2632 = arith.index_cast %get3A_2631 : i32 to index
      %get3A_2633 = arith.constant 16 : index
      %get3A_2634 = tpu.vector_load %arg11[%get3A_2632, %get3A_2633] {strides = array<i32>} : memref<50x128xf32, #tpu.memory_space<vmem>>, vector<16xf32>,
      %mul3A_2635 = arith.mulf %max3A_2630, %get3A_2634 : vector<16xf32>
      %add3A_2636 = arith.addf %add3A_2568, %mul3A_2635 : vector<16xf32>
      %mul3A_2637 = arith.mulf %mul3A_812, %get3A_2600 : vector<16xf32>
      %mul3A_2638 = arith.mulf %mul3A_816, %get3A_2604 : vector<16xf32>
      %add3A_2639 = arith.addf %mul3A_2637, %mul3A_2638 : vector<16xf32>
      %mul3A_2640 = arith.mulf %mul3A_820, %get3A_2608 : vector<16xf32>
      %add3A_2641 = arith.addf %add3A_2639, %mul3A_2640 : vector<16xf32>
      %max3A_2642 = arith.constant 0.000000e+00 : f32
      %max3A_2643 = vector.broadcast %max3A_2642 : f32 to vector<16xf32>
      %max3A_2644 = arith.maximumf %add3A_2641, %max3A_2643 : vector<16xf32>
      %get3A_2645 = arith.constant 26 : i32
      %get3A_2646 = arith.index_cast %get3A_2645 : i32 to index
      %get3A_2647 = arith.constant 32 : index
      %get3A_2648 = tpu.vector_load %arg11[%get3A_2646, %get3A_2647] {strides = array<i32>} : memref<50x128xf32, #tpu.memory_space<vmem>>, vector<16xf32>,
      %mul3A_2649 = arith.mulf %max3A_2644, %get3A_2648 : vector<16xf32>
      %add3A_2650 = arith.addf %add3A_2582, %mul3A_2649 : vector<16xf32>
      %mul3A_2651 = arith.mulf %mul3A_813, %get3A_2600 : vector<16xf32>
      %mul3A_2652 = arith.mulf %mul3A_817, %get3A_2604 : vector<16xf32>
      %add3A_2653 = arith.addf %mul3A_2651, %mul3A_2652 : vector<16xf32>
      %mul3A_2654 = arith.mulf %mul3A_821, %get3A_2608 : vector<16xf32>
      %add3A_2655 = arith.addf %add3A_2653, %mul3A_2654 : vector<16xf32>
      %max3A_2656 = arith.constant 0.000000e+00 : f32
      %max3A_2657 = vector.broadcast %max3A_2656 : f32 to vector<16xf32>
      %max3A_2658 = arith.maximumf %add3A_2655, %max3A_2657 : vector<16xf32>
      %get3A_2659 = arith.constant 26 : i32
      %get3A_2660 = arith.index_cast %get3A_2659 : i32 to index
      %get3A_2661 = arith.constant 48 : index
      %get3A_2662 = tpu.vector_load %arg11[%get3A_2660, %get3A_2661] {strides = array<i32>} : memref<50x128xf32, #tpu.memory_space<vmem>>, vector<16xf32>,
      %mul3A_2663 = arith.mulf %max3A_2658, %get3A_2662 : vector<16xf32>
      %add3A_2664 = arith.addf %add3A_2596, %mul3A_2663 : vector<16xf32>
      %get3A_2665 = arith.constant 27 : i32
      %get3A_2666 = arith.index_cast %get3A_2665 : i32 to index
      %get3A_2667 = arith.constant 64 : index
      %get3A_2668 = tpu.vector_load %arg11[%get3A_2666, %get3A_2667] {strides = array<i32>} : memref<50x128xf32, #tpu.memory_space<vmem>>, vector<16xf32>,
      %get3A_2669 = arith.constant 27 : i32
      %get3A_2670 = arith.index_cast %get3A_2669 : i32 to index
      %get3A_2671 = arith.constant 80 : index
      %get3A_2672 = tpu.vector_load %arg11[%get3A_2670, %get3A_2671] {strides = array<i32>} : memref<50x128xf32, #tpu.memory_space<vmem>>, vector<16xf32>,
      %get3A_2673 = arith.constant 27 : i32
      %get3A_2674 = arith.index_cast %get3A_2673 : i32 to index
      %get3A_2675 = arith.constant 96 : index
      %get3A_2676 = tpu.vector_load %arg11[%get3A_2674, %get3A_2675] {strides = array<i32>} : memref<50x128xf32, #tpu.memory_space<vmem>>, vector<16xf32>,
      %mul3A_2677 = arith.mulf %mul3A_810, %get3A_2668 : vector<16xf32>
      %mul3A_2678 = arith.mulf %mul3A_814, %get3A_2672 : vector<16xf32>
      %add3A_2679 = arith.addf %mul3A_2677, %mul3A_2678 : vector<16xf32>
      %mul3A_2680 = arith.mulf %mul3A_818, %get3A_2676 : vector<16xf32>
      %add3A_2681 = arith.addf %add3A_2679, %mul3A_2680 : vector<16xf32>
      %max3A_2682 = arith.constant 0.000000e+00 : f32
      %max3A_2683 = vector.broadcast %max3A_2682 : f32 to vector<16xf32>
      %max3A_2684 = arith.maximumf %add3A_2681, %max3A_2683 : vector<16xf32>
      %get3A_2685 = arith.constant 27 : i32
      %get3A_2686 = arith.index_cast %get3A_2685 : i32 to index
      %get3A_2687 = arith.constant 0 : index
      %get3A_2688 = tpu.vector_load %arg11[%get3A_2686, %get3A_2687] {strides = array<i32>} : memref<50x128xf32, #tpu.memory_space<vmem>>, vector<16xf32>,
      %mul3A_2689 = arith.mulf %max3A_2684, %get3A_2688 : vector<16xf32>
      %add3A_2690 = arith.addf %add3A_2622, %mul3A_2689 : vector<16xf32>
      %mul3A_2691 = arith.mulf %mul3A_811, %get3A_2668 : vector<16xf32>
      %mul3A_2692 = arith.mulf %mul3A_815, %get3A_2672 : vector<16xf32>
      %add3A_2693 = arith.addf %mul3A_2691, %mul3A_2692 : vector<16xf32>
      %mul3A_2694 = arith.mulf %mul3A_819, %get3A_2676 : vector<16xf32>
      %add3A_2695 = arith.addf %add3A_2693, %mul3A_2694 : vector<16xf32>
      %max3A_2696 = arith.constant 0.000000e+00 : f32
      %max3A_2697 = vector.broadcast %max3A_2696 : f32 to vector<16xf32>
      %max3A_2698 = arith.maximumf %add3A_2695, %max3A_2697 : vector<16xf32>
      %get3A_2699 = arith.constant 27 : i32
      %get3A_2700 = arith.index_cast %get3A_2699 : i32 to index
      %get3A_2701 = arith.constant 16 : index
      %get3A_2702 = tpu.vector_load %arg11[%get3A_2700, %get3A_2701] {strides = array<i32>} : memref<50x128xf32, #tpu.memory_space<vmem>>, vector<16xf32>,
      %mul3A_2703 = arith.mulf %max3A_2698, %get3A_2702 : vector<16xf32>
      %add3A_2704 = arith.addf %add3A_2636, %mul3A_2703 : vector<16xf32>
      %mul3A_2705 = arith.mulf %mul3A_812, %get3A_2668 : vector<16xf32>
      %mul3A_2706 = arith.mulf %mul3A_816, %get3A_2672 : vector<16xf32>
      %add3A_2707 = arith.addf %mul3A_2705, %mul3A_2706 : vector<16xf32>
      %mul3A_2708 = arith.mulf %mul3A_820, %get3A_2676 : vector<16xf32>
      %add3A_2709 = arith.addf %add3A_2707, %mul3A_2708 : vector<16xf32>
      %max3A_2710 = arith.constant 0.000000e+00 : f32
      %max3A_2711 = vector.broadcast %max3A_2710 : f32 to vector<16xf32>
      %max3A_2712 = arith.maximumf %add3A_2709, %max3A_2711 : vector<16xf32>
      %get3A_2713 = arith.constant 27 : i32
      %get3A_2714 = arith.index_cast %get3A_2713 : i32 to index
      %get3A_2715 = arith.constant 32 : index
      %get3A_2716 = tpu.vector_load %arg11[%get3A_2714, %get3A_2715] {strides = array<i32>} : memref<50x128xf32, #tpu.memory_space<vmem>>, vector<16xf32>,
      %mul3A_2717 = arith.mulf %max3A_2712, %get3A_2716 : vector<16xf32>
      %add3A_2718 = arith.addf %add3A_2650, %mul3A_2717 : vector<16xf32>
      %mul3A_2719 = arith.mulf %mul3A_813, %get3A_2668 : vector<16xf32>
      %mul3A_2720 = arith.mulf %mul3A_817, %get3A_2672 : vector<16xf32>
      %add3A_2721 = arith.addf %mul3A_2719, %mul3A_2720 : vector<16xf32>
      %mul3A_2722 = arith.mulf %mul3A_821, %get3A_2676 : vector<16xf32>
      %add3A_2723 = arith.addf %add3A_2721, %mul3A_2722 : vector<16xf32>
      %max3A_2724 = arith.constant 0.000000e+00 : f32
      %max3A_2725 = vector.broadcast %max3A_2724 : f32 to vector<16xf32>
      %max3A_2726 = arith.maximumf %add3A_2723, %max3A_2725 : vector<16xf32>
      %get3A_2727 = arith.constant 27 : i32
      %get3A_2728 = arith.index_cast %get3A_2727 : i32 to index
      %get3A_2729 = arith.constant 48 : index
      %get3A_2730 = tpu.vector_load %arg11[%get3A_2728, %get3A_2729] {strides = array<i32>} : memref<50x128xf32, #tpu.memory_space<vmem>>, vector<16xf32>,
      %mul3A_2731 = arith.mulf %max3A_2726, %get3A_2730 : vector<16xf32>
      %add3A_2732 = arith.addf %add3A_2664, %mul3A_2731 : vector<16xf32>
      %get3A_2733 = arith.constant 28 : i32
      %get3A_2734 = arith.index_cast %get3A_2733 : i32 to index
      %get3A_2735 = arith.constant 64 : index
      %get3A_2736 = tpu.vector_load %arg11[%get3A_2734, %get3A_2735] {strides = array<i32>} : memref<50x128xf32, #tpu.memory_space<vmem>>, vector<16xf32>,
      %get3A_2737 = arith.constant 28 : i32
      %get3A_2738 = arith.index_cast %get3A_2737 : i32 to index
      %get3A_2739 = arith.constant 80 : index
      %get3A_2740 = tpu.vector_load %arg11[%get3A_2738, %get3A_2739] {strides = array<i32>} : memref<50x128xf32, #tpu.memory_space<vmem>>, vector<16xf32>,
      %get3A_2741 = arith.constant 28 : i32
      %get3A_2742 = arith.index_cast %get3A_2741 : i32 to index
      %get3A_2743 = arith.constant 96 : index
      %get3A_2744 = tpu.vector_load %arg11[%get3A_2742, %get3A_2743] {strides = array<i32>} : memref<50x128xf32, #tpu.memory_space<vmem>>, vector<16xf32>,
      %mul3A_2745 = arith.mulf %mul3A_810, %get3A_2736 : vector<16xf32>
      %mul3A_2746 = arith.mulf %mul3A_814, %get3A_2740 : vector<16xf32>
      %add3A_2747 = arith.addf %mul3A_2745, %mul3A_2746 : vector<16xf32>
      %mul3A_2748 = arith.mulf %mul3A_818, %get3A_2744 : vector<16xf32>
      %add3A_2749 = arith.addf %add3A_2747, %mul3A_2748 : vector<16xf32>
      %max3A_2750 = arith.constant 0.000000e+00 : f32
      %max3A_2751 = vector.broadcast %max3A_2750 : f32 to vector<16xf32>
      %max3A_2752 = arith.maximumf %add3A_2749, %max3A_2751 : vector<16xf32>
      %get3A_2753 = arith.constant 28 : i32
      %get3A_2754 = arith.index_cast %get3A_2753 : i32 to index
      %get3A_2755 = arith.constant 0 : index
      %get3A_2756 = tpu.vector_load %arg11[%get3A_2754, %get3A_2755] {strides = array<i32>} : memref<50x128xf32, #tpu.memory_space<vmem>>, vector<16xf32>,
      %mul3A_2757 = arith.mulf %max3A_2752, %get3A_2756 : vector<16xf32>
      %add3A_2758 = arith.addf %add3A_2690, %mul3A_2757 : vector<16xf32>
      %mul3A_2759 = arith.mulf %mul3A_811, %get3A_2736 : vector<16xf32>
      %mul3A_2760 = arith.mulf %mul3A_815, %get3A_2740 : vector<16xf32>
      %add3A_2761 = arith.addf %mul3A_2759, %mul3A_2760 : vector<16xf32>
      %mul3A_2762 = arith.mulf %mul3A_819, %get3A_2744 : vector<16xf32>
      %add3A_2763 = arith.addf %add3A_2761, %mul3A_2762 : vector<16xf32>
      %max3A_2764 = arith.constant 0.000000e+00 : f32
      %max3A_2765 = vector.broadcast %max3A_2764 : f32 to vector<16xf32>
      %max3A_2766 = arith.maximumf %add3A_2763, %max3A_2765 : vector<16xf32>
      %get3A_2767 = arith.constant 28 : i32
      %get3A_2768 = arith.index_cast %get3A_2767 : i32 to index
      %get3A_2769 = arith.constant 16 : index
      %get3A_2770 = tpu.vector_load %arg11[%get3A_2768, %get3A_2769] {strides = array<i32>} : memref<50x128xf32, #tpu.memory_space<vmem>>, vector<16xf32>,
      %mul3A_2771 = arith.mulf %max3A_2766, %get3A_2770 : vector<16xf32>
      %add3A_2772 = arith.addf %add3A_2704, %mul3A_2771 : vector<16xf32>
      %mul3A_2773 = arith.mulf %mul3A_812, %get3A_2736 : vector<16xf32>
      %mul3A_2774 = arith.mulf %mul3A_816, %get3A_2740 : vector<16xf32>
      %add3A_2775 = arith.addf %mul3A_2773, %mul3A_2774 : vector<16xf32>
      %mul3A_2776 = arith.mulf %mul3A_820, %get3A_2744 : vector<16xf32>
      %add3A_2777 = arith.addf %add3A_2775, %mul3A_2776 : vector<16xf32>
      %max3A_2778 = arith.constant 0.000000e+00 : f32
      %max3A_2779 = vector.broadcast %max3A_2778 : f32 to vector<16xf32>
      %max3A_2780 = arith.maximumf %add3A_2777, %max3A_2779 : vector<16xf32>
      %get3A_2781 = arith.constant 28 : i32
      %get3A_2782 = arith.index_cast %get3A_2781 : i32 to index
      %get3A_2783 = arith.constant 32 : index
      %get3A_2784 = tpu.vector_load %arg11[%get3A_2782, %get3A_2783] {strides = array<i32>} : memref<50x128xf32, #tpu.memory_space<vmem>>, vector<16xf32>,
      %mul3A_2785 = arith.mulf %max3A_2780, %get3A_2784 : vector<16xf32>
      %add3A_2786 = arith.addf %add3A_2718, %mul3A_2785 : vector<16xf32>
      %mul3A_2787 = arith.mulf %mul3A_813, %get3A_2736 : vector<16xf32>
      %mul3A_2788 = arith.mulf %mul3A_817, %get3A_2740 : vector<16xf32>
      %add3A_2789 = arith.addf %mul3A_2787, %mul3A_2788 : vector<16xf32>
      %mul3A_2790 = arith.mulf %mul3A_821, %get3A_2744 : vector<16xf32>
      %add3A_2791 = arith.addf %add3A_2789, %mul3A_2790 : vector<16xf32>
      %max3A_2792 = arith.constant 0.000000e+00 : f32
      %max3A_2793 = vector.broadcast %max3A_2792 : f32 to vector<16xf32>
      %max3A_2794 = arith.maximumf %add3A_2791, %max3A_2793 : vector<16xf32>
      %get3A_2795 = arith.constant 28 : i32
      %get3A_2796 = arith.index_cast %get3A_2795 : i32 to index
      %get3A_2797 = arith.constant 48 : index
      %get3A_2798 = tpu.vector_load %arg11[%get3A_2796, %get3A_2797] {strides = array<i32>} : memref<50x128xf32, #tpu.memory_space<vmem>>, vector<16xf32>,
      %mul3A_2799 = arith.mulf %max3A_2794, %get3A_2798 : vector<16xf32>
      %add3A_2800 = arith.addf %add3A_2732, %mul3A_2799 : vector<16xf32>
      %get3A_2801 = arith.constant 29 : i32
      %get3A_2802 = arith.index_cast %get3A_2801 : i32 to index
      %get3A_2803 = arith.constant 64 : index
      %get3A_2804 = tpu.vector_load %arg11[%get3A_2802, %get3A_2803] {strides = array<i32>} : memref<50x128xf32, #tpu.memory_space<vmem>>, vector<16xf32>,
      %get3A_2805 = arith.constant 29 : i32
      %get3A_2806 = arith.index_cast %get3A_2805 : i32 to index
      %get3A_2807 = arith.constant 80 : index
      %get3A_2808 = tpu.vector_load %arg11[%get3A_2806, %get3A_2807] {strides = array<i32>} : memref<50x128xf32, #tpu.memory_space<vmem>>, vector<16xf32>,
      %get3A_2809 = arith.constant 29 : i32
      %get3A_2810 = arith.index_cast %get3A_2809 : i32 to index
      %get3A_2811 = arith.constant 96 : index
      %get3A_2812 = tpu.vector_load %arg11[%get3A_2810, %get3A_2811] {strides = array<i32>} : memref<50x128xf32, #tpu.memory_space<vmem>>, vector<16xf32>,
      %mul3A_2813 = arith.mulf %mul3A_810, %get3A_2804 : vector<16xf32>
      %mul3A_2814 = arith.mulf %mul3A_814, %get3A_2808 : vector<16xf32>
      %add3A_2815 = arith.addf %mul3A_2813, %mul3A_2814 : vector<16xf32>
      %mul3A_2816 = arith.mulf %mul3A_818, %get3A_2812 : vector<16xf32>
      %add3A_2817 = arith.addf %add3A_2815, %mul3A_2816 : vector<16xf32>
      %max3A_2818 = arith.constant 0.000000e+00 : f32
      %max3A_2819 = vector.broadcast %max3A_2818 : f32 to vector<16xf32>
      %max3A_2820 = arith.maximumf %add3A_2817, %max3A_2819 : vector<16xf32>
      %get3A_2821 = arith.constant 29 : i32
      %get3A_2822 = arith.index_cast %get3A_2821 : i32 to index
      %get3A_2823 = arith.constant 0 : index
      %get3A_2824 = tpu.vector_load %arg11[%get3A_2822, %get3A_2823] {strides = array<i32>} : memref<50x128xf32, #tpu.memory_space<vmem>>, vector<16xf32>,
      %mul3A_2825 = arith.mulf %max3A_2820, %get3A_2824 : vector<16xf32>
      %add3A_2826 = arith.addf %add3A_2758, %mul3A_2825 : vector<16xf32>
      %mul3A_2827 = arith.mulf %mul3A_811, %get3A_2804 : vector<16xf32>
      %mul3A_2828 = arith.mulf %mul3A_815, %get3A_2808 : vector<16xf32>
      %add3A_2829 = arith.addf %mul3A_2827, %mul3A_2828 : vector<16xf32>
      %mul3A_2830 = arith.mulf %mul3A_819, %get3A_2812 : vector<16xf32>
      %add3A_2831 = arith.addf %add3A_2829, %mul3A_2830 : vector<16xf32>
      %max3A_2832 = arith.constant 0.000000e+00 : f32
      %max3A_2833 = vector.broadcast %max3A_2832 : f32 to vector<16xf32>
      %max3A_2834 = arith.maximumf %add3A_2831, %max3A_2833 : vector<16xf32>
      %get3A_2835 = arith.constant 29 : i32
      %get3A_2836 = arith.index_cast %get3A_2835 : i32 to index
      %get3A_2837 = arith.constant 16 : index
      %get3A_2838 = tpu.vector_load %arg11[%get3A_2836, %get3A_2837] {strides = array<i32>} : memref<50x128xf32, #tpu.memory_space<vmem>>, vector<16xf32>,
      %mul3A_2839 = arith.mulf %max3A_2834, %get3A_2838 : vector<16xf32>
      %add3A_2840 = arith.addf %add3A_2772, %mul3A_2839 : vector<16xf32>
      %mul3A_2841 = arith.mulf %mul3A_812, %get3A_2804 : vector<16xf32>
      %mul3A_2842 = arith.mulf %mul3A_816, %get3A_2808 : vector<16xf32>
      %add3A_2843 = arith.addf %mul3A_2841, %mul3A_2842 : vector<16xf32>
      %mul3A_2844 = arith.mulf %mul3A_820, %get3A_2812 : vector<16xf32>
      %add3A_2845 = arith.addf %add3A_2843, %mul3A_2844 : vector<16xf32>
      %max3A_2846 = arith.constant 0.000000e+00 : f32
      %max3A_2847 = vector.broadcast %max3A_2846 : f32 to vector<16xf32>
      %max3A_2848 = arith.maximumf %add3A_2845, %max3A_2847 : vector<16xf32>
      %get3A_2849 = arith.constant 29 : i32
      %get3A_2850 = arith.index_cast %get3A_2849 : i32 to index
      %get3A_2851 = arith.constant 32 : index
      %get3A_2852 = tpu.vector_load %arg11[%get3A_2850, %get3A_2851] {strides = array<i32>} : memref<50x128xf32, #tpu.memory_space<vmem>>, vector<16xf32>,
      %mul3A_2853 = arith.mulf %max3A_2848, %get3A_2852 : vector<16xf32>
      %add3A_2854 = arith.addf %add3A_2786, %mul3A_2853 : vector<16xf32>
      %mul3A_2855 = arith.mulf %mul3A_813, %get3A_2804 : vector<16xf32>
      %mul3A_2856 = arith.mulf %mul3A_817, %get3A_2808 : vector<16xf32>
      %add3A_2857 = arith.addf %mul3A_2855, %mul3A_2856 : vector<16xf32>
      %mul3A_2858 = arith.mulf %mul3A_821, %get3A_2812 : vector<16xf32>
      %add3A_2859 = arith.addf %add3A_2857, %mul3A_2858 : vector<16xf32>
      %max3A_2860 = arith.constant 0.000000e+00 : f32
      %max3A_2861 = vector.broadcast %max3A_2860 : f32 to vector<16xf32>
      %max3A_2862 = arith.maximumf %add3A_2859, %max3A_2861 : vector<16xf32>
      %get3A_2863 = arith.constant 29 : i32
      %get3A_2864 = arith.index_cast %get3A_2863 : i32 to index
      %get3A_2865 = arith.constant 48 : index
      %get3A_2866 = tpu.vector_load %arg11[%get3A_2864, %get3A_2865] {strides = array<i32>} : memref<50x128xf32, #tpu.memory_space<vmem>>, vector<16xf32>,
      %mul3A_2867 = arith.mulf %max3A_2862, %get3A_2866 : vector<16xf32>
      %add3A_2868 = arith.addf %add3A_2800, %mul3A_2867 : vector<16xf32>
      %get3A_2869 = arith.constant 30 : i32
      %get3A_2870 = arith.index_cast %get3A_2869 : i32 to index
      %get3A_2871 = arith.constant 64 : index
      %get3A_2872 = tpu.vector_load %arg11[%get3A_2870, %get3A_2871] {strides = array<i32>} : memref<50x128xf32, #tpu.memory_space<vmem>>, vector<16xf32>,
      %get3A_2873 = arith.constant 30 : i32
      %get3A_2874 = arith.index_cast %get3A_2873 : i32 to index
      %get3A_2875 = arith.constant 80 : index
      %get3A_2876 = tpu.vector_load %arg11[%get3A_2874, %get3A_2875] {strides = array<i32>} : memref<50x128xf32, #tpu.memory_space<vmem>>, vector<16xf32>,
      %get3A_2877 = arith.constant 30 : i32
      %get3A_2878 = arith.index_cast %get3A_2877 : i32 to index
      %get3A_2879 = arith.constant 96 : index
      %get3A_2880 = tpu.vector_load %arg11[%get3A_2878, %get3A_2879] {strides = array<i32>} : memref<50x128xf32, #tpu.memory_space<vmem>>, vector<16xf32>,
      %mul3A_2881 = arith.mulf %mul3A_810, %get3A_2872 : vector<16xf32>
      %mul3A_2882 = arith.mulf %mul3A_814, %get3A_2876 : vector<16xf32>
      %add3A_2883 = arith.addf %mul3A_2881, %mul3A_2882 : vector<16xf32>
      %mul3A_2884 = arith.mulf %mul3A_818, %get3A_2880 : vector<16xf32>
      %add3A_2885 = arith.addf %add3A_2883, %mul3A_2884 : vector<16xf32>
      %max3A_2886 = arith.constant 0.000000e+00 : f32
      %max3A_2887 = vector.broadcast %max3A_2886 : f32 to vector<16xf32>
      %max3A_2888 = arith.maximumf %add3A_2885, %max3A_2887 : vector<16xf32>
      %get3A_2889 = arith.constant 30 : i32
      %get3A_2890 = arith.index_cast %get3A_2889 : i32 to index
      %get3A_2891 = arith.constant 0 : index
      %get3A_2892 = tpu.vector_load %arg11[%get3A_2890, %get3A_2891] {strides = array<i32>} : memref<50x128xf32, #tpu.memory_space<vmem>>, vector<16xf32>,
      %mul3A_2893 = arith.mulf %max3A_2888, %get3A_2892 : vector<16xf32>
      %add3A_2894 = arith.addf %add3A_2826, %mul3A_2893 : vector<16xf32>
      %mul3A_2895 = arith.mulf %mul3A_811, %get3A_2872 : vector<16xf32>
      %mul3A_2896 = arith.mulf %mul3A_815, %get3A_2876 : vector<16xf32>
      %add3A_2897 = arith.addf %mul3A_2895, %mul3A_2896 : vector<16xf32>
      %mul3A_2898 = arith.mulf %mul3A_819, %get3A_2880 : vector<16xf32>
      %add3A_2899 = arith.addf %add3A_2897, %mul3A_2898 : vector<16xf32>
      %max3A_2900 = arith.constant 0.000000e+00 : f32
      %max3A_2901 = vector.broadcast %max3A_2900 : f32 to vector<16xf32>
      %max3A_2902 = arith.maximumf %add3A_2899, %max3A_2901 : vector<16xf32>
      %get3A_2903 = arith.constant 30 : i32
      %get3A_2904 = arith.index_cast %get3A_2903 : i32 to index
      %get3A_2905 = arith.constant 16 : index
      %get3A_2906 = tpu.vector_load %arg11[%get3A_2904, %get3A_2905] {strides = array<i32>} : memref<50x128xf32, #tpu.memory_space<vmem>>, vector<16xf32>,
      %mul3A_2907 = arith.mulf %max3A_2902, %get3A_2906 : vector<16xf32>
      %add3A_2908 = arith.addf %add3A_2840, %mul3A_2907 : vector<16xf32>
      %mul3A_2909 = arith.mulf %mul3A_812, %get3A_2872 : vector<16xf32>
      %mul3A_2910 = arith.mulf %mul3A_816, %get3A_2876 : vector<16xf32>
      %add3A_2911 = arith.addf %mul3A_2909, %mul3A_2910 : vector<16xf32>
      %mul3A_2912 = arith.mulf %mul3A_820, %get3A_2880 : vector<16xf32>
      %add3A_2913 = arith.addf %add3A_2911, %mul3A_2912 : vector<16xf32>
      %max3A_2914 = arith.constant 0.000000e+00 : f32
      %max3A_2915 = vector.broadcast %max3A_2914 : f32 to vector<16xf32>
      %max3A_2916 = arith.maximumf %add3A_2913, %max3A_2915 : vector<16xf32>
      %get3A_2917 = arith.constant 30 : i32
      %get3A_2918 = arith.index_cast %get3A_2917 : i32 to index
      %get3A_2919 = arith.constant 32 : index
      %get3A_2920 = tpu.vector_load %arg11[%get3A_2918, %get3A_2919] {strides = array<i32>} : memref<50x128xf32, #tpu.memory_space<vmem>>, vector<16xf32>,
      %mul3A_2921 = arith.mulf %max3A_2916, %get3A_2920 : vector<16xf32>
      %add3A_2922 = arith.addf %add3A_2854, %mul3A_2921 : vector<16xf32>
      %mul3A_2923 = arith.mulf %mul3A_813, %get3A_2872 : vector<16xf32>
      %mul3A_2924 = arith.mulf %mul3A_817, %get3A_2876 : vector<16xf32>
      %add3A_2925 = arith.addf %mul3A_2923, %mul3A_2924 : vector<16xf32>
      %mul3A_2926 = arith.mulf %mul3A_821, %get3A_2880 : vector<16xf32>
      %add3A_2927 = arith.addf %add3A_2925, %mul3A_2926 : vector<16xf32>
      %max3A_2928 = arith.constant 0.000000e+00 : f32
      %max3A_2929 = vector.broadcast %max3A_2928 : f32 to vector<16xf32>
      %max3A_2930 = arith.maximumf %add3A_2927, %max3A_2929 : vector<16xf32>
      %get3A_2931 = arith.constant 30 : i32
      %get3A_2932 = arith.index_cast %get3A_2931 : i32 to index
      %get3A_2933 = arith.constant 48 : index
      %get3A_2934 = tpu.vector_load %arg11[%get3A_2932, %get3A_2933] {strides = array<i32>} : memref<50x128xf32, #tpu.memory_space<vmem>>, vector<16xf32>,
      %mul3A_2935 = arith.mulf %max3A_2930, %get3A_2934 : vector<16xf32>
      %add3A_2936 = arith.addf %add3A_2868, %mul3A_2935 : vector<16xf32>
      %get3A_2937 = arith.constant 31 : i32
      %get3A_2938 = arith.index_cast %get3A_2937 : i32 to index
      %get3A_2939 = arith.constant 64 : index
      %get3A_2940 = tpu.vector_load %arg11[%get3A_2938, %get3A_2939] {strides = array<i32>} : memref<50x128xf32, #tpu.memory_space<vmem>>, vector<16xf32>,
      %get3A_2941 = arith.constant 31 : i32
      %get3A_2942 = arith.index_cast %get3A_2941 : i32 to index
      %get3A_2943 = arith.constant 80 : index
      %get3A_2944 = tpu.vector_load %arg11[%get3A_2942, %get3A_2943] {strides = array<i32>} : memref<50x128xf32, #tpu.memory_space<vmem>>, vector<16xf32>,
      %get3A_2945 = arith.constant 31 : i32
      %get3A_2946 = arith.index_cast %get3A_2945 : i32 to index
      %get3A_2947 = arith.constant 96 : index
      %get3A_2948 = tpu.vector_load %arg11[%get3A_2946, %get3A_2947] {strides = array<i32>} : memref<50x128xf32, #tpu.memory_space<vmem>>, vector<16xf32>,
      %mul3A_2949 = arith.mulf %mul3A_810, %get3A_2940 : vector<16xf32>
      %mul3A_2950 = arith.mulf %mul3A_814, %get3A_2944 : vector<16xf32>
      %add3A_2951 = arith.addf %mul3A_2949, %mul3A_2950 : vector<16xf32>
      %mul3A_2952 = arith.mulf %mul3A_818, %get3A_2948 : vector<16xf32>
      %add3A_2953 = arith.addf %add3A_2951, %mul3A_2952 : vector<16xf32>
      %max3A_2954 = arith.constant 0.000000e+00 : f32
      %max3A_2955 = vector.broadcast %max3A_2954 : f32 to vector<16xf32>
      %max3A_2956 = arith.maximumf %add3A_2953, %max3A_2955 : vector<16xf32>
      %get3A_2957 = arith.constant 31 : i32
      %get3A_2958 = arith.index_cast %get3A_2957 : i32 to index
      %get3A_2959 = arith.constant 0 : index
      %get3A_2960 = tpu.vector_load %arg11[%get3A_2958, %get3A_2959] {strides = array<i32>} : memref<50x128xf32, #tpu.memory_space<vmem>>, vector<16xf32>,
      %mul3A_2961 = arith.mulf %max3A_2956, %get3A_2960 : vector<16xf32>
      %add3A_2962 = arith.addf %add3A_2894, %mul3A_2961 : vector<16xf32>
      %mul3A_2963 = arith.mulf %mul3A_811, %get3A_2940 : vector<16xf32>
      %mul3A_2964 = arith.mulf %mul3A_815, %get3A_2944 : vector<16xf32>
      %add3A_2965 = arith.addf %mul3A_2963, %mul3A_2964 : vector<16xf32>
      %mul3A_2966 = arith.mulf %mul3A_819, %get3A_2948 : vector<16xf32>
      %add3A_2967 = arith.addf %add3A_2965, %mul3A_2966 : vector<16xf32>
      %max3A_2968 = arith.constant 0.000000e+00 : f32
      %max3A_2969 = vector.broadcast %max3A_2968 : f32 to vector<16xf32>
      %max3A_2970 = arith.maximumf %add3A_2967, %max3A_2969 : vector<16xf32>
      %get3A_2971 = arith.constant 31 : i32
      %get3A_2972 = arith.index_cast %get3A_2971 : i32 to index
      %get3A_2973 = arith.constant 16 : index
      %get3A_2974 = tpu.vector_load %arg11[%get3A_2972, %get3A_2973] {strides = array<i32>} : memref<50x128xf32, #tpu.memory_space<vmem>>, vector<16xf32>,
      %mul3A_2975 = arith.mulf %max3A_2970, %get3A_2974 : vector<16xf32>
      %add3A_2976 = arith.addf %add3A_2908, %mul3A_2975 : vector<16xf32>
      %mul3A_2977 = arith.mulf %mul3A_812, %get3A_2940 : vector<16xf32>
      %mul3A_2978 = arith.mulf %mul3A_816, %get3A_2944 : vector<16xf32>
      %add3A_2979 = arith.addf %mul3A_2977, %mul3A_2978 : vector<16xf32>
      %mul3A_2980 = arith.mulf %mul3A_820, %get3A_2948 : vector<16xf32>
      %add3A_2981 = arith.addf %add3A_2979, %mul3A_2980 : vector<16xf32>
      %max3A_2982 = arith.constant 0.000000e+00 : f32
      %max3A_2983 = vector.broadcast %max3A_2982 : f32 to vector<16xf32>
      %max3A_2984 = arith.maximumf %add3A_2981, %max3A_2983 : vector<16xf32>
      %get3A_2985 = arith.constant 31 : i32
      %get3A_2986 = arith.index_cast %get3A_2985 : i32 to index
      %get3A_2987 = arith.constant 32 : index
      %get3A_2988 = tpu.vector_load %arg11[%get3A_2986, %get3A_2987] {strides = array<i32>} : memref<50x128xf32, #tpu.memory_space<vmem>>, vector<16xf32>,
      %mul3A_2989 = arith.mulf %max3A_2984, %get3A_2988 : vector<16xf32>
      %add3A_2990 = arith.addf %add3A_2922, %mul3A_2989 : vector<16xf32>
      %mul3A_2991 = arith.mulf %mul3A_813, %get3A_2940 : vector<16xf32>
      %mul3A_2992 = arith.mulf %mul3A_817, %get3A_2944 : vector<16xf32>
      %add3A_2993 = arith.addf %mul3A_2991, %mul3A_2992 : vector<16xf32>
      %mul3A_2994 = arith.mulf %mul3A_821, %get3A_2948 : vector<16xf32>
      %add3A_2995 = arith.addf %add3A_2993, %mul3A_2994 : vector<16xf32>
      %max3A_2996 = arith.constant 0.000000e+00 : f32
      %max3A_2997 = vector.broadcast %max3A_2996 : f32 to vector<16xf32>
      %max3A_2998 = arith.maximumf %add3A_2995, %max3A_2997 : vector<16xf32>
      %get3A_2999 = arith.constant 31 : i32
      %get3A_3000 = arith.index_cast %get3A_2999 : i32 to index
      %get3A_3001 = arith.constant 48 : index
      %get3A_3002 = tpu.vector_load %arg11[%get3A_3000, %get3A_3001] {strides = array<i32>} : memref<50x128xf32, #tpu.memory_space<vmem>>, vector<16xf32>,
      %mul3A_3003 = arith.mulf %max3A_2998, %get3A_3002 : vector<16xf32>
      %add3A_3004 = arith.addf %add3A_2936, %mul3A_3003 : vector<16xf32>
      %get3A_3005 = arith.constant 32 : i32
      %get3A_3006 = arith.index_cast %get3A_3005 : i32 to index
      %get3A_3007 = arith.constant 64 : index
      %get3A_3008 = tpu.vector_load %arg11[%get3A_3006, %get3A_3007] {strides = array<i32>} : memref<50x128xf32, #tpu.memory_space<vmem>>, vector<16xf32>,
      %get3A_3009 = arith.constant 32 : i32
      %get3A_3010 = arith.index_cast %get3A_3009 : i32 to index
      %get3A_3011 = arith.constant 80 : index
      %get3A_3012 = tpu.vector_load %arg11[%get3A_3010, %get3A_3011] {strides = array<i32>} : memref<50x128xf32, #tpu.memory_space<vmem>>, vector<16xf32>,
      %get3A_3013 = arith.constant 32 : i32
      %get3A_3014 = arith.index_cast %get3A_3013 : i32 to index
      %get3A_3015 = arith.constant 96 : index
      %get3A_3016 = tpu.vector_load %arg11[%get3A_3014, %get3A_3015] {strides = array<i32>} : memref<50x128xf32, #tpu.memory_space<vmem>>, vector<16xf32>,
      %mul3A_3017 = arith.mulf %mul3A_810, %get3A_3008 : vector<16xf32>
      %mul3A_3018 = arith.mulf %mul3A_814, %get3A_3012 : vector<16xf32>
      %add3A_3019 = arith.addf %mul3A_3017, %mul3A_3018 : vector<16xf32>
      %mul3A_3020 = arith.mulf %mul3A_818, %get3A_3016 : vector<16xf32>
      %add3A_3021 = arith.addf %add3A_3019, %mul3A_3020 : vector<16xf32>
      %max3A_3022 = arith.constant 0.000000e+00 : f32
      %max3A_3023 = vector.broadcast %max3A_3022 : f32 to vector<16xf32>
      %max3A_3024 = arith.maximumf %add3A_3021, %max3A_3023 : vector<16xf32>
      %get3A_3025 = arith.constant 32 : i32
      %get3A_3026 = arith.index_cast %get3A_3025 : i32 to index
      %get3A_3027 = arith.constant 0 : index
      %get3A_3028 = tpu.vector_load %arg11[%get3A_3026, %get3A_3027] {strides = array<i32>} : memref<50x128xf32, #tpu.memory_space<vmem>>, vector<16xf32>,
      %mul3A_3029 = arith.mulf %max3A_3024, %get3A_3028 : vector<16xf32>
      %add3A_3030 = arith.addf %add3A_2962, %mul3A_3029 : vector<16xf32>
      %mul3A_3031 = arith.mulf %mul3A_811, %get3A_3008 : vector<16xf32>
      %mul3A_3032 = arith.mulf %mul3A_815, %get3A_3012 : vector<16xf32>
      %add3A_3033 = arith.addf %mul3A_3031, %mul3A_3032 : vector<16xf32>
      %mul3A_3034 = arith.mulf %mul3A_819, %get3A_3016 : vector<16xf32>
      %add3A_3035 = arith.addf %add3A_3033, %mul3A_3034 : vector<16xf32>
      %max3A_3036 = arith.constant 0.000000e+00 : f32
      %max3A_3037 = vector.broadcast %max3A_3036 : f32 to vector<16xf32>
      %max3A_3038 = arith.maximumf %add3A_3035, %max3A_3037 : vector<16xf32>
      %get3A_3039 = arith.constant 32 : i32
      %get3A_3040 = arith.index_cast %get3A_3039 : i32 to index
      %get3A_3041 = arith.constant 16 : index
      %get3A_3042 = tpu.vector_load %arg11[%get3A_3040, %get3A_3041] {strides = array<i32>} : memref<50x128xf32, #tpu.memory_space<vmem>>, vector<16xf32>,
      %mul3A_3043 = arith.mulf %max3A_3038, %get3A_3042 : vector<16xf32>
      %add3A_3044 = arith.addf %add3A_2976, %mul3A_3043 : vector<16xf32>
      %mul3A_3045 = arith.mulf %mul3A_812, %get3A_3008 : vector<16xf32>
      %mul3A_3046 = arith.mulf %mul3A_816, %get3A_3012 : vector<16xf32>
      %add3A_3047 = arith.addf %mul3A_3045, %mul3A_3046 : vector<16xf32>
      %mul3A_3048 = arith.mulf %mul3A_820, %get3A_3016 : vector<16xf32>
      %add3A_3049 = arith.addf %add3A_3047, %mul3A_3048 : vector<16xf32>
      %max3A_3050 = arith.constant 0.000000e+00 : f32
      %max3A_3051 = vector.broadcast %max3A_3050 : f32 to vector<16xf32>
      %max3A_3052 = arith.maximumf %add3A_3049, %max3A_3051 : vector<16xf32>
      %get3A_3053 = arith.constant 32 : i32
      %get3A_3054 = arith.index_cast %get3A_3053 : i32 to index
      %get3A_3055 = arith.constant 32 : index
      %get3A_3056 = tpu.vector_load %arg11[%get3A_3054, %get3A_3055] {strides = array<i32>} : memref<50x128xf32, #tpu.memory_space<vmem>>, vector<16xf32>,
      %mul3A_3057 = arith.mulf %max3A_3052, %get3A_3056 : vector<16xf32>
      %add3A_3058 = arith.addf %add3A_2990, %mul3A_3057 : vector<16xf32>
      %mul3A_3059 = arith.mulf %mul3A_813, %get3A_3008 : vector<16xf32>
      %mul3A_3060 = arith.mulf %mul3A_817, %get3A_3012 : vector<16xf32>
      %add3A_3061 = arith.addf %mul3A_3059, %mul3A_3060 : vector<16xf32>
      %mul3A_3062 = arith.mulf %mul3A_821, %get3A_3016 : vector<16xf32>
      %add3A_3063 = arith.addf %add3A_3061, %mul3A_3062 : vector<16xf32>
      %max3A_3064 = arith.constant 0.000000e+00 : f32
      %max3A_3065 = vector.broadcast %max3A_3064 : f32 to vector<16xf32>
      %max3A_3066 = arith.maximumf %add3A_3063, %max3A_3065 : vector<16xf32>
      %get3A_3067 = arith.constant 32 : i32
      %get3A_3068 = arith.index_cast %get3A_3067 : i32 to index
      %get3A_3069 = arith.constant 48 : index
      %get3A_3070 = tpu.vector_load %arg11[%get3A_3068, %get3A_3069] {strides = array<i32>} : memref<50x128xf32, #tpu.memory_space<vmem>>, vector<16xf32>,
      %mul3A_3071 = arith.mulf %max3A_3066, %get3A_3070 : vector<16xf32>
      %add3A_3072 = arith.addf %add3A_3004, %mul3A_3071 : vector<16xf32>
      %get3A_3073 = arith.constant 33 : i32
      %get3A_3074 = arith.index_cast %get3A_3073 : i32 to index
      %get3A_3075 = arith.constant 64 : index
      %get3A_3076 = tpu.vector_load %arg11[%get3A_3074, %get3A_3075] {strides = array<i32>} : memref<50x128xf32, #tpu.memory_space<vmem>>, vector<16xf32>,
      %get3A_3077 = arith.constant 33 : i32
      %get3A_3078 = arith.index_cast %get3A_3077 : i32 to index
      %get3A_3079 = arith.constant 80 : index
      %get3A_3080 = tpu.vector_load %arg11[%get3A_3078, %get3A_3079] {strides = array<i32>} : memref<50x128xf32, #tpu.memory_space<vmem>>, vector<16xf32>,
      %get3A_3081 = arith.constant 33 : i32
      %get3A_3082 = arith.index_cast %get3A_3081 : i32 to index
      %get3A_3083 = arith.constant 96 : index
      %get3A_3084 = tpu.vector_load %arg11[%get3A_3082, %get3A_3083] {strides = array<i32>} : memref<50x128xf32, #tpu.memory_space<vmem>>, vector<16xf32>,
      %mul3A_3085 = arith.mulf %mul3A_810, %get3A_3076 : vector<16xf32>
      %mul3A_3086 = arith.mulf %mul3A_814, %get3A_3080 : vector<16xf32>
      %add3A_3087 = arith.addf %mul3A_3085, %mul3A_3086 : vector<16xf32>
      %mul3A_3088 = arith.mulf %mul3A_818, %get3A_3084 : vector<16xf32>
      %add3A_3089 = arith.addf %add3A_3087, %mul3A_3088 : vector<16xf32>
      %max3A_3090 = arith.constant 0.000000e+00 : f32
      %max3A_3091 = vector.broadcast %max3A_3090 : f32 to vector<16xf32>
      %max3A_3092 = arith.maximumf %add3A_3089, %max3A_3091 : vector<16xf32>
      %get3A_3093 = arith.constant 33 : i32
      %get3A_3094 = arith.index_cast %get3A_3093 : i32 to index
      %get3A_3095 = arith.constant 0 : index
      %get3A_3096 = tpu.vector_load %arg11[%get3A_3094, %get3A_3095] {strides = array<i32>} : memref<50x128xf32, #tpu.memory_space<vmem>>, vector<16xf32>,
      %mul3A_3097 = arith.mulf %max3A_3092, %get3A_3096 : vector<16xf32>
      %add3A_3098 = arith.addf %add3A_3030, %mul3A_3097 : vector<16xf32>
      %mul3A_3099 = arith.mulf %mul3A_811, %get3A_3076 : vector<16xf32>
      %mul3A_3100 = arith.mulf %mul3A_815, %get3A_3080 : vector<16xf32>
      %add3A_3101 = arith.addf %mul3A_3099, %mul3A_3100 : vector<16xf32>
      %mul3A_3102 = arith.mulf %mul3A_819, %get3A_3084 : vector<16xf32>
      %add3A_3103 = arith.addf %add3A_3101, %mul3A_3102 : vector<16xf32>
      %max3A_3104 = arith.constant 0.000000e+00 : f32
      %max3A_3105 = vector.broadcast %max3A_3104 : f32 to vector<16xf32>
      %max3A_3106 = arith.maximumf %add3A_3103, %max3A_3105 : vector<16xf32>
      %get3A_3107 = arith.constant 33 : i32
      %get3A_3108 = arith.index_cast %get3A_3107 : i32 to index
      %get3A_3109 = arith.constant 16 : index
      %get3A_3110 = tpu.vector_load %arg11[%get3A_3108, %get3A_3109] {strides = array<i32>} : memref<50x128xf32, #tpu.memory_space<vmem>>, vector<16xf32>,
      %mul3A_3111 = arith.mulf %max3A_3106, %get3A_3110 : vector<16xf32>
      %add3A_3112 = arith.addf %add3A_3044, %mul3A_3111 : vector<16xf32>
      %mul3A_3113 = arith.mulf %mul3A_812, %get3A_3076 : vector<16xf32>
      %mul3A_3114 = arith.mulf %mul3A_816, %get3A_3080 : vector<16xf32>
      %add3A_3115 = arith.addf %mul3A_3113, %mul3A_3114 : vector<16xf32>
      %mul3A_3116 = arith.mulf %mul3A_820, %get3A_3084 : vector<16xf32>
      %add3A_3117 = arith.addf %add3A_3115, %mul3A_3116 : vector<16xf32>
      %max3A_3118 = arith.constant 0.000000e+00 : f32
      %max3A_3119 = vector.broadcast %max3A_3118 : f32 to vector<16xf32>
      %max3A_3120 = arith.maximumf %add3A_3117, %max3A_3119 : vector<16xf32>
      %get3A_3121 = arith.constant 33 : i32
      %get3A_3122 = arith.index_cast %get3A_3121 : i32 to index
      %get3A_3123 = arith.constant 32 : index
      %get3A_3124 = tpu.vector_load %arg11[%get3A_3122, %get3A_3123] {strides = array<i32>} : memref<50x128xf32, #tpu.memory_space<vmem>>, vector<16xf32>,
      %mul3A_3125 = arith.mulf %max3A_3120, %get3A_3124 : vector<16xf32>
      %add3A_3126 = arith.addf %add3A_3058, %mul3A_3125 : vector<16xf32>
      %mul3A_3127 = arith.mulf %mul3A_813, %get3A_3076 : vector<16xf32>
      %mul3A_3128 = arith.mulf %mul3A_817, %get3A_3080 : vector<16xf32>
      %add3A_3129 = arith.addf %mul3A_3127, %mul3A_3128 : vector<16xf32>
      %mul3A_3130 = arith.mulf %mul3A_821, %get3A_3084 : vector<16xf32>
      %add3A_3131 = arith.addf %add3A_3129, %mul3A_3130 : vector<16xf32>
      %max3A_3132 = arith.constant 0.000000e+00 : f32
      %max3A_3133 = vector.broadcast %max3A_3132 : f32 to vector<16xf32>
      %max3A_3134 = arith.maximumf %add3A_3131, %max3A_3133 : vector<16xf32>
      %get3A_3135 = arith.constant 33 : i32
      %get3A_3136 = arith.index_cast %get3A_3135 : i32 to index
      %get3A_3137 = arith.constant 48 : index
      %get3A_3138 = tpu.vector_load %arg11[%get3A_3136, %get3A_3137] {strides = array<i32>} : memref<50x128xf32, #tpu.memory_space<vmem>>, vector<16xf32>,
      %mul3A_3139 = arith.mulf %max3A_3134, %get3A_3138 : vector<16xf32>
      %add3A_3140 = arith.addf %add3A_3072, %mul3A_3139 : vector<16xf32>
      %get3A_3141 = arith.constant 34 : i32
      %get3A_3142 = arith.index_cast %get3A_3141 : i32 to index
      %get3A_3143 = arith.constant 64 : index
      %get3A_3144 = tpu.vector_load %arg11[%get3A_3142, %get3A_3143] {strides = array<i32>} : memref<50x128xf32, #tpu.memory_space<vmem>>, vector<16xf32>,
      %get3A_3145 = arith.constant 34 : i32
      %get3A_3146 = arith.index_cast %get3A_3145 : i32 to index
      %get3A_3147 = arith.constant 80 : index
      %get3A_3148 = tpu.vector_load %arg11[%get3A_3146, %get3A_3147] {strides = array<i32>} : memref<50x128xf32, #tpu.memory_space<vmem>>, vector<16xf32>,
      %get3A_3149 = arith.constant 34 : i32
      %get3A_3150 = arith.index_cast %get3A_3149 : i32 to index
      %get3A_3151 = arith.constant 96 : index
      %get3A_3152 = tpu.vector_load %arg11[%get3A_3150, %get3A_3151] {strides = array<i32>} : memref<50x128xf32, #tpu.memory_space<vmem>>, vector<16xf32>,
      %mul3A_3153 = arith.mulf %mul3A_810, %get3A_3144 : vector<16xf32>
      %mul3A_3154 = arith.mulf %mul3A_814, %get3A_3148 : vector<16xf32>
      %add3A_3155 = arith.addf %mul3A_3153, %mul3A_3154 : vector<16xf32>
      %mul3A_3156 = arith.mulf %mul3A_818, %get3A_3152 : vector<16xf32>
      %add3A_3157 = arith.addf %add3A_3155, %mul3A_3156 : vector<16xf32>
      %max3A_3158 = arith.constant 0.000000e+00 : f32
      %max3A_3159 = vector.broadcast %max3A_3158 : f32 to vector<16xf32>
      %max3A_3160 = arith.maximumf %add3A_3157, %max3A_3159 : vector<16xf32>
      %get3A_3161 = arith.constant 34 : i32
      %get3A_3162 = arith.index_cast %get3A_3161 : i32 to index
      %get3A_3163 = arith.constant 0 : index
      %get3A_3164 = tpu.vector_load %arg11[%get3A_3162, %get3A_3163] {strides = array<i32>} : memref<50x128xf32, #tpu.memory_space<vmem>>, vector<16xf32>,
      %mul3A_3165 = arith.mulf %max3A_3160, %get3A_3164 : vector<16xf32>
      %add3A_3166 = arith.addf %add3A_3098, %mul3A_3165 : vector<16xf32>
      %mul3A_3167 = arith.mulf %mul3A_811, %get3A_3144 : vector<16xf32>
      %mul3A_3168 = arith.mulf %mul3A_815, %get3A_3148 : vector<16xf32>
      %add3A_3169 = arith.addf %mul3A_3167, %mul3A_3168 : vector<16xf32>
      %mul3A_3170 = arith.mulf %mul3A_819, %get3A_3152 : vector<16xf32>
      %add3A_3171 = arith.addf %add3A_3169, %mul3A_3170 : vector<16xf32>
      %max3A_3172 = arith.constant 0.000000e+00 : f32
      %max3A_3173 = vector.broadcast %max3A_3172 : f32 to vector<16xf32>
      %max3A_3174 = arith.maximumf %add3A_3171, %max3A_3173 : vector<16xf32>
      %get3A_3175 = arith.constant 34 : i32
      %get3A_3176 = arith.index_cast %get3A_3175 : i32 to index
      %get3A_3177 = arith.constant 16 : index
      %get3A_3178 = tpu.vector_load %arg11[%get3A_3176, %get3A_3177] {strides = array<i32>} : memref<50x128xf32, #tpu.memory_space<vmem>>, vector<16xf32>,
      %mul3A_3179 = arith.mulf %max3A_3174, %get3A_3178 : vector<16xf32>
      %add3A_3180 = arith.addf %add3A_3112, %mul3A_3179 : vector<16xf32>
      %mul3A_3181 = arith.mulf %mul3A_812, %get3A_3144 : vector<16xf32>
      %mul3A_3182 = arith.mulf %mul3A_816, %get3A_3148 : vector<16xf32>
      %add3A_3183 = arith.addf %mul3A_3181, %mul3A_3182 : vector<16xf32>
      %mul3A_3184 = arith.mulf %mul3A_820, %get3A_3152 : vector<16xf32>
      %add3A_3185 = arith.addf %add3A_3183, %mul3A_3184 : vector<16xf32>
      %max3A_3186 = arith.constant 0.000000e+00 : f32
      %max3A_3187 = vector.broadcast %max3A_3186 : f32 to vector<16xf32>
      %max3A_3188 = arith.maximumf %add3A_3185, %max3A_3187 : vector<16xf32>
      %get3A_3189 = arith.constant 34 : i32
      %get3A_3190 = arith.index_cast %get3A_3189 : i32 to index
      %get3A_3191 = arith.constant 32 : index
      %get3A_3192 = tpu.vector_load %arg11[%get3A_3190, %get3A_3191] {strides = array<i32>} : memref<50x128xf32, #tpu.memory_space<vmem>>, vector<16xf32>,
      %mul3A_3193 = arith.mulf %max3A_3188, %get3A_3192 : vector<16xf32>
      %add3A_3194 = arith.addf %add3A_3126, %mul3A_3193 : vector<16xf32>
      %mul3A_3195 = arith.mulf %mul3A_813, %get3A_3144 : vector<16xf32>
      %mul3A_3196 = arith.mulf %mul3A_817, %get3A_3148 : vector<16xf32>
      %add3A_3197 = arith.addf %mul3A_3195, %mul3A_3196 : vector<16xf32>
      %mul3A_3198 = arith.mulf %mul3A_821, %get3A_3152 : vector<16xf32>
      %add3A_3199 = arith.addf %add3A_3197, %mul3A_3198 : vector<16xf32>
      %max3A_3200 = arith.constant 0.000000e+00 : f32
      %max3A_3201 = vector.broadcast %max3A_3200 : f32 to vector<16xf32>
      %max3A_3202 = arith.maximumf %add3A_3199, %max3A_3201 : vector<16xf32>
      %get3A_3203 = arith.constant 34 : i32
      %get3A_3204 = arith.index_cast %get3A_3203 : i32 to index
      %get3A_3205 = arith.constant 48 : index
      %get3A_3206 = tpu.vector_load %arg11[%get3A_3204, %get3A_3205] {strides = array<i32>} : memref<50x128xf32, #tpu.memory_space<vmem>>, vector<16xf32>,
      %mul3A_3207 = arith.mulf %max3A_3202, %get3A_3206 : vector<16xf32>
      %add3A_3208 = arith.addf %add3A_3140, %mul3A_3207 : vector<16xf32>
      %get3A_3209 = arith.constant 35 : i32
      %get3A_3210 = arith.index_cast %get3A_3209 : i32 to index
      %get3A_3211 = arith.constant 64 : index
      %get3A_3212 = tpu.vector_load %arg11[%get3A_3210, %get3A_3211] {strides = array<i32>} : memref<50x128xf32, #tpu.memory_space<vmem>>, vector<16xf32>,
      %get3A_3213 = arith.constant 35 : i32
      %get3A_3214 = arith.index_cast %get3A_3213 : i32 to index
      %get3A_3215 = arith.constant 80 : index
      %get3A_3216 = tpu.vector_load %arg11[%get3A_3214, %get3A_3215] {strides = array<i32>} : memref<50x128xf32, #tpu.memory_space<vmem>>, vector<16xf32>,
      %get3A_3217 = arith.constant 35 : i32
      %get3A_3218 = arith.index_cast %get3A_3217 : i32 to index
      %get3A_3219 = arith.constant 96 : index
      %get3A_3220 = tpu.vector_load %arg11[%get3A_3218, %get3A_3219] {strides = array<i32>} : memref<50x128xf32, #tpu.memory_space<vmem>>, vector<16xf32>,
      %mul3A_3221 = arith.mulf %mul3A_810, %get3A_3212 : vector<16xf32>
      %mul3A_3222 = arith.mulf %mul3A_814, %get3A_3216 : vector<16xf32>
      %add3A_3223 = arith.addf %mul3A_3221, %mul3A_3222 : vector<16xf32>
      %mul3A_3224 = arith.mulf %mul3A_818, %get3A_3220 : vector<16xf32>
      %add3A_3225 = arith.addf %add3A_3223, %mul3A_3224 : vector<16xf32>
      %max3A_3226 = arith.constant 0.000000e+00 : f32
      %max3A_3227 = vector.broadcast %max3A_3226 : f32 to vector<16xf32>
      %max3A_3228 = arith.maximumf %add3A_3225, %max3A_3227 : vector<16xf32>
      %get3A_3229 = arith.constant 35 : i32
      %get3A_3230 = arith.index_cast %get3A_3229 : i32 to index
      %get3A_3231 = arith.constant 0 : index
      %get3A_3232 = tpu.vector_load %arg11[%get3A_3230, %get3A_3231] {strides = array<i32>} : memref<50x128xf32, #tpu.memory_space<vmem>>, vector<16xf32>,
      %mul3A_3233 = arith.mulf %max3A_3228, %get3A_3232 : vector<16xf32>
      %add3A_3234 = arith.addf %add3A_3166, %mul3A_3233 : vector<16xf32>
      %mul3A_3235 = arith.mulf %mul3A_811, %get3A_3212 : vector<16xf32>
      %mul3A_3236 = arith.mulf %mul3A_815, %get3A_3216 : vector<16xf32>
      %add3A_3237 = arith.addf %mul3A_3235, %mul3A_3236 : vector<16xf32>
      %mul3A_3238 = arith.mulf %mul3A_819, %get3A_3220 : vector<16xf32>
      %add3A_3239 = arith.addf %add3A_3237, %mul3A_3238 : vector<16xf32>
      %max3A_3240 = arith.constant 0.000000e+00 : f32
      %max3A_3241 = vector.broadcast %max3A_3240 : f32 to vector<16xf32>
      %max3A_3242 = arith.maximumf %add3A_3239, %max3A_3241 : vector<16xf32>
      %get3A_3243 = arith.constant 35 : i32
      %get3A_3244 = arith.index_cast %get3A_3243 : i32 to index
      %get3A_3245 = arith.constant 16 : index
      %get3A_3246 = tpu.vector_load %arg11[%get3A_3244, %get3A_3245] {strides = array<i32>} : memref<50x128xf32, #tpu.memory_space<vmem>>, vector<16xf32>,
      %mul3A_3247 = arith.mulf %max3A_3242, %get3A_3246 : vector<16xf32>
      %add3A_3248 = arith.addf %add3A_3180, %mul3A_3247 : vector<16xf32>
      %mul3A_3249 = arith.mulf %mul3A_812, %get3A_3212 : vector<16xf32>
      %mul3A_3250 = arith.mulf %mul3A_816, %get3A_3216 : vector<16xf32>
      %add3A_3251 = arith.addf %mul3A_3249, %mul3A_3250 : vector<16xf32>
      %mul3A_3252 = arith.mulf %mul3A_820, %get3A_3220 : vector<16xf32>
      %add3A_3253 = arith.addf %add3A_3251, %mul3A_3252 : vector<16xf32>
      %max3A_3254 = arith.constant 0.000000e+00 : f32
      %max3A_3255 = vector.broadcast %max3A_3254 : f32 to vector<16xf32>
      %max3A_3256 = arith.maximumf %add3A_3253, %max3A_3255 : vector<16xf32>
      %get3A_3257 = arith.constant 35 : i32
      %get3A_3258 = arith.index_cast %get3A_3257 : i32 to index
      %get3A_3259 = arith.constant 32 : index
      %get3A_3260 = tpu.vector_load %arg11[%get3A_3258, %get3A_3259] {strides = array<i32>} : memref<50x128xf32, #tpu.memory_space<vmem>>, vector<16xf32>,
      %mul3A_3261 = arith.mulf %max3A_3256, %get3A_3260 : vector<16xf32>
      %add3A_3262 = arith.addf %add3A_3194, %mul3A_3261 : vector<16xf32>
      %mul3A_3263 = arith.mulf %mul3A_813, %get3A_3212 : vector<16xf32>
      %mul3A_3264 = arith.mulf %mul3A_817, %get3A_3216 : vector<16xf32>
      %add3A_3265 = arith.addf %mul3A_3263, %mul3A_3264 : vector<16xf32>
      %mul3A_3266 = arith.mulf %mul3A_821, %get3A_3220 : vector<16xf32>
      %add3A_3267 = arith.addf %add3A_3265, %mul3A_3266 : vector<16xf32>
      %max3A_3268 = arith.constant 0.000000e+00 : f32
      %max3A_3269 = vector.broadcast %max3A_3268 : f32 to vector<16xf32>
      %max3A_3270 = arith.maximumf %add3A_3267, %max3A_3269 : vector<16xf32>
      %get3A_3271 = arith.constant 35 : i32
      %get3A_3272 = arith.index_cast %get3A_3271 : i32 to index
      %get3A_3273 = arith.constant 48 : index
      %get3A_3274 = tpu.vector_load %arg11[%get3A_3272, %get3A_3273] {strides = array<i32>} : memref<50x128xf32, #tpu.memory_space<vmem>>, vector<16xf32>,
      %mul3A_3275 = arith.mulf %max3A_3270, %get3A_3274 : vector<16xf32>
      %add3A_3276 = arith.addf %add3A_3208, %mul3A_3275 : vector<16xf32>
      %get3A_3277 = arith.constant 36 : i32
      %get3A_3278 = arith.index_cast %get3A_3277 : i32 to index
      %get3A_3279 = arith.constant 64 : index
      %get3A_3280 = tpu.vector_load %arg11[%get3A_3278, %get3A_3279] {strides = array<i32>} : memref<50x128xf32, #tpu.memory_space<vmem>>, vector<16xf32>,
      %get3A_3281 = arith.constant 36 : i32
      %get3A_3282 = arith.index_cast %get3A_3281 : i32 to index
      %get3A_3283 = arith.constant 80 : index
      %get3A_3284 = tpu.vector_load %arg11[%get3A_3282, %get3A_3283] {strides = array<i32>} : memref<50x128xf32, #tpu.memory_space<vmem>>, vector<16xf32>,
      %get3A_3285 = arith.constant 36 : i32
      %get3A_3286 = arith.index_cast %get3A_3285 : i32 to index
      %get3A_3287 = arith.constant 96 : index
      %get3A_3288 = tpu.vector_load %arg11[%get3A_3286, %get3A_3287] {strides = array<i32>} : memref<50x128xf32, #tpu.memory_space<vmem>>, vector<16xf32>,
      %mul3A_3289 = arith.mulf %mul3A_810, %get3A_3280 : vector<16xf32>
      %mul3A_3290 = arith.mulf %mul3A_814, %get3A_3284 : vector<16xf32>
      %add3A_3291 = arith.addf %mul3A_3289, %mul3A_3290 : vector<16xf32>
      %mul3A_3292 = arith.mulf %mul3A_818, %get3A_3288 : vector<16xf32>
      %add3A_3293 = arith.addf %add3A_3291, %mul3A_3292 : vector<16xf32>
      %max3A_3294 = arith.constant 0.000000e+00 : f32
      %max3A_3295 = vector.broadcast %max3A_3294 : f32 to vector<16xf32>
      %max3A_3296 = arith.maximumf %add3A_3293, %max3A_3295 : vector<16xf32>
      %get3A_3297 = arith.constant 36 : i32
      %get3A_3298 = arith.index_cast %get3A_3297 : i32 to index
      %get3A_3299 = arith.constant 0 : index
      %get3A_3300 = tpu.vector_load %arg11[%get3A_3298, %get3A_3299] {strides = array<i32>} : memref<50x128xf32, #tpu.memory_space<vmem>>, vector<16xf32>,
      %mul3A_3301 = arith.mulf %max3A_3296, %get3A_3300 : vector<16xf32>
      %add3A_3302 = arith.addf %add3A_3234, %mul3A_3301 : vector<16xf32>
      %mul3A_3303 = arith.mulf %mul3A_811, %get3A_3280 : vector<16xf32>
      %mul3A_3304 = arith.mulf %mul3A_815, %get3A_3284 : vector<16xf32>
      %add3A_3305 = arith.addf %mul3A_3303, %mul3A_3304 : vector<16xf32>
      %mul3A_3306 = arith.mulf %mul3A_819, %get3A_3288 : vector<16xf32>
      %add3A_3307 = arith.addf %add3A_3305, %mul3A_3306 : vector<16xf32>
      %max3A_3308 = arith.constant 0.000000e+00 : f32
      %max3A_3309 = vector.broadcast %max3A_3308 : f32 to vector<16xf32>
      %max3A_3310 = arith.maximumf %add3A_3307, %max3A_3309 : vector<16xf32>
      %get3A_3311 = arith.constant 36 : i32
      %get3A_3312 = arith.index_cast %get3A_3311 : i32 to index
      %get3A_3313 = arith.constant 16 : index
      %get3A_3314 = tpu.vector_load %arg11[%get3A_3312, %get3A_3313] {strides = array<i32>} : memref<50x128xf32, #tpu.memory_space<vmem>>, vector<16xf32>,
      %mul3A_3315 = arith.mulf %max3A_3310, %get3A_3314 : vector<16xf32>
      %add3A_3316 = arith.addf %add3A_3248, %mul3A_3315 : vector<16xf32>
      %mul3A_3317 = arith.mulf %mul3A_812, %get3A_3280 : vector<16xf32>
      %mul3A_3318 = arith.mulf %mul3A_816, %get3A_3284 : vector<16xf32>
      %add3A_3319 = arith.addf %mul3A_3317, %mul3A_3318 : vector<16xf32>
      %mul3A_3320 = arith.mulf %mul3A_820, %get3A_3288 : vector<16xf32>
      %add3A_3321 = arith.addf %add3A_3319, %mul3A_3320 : vector<16xf32>
      %max3A_3322 = arith.constant 0.000000e+00 : f32
      %max3A_3323 = vector.broadcast %max3A_3322 : f32 to vector<16xf32>
      %max3A_3324 = arith.maximumf %add3A_3321, %max3A_3323 : vector<16xf32>
      %get3A_3325 = arith.constant 36 : i32
      %get3A_3326 = arith.index_cast %get3A_3325 : i32 to index
      %get3A_3327 = arith.constant 32 : index
      %get3A_3328 = tpu.vector_load %arg11[%get3A_3326, %get3A_3327] {strides = array<i32>} : memref<50x128xf32, #tpu.memory_space<vmem>>, vector<16xf32>,
      %mul3A_3329 = arith.mulf %max3A_3324, %get3A_3328 : vector<16xf32>
      %add3A_3330 = arith.addf %add3A_3262, %mul3A_3329 : vector<16xf32>
      %mul3A_3331 = arith.mulf %mul3A_813, %get3A_3280 : vector<16xf32>
      %mul3A_3332 = arith.mulf %mul3A_817, %get3A_3284 : vector<16xf32>
      %add3A_3333 = arith.addf %mul3A_3331, %mul3A_3332 : vector<16xf32>
      %mul3A_3334 = arith.mulf %mul3A_821, %get3A_3288 : vector<16xf32>
      %add3A_3335 = arith.addf %add3A_3333, %mul3A_3334 : vector<16xf32>
      %max3A_3336 = arith.constant 0.000000e+00 : f32
      %max3A_3337 = vector.broadcast %max3A_3336 : f32 to vector<16xf32>
      %max3A_3338 = arith.maximumf %add3A_3335, %max3A_3337 : vector<16xf32>
      %get3A_3339 = arith.constant 36 : i32
      %get3A_3340 = arith.index_cast %get3A_3339 : i32 to index
      %get3A_3341 = arith.constant 48 : index
      %get3A_3342 = tpu.vector_load %arg11[%get3A_3340, %get3A_3341] {strides = array<i32>} : memref<50x128xf32, #tpu.memory_space<vmem>>, vector<16xf32>,
      %mul3A_3343 = arith.mulf %max3A_3338, %get3A_3342 : vector<16xf32>
      %add3A_3344 = arith.addf %add3A_3276, %mul3A_3343 : vector<16xf32>
      %get3A_3345 = arith.constant 37 : i32
      %get3A_3346 = arith.index_cast %get3A_3345 : i32 to index
      %get3A_3347 = arith.constant 64 : index
      %get3A_3348 = tpu.vector_load %arg11[%get3A_3346, %get3A_3347] {strides = array<i32>} : memref<50x128xf32, #tpu.memory_space<vmem>>, vector<16xf32>,
      %get3A_3349 = arith.constant 37 : i32
      %get3A_3350 = arith.index_cast %get3A_3349 : i32 to index
      %get3A_3351 = arith.constant 80 : index
      %get3A_3352 = tpu.vector_load %arg11[%get3A_3350, %get3A_3351] {strides = array<i32>} : memref<50x128xf32, #tpu.memory_space<vmem>>, vector<16xf32>,
      %get3A_3353 = arith.constant 37 : i32
      %get3A_3354 = arith.index_cast %get3A_3353 : i32 to index
      %get3A_3355 = arith.constant 96 : index
      %get3A_3356 = tpu.vector_load %arg11[%get3A_3354, %get3A_3355] {strides = array<i32>} : memref<50x128xf32, #tpu.memory_space<vmem>>, vector<16xf32>,
      %mul3A_3357 = arith.mulf %mul3A_810, %get3A_3348 : vector<16xf32>
      %mul3A_3358 = arith.mulf %mul3A_814, %get3A_3352 : vector<16xf32>
      %add3A_3359 = arith.addf %mul3A_3357, %mul3A_3358 : vector<16xf32>
      %mul3A_3360 = arith.mulf %mul3A_818, %get3A_3356 : vector<16xf32>
      %add3A_3361 = arith.addf %add3A_3359, %mul3A_3360 : vector<16xf32>
      %max3A_3362 = arith.constant 0.000000e+00 : f32
      %max3A_3363 = vector.broadcast %max3A_3362 : f32 to vector<16xf32>
      %max3A_3364 = arith.maximumf %add3A_3361, %max3A_3363 : vector<16xf32>
      %get3A_3365 = arith.constant 37 : i32
      %get3A_3366 = arith.index_cast %get3A_3365 : i32 to index
      %get3A_3367 = arith.constant 0 : index
      %get3A_3368 = tpu.vector_load %arg11[%get3A_3366, %get3A_3367] {strides = array<i32>} : memref<50x128xf32, #tpu.memory_space<vmem>>, vector<16xf32>,
      %mul3A_3369 = arith.mulf %max3A_3364, %get3A_3368 : vector<16xf32>
      %add3A_3370 = arith.addf %add3A_3302, %mul3A_3369 : vector<16xf32>
      %mul3A_3371 = arith.mulf %mul3A_811, %get3A_3348 : vector<16xf32>
      %mul3A_3372 = arith.mulf %mul3A_815, %get3A_3352 : vector<16xf32>
      %add3A_3373 = arith.addf %mul3A_3371, %mul3A_3372 : vector<16xf32>
      %mul3A_3374 = arith.mulf %mul3A_819, %get3A_3356 : vector<16xf32>
      %add3A_3375 = arith.addf %add3A_3373, %mul3A_3374 : vector<16xf32>
      %max3A_3376 = arith.constant 0.000000e+00 : f32
      %max3A_3377 = vector.broadcast %max3A_3376 : f32 to vector<16xf32>
      %max3A_3378 = arith.maximumf %add3A_3375, %max3A_3377 : vector<16xf32>
      %get3A_3379 = arith.constant 37 : i32
      %get3A_3380 = arith.index_cast %get3A_3379 : i32 to index
      %get3A_3381 = arith.constant 16 : index
      %get3A_3382 = tpu.vector_load %arg11[%get3A_3380, %get3A_3381] {strides = array<i32>} : memref<50x128xf32, #tpu.memory_space<vmem>>, vector<16xf32>,
      %mul3A_3383 = arith.mulf %max3A_3378, %get3A_3382 : vector<16xf32>
      %add3A_3384 = arith.addf %add3A_3316, %mul3A_3383 : vector<16xf32>
      %mul3A_3385 = arith.mulf %mul3A_812, %get3A_3348 : vector<16xf32>
      %mul3A_3386 = arith.mulf %mul3A_816, %get3A_3352 : vector<16xf32>
      %add3A_3387 = arith.addf %mul3A_3385, %mul3A_3386 : vector<16xf32>
      %mul3A_3388 = arith.mulf %mul3A_820, %get3A_3356 : vector<16xf32>
      %add3A_3389 = arith.addf %add3A_3387, %mul3A_3388 : vector<16xf32>
      %max3A_3390 = arith.constant 0.000000e+00 : f32
      %max3A_3391 = vector.broadcast %max3A_3390 : f32 to vector<16xf32>
      %max3A_3392 = arith.maximumf %add3A_3389, %max3A_3391 : vector<16xf32>
      %get3A_3393 = arith.constant 37 : i32
      %get3A_3394 = arith.index_cast %get3A_3393 : i32 to index
      %get3A_3395 = arith.constant 32 : index
      %get3A_3396 = tpu.vector_load %arg11[%get3A_3394, %get3A_3395] {strides = array<i32>} : memref<50x128xf32, #tpu.memory_space<vmem>>, vector<16xf32>,
      %mul3A_3397 = arith.mulf %max3A_3392, %get3A_3396 : vector<16xf32>
      %add3A_3398 = arith.addf %add3A_3330, %mul3A_3397 : vector<16xf32>
      %mul3A_3399 = arith.mulf %mul3A_813, %get3A_3348 : vector<16xf32>
      %mul3A_3400 = arith.mulf %mul3A_817, %get3A_3352 : vector<16xf32>
      %add3A_3401 = arith.addf %mul3A_3399, %mul3A_3400 : vector<16xf32>
      %mul3A_3402 = arith.mulf %mul3A_821, %get3A_3356 : vector<16xf32>
      %add3A_3403 = arith.addf %add3A_3401, %mul3A_3402 : vector<16xf32>
      %max3A_3404 = arith.constant 0.000000e+00 : f32
      %max3A_3405 = vector.broadcast %max3A_3404 : f32 to vector<16xf32>
      %max3A_3406 = arith.maximumf %add3A_3403, %max3A_3405 : vector<16xf32>
      %get3A_3407 = arith.constant 37 : i32
      %get3A_3408 = arith.index_cast %get3A_3407 : i32 to index
      %get3A_3409 = arith.constant 48 : index
      %get3A_3410 = tpu.vector_load %arg11[%get3A_3408, %get3A_3409] {strides = array<i32>} : memref<50x128xf32, #tpu.memory_space<vmem>>, vector<16xf32>,
      %mul3A_3411 = arith.mulf %max3A_3406, %get3A_3410 : vector<16xf32>
      %add3A_3412 = arith.addf %add3A_3344, %mul3A_3411 : vector<16xf32>
      %get3A_3413 = arith.constant 38 : i32
      %get3A_3414 = arith.index_cast %get3A_3413 : i32 to index
      %get3A_3415 = arith.constant 64 : index
      %get3A_3416 = tpu.vector_load %arg11[%get3A_3414, %get3A_3415] {strides = array<i32>} : memref<50x128xf32, #tpu.memory_space<vmem>>, vector<16xf32>,
      %get3A_3417 = arith.constant 38 : i32
      %get3A_3418 = arith.index_cast %get3A_3417 : i32 to index
      %get3A_3419 = arith.constant 80 : index
      %get3A_3420 = tpu.vector_load %arg11[%get3A_3418, %get3A_3419] {strides = array<i32>} : memref<50x128xf32, #tpu.memory_space<vmem>>, vector<16xf32>,
      %get3A_3421 = arith.constant 38 : i32
      %get3A_3422 = arith.index_cast %get3A_3421 : i32 to index
      %get3A_3423 = arith.constant 96 : index
      %get3A_3424 = tpu.vector_load %arg11[%get3A_3422, %get3A_3423] {strides = array<i32>} : memref<50x128xf32, #tpu.memory_space<vmem>>, vector<16xf32>,
      %mul3A_3425 = arith.mulf %mul3A_810, %get3A_3416 : vector<16xf32>
      %mul3A_3426 = arith.mulf %mul3A_814, %get3A_3420 : vector<16xf32>
      %add3A_3427 = arith.addf %mul3A_3425, %mul3A_3426 : vector<16xf32>
      %mul3A_3428 = arith.mulf %mul3A_818, %get3A_3424 : vector<16xf32>
      %add3A_3429 = arith.addf %add3A_3427, %mul3A_3428 : vector<16xf32>
      %max3A_3430 = arith.constant 0.000000e+00 : f32
      %max3A_3431 = vector.broadcast %max3A_3430 : f32 to vector<16xf32>
      %max3A_3432 = arith.maximumf %add3A_3429, %max3A_3431 : vector<16xf32>
      %get3A_3433 = arith.constant 38 : i32
      %get3A_3434 = arith.index_cast %get3A_3433 : i32 to index
      %get3A_3435 = arith.constant 0 : index
      %get3A_3436 = tpu.vector_load %arg11[%get3A_3434, %get3A_3435] {strides = array<i32>} : memref<50x128xf32, #tpu.memory_space<vmem>>, vector<16xf32>,
      %mul3A_3437 = arith.mulf %max3A_3432, %get3A_3436 : vector<16xf32>
      %add3A_3438 = arith.addf %add3A_3370, %mul3A_3437 : vector<16xf32>
      %mul3A_3439 = arith.mulf %mul3A_811, %get3A_3416 : vector<16xf32>
      %mul3A_3440 = arith.mulf %mul3A_815, %get3A_3420 : vector<16xf32>
      %add3A_3441 = arith.addf %mul3A_3439, %mul3A_3440 : vector<16xf32>
      %mul3A_3442 = arith.mulf %mul3A_819, %get3A_3424 : vector<16xf32>
      %add3A_3443 = arith.addf %add3A_3441, %mul3A_3442 : vector<16xf32>
      %max3A_3444 = arith.constant 0.000000e+00 : f32
      %max3A_3445 = vector.broadcast %max3A_3444 : f32 to vector<16xf32>
      %max3A_3446 = arith.maximumf %add3A_3443, %max3A_3445 : vector<16xf32>
      %get3A_3447 = arith.constant 38 : i32
      %get3A_3448 = arith.index_cast %get3A_3447 : i32 to index
      %get3A_3449 = arith.constant 16 : index
      %get3A_3450 = tpu.vector_load %arg11[%get3A_3448, %get3A_3449] {strides = array<i32>} : memref<50x128xf32, #tpu.memory_space<vmem>>, vector<16xf32>,
      %mul3A_3451 = arith.mulf %max3A_3446, %get3A_3450 : vector<16xf32>
      %add3A_3452 = arith.addf %add3A_3384, %mul3A_3451 : vector<16xf32>
      %mul3A_3453 = arith.mulf %mul3A_812, %get3A_3416 : vector<16xf32>
      %mul3A_3454 = arith.mulf %mul3A_816, %get3A_3420 : vector<16xf32>
      %add3A_3455 = arith.addf %mul3A_3453, %mul3A_3454 : vector<16xf32>
      %mul3A_3456 = arith.mulf %mul3A_820, %get3A_3424 : vector<16xf32>
      %add3A_3457 = arith.addf %add3A_3455, %mul3A_3456 : vector<16xf32>
      %max3A_3458 = arith.constant 0.000000e+00 : f32
      %max3A_3459 = vector.broadcast %max3A_3458 : f32 to vector<16xf32>
      %max3A_3460 = arith.maximumf %add3A_3457, %max3A_3459 : vector<16xf32>
      %get3A_3461 = arith.constant 38 : i32
      %get3A_3462 = arith.index_cast %get3A_3461 : i32 to index
      %get3A_3463 = arith.constant 32 : index
      %get3A_3464 = tpu.vector_load %arg11[%get3A_3462, %get3A_3463] {strides = array<i32>} : memref<50x128xf32, #tpu.memory_space<vmem>>, vector<16xf32>,
      %mul3A_3465 = arith.mulf %max3A_3460, %get3A_3464 : vector<16xf32>
      %add3A_3466 = arith.addf %add3A_3398, %mul3A_3465 : vector<16xf32>
      %mul3A_3467 = arith.mulf %mul3A_813, %get3A_3416 : vector<16xf32>
      %mul3A_3468 = arith.mulf %mul3A_817, %get3A_3420 : vector<16xf32>
      %add3A_3469 = arith.addf %mul3A_3467, %mul3A_3468 : vector<16xf32>
      %mul3A_3470 = arith.mulf %mul3A_821, %get3A_3424 : vector<16xf32>
      %add3A_3471 = arith.addf %add3A_3469, %mul3A_3470 : vector<16xf32>
      %max3A_3472 = arith.constant 0.000000e+00 : f32
      %max3A_3473 = vector.broadcast %max3A_3472 : f32 to vector<16xf32>
      %max3A_3474 = arith.maximumf %add3A_3471, %max3A_3473 : vector<16xf32>
      %get3A_3475 = arith.constant 38 : i32
      %get3A_3476 = arith.index_cast %get3A_3475 : i32 to index
      %get3A_3477 = arith.constant 48 : index
      %get3A_3478 = tpu.vector_load %arg11[%get3A_3476, %get3A_3477] {strides = array<i32>} : memref<50x128xf32, #tpu.memory_space<vmem>>, vector<16xf32>,
      %mul3A_3479 = arith.mulf %max3A_3474, %get3A_3478 : vector<16xf32>
      %add3A_3480 = arith.addf %add3A_3412, %mul3A_3479 : vector<16xf32>
      %get3A_3481 = arith.constant 39 : i32
      %get3A_3482 = arith.index_cast %get3A_3481 : i32 to index
      %get3A_3483 = arith.constant 64 : index
      %get3A_3484 = tpu.vector_load %arg11[%get3A_3482, %get3A_3483] {strides = array<i32>} : memref<50x128xf32, #tpu.memory_space<vmem>>, vector<16xf32>,
      %get3A_3485 = arith.constant 39 : i32
      %get3A_3486 = arith.index_cast %get3A_3485 : i32 to index
      %get3A_3487 = arith.constant 80 : index
      %get3A_3488 = tpu.vector_load %arg11[%get3A_3486, %get3A_3487] {strides = array<i32>} : memref<50x128xf32, #tpu.memory_space<vmem>>, vector<16xf32>,
      %get3A_3489 = arith.constant 39 : i32
      %get3A_3490 = arith.index_cast %get3A_3489 : i32 to index
      %get3A_3491 = arith.constant 96 : index
      %get3A_3492 = tpu.vector_load %arg11[%get3A_3490, %get3A_3491] {strides = array<i32>} : memref<50x128xf32, #tpu.memory_space<vmem>>, vector<16xf32>,
      %mul3A_3493 = arith.mulf %mul3A_810, %get3A_3484 : vector<16xf32>
      %mul3A_3494 = arith.mulf %mul3A_814, %get3A_3488 : vector<16xf32>
      %add3A_3495 = arith.addf %mul3A_3493, %mul3A_3494 : vector<16xf32>
      %mul3A_3496 = arith.mulf %mul3A_818, %get3A_3492 : vector<16xf32>
      %add3A_3497 = arith.addf %add3A_3495, %mul3A_3496 : vector<16xf32>
      %max3A_3498 = arith.constant 0.000000e+00 : f32
      %max3A_3499 = vector.broadcast %max3A_3498 : f32 to vector<16xf32>
      %max3A_3500 = arith.maximumf %add3A_3497, %max3A_3499 : vector<16xf32>
      %get3A_3501 = arith.constant 39 : i32
      %get3A_3502 = arith.index_cast %get3A_3501 : i32 to index
      %get3A_3503 = arith.constant 0 : index
      %get3A_3504 = tpu.vector_load %arg11[%get3A_3502, %get3A_3503] {strides = array<i32>} : memref<50x128xf32, #tpu.memory_space<vmem>>, vector<16xf32>,
      %mul3A_3505 = arith.mulf %max3A_3500, %get3A_3504 : vector<16xf32>
      %add3A_3506 = arith.addf %add3A_3438, %mul3A_3505 : vector<16xf32>
      %mul3A_3507 = arith.mulf %mul3A_811, %get3A_3484 : vector<16xf32>
      %mul3A_3508 = arith.mulf %mul3A_815, %get3A_3488 : vector<16xf32>
      %add3A_3509 = arith.addf %mul3A_3507, %mul3A_3508 : vector<16xf32>
      %mul3A_3510 = arith.mulf %mul3A_819, %get3A_3492 : vector<16xf32>
      %add3A_3511 = arith.addf %add3A_3509, %mul3A_3510 : vector<16xf32>
      %max3A_3512 = arith.constant 0.000000e+00 : f32
      %max3A_3513 = vector.broadcast %max3A_3512 : f32 to vector<16xf32>
      %max3A_3514 = arith.maximumf %add3A_3511, %max3A_3513 : vector<16xf32>
      %get3A_3515 = arith.constant 39 : i32
      %get3A_3516 = arith.index_cast %get3A_3515 : i32 to index
      %get3A_3517 = arith.constant 16 : index
      %get3A_3518 = tpu.vector_load %arg11[%get3A_3516, %get3A_3517] {strides = array<i32>} : memref<50x128xf32, #tpu.memory_space<vmem>>, vector<16xf32>,
      %mul3A_3519 = arith.mulf %max3A_3514, %get3A_3518 : vector<16xf32>
      %add3A_3520 = arith.addf %add3A_3452, %mul3A_3519 : vector<16xf32>
      %mul3A_3521 = arith.mulf %mul3A_812, %get3A_3484 : vector<16xf32>
      %mul3A_3522 = arith.mulf %mul3A_816, %get3A_3488 : vector<16xf32>
      %add3A_3523 = arith.addf %mul3A_3521, %mul3A_3522 : vector<16xf32>
      %mul3A_3524 = arith.mulf %mul3A_820, %get3A_3492 : vector<16xf32>
      %add3A_3525 = arith.addf %add3A_3523, %mul3A_3524 : vector<16xf32>
      %max3A_3526 = arith.constant 0.000000e+00 : f32
      %max3A_3527 = vector.broadcast %max3A_3526 : f32 to vector<16xf32>
      %max3A_3528 = arith.maximumf %add3A_3525, %max3A_3527 : vector<16xf32>
      %get3A_3529 = arith.constant 39 : i32
      %get3A_3530 = arith.index_cast %get3A_3529 : i32 to index
      %get3A_3531 = arith.constant 32 : index
      %get3A_3532 = tpu.vector_load %arg11[%get3A_3530, %get3A_3531] {strides = array<i32>} : memref<50x128xf32, #tpu.memory_space<vmem>>, vector<16xf32>,
      %mul3A_3533 = arith.mulf %max3A_3528, %get3A_3532 : vector<16xf32>
      %add3A_3534 = arith.addf %add3A_3466, %mul3A_3533 : vector<16xf32>
      %mul3A_3535 = arith.mulf %mul3A_813, %get3A_3484 : vector<16xf32>
      %mul3A_3536 = arith.mulf %mul3A_817, %get3A_3488 : vector<16xf32>
      %add3A_3537 = arith.addf %mul3A_3535, %mul3A_3536 : vector<16xf32>
      %mul3A_3538 = arith.mulf %mul3A_821, %get3A_3492 : vector<16xf32>
      %add3A_3539 = arith.addf %add3A_3537, %mul3A_3538 : vector<16xf32>
      %max3A_3540 = arith.constant 0.000000e+00 : f32
      %max3A_3541 = vector.broadcast %max3A_3540 : f32 to vector<16xf32>
      %max3A_3542 = arith.maximumf %add3A_3539, %max3A_3541 : vector<16xf32>
      %get3A_3543 = arith.constant 39 : i32
      %get3A_3544 = arith.index_cast %get3A_3543 : i32 to index
      %get3A_3545 = arith.constant 48 : index
      %get3A_3546 = tpu.vector_load %arg11[%get3A_3544, %get3A_3545] {strides = array<i32>} : memref<50x128xf32, #tpu.memory_space<vmem>>, vector<16xf32>,
      %mul3A_3547 = arith.mulf %max3A_3542, %get3A_3546 : vector<16xf32>
      %add3A_3548 = arith.addf %add3A_3480, %mul3A_3547 : vector<16xf32>
      %get3A_3549 = arith.constant 40 : i32
      %get3A_3550 = arith.index_cast %get3A_3549 : i32 to index
      %get3A_3551 = arith.constant 64 : index
      %get3A_3552 = tpu.vector_load %arg11[%get3A_3550, %get3A_3551] {strides = array<i32>} : memref<50x128xf32, #tpu.memory_space<vmem>>, vector<16xf32>,
      %get3A_3553 = arith.constant 40 : i32
      %get3A_3554 = arith.index_cast %get3A_3553 : i32 to index
      %get3A_3555 = arith.constant 80 : index
      %get3A_3556 = tpu.vector_load %arg11[%get3A_3554, %get3A_3555] {strides = array<i32>} : memref<50x128xf32, #tpu.memory_space<vmem>>, vector<16xf32>,
      %get3A_3557 = arith.constant 40 : i32
      %get3A_3558 = arith.index_cast %get3A_3557 : i32 to index
      %get3A_3559 = arith.constant 96 : index
      %get3A_3560 = tpu.vector_load %arg11[%get3A_3558, %get3A_3559] {strides = array<i32>} : memref<50x128xf32, #tpu.memory_space<vmem>>, vector<16xf32>,
      %mul3A_3561 = arith.mulf %mul3A_810, %get3A_3552 : vector<16xf32>
      %mul3A_3562 = arith.mulf %mul3A_814, %get3A_3556 : vector<16xf32>
      %add3A_3563 = arith.addf %mul3A_3561, %mul3A_3562 : vector<16xf32>
      %mul3A_3564 = arith.mulf %mul3A_818, %get3A_3560 : vector<16xf32>
      %add3A_3565 = arith.addf %add3A_3563, %mul3A_3564 : vector<16xf32>
      %max3A_3566 = arith.constant 0.000000e+00 : f32
      %max3A_3567 = vector.broadcast %max3A_3566 : f32 to vector<16xf32>
      %max3A_3568 = arith.maximumf %add3A_3565, %max3A_3567 : vector<16xf32>
      %get3A_3569 = arith.constant 40 : i32
      %get3A_3570 = arith.index_cast %get3A_3569 : i32 to index
      %get3A_3571 = arith.constant 0 : index
      %get3A_3572 = tpu.vector_load %arg11[%get3A_3570, %get3A_3571] {strides = array<i32>} : memref<50x128xf32, #tpu.memory_space<vmem>>, vector<16xf32>,
      %mul3A_3573 = arith.mulf %max3A_3568, %get3A_3572 : vector<16xf32>
      %add3A_3574 = arith.addf %add3A_3506, %mul3A_3573 : vector<16xf32>
      %mul3A_3575 = arith.mulf %mul3A_811, %get3A_3552 : vector<16xf32>
      %mul3A_3576 = arith.mulf %mul3A_815, %get3A_3556 : vector<16xf32>
      %add3A_3577 = arith.addf %mul3A_3575, %mul3A_3576 : vector<16xf32>
      %mul3A_3578 = arith.mulf %mul3A_819, %get3A_3560 : vector<16xf32>
      %add3A_3579 = arith.addf %add3A_3577, %mul3A_3578 : vector<16xf32>
      %max3A_3580 = arith.constant 0.000000e+00 : f32
      %max3A_3581 = vector.broadcast %max3A_3580 : f32 to vector<16xf32>
      %max3A_3582 = arith.maximumf %add3A_3579, %max3A_3581 : vector<16xf32>
      %get3A_3583 = arith.constant 40 : i32
      %get3A_3584 = arith.index_cast %get3A_3583 : i32 to index
      %get3A_3585 = arith.constant 16 : index
      %get3A_3586 = tpu.vector_load %arg11[%get3A_3584, %get3A_3585] {strides = array<i32>} : memref<50x128xf32, #tpu.memory_space<vmem>>, vector<16xf32>,
      %mul3A_3587 = arith.mulf %max3A_3582, %get3A_3586 : vector<16xf32>
      %add3A_3588 = arith.addf %add3A_3520, %mul3A_3587 : vector<16xf32>
      %mul3A_3589 = arith.mulf %mul3A_812, %get3A_3552 : vector<16xf32>
      %mul3A_3590 = arith.mulf %mul3A_816, %get3A_3556 : vector<16xf32>
      %add3A_3591 = arith.addf %mul3A_3589, %mul3A_3590 : vector<16xf32>
      %mul3A_3592 = arith.mulf %mul3A_820, %get3A_3560 : vector<16xf32>
      %add3A_3593 = arith.addf %add3A_3591, %mul3A_3592 : vector<16xf32>
      %max3A_3594 = arith.constant 0.000000e+00 : f32
      %max3A_3595 = vector.broadcast %max3A_3594 : f32 to vector<16xf32>
      %max3A_3596 = arith.maximumf %add3A_3593, %max3A_3595 : vector<16xf32>
      %get3A_3597 = arith.constant 40 : i32
      %get3A_3598 = arith.index_cast %get3A_3597 : i32 to index
      %get3A_3599 = arith.constant 32 : index
      %get3A_3600 = tpu.vector_load %arg11[%get3A_3598, %get3A_3599] {strides = array<i32>} : memref<50x128xf32, #tpu.memory_space<vmem>>, vector<16xf32>,
      %mul3A_3601 = arith.mulf %max3A_3596, %get3A_3600 : vector<16xf32>
      %add3A_3602 = arith.addf %add3A_3534, %mul3A_3601 : vector<16xf32>
      %mul3A_3603 = arith.mulf %mul3A_813, %get3A_3552 : vector<16xf32>
      %mul3A_3604 = arith.mulf %mul3A_817, %get3A_3556 : vector<16xf32>
      %add3A_3605 = arith.addf %mul3A_3603, %mul3A_3604 : vector<16xf32>
      %mul3A_3606 = arith.mulf %mul3A_821, %get3A_3560 : vector<16xf32>
      %add3A_3607 = arith.addf %add3A_3605, %mul3A_3606 : vector<16xf32>
      %max3A_3608 = arith.constant 0.000000e+00 : f32
      %max3A_3609 = vector.broadcast %max3A_3608 : f32 to vector<16xf32>
      %max3A_3610 = arith.maximumf %add3A_3607, %max3A_3609 : vector<16xf32>
      %get3A_3611 = arith.constant 40 : i32
      %get3A_3612 = arith.index_cast %get3A_3611 : i32 to index
      %get3A_3613 = arith.constant 48 : index
      %get3A_3614 = tpu.vector_load %arg11[%get3A_3612, %get3A_3613] {strides = array<i32>} : memref<50x128xf32, #tpu.memory_space<vmem>>, vector<16xf32>,
      %mul3A_3615 = arith.mulf %max3A_3610, %get3A_3614 : vector<16xf32>
      %add3A_3616 = arith.addf %add3A_3548, %mul3A_3615 : vector<16xf32>
      %get3A_3617 = arith.constant 41 : i32
      %get3A_3618 = arith.index_cast %get3A_3617 : i32 to index
      %get3A_3619 = arith.constant 64 : index
      %get3A_3620 = tpu.vector_load %arg11[%get3A_3618, %get3A_3619] {strides = array<i32>} : memref<50x128xf32, #tpu.memory_space<vmem>>, vector<16xf32>,
      %get3A_3621 = arith.constant 41 : i32
      %get3A_3622 = arith.index_cast %get3A_3621 : i32 to index
      %get3A_3623 = arith.constant 80 : index
      %get3A_3624 = tpu.vector_load %arg11[%get3A_3622, %get3A_3623] {strides = array<i32>} : memref<50x128xf32, #tpu.memory_space<vmem>>, vector<16xf32>,
      %get3A_3625 = arith.constant 41 : i32
      %get3A_3626 = arith.index_cast %get3A_3625 : i32 to index
      %get3A_3627 = arith.constant 96 : index
      %get3A_3628 = tpu.vector_load %arg11[%get3A_3626, %get3A_3627] {strides = array<i32>} : memref<50x128xf32, #tpu.memory_space<vmem>>, vector<16xf32>,
      %mul3A_3629 = arith.mulf %mul3A_810, %get3A_3620 : vector<16xf32>
      %mul3A_3630 = arith.mulf %mul3A_814, %get3A_3624 : vector<16xf32>
      %add3A_3631 = arith.addf %mul3A_3629, %mul3A_3630 : vector<16xf32>
      %mul3A_3632 = arith.mulf %mul3A_818, %get3A_3628 : vector<16xf32>
      %add3A_3633 = arith.addf %add3A_3631, %mul3A_3632 : vector<16xf32>
      %max3A_3634 = arith.constant 0.000000e+00 : f32
      %max3A_3635 = vector.broadcast %max3A_3634 : f32 to vector<16xf32>
      %max3A_3636 = arith.maximumf %add3A_3633, %max3A_3635 : vector<16xf32>
      %get3A_3637 = arith.constant 41 : i32
      %get3A_3638 = arith.index_cast %get3A_3637 : i32 to index
      %get3A_3639 = arith.constant 0 : index
      %get3A_3640 = tpu.vector_load %arg11[%get3A_3638, %get3A_3639] {strides = array<i32>} : memref<50x128xf32, #tpu.memory_space<vmem>>, vector<16xf32>,
      %mul3A_3641 = arith.mulf %max3A_3636, %get3A_3640 : vector<16xf32>
      %add3A_3642 = arith.addf %add3A_3574, %mul3A_3641 : vector<16xf32>
      %mul3A_3643 = arith.mulf %mul3A_811, %get3A_3620 : vector<16xf32>
      %mul3A_3644 = arith.mulf %mul3A_815, %get3A_3624 : vector<16xf32>
      %add3A_3645 = arith.addf %mul3A_3643, %mul3A_3644 : vector<16xf32>
      %mul3A_3646 = arith.mulf %mul3A_819, %get3A_3628 : vector<16xf32>
      %add3A_3647 = arith.addf %add3A_3645, %mul3A_3646 : vector<16xf32>
      %max3A_3648 = arith.constant 0.000000e+00 : f32
      %max3A_3649 = vector.broadcast %max3A_3648 : f32 to vector<16xf32>
      %max3A_3650 = arith.maximumf %add3A_3647, %max3A_3649 : vector<16xf32>
      %get3A_3651 = arith.constant 41 : i32
      %get3A_3652 = arith.index_cast %get3A_3651 : i32 to index
      %get3A_3653 = arith.constant 16 : index
      %get3A_3654 = tpu.vector_load %arg11[%get3A_3652, %get3A_3653] {strides = array<i32>} : memref<50x128xf32, #tpu.memory_space<vmem>>, vector<16xf32>,
      %mul3A_3655 = arith.mulf %max3A_3650, %get3A_3654 : vector<16xf32>
      %add3A_3656 = arith.addf %add3A_3588, %mul3A_3655 : vector<16xf32>
      %mul3A_3657 = arith.mulf %mul3A_812, %get3A_3620 : vector<16xf32>
      %mul3A_3658 = arith.mulf %mul3A_816, %get3A_3624 : vector<16xf32>
      %add3A_3659 = arith.addf %mul3A_3657, %mul3A_3658 : vector<16xf32>
      %mul3A_3660 = arith.mulf %mul3A_820, %get3A_3628 : vector<16xf32>
      %add3A_3661 = arith.addf %add3A_3659, %mul3A_3660 : vector<16xf32>
      %max3A_3662 = arith.constant 0.000000e+00 : f32
      %max3A_3663 = vector.broadcast %max3A_3662 : f32 to vector<16xf32>
      %max3A_3664 = arith.maximumf %add3A_3661, %max3A_3663 : vector<16xf32>
      %get3A_3665 = arith.constant 41 : i32
      %get3A_3666 = arith.index_cast %get3A_3665 : i32 to index
      %get3A_3667 = arith.constant 32 : index
      %get3A_3668 = tpu.vector_load %arg11[%get3A_3666, %get3A_3667] {strides = array<i32>} : memref<50x128xf32, #tpu.memory_space<vmem>>, vector<16xf32>,
      %mul3A_3669 = arith.mulf %max3A_3664, %get3A_3668 : vector<16xf32>
      %add3A_3670 = arith.addf %add3A_3602, %mul3A_3669 : vector<16xf32>
      %mul3A_3671 = arith.mulf %mul3A_813, %get3A_3620 : vector<16xf32>
      %mul3A_3672 = arith.mulf %mul3A_817, %get3A_3624 : vector<16xf32>
      %add3A_3673 = arith.addf %mul3A_3671, %mul3A_3672 : vector<16xf32>
      %mul3A_3674 = arith.mulf %mul3A_821, %get3A_3628 : vector<16xf32>
      %add3A_3675 = arith.addf %add3A_3673, %mul3A_3674 : vector<16xf32>
      %max3A_3676 = arith.constant 0.000000e+00 : f32
      %max3A_3677 = vector.broadcast %max3A_3676 : f32 to vector<16xf32>
      %max3A_3678 = arith.maximumf %add3A_3675, %max3A_3677 : vector<16xf32>
      %get3A_3679 = arith.constant 41 : i32
      %get3A_3680 = arith.index_cast %get3A_3679 : i32 to index
      %get3A_3681 = arith.constant 48 : index
      %get3A_3682 = tpu.vector_load %arg11[%get3A_3680, %get3A_3681] {strides = array<i32>} : memref<50x128xf32, #tpu.memory_space<vmem>>, vector<16xf32>,
      %mul3A_3683 = arith.mulf %max3A_3678, %get3A_3682 : vector<16xf32>
      %add3A_3684 = arith.addf %add3A_3616, %mul3A_3683 : vector<16xf32>
      %get3A_3685 = arith.constant 42 : i32
      %get3A_3686 = arith.index_cast %get3A_3685 : i32 to index
      %get3A_3687 = arith.constant 64 : index
      %get3A_3688 = tpu.vector_load %arg11[%get3A_3686, %get3A_3687] {strides = array<i32>} : memref<50x128xf32, #tpu.memory_space<vmem>>, vector<16xf32>,
      %get3A_3689 = arith.constant 42 : i32
      %get3A_3690 = arith.index_cast %get3A_3689 : i32 to index
      %get3A_3691 = arith.constant 80 : index
      %get3A_3692 = tpu.vector_load %arg11[%get3A_3690, %get3A_3691] {strides = array<i32>} : memref<50x128xf32, #tpu.memory_space<vmem>>, vector<16xf32>,
      %get3A_3693 = arith.constant 42 : i32
      %get3A_3694 = arith.index_cast %get3A_3693 : i32 to index
      %get3A_3695 = arith.constant 96 : index
      %get3A_3696 = tpu.vector_load %arg11[%get3A_3694, %get3A_3695] {strides = array<i32>} : memref<50x128xf32, #tpu.memory_space<vmem>>, vector<16xf32>,
      %mul3A_3697 = arith.mulf %mul3A_810, %get3A_3688 : vector<16xf32>
      %mul3A_3698 = arith.mulf %mul3A_814, %get3A_3692 : vector<16xf32>
      %add3A_3699 = arith.addf %mul3A_3697, %mul3A_3698 : vector<16xf32>
      %mul3A_3700 = arith.mulf %mul3A_818, %get3A_3696 : vector<16xf32>
      %add3A_3701 = arith.addf %add3A_3699, %mul3A_3700 : vector<16xf32>
      %max3A_3702 = arith.constant 0.000000e+00 : f32
      %max3A_3703 = vector.broadcast %max3A_3702 : f32 to vector<16xf32>
      %max3A_3704 = arith.maximumf %add3A_3701, %max3A_3703 : vector<16xf32>
      %get3A_3705 = arith.constant 42 : i32
      %get3A_3706 = arith.index_cast %get3A_3705 : i32 to index
      %get3A_3707 = arith.constant 0 : index
      %get3A_3708 = tpu.vector_load %arg11[%get3A_3706, %get3A_3707] {strides = array<i32>} : memref<50x128xf32, #tpu.memory_space<vmem>>, vector<16xf32>,
      %mul3A_3709 = arith.mulf %max3A_3704, %get3A_3708 : vector<16xf32>
      %add3A_3710 = arith.addf %add3A_3642, %mul3A_3709 : vector<16xf32>
      %mul3A_3711 = arith.mulf %mul3A_811, %get3A_3688 : vector<16xf32>
      %mul3A_3712 = arith.mulf %mul3A_815, %get3A_3692 : vector<16xf32>
      %add3A_3713 = arith.addf %mul3A_3711, %mul3A_3712 : vector<16xf32>
      %mul3A_3714 = arith.mulf %mul3A_819, %get3A_3696 : vector<16xf32>
      %add3A_3715 = arith.addf %add3A_3713, %mul3A_3714 : vector<16xf32>
      %max3A_3716 = arith.constant 0.000000e+00 : f32
      %max3A_3717 = vector.broadcast %max3A_3716 : f32 to vector<16xf32>
      %max3A_3718 = arith.maximumf %add3A_3715, %max3A_3717 : vector<16xf32>
      %get3A_3719 = arith.constant 42 : i32
      %get3A_3720 = arith.index_cast %get3A_3719 : i32 to index
      %get3A_3721 = arith.constant 16 : index
      %get3A_3722 = tpu.vector_load %arg11[%get3A_3720, %get3A_3721] {strides = array<i32>} : memref<50x128xf32, #tpu.memory_space<vmem>>, vector<16xf32>,
      %mul3A_3723 = arith.mulf %max3A_3718, %get3A_3722 : vector<16xf32>
      %add3A_3724 = arith.addf %add3A_3656, %mul3A_3723 : vector<16xf32>
      %mul3A_3725 = arith.mulf %mul3A_812, %get3A_3688 : vector<16xf32>
      %mul3A_3726 = arith.mulf %mul3A_816, %get3A_3692 : vector<16xf32>
      %add3A_3727 = arith.addf %mul3A_3725, %mul3A_3726 : vector<16xf32>
      %mul3A_3728 = arith.mulf %mul3A_820, %get3A_3696 : vector<16xf32>
      %add3A_3729 = arith.addf %add3A_3727, %mul3A_3728 : vector<16xf32>
      %max3A_3730 = arith.constant 0.000000e+00 : f32
      %max3A_3731 = vector.broadcast %max3A_3730 : f32 to vector<16xf32>
      %max3A_3732 = arith.maximumf %add3A_3729, %max3A_3731 : vector<16xf32>
      %get3A_3733 = arith.constant 42 : i32
      %get3A_3734 = arith.index_cast %get3A_3733 : i32 to index
      %get3A_3735 = arith.constant 32 : index
      %get3A_3736 = tpu.vector_load %arg11[%get3A_3734, %get3A_3735] {strides = array<i32>} : memref<50x128xf32, #tpu.memory_space<vmem>>, vector<16xf32>,
      %mul3A_3737 = arith.mulf %max3A_3732, %get3A_3736 : vector<16xf32>
      %add3A_3738 = arith.addf %add3A_3670, %mul3A_3737 : vector<16xf32>
      %mul3A_3739 = arith.mulf %mul3A_813, %get3A_3688 : vector<16xf32>
      %mul3A_3740 = arith.mulf %mul3A_817, %get3A_3692 : vector<16xf32>
      %add3A_3741 = arith.addf %mul3A_3739, %mul3A_3740 : vector<16xf32>
      %mul3A_3742 = arith.mulf %mul3A_821, %get3A_3696 : vector<16xf32>
      %add3A_3743 = arith.addf %add3A_3741, %mul3A_3742 : vector<16xf32>
      %max3A_3744 = arith.constant 0.000000e+00 : f32
      %max3A_3745 = vector.broadcast %max3A_3744 : f32 to vector<16xf32>
      %max3A_3746 = arith.maximumf %add3A_3743, %max3A_3745 : vector<16xf32>
      %get3A_3747 = arith.constant 42 : i32
      %get3A_3748 = arith.index_cast %get3A_3747 : i32 to index
      %get3A_3749 = arith.constant 48 : index
      %get3A_3750 = tpu.vector_load %arg11[%get3A_3748, %get3A_3749] {strides = array<i32>} : memref<50x128xf32, #tpu.memory_space<vmem>>, vector<16xf32>,
      %mul3A_3751 = arith.mulf %max3A_3746, %get3A_3750 : vector<16xf32>
      %add3A_3752 = arith.addf %add3A_3684, %mul3A_3751 : vector<16xf32>
      %get3A_3753 = arith.constant 43 : i32
      %get3A_3754 = arith.index_cast %get3A_3753 : i32 to index
      %get3A_3755 = arith.constant 64 : index
      %get3A_3756 = tpu.vector_load %arg11[%get3A_3754, %get3A_3755] {strides = array<i32>} : memref<50x128xf32, #tpu.memory_space<vmem>>, vector<16xf32>,
      %get3A_3757 = arith.constant 43 : i32
      %get3A_3758 = arith.index_cast %get3A_3757 : i32 to index
      %get3A_3759 = arith.constant 80 : index
      %get3A_3760 = tpu.vector_load %arg11[%get3A_3758, %get3A_3759] {strides = array<i32>} : memref<50x128xf32, #tpu.memory_space<vmem>>, vector<16xf32>,
      %get3A_3761 = arith.constant 43 : i32
      %get3A_3762 = arith.index_cast %get3A_3761 : i32 to index
      %get3A_3763 = arith.constant 96 : index
      %get3A_3764 = tpu.vector_load %arg11[%get3A_3762, %get3A_3763] {strides = array<i32>} : memref<50x128xf32, #tpu.memory_space<vmem>>, vector<16xf32>,
      %mul3A_3765 = arith.mulf %mul3A_810, %get3A_3756 : vector<16xf32>
      %mul3A_3766 = arith.mulf %mul3A_814, %get3A_3760 : vector<16xf32>
      %add3A_3767 = arith.addf %mul3A_3765, %mul3A_3766 : vector<16xf32>
      %mul3A_3768 = arith.mulf %mul3A_818, %get3A_3764 : vector<16xf32>
      %add3A_3769 = arith.addf %add3A_3767, %mul3A_3768 : vector<16xf32>
      %max3A_3770 = arith.constant 0.000000e+00 : f32
      %max3A_3771 = vector.broadcast %max3A_3770 : f32 to vector<16xf32>
      %max3A_3772 = arith.maximumf %add3A_3769, %max3A_3771 : vector<16xf32>
      %get3A_3773 = arith.constant 43 : i32
      %get3A_3774 = arith.index_cast %get3A_3773 : i32 to index
      %get3A_3775 = arith.constant 0 : index
      %get3A_3776 = tpu.vector_load %arg11[%get3A_3774, %get3A_3775] {strides = array<i32>} : memref<50x128xf32, #tpu.memory_space<vmem>>, vector<16xf32>,
      %mul3A_3777 = arith.mulf %max3A_3772, %get3A_3776 : vector<16xf32>
      %add3A_3778 = arith.addf %add3A_3710, %mul3A_3777 : vector<16xf32>
      %mul3A_3779 = arith.mulf %mul3A_811, %get3A_3756 : vector<16xf32>
      %mul3A_3780 = arith.mulf %mul3A_815, %get3A_3760 : vector<16xf32>
      %add3A_3781 = arith.addf %mul3A_3779, %mul3A_3780 : vector<16xf32>
      %mul3A_3782 = arith.mulf %mul3A_819, %get3A_3764 : vector<16xf32>
      %add3A_3783 = arith.addf %add3A_3781, %mul3A_3782 : vector<16xf32>
      %max3A_3784 = arith.constant 0.000000e+00 : f32
      %max3A_3785 = vector.broadcast %max3A_3784 : f32 to vector<16xf32>
      %max3A_3786 = arith.maximumf %add3A_3783, %max3A_3785 : vector<16xf32>
      %get3A_3787 = arith.constant 43 : i32
      %get3A_3788 = arith.index_cast %get3A_3787 : i32 to index
      %get3A_3789 = arith.constant 16 : index
      %get3A_3790 = tpu.vector_load %arg11[%get3A_3788, %get3A_3789] {strides = array<i32>} : memref<50x128xf32, #tpu.memory_space<vmem>>, vector<16xf32>,
      %mul3A_3791 = arith.mulf %max3A_3786, %get3A_3790 : vector<16xf32>
      %add3A_3792 = arith.addf %add3A_3724, %mul3A_3791 : vector<16xf32>
      %mul3A_3793 = arith.mulf %mul3A_812, %get3A_3756 : vector<16xf32>
      %mul3A_3794 = arith.mulf %mul3A_816, %get3A_3760 : vector<16xf32>
      %add3A_3795 = arith.addf %mul3A_3793, %mul3A_3794 : vector<16xf32>
      %mul3A_3796 = arith.mulf %mul3A_820, %get3A_3764 : vector<16xf32>
      %add3A_3797 = arith.addf %add3A_3795, %mul3A_3796 : vector<16xf32>
      %max3A_3798 = arith.constant 0.000000e+00 : f32
      %max3A_3799 = vector.broadcast %max3A_3798 : f32 to vector<16xf32>
      %max3A_3800 = arith.maximumf %add3A_3797, %max3A_3799 : vector<16xf32>
      %get3A_3801 = arith.constant 43 : i32
      %get3A_3802 = arith.index_cast %get3A_3801 : i32 to index
      %get3A_3803 = arith.constant 32 : index
      %get3A_3804 = tpu.vector_load %arg11[%get3A_3802, %get3A_3803] {strides = array<i32>} : memref<50x128xf32, #tpu.memory_space<vmem>>, vector<16xf32>,
      %mul3A_3805 = arith.mulf %max3A_3800, %get3A_3804 : vector<16xf32>
      %add3A_3806 = arith.addf %add3A_3738, %mul3A_3805 : vector<16xf32>
      %mul3A_3807 = arith.mulf %mul3A_813, %get3A_3756 : vector<16xf32>
      %mul3A_3808 = arith.mulf %mul3A_817, %get3A_3760 : vector<16xf32>
      %add3A_3809 = arith.addf %mul3A_3807, %mul3A_3808 : vector<16xf32>
      %mul3A_3810 = arith.mulf %mul3A_821, %get3A_3764 : vector<16xf32>
      %add3A_3811 = arith.addf %add3A_3809, %mul3A_3810 : vector<16xf32>
      %max3A_3812 = arith.constant 0.000000e+00 : f32
      %max3A_3813 = vector.broadcast %max3A_3812 : f32 to vector<16xf32>
      %max3A_3814 = arith.maximumf %add3A_3811, %max3A_3813 : vector<16xf32>
      %get3A_3815 = arith.constant 43 : i32
      %get3A_3816 = arith.index_cast %get3A_3815 : i32 to index
      %get3A_3817 = arith.constant 48 : index
      %get3A_3818 = tpu.vector_load %arg11[%get3A_3816, %get3A_3817] {strides = array<i32>} : memref<50x128xf32, #tpu.memory_space<vmem>>, vector<16xf32>,
      %mul3A_3819 = arith.mulf %max3A_3814, %get3A_3818 : vector<16xf32>
      %add3A_3820 = arith.addf %add3A_3752, %mul3A_3819 : vector<16xf32>
      %get3A_3821 = arith.constant 44 : i32
      %get3A_3822 = arith.index_cast %get3A_3821 : i32 to index
      %get3A_3823 = arith.constant 64 : index
      %get3A_3824 = tpu.vector_load %arg11[%get3A_3822, %get3A_3823] {strides = array<i32>} : memref<50x128xf32, #tpu.memory_space<vmem>>, vector<16xf32>,
      %get3A_3825 = arith.constant 44 : i32
      %get3A_3826 = arith.index_cast %get3A_3825 : i32 to index
      %get3A_3827 = arith.constant 80 : index
      %get3A_3828 = tpu.vector_load %arg11[%get3A_3826, %get3A_3827] {strides = array<i32>} : memref<50x128xf32, #tpu.memory_space<vmem>>, vector<16xf32>,
      %get3A_3829 = arith.constant 44 : i32
      %get3A_3830 = arith.index_cast %get3A_3829 : i32 to index
      %get3A_3831 = arith.constant 96 : index
      %get3A_3832 = tpu.vector_load %arg11[%get3A_3830, %get3A_3831] {strides = array<i32>} : memref<50x128xf32, #tpu.memory_space<vmem>>, vector<16xf32>,
      %mul3A_3833 = arith.mulf %mul3A_810, %get3A_3824 : vector<16xf32>
      %mul3A_3834 = arith.mulf %mul3A_814, %get3A_3828 : vector<16xf32>
      %add3A_3835 = arith.addf %mul3A_3833, %mul3A_3834 : vector<16xf32>
      %mul3A_3836 = arith.mulf %mul3A_818, %get3A_3832 : vector<16xf32>
      %add3A_3837 = arith.addf %add3A_3835, %mul3A_3836 : vector<16xf32>
      %max3A_3838 = arith.constant 0.000000e+00 : f32
      %max3A_3839 = vector.broadcast %max3A_3838 : f32 to vector<16xf32>
      %max3A_3840 = arith.maximumf %add3A_3837, %max3A_3839 : vector<16xf32>
      %get3A_3841 = arith.constant 44 : i32
      %get3A_3842 = arith.index_cast %get3A_3841 : i32 to index
      %get3A_3843 = arith.constant 0 : index
      %get3A_3844 = tpu.vector_load %arg11[%get3A_3842, %get3A_3843] {strides = array<i32>} : memref<50x128xf32, #tpu.memory_space<vmem>>, vector<16xf32>,
      %mul3A_3845 = arith.mulf %max3A_3840, %get3A_3844 : vector<16xf32>
      %add3A_3846 = arith.addf %add3A_3778, %mul3A_3845 : vector<16xf32>
      %mul3A_3847 = arith.mulf %mul3A_811, %get3A_3824 : vector<16xf32>
      %mul3A_3848 = arith.mulf %mul3A_815, %get3A_3828 : vector<16xf32>
      %add3A_3849 = arith.addf %mul3A_3847, %mul3A_3848 : vector<16xf32>
      %mul3A_3850 = arith.mulf %mul3A_819, %get3A_3832 : vector<16xf32>
      %add3A_3851 = arith.addf %add3A_3849, %mul3A_3850 : vector<16xf32>
      %max3A_3852 = arith.constant 0.000000e+00 : f32
      %max3A_3853 = vector.broadcast %max3A_3852 : f32 to vector<16xf32>
      %max3A_3854 = arith.maximumf %add3A_3851, %max3A_3853 : vector<16xf32>
      %get3A_3855 = arith.constant 44 : i32
      %get3A_3856 = arith.index_cast %get3A_3855 : i32 to index
      %get3A_3857 = arith.constant 16 : index
      %get3A_3858 = tpu.vector_load %arg11[%get3A_3856, %get3A_3857] {strides = array<i32>} : memref<50x128xf32, #tpu.memory_space<vmem>>, vector<16xf32>,
      %mul3A_3859 = arith.mulf %max3A_3854, %get3A_3858 : vector<16xf32>
      %add3A_3860 = arith.addf %add3A_3792, %mul3A_3859 : vector<16xf32>
      %mul3A_3861 = arith.mulf %mul3A_812, %get3A_3824 : vector<16xf32>
      %mul3A_3862 = arith.mulf %mul3A_816, %get3A_3828 : vector<16xf32>
      %add3A_3863 = arith.addf %mul3A_3861, %mul3A_3862 : vector<16xf32>
      %mul3A_3864 = arith.mulf %mul3A_820, %get3A_3832 : vector<16xf32>
      %add3A_3865 = arith.addf %add3A_3863, %mul3A_3864 : vector<16xf32>
      %max3A_3866 = arith.constant 0.000000e+00 : f32
      %max3A_3867 = vector.broadcast %max3A_3866 : f32 to vector<16xf32>
      %max3A_3868 = arith.maximumf %add3A_3865, %max3A_3867 : vector<16xf32>
      %get3A_3869 = arith.constant 44 : i32
      %get3A_3870 = arith.index_cast %get3A_3869 : i32 to index
      %get3A_3871 = arith.constant 32 : index
      %get3A_3872 = tpu.vector_load %arg11[%get3A_3870, %get3A_3871] {strides = array<i32>} : memref<50x128xf32, #tpu.memory_space<vmem>>, vector<16xf32>,
      %mul3A_3873 = arith.mulf %max3A_3868, %get3A_3872 : vector<16xf32>
      %add3A_3874 = arith.addf %add3A_3806, %mul3A_3873 : vector<16xf32>
      %mul3A_3875 = arith.mulf %mul3A_813, %get3A_3824 : vector<16xf32>
      %mul3A_3876 = arith.mulf %mul3A_817, %get3A_3828 : vector<16xf32>
      %add3A_3877 = arith.addf %mul3A_3875, %mul3A_3876 : vector<16xf32>
      %mul3A_3878 = arith.mulf %mul3A_821, %get3A_3832 : vector<16xf32>
      %add3A_3879 = arith.addf %add3A_3877, %mul3A_3878 : vector<16xf32>
      %max3A_3880 = arith.constant 0.000000e+00 : f32
      %max3A_3881 = vector.broadcast %max3A_3880 : f32 to vector<16xf32>
      %max3A_3882 = arith.maximumf %add3A_3879, %max3A_3881 : vector<16xf32>
      %get3A_3883 = arith.constant 44 : i32
      %get3A_3884 = arith.index_cast %get3A_3883 : i32 to index
      %get3A_3885 = arith.constant 48 : index
      %get3A_3886 = tpu.vector_load %arg11[%get3A_3884, %get3A_3885] {strides = array<i32>} : memref<50x128xf32, #tpu.memory_space<vmem>>, vector<16xf32>,
      %mul3A_3887 = arith.mulf %max3A_3882, %get3A_3886 : vector<16xf32>
      %add3A_3888 = arith.addf %add3A_3820, %mul3A_3887 : vector<16xf32>
      %get3A_3889 = arith.constant 45 : i32
      %get3A_3890 = arith.index_cast %get3A_3889 : i32 to index
      %get3A_3891 = arith.constant 64 : index
      %get3A_3892 = tpu.vector_load %arg11[%get3A_3890, %get3A_3891] {strides = array<i32>} : memref<50x128xf32, #tpu.memory_space<vmem>>, vector<16xf32>,
      %get3A_3893 = arith.constant 45 : i32
      %get3A_3894 = arith.index_cast %get3A_3893 : i32 to index
      %get3A_3895 = arith.constant 80 : index
      %get3A_3896 = tpu.vector_load %arg11[%get3A_3894, %get3A_3895] {strides = array<i32>} : memref<50x128xf32, #tpu.memory_space<vmem>>, vector<16xf32>,
      %get3A_3897 = arith.constant 45 : i32
      %get3A_3898 = arith.index_cast %get3A_3897 : i32 to index
      %get3A_3899 = arith.constant 96 : index
      %get3A_3900 = tpu.vector_load %arg11[%get3A_3898, %get3A_3899] {strides = array<i32>} : memref<50x128xf32, #tpu.memory_space<vmem>>, vector<16xf32>,
      %mul3A_3901 = arith.mulf %mul3A_810, %get3A_3892 : vector<16xf32>
      %mul3A_3902 = arith.mulf %mul3A_814, %get3A_3896 : vector<16xf32>
      %add3A_3903 = arith.addf %mul3A_3901, %mul3A_3902 : vector<16xf32>
      %mul3A_3904 = arith.mulf %mul3A_818, %get3A_3900 : vector<16xf32>
      %add3A_3905 = arith.addf %add3A_3903, %mul3A_3904 : vector<16xf32>
      %max3A_3906 = arith.constant 0.000000e+00 : f32
      %max3A_3907 = vector.broadcast %max3A_3906 : f32 to vector<16xf32>
      %max3A_3908 = arith.maximumf %add3A_3905, %max3A_3907 : vector<16xf32>
      %get3A_3909 = arith.constant 45 : i32
      %get3A_3910 = arith.index_cast %get3A_3909 : i32 to index
      %get3A_3911 = arith.constant 0 : index
      %get3A_3912 = tpu.vector_load %arg11[%get3A_3910, %get3A_3911] {strides = array<i32>} : memref<50x128xf32, #tpu.memory_space<vmem>>, vector<16xf32>,
      %mul3A_3913 = arith.mulf %max3A_3908, %get3A_3912 : vector<16xf32>
      %add3A_3914 = arith.addf %add3A_3846, %mul3A_3913 : vector<16xf32>
      %mul3A_3915 = arith.mulf %mul3A_811, %get3A_3892 : vector<16xf32>
      %mul3A_3916 = arith.mulf %mul3A_815, %get3A_3896 : vector<16xf32>
      %add3A_3917 = arith.addf %mul3A_3915, %mul3A_3916 : vector<16xf32>
      %mul3A_3918 = arith.mulf %mul3A_819, %get3A_3900 : vector<16xf32>
      %add3A_3919 = arith.addf %add3A_3917, %mul3A_3918 : vector<16xf32>
      %max3A_3920 = arith.constant 0.000000e+00 : f32
      %max3A_3921 = vector.broadcast %max3A_3920 : f32 to vector<16xf32>
      %max3A_3922 = arith.maximumf %add3A_3919, %max3A_3921 : vector<16xf32>
      %get3A_3923 = arith.constant 45 : i32
      %get3A_3924 = arith.index_cast %get3A_3923 : i32 to index
      %get3A_3925 = arith.constant 16 : index
      %get3A_3926 = tpu.vector_load %arg11[%get3A_3924, %get3A_3925] {strides = array<i32>} : memref<50x128xf32, #tpu.memory_space<vmem>>, vector<16xf32>,
      %mul3A_3927 = arith.mulf %max3A_3922, %get3A_3926 : vector<16xf32>
      %add3A_3928 = arith.addf %add3A_3860, %mul3A_3927 : vector<16xf32>
      %mul3A_3929 = arith.mulf %mul3A_812, %get3A_3892 : vector<16xf32>
      %mul3A_3930 = arith.mulf %mul3A_816, %get3A_3896 : vector<16xf32>
      %add3A_3931 = arith.addf %mul3A_3929, %mul3A_3930 : vector<16xf32>
      %mul3A_3932 = arith.mulf %mul3A_820, %get3A_3900 : vector<16xf32>
      %add3A_3933 = arith.addf %add3A_3931, %mul3A_3932 : vector<16xf32>
      %max3A_3934 = arith.constant 0.000000e+00 : f32
      %max3A_3935 = vector.broadcast %max3A_3934 : f32 to vector<16xf32>
      %max3A_3936 = arith.maximumf %add3A_3933, %max3A_3935 : vector<16xf32>
      %get3A_3937 = arith.constant 45 : i32
      %get3A_3938 = arith.index_cast %get3A_3937 : i32 to index
      %get3A_3939 = arith.constant 32 : index
      %get3A_3940 = tpu.vector_load %arg11[%get3A_3938, %get3A_3939] {strides = array<i32>} : memref<50x128xf32, #tpu.memory_space<vmem>>, vector<16xf32>,
      %mul3A_3941 = arith.mulf %max3A_3936, %get3A_3940 : vector<16xf32>
      %add3A_3942 = arith.addf %add3A_3874, %mul3A_3941 : vector<16xf32>
      %mul3A_3943 = arith.mulf %mul3A_813, %get3A_3892 : vector<16xf32>
      %mul3A_3944 = arith.mulf %mul3A_817, %get3A_3896 : vector<16xf32>
      %add3A_3945 = arith.addf %mul3A_3943, %mul3A_3944 : vector<16xf32>
      %mul3A_3946 = arith.mulf %mul3A_821, %get3A_3900 : vector<16xf32>
      %add3A_3947 = arith.addf %add3A_3945, %mul3A_3946 : vector<16xf32>
      %max3A_3948 = arith.constant 0.000000e+00 : f32
      %max3A_3949 = vector.broadcast %max3A_3948 : f32 to vector<16xf32>
      %max3A_3950 = arith.maximumf %add3A_3947, %max3A_3949 : vector<16xf32>
      %get3A_3951 = arith.constant 45 : i32
      %get3A_3952 = arith.index_cast %get3A_3951 : i32 to index
      %get3A_3953 = arith.constant 48 : index
      %get3A_3954 = tpu.vector_load %arg11[%get3A_3952, %get3A_3953] {strides = array<i32>} : memref<50x128xf32, #tpu.memory_space<vmem>>, vector<16xf32>,
      %mul3A_3955 = arith.mulf %max3A_3950, %get3A_3954 : vector<16xf32>
      %add3A_3956 = arith.addf %add3A_3888, %mul3A_3955 : vector<16xf32>
      %get3A_3957 = arith.constant 46 : i32
      %get3A_3958 = arith.index_cast %get3A_3957 : i32 to index
      %get3A_3959 = arith.constant 64 : index
      %get3A_3960 = tpu.vector_load %arg11[%get3A_3958, %get3A_3959] {strides = array<i32>} : memref<50x128xf32, #tpu.memory_space<vmem>>, vector<16xf32>,
      %get3A_3961 = arith.constant 46 : i32
      %get3A_3962 = arith.index_cast %get3A_3961 : i32 to index
      %get3A_3963 = arith.constant 80 : index
      %get3A_3964 = tpu.vector_load %arg11[%get3A_3962, %get3A_3963] {strides = array<i32>} : memref<50x128xf32, #tpu.memory_space<vmem>>, vector<16xf32>,
      %get3A_3965 = arith.constant 46 : i32
      %get3A_3966 = arith.index_cast %get3A_3965 : i32 to index
      %get3A_3967 = arith.constant 96 : index
      %get3A_3968 = tpu.vector_load %arg11[%get3A_3966, %get3A_3967] {strides = array<i32>} : memref<50x128xf32, #tpu.memory_space<vmem>>, vector<16xf32>,
      %mul3A_3969 = arith.mulf %mul3A_810, %get3A_3960 : vector<16xf32>
      %mul3A_3970 = arith.mulf %mul3A_814, %get3A_3964 : vector<16xf32>
      %add3A_3971 = arith.addf %mul3A_3969, %mul3A_3970 : vector<16xf32>
      %mul3A_3972 = arith.mulf %mul3A_818, %get3A_3968 : vector<16xf32>
      %add3A_3973 = arith.addf %add3A_3971, %mul3A_3972 : vector<16xf32>
      %max3A_3974 = arith.constant 0.000000e+00 : f32
      %max3A_3975 = vector.broadcast %max3A_3974 : f32 to vector<16xf32>
      %max3A_3976 = arith.maximumf %add3A_3973, %max3A_3975 : vector<16xf32>
      %get3A_3977 = arith.constant 46 : i32
      %get3A_3978 = arith.index_cast %get3A_3977 : i32 to index
      %get3A_3979 = arith.constant 0 : index
      %get3A_3980 = tpu.vector_load %arg11[%get3A_3978, %get3A_3979] {strides = array<i32>} : memref<50x128xf32, #tpu.memory_space<vmem>>, vector<16xf32>,
      %mul3A_3981 = arith.mulf %max3A_3976, %get3A_3980 : vector<16xf32>
      %add3A_3982 = arith.addf %add3A_3914, %mul3A_3981 : vector<16xf32>
      %mul3A_3983 = arith.mulf %mul3A_811, %get3A_3960 : vector<16xf32>
      %mul3A_3984 = arith.mulf %mul3A_815, %get3A_3964 : vector<16xf32>
      %add3A_3985 = arith.addf %mul3A_3983, %mul3A_3984 : vector<16xf32>
      %mul3A_3986 = arith.mulf %mul3A_819, %get3A_3968 : vector<16xf32>
      %add3A_3987 = arith.addf %add3A_3985, %mul3A_3986 : vector<16xf32>
      %max3A_3988 = arith.constant 0.000000e+00 : f32
      %max3A_3989 = vector.broadcast %max3A_3988 : f32 to vector<16xf32>
      %max3A_3990 = arith.maximumf %add3A_3987, %max3A_3989 : vector<16xf32>
      %get3A_3991 = arith.constant 46 : i32
      %get3A_3992 = arith.index_cast %get3A_3991 : i32 to index
      %get3A_3993 = arith.constant 16 : index
      %get3A_3994 = tpu.vector_load %arg11[%get3A_3992, %get3A_3993] {strides = array<i32>} : memref<50x128xf32, #tpu.memory_space<vmem>>, vector<16xf32>,
      %mul3A_3995 = arith.mulf %max3A_3990, %get3A_3994 : vector<16xf32>
      %add3A_3996 = arith.addf %add3A_3928, %mul3A_3995 : vector<16xf32>
      %mul3A_3997 = arith.mulf %mul3A_812, %get3A_3960 : vector<16xf32>
      %mul3A_3998 = arith.mulf %mul3A_816, %get3A_3964 : vector<16xf32>
      %add3A_3999 = arith.addf %mul3A_3997, %mul3A_3998 : vector<16xf32>
      %mul3A_4000 = arith.mulf %mul3A_820, %get3A_3968 : vector<16xf32>
      %add3A_4001 = arith.addf %add3A_3999, %mul3A_4000 : vector<16xf32>
      %max3A_4002 = arith.constant 0.000000e+00 : f32
      %max3A_4003 = vector.broadcast %max3A_4002 : f32 to vector<16xf32>
      %max3A_4004 = arith.maximumf %add3A_4001, %max3A_4003 : vector<16xf32>
      %get3A_4005 = arith.constant 46 : i32
      %get3A_4006 = arith.index_cast %get3A_4005 : i32 to index
      %get3A_4007 = arith.constant 32 : index
      %get3A_4008 = tpu.vector_load %arg11[%get3A_4006, %get3A_4007] {strides = array<i32>} : memref<50x128xf32, #tpu.memory_space<vmem>>, vector<16xf32>,
      %mul3A_4009 = arith.mulf %max3A_4004, %get3A_4008 : vector<16xf32>
      %add3A_4010 = arith.addf %add3A_3942, %mul3A_4009 : vector<16xf32>
      %mul3A_4011 = arith.mulf %mul3A_813, %get3A_3960 : vector<16xf32>
      %mul3A_4012 = arith.mulf %mul3A_817, %get3A_3964 : vector<16xf32>
      %add3A_4013 = arith.addf %mul3A_4011, %mul3A_4012 : vector<16xf32>
      %mul3A_4014 = arith.mulf %mul3A_821, %get3A_3968 : vector<16xf32>
      %add3A_4015 = arith.addf %add3A_4013, %mul3A_4014 : vector<16xf32>
      %max3A_4016 = arith.constant 0.000000e+00 : f32
      %max3A_4017 = vector.broadcast %max3A_4016 : f32 to vector<16xf32>
      %max3A_4018 = arith.maximumf %add3A_4015, %max3A_4017 : vector<16xf32>
      %get3A_4019 = arith.constant 46 : i32
      %get3A_4020 = arith.index_cast %get3A_4019 : i32 to index
      %get3A_4021 = arith.constant 48 : index
      %get3A_4022 = tpu.vector_load %arg11[%get3A_4020, %get3A_4021] {strides = array<i32>} : memref<50x128xf32, #tpu.memory_space<vmem>>, vector<16xf32>,
      %mul3A_4023 = arith.mulf %max3A_4018, %get3A_4022 : vector<16xf32>
      %add3A_4024 = arith.addf %add3A_3956, %mul3A_4023 : vector<16xf32>
      %get3A_4025 = arith.constant 47 : i32
      %get3A_4026 = arith.index_cast %get3A_4025 : i32 to index
      %get3A_4027 = arith.constant 64 : index
      %get3A_4028 = tpu.vector_load %arg11[%get3A_4026, %get3A_4027] {strides = array<i32>} : memref<50x128xf32, #tpu.memory_space<vmem>>, vector<16xf32>,
      %get3A_4029 = arith.constant 47 : i32
      %get3A_4030 = arith.index_cast %get3A_4029 : i32 to index
      %get3A_4031 = arith.constant 80 : index
      %get3A_4032 = tpu.vector_load %arg11[%get3A_4030, %get3A_4031] {strides = array<i32>} : memref<50x128xf32, #tpu.memory_space<vmem>>, vector<16xf32>,
      %get3A_4033 = arith.constant 47 : i32
      %get3A_4034 = arith.index_cast %get3A_4033 : i32 to index
      %get3A_4035 = arith.constant 96 : index
      %get3A_4036 = tpu.vector_load %arg11[%get3A_4034, %get3A_4035] {strides = array<i32>} : memref<50x128xf32, #tpu.memory_space<vmem>>, vector<16xf32>,
      %mul3A_4037 = arith.mulf %mul3A_810, %get3A_4028 : vector<16xf32>
      %mul3A_4038 = arith.mulf %mul3A_814, %get3A_4032 : vector<16xf32>
      %add3A_4039 = arith.addf %mul3A_4037, %mul3A_4038 : vector<16xf32>
      %mul3A_4040 = arith.mulf %mul3A_818, %get3A_4036 : vector<16xf32>
      %add3A_4041 = arith.addf %add3A_4039, %mul3A_4040 : vector<16xf32>
      %max3A_4042 = arith.constant 0.000000e+00 : f32
      %max3A_4043 = vector.broadcast %max3A_4042 : f32 to vector<16xf32>
      %max3A_4044 = arith.maximumf %add3A_4041, %max3A_4043 : vector<16xf32>
      %get3A_4045 = arith.constant 47 : i32
      %get3A_4046 = arith.index_cast %get3A_4045 : i32 to index
      %get3A_4047 = arith.constant 0 : index
      %get3A_4048 = tpu.vector_load %arg11[%get3A_4046, %get3A_4047] {strides = array<i32>} : memref<50x128xf32, #tpu.memory_space<vmem>>, vector<16xf32>,
      %mul3A_4049 = arith.mulf %max3A_4044, %get3A_4048 : vector<16xf32>
      %add3A_4050 = arith.addf %add3A_3982, %mul3A_4049 : vector<16xf32>
      %mul3A_4051 = arith.mulf %mul3A_811, %get3A_4028 : vector<16xf32>
      %mul3A_4052 = arith.mulf %mul3A_815, %get3A_4032 : vector<16xf32>
      %add3A_4053 = arith.addf %mul3A_4051, %mul3A_4052 : vector<16xf32>
      %mul3A_4054 = arith.mulf %mul3A_819, %get3A_4036 : vector<16xf32>
      %add3A_4055 = arith.addf %add3A_4053, %mul3A_4054 : vector<16xf32>
      %max3A_4056 = arith.constant 0.000000e+00 : f32
      %max3A_4057 = vector.broadcast %max3A_4056 : f32 to vector<16xf32>
      %max3A_4058 = arith.maximumf %add3A_4055, %max3A_4057 : vector<16xf32>
      %get3A_4059 = arith.constant 47 : i32
      %get3A_4060 = arith.index_cast %get3A_4059 : i32 to index
      %get3A_4061 = arith.constant 16 : index
      %get3A_4062 = tpu.vector_load %arg11[%get3A_4060, %get3A_4061] {strides = array<i32>} : memref<50x128xf32, #tpu.memory_space<vmem>>, vector<16xf32>,
      %mul3A_4063 = arith.mulf %max3A_4058, %get3A_4062 : vector<16xf32>
      %add3A_4064 = arith.addf %add3A_3996, %mul3A_4063 : vector<16xf32>
      %mul3A_4065 = arith.mulf %mul3A_812, %get3A_4028 : vector<16xf32>
      %mul3A_4066 = arith.mulf %mul3A_816, %get3A_4032 : vector<16xf32>
      %add3A_4067 = arith.addf %mul3A_4065, %mul3A_4066 : vector<16xf32>
      %mul3A_4068 = arith.mulf %mul3A_820, %get3A_4036 : vector<16xf32>
      %add3A_4069 = arith.addf %add3A_4067, %mul3A_4068 : vector<16xf32>
      %max3A_4070 = arith.constant 0.000000e+00 : f32
      %max3A_4071 = vector.broadcast %max3A_4070 : f32 to vector<16xf32>
      %max3A_4072 = arith.maximumf %add3A_4069, %max3A_4071 : vector<16xf32>
      %get3A_4073 = arith.constant 47 : i32
      %get3A_4074 = arith.index_cast %get3A_4073 : i32 to index
      %get3A_4075 = arith.constant 32 : index
      %get3A_4076 = tpu.vector_load %arg11[%get3A_4074, %get3A_4075] {strides = array<i32>} : memref<50x128xf32, #tpu.memory_space<vmem>>, vector<16xf32>,
      %mul3A_4077 = arith.mulf %max3A_4072, %get3A_4076 : vector<16xf32>
      %add3A_4078 = arith.addf %add3A_4010, %mul3A_4077 : vector<16xf32>
      %mul3A_4079 = arith.mulf %mul3A_813, %get3A_4028 : vector<16xf32>
      %mul3A_4080 = arith.mulf %mul3A_817, %get3A_4032 : vector<16xf32>
      %add3A_4081 = arith.addf %mul3A_4079, %mul3A_4080 : vector<16xf32>
      %mul3A_4082 = arith.mulf %mul3A_821, %get3A_4036 : vector<16xf32>
      %add3A_4083 = arith.addf %add3A_4081, %mul3A_4082 : vector<16xf32>
      %max3A_4084 = arith.constant 0.000000e+00 : f32
      %max3A_4085 = vector.broadcast %max3A_4084 : f32 to vector<16xf32>
      %max3A_4086 = arith.maximumf %add3A_4083, %max3A_4085 : vector<16xf32>
      %get3A_4087 = arith.constant 47 : i32
      %get3A_4088 = arith.index_cast %get3A_4087 : i32 to index
      %get3A_4089 = arith.constant 48 : index
      %get3A_4090 = tpu.vector_load %arg11[%get3A_4088, %get3A_4089] {strides = array<i32>} : memref<50x128xf32, #tpu.memory_space<vmem>>, vector<16xf32>,
      %mul3A_4091 = arith.mulf %max3A_4086, %get3A_4090 : vector<16xf32>
      %add3A_4092 = arith.addf %add3A_4024, %mul3A_4091 : vector<16xf32>
      %get3A_4093 = arith.constant 48 : i32
      %get3A_4094 = arith.index_cast %get3A_4093 : i32 to index
      %get3A_4095 = arith.constant 64 : index
      %get3A_4096 = tpu.vector_load %arg11[%get3A_4094, %get3A_4095] {strides = array<i32>} : memref<50x128xf32, #tpu.memory_space<vmem>>, vector<16xf32>,
      %get3A_4097 = arith.constant 48 : i32
      %get3A_4098 = arith.index_cast %get3A_4097 : i32 to index
      %get3A_4099 = arith.constant 80 : index
      %get3A_4100 = tpu.vector_load %arg11[%get3A_4098, %get3A_4099] {strides = array<i32>} : memref<50x128xf32, #tpu.memory_space<vmem>>, vector<16xf32>,
      %get3A_4101 = arith.constant 48 : i32
      %get3A_4102 = arith.index_cast %get3A_4101 : i32 to index
      %get3A_4103 = arith.constant 96 : index
      %get3A_4104 = tpu.vector_load %arg11[%get3A_4102, %get3A_4103] {strides = array<i32>} : memref<50x128xf32, #tpu.memory_space<vmem>>, vector<16xf32>,
      %mul3A_4105 = arith.mulf %mul3A_810, %get3A_4096 : vector<16xf32>
      %mul3A_4106 = arith.mulf %mul3A_814, %get3A_4100 : vector<16xf32>
      %add3A_4107 = arith.addf %mul3A_4105, %mul3A_4106 : vector<16xf32>
      %mul3A_4108 = arith.mulf %mul3A_818, %get3A_4104 : vector<16xf32>
      %add3A_4109 = arith.addf %add3A_4107, %mul3A_4108 : vector<16xf32>
      %max3A_4110 = arith.constant 0.000000e+00 : f32
      %max3A_4111 = vector.broadcast %max3A_4110 : f32 to vector<16xf32>
      %max3A_4112 = arith.maximumf %add3A_4109, %max3A_4111 : vector<16xf32>
      %get3A_4113 = arith.constant 48 : i32
      %get3A_4114 = arith.index_cast %get3A_4113 : i32 to index
      %get3A_4115 = arith.constant 0 : index
      %get3A_4116 = tpu.vector_load %arg11[%get3A_4114, %get3A_4115] {strides = array<i32>} : memref<50x128xf32, #tpu.memory_space<vmem>>, vector<16xf32>,
      %mul3A_4117 = arith.mulf %max3A_4112, %get3A_4116 : vector<16xf32>
      %add3A_4118 = arith.addf %add3A_4050, %mul3A_4117 : vector<16xf32>
      %mul3A_4119 = arith.mulf %mul3A_811, %get3A_4096 : vector<16xf32>
      %mul3A_4120 = arith.mulf %mul3A_815, %get3A_4100 : vector<16xf32>
      %add3A_4121 = arith.addf %mul3A_4119, %mul3A_4120 : vector<16xf32>
      %mul3A_4122 = arith.mulf %mul3A_819, %get3A_4104 : vector<16xf32>
      %add3A_4123 = arith.addf %add3A_4121, %mul3A_4122 : vector<16xf32>
      %max3A_4124 = arith.constant 0.000000e+00 : f32
      %max3A_4125 = vector.broadcast %max3A_4124 : f32 to vector<16xf32>
      %max3A_4126 = arith.maximumf %add3A_4123, %max3A_4125 : vector<16xf32>
      %get3A_4127 = arith.constant 48 : i32
      %get3A_4128 = arith.index_cast %get3A_4127 : i32 to index
      %get3A_4129 = arith.constant 16 : index
      %get3A_4130 = tpu.vector_load %arg11[%get3A_4128, %get3A_4129] {strides = array<i32>} : memref<50x128xf32, #tpu.memory_space<vmem>>, vector<16xf32>,
      %mul3A_4131 = arith.mulf %max3A_4126, %get3A_4130 : vector<16xf32>
      %add3A_4132 = arith.addf %add3A_4064, %mul3A_4131 : vector<16xf32>
      %mul3A_4133 = arith.mulf %mul3A_812, %get3A_4096 : vector<16xf32>
      %mul3A_4134 = arith.mulf %mul3A_816, %get3A_4100 : vector<16xf32>
      %add3A_4135 = arith.addf %mul3A_4133, %mul3A_4134 : vector<16xf32>
      %mul3A_4136 = arith.mulf %mul3A_820, %get3A_4104 : vector<16xf32>
      %add3A_4137 = arith.addf %add3A_4135, %mul3A_4136 : vector<16xf32>
      %max3A_4138 = arith.constant 0.000000e+00 : f32
      %max3A_4139 = vector.broadcast %max3A_4138 : f32 to vector<16xf32>
      %max3A_4140 = arith.maximumf %add3A_4137, %max3A_4139 : vector<16xf32>
      %get3A_4141 = arith.constant 48 : i32
      %get3A_4142 = arith.index_cast %get3A_4141 : i32 to index
      %get3A_4143 = arith.constant 32 : index
      %get3A_4144 = tpu.vector_load %arg11[%get3A_4142, %get3A_4143] {strides = array<i32>} : memref<50x128xf32, #tpu.memory_space<vmem>>, vector<16xf32>,
      %mul3A_4145 = arith.mulf %max3A_4140, %get3A_4144 : vector<16xf32>
      %add3A_4146 = arith.addf %add3A_4078, %mul3A_4145 : vector<16xf32>
      %mul3A_4147 = arith.mulf %mul3A_813, %get3A_4096 : vector<16xf32>
      %mul3A_4148 = arith.mulf %mul3A_817, %get3A_4100 : vector<16xf32>
      %add3A_4149 = arith.addf %mul3A_4147, %mul3A_4148 : vector<16xf32>
      %mul3A_4150 = arith.mulf %mul3A_821, %get3A_4104 : vector<16xf32>
      %add3A_4151 = arith.addf %add3A_4149, %mul3A_4150 : vector<16xf32>
      %max3A_4152 = arith.constant 0.000000e+00 : f32
      %max3A_4153 = vector.broadcast %max3A_4152 : f32 to vector<16xf32>
      %max3A_4154 = arith.maximumf %add3A_4151, %max3A_4153 : vector<16xf32>
      %get3A_4155 = arith.constant 48 : i32
      %get3A_4156 = arith.index_cast %get3A_4155 : i32 to index
      %get3A_4157 = arith.constant 48 : index
      %get3A_4158 = tpu.vector_load %arg11[%get3A_4156, %get3A_4157] {strides = array<i32>} : memref<50x128xf32, #tpu.memory_space<vmem>>, vector<16xf32>,
      %mul3A_4159 = arith.mulf %max3A_4154, %get3A_4158 : vector<16xf32>
      %add3A_4160 = arith.addf %add3A_4092, %mul3A_4159 : vector<16xf32>
      %get3A_4161 = arith.constant 49 : i32
      %get3A_4162 = arith.index_cast %get3A_4161 : i32 to index
      %get3A_4163 = arith.constant 64 : index
      %get3A_4164 = tpu.vector_load %arg11[%get3A_4162, %get3A_4163] {strides = array<i32>} : memref<50x128xf32, #tpu.memory_space<vmem>>, vector<16xf32>,
      %get3A_4165 = arith.constant 49 : i32
      %get3A_4166 = arith.index_cast %get3A_4165 : i32 to index
      %get3A_4167 = arith.constant 80 : index
      %get3A_4168 = tpu.vector_load %arg11[%get3A_4166, %get3A_4167] {strides = array<i32>} : memref<50x128xf32, #tpu.memory_space<vmem>>, vector<16xf32>,
      %get3A_4169 = arith.constant 49 : i32
      %get3A_4170 = arith.index_cast %get3A_4169 : i32 to index
      %get3A_4171 = arith.constant 96 : index
      %get3A_4172 = tpu.vector_load %arg11[%get3A_4170, %get3A_4171] {strides = array<i32>} : memref<50x128xf32, #tpu.memory_space<vmem>>, vector<16xf32>,
      %mul3A_4173 = arith.mulf %mul3A_810, %get3A_4164 : vector<16xf32>
      %mul3A_4174 = arith.mulf %mul3A_814, %get3A_4168 : vector<16xf32>
      %add3A_4175 = arith.addf %mul3A_4173, %mul3A_4174 : vector<16xf32>
      %mul3A_4176 = arith.mulf %mul3A_818, %get3A_4172 : vector<16xf32>
      %add3A_4177 = arith.addf %add3A_4175, %mul3A_4176 : vector<16xf32>
      %max3A_4178 = arith.constant 0.000000e+00 : f32
      %max3A_4179 = vector.broadcast %max3A_4178 : f32 to vector<16xf32>
      %max3A_4180 = arith.maximumf %add3A_4177, %max3A_4179 : vector<16xf32>
      %get3A_4181 = arith.constant 49 : i32
      %get3A_4182 = arith.index_cast %get3A_4181 : i32 to index
      %get3A_4183 = arith.constant 0 : index
      %get3A_4184 = tpu.vector_load %arg11[%get3A_4182, %get3A_4183] {strides = array<i32>} : memref<50x128xf32, #tpu.memory_space<vmem>>, vector<16xf32>,
      %mul3A_4185 = arith.mulf %max3A_4180, %get3A_4184 : vector<16xf32>
      %add3A_4186 = arith.addf %add3A_4118, %mul3A_4185 : vector<16xf32>
      %mul3A_4187 = arith.mulf %mul3A_811, %get3A_4164 : vector<16xf32>
      %mul3A_4188 = arith.mulf %mul3A_815, %get3A_4168 : vector<16xf32>
      %add3A_4189 = arith.addf %mul3A_4187, %mul3A_4188 : vector<16xf32>
      %mul3A_4190 = arith.mulf %mul3A_819, %get3A_4172 : vector<16xf32>
      %add3A_4191 = arith.addf %add3A_4189, %mul3A_4190 : vector<16xf32>
      %max3A_4192 = arith.constant 0.000000e+00 : f32
      %max3A_4193 = vector.broadcast %max3A_4192 : f32 to vector<16xf32>
      %max3A_4194 = arith.maximumf %add3A_4191, %max3A_4193 : vector<16xf32>
      %get3A_4195 = arith.constant 49 : i32
      %get3A_4196 = arith.index_cast %get3A_4195 : i32 to index
      %get3A_4197 = arith.constant 16 : index
      %get3A_4198 = tpu.vector_load %arg11[%get3A_4196, %get3A_4197] {strides = array<i32>} : memref<50x128xf32, #tpu.memory_space<vmem>>, vector<16xf32>,
      %mul3A_4199 = arith.mulf %max3A_4194, %get3A_4198 : vector<16xf32>
      %add3A_4200 = arith.addf %add3A_4132, %mul3A_4199 : vector<16xf32>
      %mul3A_4201 = arith.mulf %mul3A_812, %get3A_4164 : vector<16xf32>
      %mul3A_4202 = arith.mulf %mul3A_816, %get3A_4168 : vector<16xf32>
      %add3A_4203 = arith.addf %mul3A_4201, %mul3A_4202 : vector<16xf32>
      %mul3A_4204 = arith.mulf %mul3A_820, %get3A_4172 : vector<16xf32>
      %add3A_4205 = arith.addf %add3A_4203, %mul3A_4204 : vector<16xf32>
      %max3A_4206 = arith.constant 0.000000e+00 : f32
      %max3A_4207 = vector.broadcast %max3A_4206 : f32 to vector<16xf32>
      %max3A_4208 = arith.maximumf %add3A_4205, %max3A_4207 : vector<16xf32>
      %get3A_4209 = arith.constant 49 : i32
      %get3A_4210 = arith.index_cast %get3A_4209 : i32 to index
      %get3A_4211 = arith.constant 32 : index
      %get3A_4212 = tpu.vector_load %arg11[%get3A_4210, %get3A_4211] {strides = array<i32>} : memref<50x128xf32, #tpu.memory_space<vmem>>, vector<16xf32>,
      %mul3A_4213 = arith.mulf %max3A_4208, %get3A_4212 : vector<16xf32>
      %add3A_4214 = arith.addf %add3A_4146, %mul3A_4213 : vector<16xf32>
      %mul3A_4215 = arith.mulf %mul3A_813, %get3A_4164 : vector<16xf32>
      %mul3A_4216 = arith.mulf %mul3A_817, %get3A_4168 : vector<16xf32>
      %add3A_4217 = arith.addf %mul3A_4215, %mul3A_4216 : vector<16xf32>
      %mul3A_4218 = arith.mulf %mul3A_821, %get3A_4172 : vector<16xf32>
      %add3A_4219 = arith.addf %add3A_4217, %mul3A_4218 : vector<16xf32>
      %max3A_4220 = arith.constant 0.000000e+00 : f32
      %max3A_4221 = vector.broadcast %max3A_4220 : f32 to vector<16xf32>
      %max3A_4222 = arith.maximumf %add3A_4219, %max3A_4221 : vector<16xf32>
      %get3A_4223 = arith.constant 49 : i32
      %get3A_4224 = arith.index_cast %get3A_4223 : i32 to index
      %get3A_4225 = arith.constant 48 : index
      %get3A_4226 = tpu.vector_load %arg11[%get3A_4224, %get3A_4225] {strides = array<i32>} : memref<50x128xf32, #tpu.memory_space<vmem>>, vector<16xf32>,
      %mul3A_4227 = arith.mulf %max3A_4222, %get3A_4226 : vector<16xf32>
      %add3A_4228 = arith.addf %add3A_4160, %mul3A_4227 : vector<16xf32>
      %add3A_4229 = arith.addf %add3A_4186, %add3A_4200 : vector<16xf32>
      %add3A_4230 = arith.addf %add3A_4229, %add3A_4214 : vector<16xf32>
      %add3A_4231 = arith.addf %add3A_4230, %add3A_4228 : vector<16xf32>
      %iota3A_4232 = tpu.iota {dimensions = array<i32: 0>} : vector<16xi32>
      %xor3A_4233 = arith.constant 8 : i32
      %xor3A_4234 = vector.broadcast %xor3A_4233 : i32 to vector<16xi32>
      %xor3A_4235 = arith.xori %iota3A_4232, %xor3A_4234 : vector<16xi32>
      %broadcast_in_dim3A_4236 = vector.shape_cast %xor3A_4235 : vector<16xi32> to vector<16x1xi32>
      %gather3A_4237 = vector.shape_cast %broadcast_in_dim3A_4236 : vector<16x1xi32> to vector<16xi32>
      %gather3A_4238 = tpu.dynamic_gather %add3A_4231[%gather3A_4237] in [0] : vector<16xf32>, vector<16xi32> -> vector<16xf32>
      %add3A_4239 = arith.addf %add3A_4231, %gather3A_4238 : vector<16xf32>
      %xor3A_4240 = arith.constant 4 : i32
      %xor3A_4241 = vector.broadcast %xor3A_4240 : i32 to vector<16xi32>
      %xor3A_4242 = arith.xori %iota3A_4232, %xor3A_4241 : vector<16xi32>
      %broadcast_in_dim3A_4243 = vector.shape_cast %xor3A_4242 : vector<16xi32> to vector<16x1xi32>
      %gather3A_4244 = vector.shape_cast %broadcast_in_dim3A_4243 : vector<16x1xi32> to vector<16xi32>
      %gather3A_4245 = tpu.dynamic_gather %add3A_4239[%gather3A_4244] in [0] : vector<16xf32>, vector<16xi32> -> vector<16xf32>
      %add3A_4246 = arith.addf %add3A_4239, %gather3A_4245 : vector<16xf32>
      %xor3A_4247 = arith.constant 2 : i32
      %xor3A_4248 = vector.broadcast %xor3A_4247 : i32 to vector<16xi32>
      %xor3A_4249 = arith.xori %iota3A_4232, %xor3A_4248 : vector<16xi32>
      %broadcast_in_dim3A_4250 = vector.shape_cast %xor3A_4249 : vector<16xi32> to vector<16x1xi32>
      %gather3A_4251 = vector.shape_cast %broadcast_in_dim3A_4250 : vector<16x1xi32> to vector<16xi32>
      %gather3A_4252 = tpu.dynamic_gather %add3A_4246[%gather3A_4251] in [0] : vector<16xf32>, vector<16xi32> -> vector<16xf32>
      %add3A_4253 = arith.addf %add3A_4246, %gather3A_4252 : vector<16xf32>
      %xor3A_4254 = arith.constant 1 : i32
      %xor3A_4255 = vector.broadcast %xor3A_4254 : i32 to vector<16xi32>
      %xor3A_4256 = arith.xori %iota3A_4232, %xor3A_4255 : vector<16xi32>
      %broadcast_in_dim3A_4257 = vector.shape_cast %xor3A_4256 : vector<16xi32> to vector<16x1xi32>
      %gather3A_4258 = vector.shape_cast %broadcast_in_dim3A_4257 : vector<16x1xi32> to vector<16xi32>
      %gather3A_4259 = tpu.dynamic_gather %add3A_4253[%gather3A_4258] in [0] : vector<16xf32>, vector<16xi32> -> vector<16xf32>
      %add3A_4260 = arith.addf %add3A_4253, %gather3A_4259 : vector<16xf32>
      %neg3A = arith.constant 0.000000e+00 : f32
      %neg3A_4261 = vector.broadcast %neg3A : f32 to vector<16xf32>
      %neg3A_4262 = arith.subf %neg3A_4261, %add3A_4260 : vector<16xf32>
      %broadcast_in_dim3A_4263 = vector.broadcast %scan3A_483 : i32 to vector<16xi32>
      tpu.vector_store_idx %arg12[%broadcast_in_dim3A_4263], %neg3A_4262 masked %eq3A_475 : memref<512xf32, #tpu.memory_space<vmem>>[vector<16xi32>], vector<16xf32>, vector<16xi1>
    }
    %scan3A_480 = arith.constant 512 : i32
    %mul3A_481 = arith.constant 512 : i32
    %mul3A_482 = arith.muli %add3A, %mul3A_481 : i32
    "tpu.region"() ({
      %run_scoped3A = tpu.sem_alloc : memref<!tpu.dma_semaphore, #tpu.memory_space<semaphore_mem>>
      %dma_start3A_483 = tpu.memref_slice %arg6[%mul3A_482] : memref<16384xf32, #tpu.memory_space<hbm>> -> memref<512xf32, #tpu.memory_space<hbm>>
      %dma_start3A_484 = tpu.memref_slice %arg6[%mul3A_482] : memref<16384xf32, #tpu.memory_space<hbm>> -> memref<512xf32, #tpu.memory_space<hbm>>
      tpu.enqueue_dma source(%arg12 : memref<512xf32, #tpu.memory_space<vmem>>) target(%dma_start3A_484 : memref<512xf32, #tpu.memory_space<hbm>>) target_semaphore(%run_scoped3A : memref<!tpu.dma_semaphore, #tpu.memory_space<semaphore_mem>>)
      %dma_wait3A = tpu.memref_slice %arg6[%mul3A_482] : memref<16384xf32, #tpu.memory_space<hbm>> -> memref<512xf32, #tpu.memory_space<hbm>>
      %dma_wait3A_485 = tpu.memref_slice %arg6[%mul3A_482] : memref<16384xf32, #tpu.memory_space<hbm>> -> memref<512xf32, #tpu.memory_space<hbm>>
      tpu.wait_dma2 semaphore(%run_scoped3A : memref<!tpu.dma_semaphore, #tpu.memory_space<semaphore_mem>>) src(%arg12 : memref<512xf32, #tpu.memory_space<vmem>>) dst(%dma_wait3A_485 : memref<512xf32, #tpu.memory_space<hbm>>)
      tpu.yield
    }) : () -> ()
    return
  }
}

</mosaic_0001>

<sc_bundles>
// kernel: kernel.4.cloned.1.call-start
scs
__scs_entry_jumppad:
0x0: {  	(pc) =	sbr.rel $0x88, $3  }
0x1: {  	(tag) =	ssettag $0x0;
	lr =	simm.s32 $0x1  }
0x2: {  	[smem:$0x3F9C] =	sst lr;
	_ =	strace $0xD0000000  }
0x3: {  	_ = 	snop  }
0x4: {  	_ = 	snop  }
0x5: {  	_ = 	snop  }
0x6: {  	_ = 	snop  }
0x7: {  	_ = 	snop  }
__scs_overlays_trampoline_lowered:
0x8: {  	[smem:$0x3FAB] =	sst s0  }
0x9: {  	[smem:$0x3FAC] =	sst s1  }
0xa: {  	[smem:$0x3FAD] =	sst s2  }
0xb: {  	[smem:$0x3FAE] =	sst s3  }
0xc: {  	[smem:$0x3FAF] =	sst s4  }
0xd: {  	[smem:$0x3FB0] =	sst s5  }
0xe: {  	[smem:$0x3FB1] =	sst s6  }
0xf: {  	[smem:$0x3FB2] =	sst s7  }
0x10: {  	[smem:$0x3FB3] =	sst s8  }
0x11: {  	[smem:$0x3FB4] =	sst s9;
	s0 =	simm.s32 @!p0 $0x0  }
0x12: {  	s1 =	sld [smem:$0x3F9A];
	s0 =	simm.s32 @p0 $0x1  }
0x13: {  	[smem:$0x3FB5] =	sst s0;
	s0 =	simm.s32 @!p1 $0x0  }
0x14: {  	s2 =	sld [smem:$0x3F99];
	s0 =	simm.s32 @p1 $0x1  }
0x15: {  	[smem:$0x3FB6] =	sst s0;
	s0 =	simm.s32 @!p2 $0x0  }
0x16: {  	s3 =	sld [smem:$0x3FDB];
	s0 =	simm.s32 @p2 $0x1  }
0x17: {  	s4 =	simm.s32 $0x1BF5;
	[smem:$0x3FB8] =	sst s0  }
0x18: {  	s0 =	sld [smem:$0x3F9B];
	_ =	swait.ge [sflag:s4], $0x0  }
0x19: {  	s7 =	sld [smem:$0x3F9C]  }
0x1a: {  	s8 =	sadd.s32 $0xFFFFE003, lr  }
0x1b: {  	s9 =	sadd.s32 $0xFFFFFEF7, lr;
	s5 =	simm.s32 $0xFFFFFFFF;
	p2 =	slt.u32 s8, $0xFFFFF086  }
0x1c: {  	p1 =	slt.u32 s9, $0xF7A;
	s5 =	simm.s32 @!p2 $0x0  }
0x1d: {  	s5 =	simm.s32 @p1 $0x1;
	p0 =	seq.s32 s7, s2  }
0x1e: {  	s7 =	smul.u32 @!p0 $0xF7A, s2;
	p2 =	seq.s32 @!p0 s5, $0x0  }
0x1f: {  	s9 =	smul.u32 $0xF7A, s1;
	s8 =	simm.s32 @!p0 $0x1BF5;
	p2 =	por !p2, p0  }
0x20: {  	[sflag:s8] =	ssyncset.s32 @!p0 $0xFFFFF086;
	s6 =	sadd.s32 @!p0 s3, s7;
	s7 =	simm.s32 @!p0 $0x108  }
0x21: {  	s3 =	sadd.s32 s3, s9;
	s6 =	sadd.s32 @!p0 $0x88, s6;
	s7 =	simm.s32 @p2 $0x1082  }
0x22: {  	[simem:s7], [sflag:s8] =	dma.local @!p0 [hbm:s6], $0xF7A  }
0x23: {  	s9 =	sor.u32 $0xD0000000, s2;
	s6 =	simm.s32 $0x108;
	_ =	swait.ge @!p0 [sflag:s8], $0x0  }
0x24: {  	s3 =	sadd.s32 $0x88, s3;
	s6 =	simm.s32 @!p1 $0x1082;
	[sflag:s4] =	ssyncset.s32 $0xFFFFF086  }
0x25: {  	[simem:s6], [sflag:s4] =	dma.local [hbm:s3], $0xF7A  }
0x26: {  	[smem:$0x3F9C] =	sst s1;
	(tag) =	ssettag s2;
	_ =	strace s9  }
0x27: {  	s1 =	sld [smem:$0x3FAC]  }
0x28: {  	s2 =	sld [smem:$0x3FAD]  }
0x29: {  	s4 =	sld [smem:$0x3FAF]  }
0x2a: {  	p0 =	seq.s32 s5, $0x0;
	s5 =	sld [smem:$0x3FB0]  }
0x2b: {  	s6 =	sld [smem:$0x3FB1]  }
0x2c: {  	s7 =	sld [smem:$0x3FB2]  }
0x2d: {  	s3 =	simm.s32 $0x108;
	s8 =	sld [smem:$0x3FB3]  }
0x2e: {  	s3 =	simm.s32 @!p0 $0x1082;
	s9 =	sld [smem:$0x3FB4]  }
0x2f: {  	lr =	sadd.s32 s0, s3;
	s0 =	sld [smem:$0x3FAB]  }
0x30: {  	s3 =	sld [smem:$0x3FAE]  }
0x31: {  	[smem:$0x3FB7] =	sst s10  }
0x32: {  	s10 =	sld [smem:$0x3FB5];
	_ =	sdelay $0x3  }
0x33: {  	p0 =	seq.s32 s10, $0x1;
	s10 =	sld [smem:$0x3FB7];
	_ =	sdelay $0x3  }
0x34: {  	[smem:$0x3FB7] =	sst s10  }
0x35: {  	s10 =	sld [smem:$0x3FB6];
	_ =	sdelay $0x3  }
0x36: {  	p1 =	seq.s32 s10, $0x1;
	s10 =	sld [smem:$0x3FB7];
	_ =	sdelay $0x3  }
0x37: {  	[smem:$0x3FB7] =	sst s10  }
0x38: {  	s10 =	sld [smem:$0x3FB8]  }
0x39: {  	_ = 	snop;
	(pc) =	sbr.ind lr, $3  }
0x3a: {  	_ = 	snop  }
0x3b: {  	_ = 	snop  }
0x3c: {  	p2 =	seq.s32 s10, $0x1;
	s10 =	sld [smem:$0x3FB7]  }
0x3d: {  	_ =	shalt  }
0x3e: {  	_ =	shalt  }
0x3f: {  	_ =	shalt  }
0x40: {  	_ =	shalt  }
0x41: {  	_ =	shalt  }
0x42: {  	_ =	shalt  }
0x43: {  	_ =	shalt  }
0x44: {  	_ =	shalt  }
0x45: {  	_ =	shalt  }
0x46: {  	_ =	shalt  }
0x47: {  	_ =	shalt  }
0x48: {  	_ =	shalt  }
0x49: {  	_ =	shalt  }
0x4a: {  	_ =	shalt  }
0x4b: {  	_ =	shalt  }
0x4c: {  	_ =	shalt  }
0x4d: {  	_ =	shalt  }
0x4e: {  	_ =	shalt  }
0x4f: {  	_ =	shalt  }
0x50: {  	_ =	shalt  }
0x51: {  	_ =	shalt  }
0x52: {  	_ =	shalt  }
0x53: {  	_ =	shalt  }
0x54: {  	_ =	shalt  }
0x55: {  	_ =	shalt  }
0x56: {  	_ =	shalt  }
0x57: {  	_ =	shalt  }
0x58: {  	_ =	shalt  }
0x59: {  	_ =	shalt  }
0x5a: {  	_ =	shalt  }
0x5b: {  	_ =	shalt  }
0x5c: {  	_ =	shalt  }
0x5d: {  	_ =	shalt  }
0x5e: {  	_ =	shalt  }
0x5f: {  	_ =	shalt  }
0x60: {  	_ =	shalt  }
0x61: {  	_ =	shalt  }
0x62: {  	_ =	shalt  }
0x63: {  	_ =	shalt  }
0x64: {  	_ =	shalt  }
0x65: {  	_ =	shalt  }
0x66: {  	_ =	shalt  }
0x67: {  	_ =	shalt  }
0x68: {  	_ =	shalt  }
0x69: {  	_ =	shalt  }
0x6a: {  	_ =	shalt  }
0x6b: {  	_ =	shalt  }
0x6c: {  	_ =	shalt  }
0x6d: {  	_ =	shalt  }
0x6e: {  	_ =	shalt  }
0x6f: {  	_ =	shalt  }
0x70: {  	_ =	shalt  }
0x71: {  	_ =	shalt  }
0x72: {  	_ =	shalt  }
0x73: {  	_ =	shalt  }
0x74: {  	_ =	shalt  }
0x75: {  	_ =	shalt  }
0x76: {  	_ =	shalt  }
0x77: {  	_ =	shalt  }
0x78: {  	_ =	shalt  }
0x79: {  	_ =	shalt  }
0x7a: {  	_ =	shalt  }
0x7b: {  	_ =	shalt  }
0x7c: {  	_ =	shalt  }
0x7d: {  	_ =	shalt  }
0x7e: {  	_ =	shalt  }
0x7f: {  	_ =	shalt  }
0x80: {  	_ =	shalt  }
0x81: {  	_ =	shalt  }
0x82: {  	_ =	shalt  }
0x83: {  	_ =	shalt  }
0x84: {  	_ =	shalt  }
0x85: {  	_ =	shalt  }
0x86: {  	_ =	shalt  }
0x87: {  	_ =	shalt  }
.Lfunc_end0:
.L_simem_size_0:
called_computation_lowered:
.L_overlay_start_0:
0x88: {  	s2 =	sld [smem:$0x3FD9]  }
0x89: {  	s3 =	sld [smem:$0x3FFE];
	_ =	sdelay $0x1  }
0x8a: {  	s1 =	srdreg.scid  }
0x8b: {  	s0 =	sand.u32 $0x1, s1  }
0x8c: {  	s17 =	sshll.u32 s0, $0xA;
	s2 =	sadd.s32 s3, s2  }
0x8d: {  	s2 =	sadd.s32 s2, s17  }
0x8e: {  	[smem:$0x3FC3] =	sst s2  }
0x8f: {  	_ = 	snop  }
0x90: {  	s2 =	sld [smem:$0x3FD0];
	(tm) =	ssettm $0x1  }
0x91: {  	s18 =	sld [smem:$0x3FFB];
	_ =	sdelay $0x3  }
0x92: {  	_ =	strace s18  }
0x93: {  	s3 =	sld [smem:$0x3FFC];
	_ =	sdelay $0x3  }
0x94: {  	_ =	strace s3  }
0x95: {  	s3 =	sld [smem:$0x3FFD];
	_ =	sdelay $0x3  }
0x96: {  	_ =	strace s3  }
0x97: {  	_ =	strace $0x8FFFFFFF  }
0x98: {  	s19 =	sld [smem:$0x3FDB];
	_ =	sdelay $0x1  }
0x99: {  	s4 =	simm.s32 $_scs_section_size  }
0x9a: {  	s5 =	simm.s32 $_size__tile_overlayer_lowered;
	s6 =	simm.s32 $_tile_overlayer_lowered  }
0x9b: {  	s22 =	simm.s32 $0x1BFF;
	s21 =	sshll.u32 s6, $0x1;
	s3 =	sadd.s32 s4, s19  }
0x9c: {  	s7 =	simm.s32 $0x0;
	s20 =	sshll.u32 s5, $0x1;
	s5 =	sadd.s32 s21, s3  }
0x9d: {  	[timem:s7], [sflag:s22] =	dma.local [hbm:s5], s20  }
0x9e: {  	_ =	swait.ge [sflag:s22], s20  }
0x9f: {  	s4 =	ssub.s32 $0x0, s20;
	[sflag:s22] =	ssyncset.done $0x0  }
0xa0: {  	[sflag:s22] =	ssyncadd.s32 s4;
	_ =	sdelay $0x1  }
0xa1: {  	s23 =	simm.s32 $0x1B8B  }
0xa2: {  	_ =	swait.ge [sflag:s23], $0x1  }
0xa3: {  	[sflag:s23] =	ssyncset.done $0x0  }
0xa4: {  	s25 =	simm.s32 $0x1B8E;
	s24 =	sld [smem:$0x3FFE];
	[sflag:s23] =	ssyncadd.s32 $0xFFFFFFFF  }
0xa5: {  	s26 =	simm.s32 $execute0_lowered;
	[smem:$0x3FD2] =	sst s25  }
0xa6: {  	s5 =	sshll.u32 s26, $0x1;
	_ =	strace $0x80000046;
	[dreg:$0x1] =	wrdreg $0xFFFFFFFF  }
0xa7: {  	s28 =	simm.s32 $_size_execute0_lowered;
	s3 =	sadd.s32 s3, s5;
	[dreg:$0x0] =	wrdreg $0x0  }
0xa8: {  	s5 =	sshll.u32 s28, $0x1;
	[dreg:$0x2] =	wrdreg s3  }
0xa9: {  	[dreg:$0x3] =	wrdreg s5  }
0xaa: {  	[dreg:$0x4] =	wrdreg $0xC0  }
0xab: {  	_ =	task [dreg:s7], $0x5FFFF  }
0xac: {  	[dreg:$0x1] =	wrdreg $0xFFFFFFFF  }
0xad: {  	[dreg:$0x0] =	wrdreg $0x60  }
0xae: {  	[dreg:$0x2] =	wrdreg s24  }
0xaf: {  	[dreg:$0x3] =	wrdreg s2  }
0xb0: {  	[dreg:$0x4] =	wrdreg $0x9  }
0xb1: {  	_ =	task.clear_ibuf [dreg:s7], $0x5FFFF;
	_ =	strace $0x90000046  }
0xb2: {  	s29 =	simm.s32 $0x9;
	_ =	strace $0x80000048  }
0xb3: {  	_ =	swait.ge [sflag:s29], $0x1  }
0xb4: {  	[sflag:s29] =	ssyncadd.s32 $0xFFFFFFFF  }
0xb5: {  	_ =	strace $0x90000048  }
0xb6: {  	_ =	sfence  }
0xb7: {  	s30 =	sld [smem:$0x0];
	_ =	sdelay $0x2  }
0xb8: {  	s31 =	sshll.u32 s1, $0xD;
	s1 =	sshrl.u32 s1, $0x2  }
0xb9: {  	s3 =	sand.u32 $0x4000, s31;
	s1 =	sadd.s32 s1, s30  }
0xba: {  	s0 =	sor.u32 s3, s0;
	s1 =	sshll.u32 s1, $0x11  }
0xbb: {  	s0 =	sor.u32 s1, s0  }
0xbc: {  	s0 =	sadd.s32 $0x8F2B, s0  }
0xbd: {  	[sflag:s0] =	ssyncadd.remote.s32 $0x1  }
0xbe: {  	_ =	sfence.sel $0xFFFF  }
0xbf: {  	[dreg:$0x0] =	wrdreg $0xFFFFFFFF;
	(pc) =	sbr.abs _section_cstart, $3  }
0xc0: {  	[dreg:$0x1] =	wrdreg $0xFFFFFFFF  }
0xc1: {  	_ =	task.clear_ibuf [dreg:s7], $0x2FFFF;
	_ =	strace $0x9FFFFFFF  }
0xc2: {  	(tm) =	ssettm $0x7FFFFFFF  }
0xc3: {  	_ =	shalt  }
tec
execute0_lowered:
.L_overlay_start_1:
0x0: {  	(tag) =	ssettag $0x1  }
0x1: {  	v0 =	vimm.s32 $0x400;
	vm0 =	vcmask $0x300  }
0x2: {  	v1 =	vimm.s32 $0x401;
	v2 =	vimm.s32 $0x402;
	vm1 =	vcmask $0x704  }
0x3: {  	v3 =	vimm.s32 $0x403;
	v4 =	vimm.s32 $0x404;
	v5 =	vimm.s32 $0x405  }
0x4: {  	v6 =	vimm.s32 $0x406;
	v7 =	vimm.s32 $0x407;
	v8 =	vimm.s32 $0xFEDCBA98  }
0x5: {  	v10 =	vimm.s32 $0x76543210;
	v12 =	vimm.s32 $0x32107654;
	v13 =	vimm.s32 $0xDCFE98BA  }
0x6: {  	v14 =	vimm.s32 $0x54761032;
	v15 =	vimm.s32 $0xEFCDAB89;
	v16 =	vimm.s32 $0x67452301  }
0x7: {  	v0 =	vsel vm0, $0x0, v0;
	v1 =	vsel vm0, $0x1, v1;
	v2 =	vsel vm0, $0x2, v2  }
0x8: {  	s0 =	rddreg [dreg:$0x0];
	v3 =	vsel vm0, $0x3, v3;
	v4 =	vsel vm0, $0x4, v4;
	v5 =	vsel vm0, $0x5, v5  }
0x9: {  	s2 =	rddreg [dreg:$0x1];
	s1 =	simm.s32 $0x0;
	v6 =	vsel vm0, $0x6, v6;
	v7 =	vsel vm0, $0x7, v7;
	v9 =	vunpack.c.l.s4.s8 v8  }
0xa: {  	s3 =	srdreg.scid;
	s4 =	stileid.u32;
	s10 =	simm.s32 $0x600;
	v8 =	vlaneseq.u32;
	v10 =	vunpack.c.l.s4.s8 v10;
	v12 =	vunpack.c.l.s4.s8 v12  }
0xb: {  	s11 =	simm.s32 $0x2600;
	s12 =	simm.s32 $0x4600;
	s18 =	simm.s32 $0x2;
	v13 =	vunpack.c.l.s4.s8 v13;
	v14 =	vunpack.c.l.s4.s8 v14;
	v15 =	vunpack.c.l.s4.s8 v15  }
0xc: {  	s28 =	simm.s32 $0x5600;
	s29 =	simm.s32 $0x1A00;
	s30 =	simm.s32 $0x3A00;
	v16 =	vunpack.c.l.s4.s8 v16;
	v0 =	vsel vm1, $0x200, v0;
	v1 =	vsel vm1, $0x201, v1  }
0xd: {  	s31 =	simm.s32 $0x5A00;
	s13 =	simm.s32 $0x6200;
	s14 =	simm.s32 $0x1;
	v2 =	vsel vm1, $0x202, v2;
	v3 =	vsel vm1, $0x203, v3;
	v4 =	vsel vm1, $0x204, v4  }
0xe: {  	s15 =	simm.s32 $0x8200;
	s19 =	simm.s32 $0x0;
	[smem:$0x7FF] =	sst s1;
	v5 =	vsel vm1, $0x205, v5;
	v11 =	vunpack.c.0.s8.s32 v9;
	v9 =	vimm.s32 $0xBA98FEDC  }
0xf: {  	s6 =	sand.u32 $0x1, s3;
	s3 =	sadd.s32 $0xF44400, s0;
	s9 =	sshll.u32 s4, $0x7;
	v6 =	vsel vm1, $0x206, v6;
	v13 =	vunpack.c.0.s8.s32 v13;
	v9 =	vunpack.c.l.s4.s8 v9  }
0x10: {  	s4 =	sadd.s32 $0x2000, s0;
	s5 =	sadd.s32 $0x400, s0;
	s7 =	sshll.u32 s6, $0x6;
	v14 =	vunpack.c.0.s8.s32 v14;
	v15 =	vunpack.c.0.s8.s32 v15;
	v16 =	vunpack.c.0.s8.s32 v16  }
0x11: {  	_ =	strace $0x80000047;
	s25 =	ssub.s32 $0x2, s6;
	v7 =	vsel vm1, $0x207, v7;
	s8 =	sadd.s32 s7, s0;
	v12 =	vunpack.c.0.s8.s32 v12;
	v9 =	vunpack.c.0.s8.s32 v9  }
0x12: {  	s26 =	sshrl.u32 s25, $0x1;
	s2 =	sadd.s32 s2, s7;
	s7 =	simm.s32 $0x5E00;
	v18 =	vand.u32 $0xF, v11;
	v14 =	vcombine.low v14, v13;
	v15 =	vcombine.low v16, v15  }
0x13: {  	s24 =	sadd.s32 s9, s8;
	s0 =	ssub.s32 s25, s26;
	s16 =	sadd.s32 s9, s2;
	v11 =	vor.u32 $0x30, v8;
	v17 =	vcombine.low v12, v9;
	v12 =	vunpack.c.0.s8.s32 v10  }
0x14: {  	s2 =	simm.s32 $0x3E00;
	s8 =	simm.s32 $0x2200;
	s9 =	simm.s32 $0x4200;
	v14 =	vand.u32 $0xF, v14;
	v15 =	vand.u32 $0xF, v15;
	v9 =	vor.u32 $0x10, v8  }
0x15: {  	s6 =	sadd.s32 $0x800, s24;
	s17 =	smax.u32 s0, $0x1;
	s0 =	simm.s32 $0x1E00;
	v10 =	vor.u32 $0x20, v8;
	v12 =	vcombine.low v18, v12;
	v13 =	vand.u32 $0xF, v17  }
.LBB2_1:
0x16: {  	s20 =	simm.s32 $0x200;
	s21 =	simm.s32 $0x4000  }
0x17: {  	[tilespmem:s1], [sflag:$0x2] =	stream.strided.gather [hbm4b:s6+s20], $0x600, s21, s20, $0x38;
	[tilespmem:$0x8400] =	vst v63  }
0x18: {  	_ =	swait.ge [sflag:s18], $0x600  }
0x19: {  	[sflag:s18] =	ssyncset.done $0x0  }
0x1a: {  	s25 =	simm.s32 $0x6600;
	[sflag:s18] =	ssyncadd.s32 $0xFFFFFA00  }
0x1b: {  	[tilespmem:s25], [sflag:$0x2] =	stream.linear.gather [hbm4b:s5+s1], $0x1900, $0x38;
	[tilespmem:$0x8400] =	vst v63  }
0x1c: {  	_ =	swait.ge [sflag:s18], $0x1900  }
0x1d: {  	[sflag:s18] =	ssyncset.done $0x0  }
0x1e: {  	[sflag:s18] =	ssyncadd.s32 $0xFFFFE700  }
0x1f: {  	v16 =	vld.idx.msk [tilespmem:v0+s1+$0x0], $0xffff;
	_ =	sdelay $0x4  }
0x20: {  	v16 =	vshll.u32 v16, $0x4  }
0x21: {  	(v2sf) =	vpush v16, $0x0;
	_ =	sdelay $0x1  }
0x22: {  	(v2sf) =	vpush v16, $0x1;
	_ =	sdelay $0x2  }
0x23: {  	(v2sf) =	vpush v16, $0x2;
	_ =	sdelay $0x9  }
0x24: {  	s26 =	spop (v2sf)  }
0x25: {  	s20 =	sand.u32 $0xFFFFF80, s26  }
0x26: {  	s21 =	spop (v2sf);
	s20 =	sadd.s32 s4, s20  }
0x27: {  	[tilespmem:s10], [sflag:$0x1] =	stream.linear.gather [hbm4b:s20+s1], $0x400, $0x38;
	[tilespmem:$0x8400] =	vst v63  }
0x28: {  	s20 =	sand.u32 $0xFFFFF80, s21  }
0x29: {  	s22 =	spop (v2sf);
	s20 =	sadd.s32 s3, s20  }
0x2a: {  	[tilespmem:s11], [sflag:$0x1] =	stream.linear.gather [hbm4b:s20+s1], $0x400, $0x38;
	[tilespmem:$0x8400] =	vst v63  }
0x2b: {  	s20 =	sand.u32 $0xFFFFF80, s22  }
0x2c: {  	s20 =	sadd.s32 s4, s20  }
0x2d: {  	[tilespmem:s12], [sflag:$0x1] =	stream.linear.gather [hbm4b:s20+s1], $0x400, $0x38;
	[tilespmem:$0x8400] =	vst v63  }
0x2e: {  	v16 =	vld.idx.msk [tilespmem:v1+s1+$0x0], $0xffff;
	_ =	sdelay $0x4  }
0x2f: {  	v16 =	vshll.u32 v16, $0x4  }
0x30: {  	(v2sf) =	vpush v16, $0x0;
	_ =	sdelay $0x1  }
0x31: {  	(v2sf) =	vpush v16, $0x1;
	_ =	sdelay $0x2  }
0x32: {  	(v2sf) =	vpush v16, $0x2;
	_ =	sdelay $0x9  }
0x33: {  	s23 =	spop (v2sf)  }
0x34: {  	s20 =	sand.u32 $0xFFFFF80, s23  }
0x35: {  	s24 =	simm.s32 $0xA00;
	s25 =	spop (v2sf);
	s20 =	sadd.s32 s4, s20  }
0x36: {  	[tilespmem:s24], [sflag:$0x1] =	stream.linear.gather [hbm4b:s20+s1], $0x400, $0x38;
	[tilespmem:$0x8400] =	vst v63  }
0x37: {  	s20 =	sand.u32 $0xFFFFF80, s25  }
0x38: {  	s26 =	simm.s32 $0x2A00;
	s21 =	spop (v2sf);
	s20 =	sadd.s32 s3, s20  }
0x39: {  	[tilespmem:s26], [sflag:$0x1] =	stream.linear.gather [hbm4b:s20+s1], $0x400, $0x38;
	[tilespmem:$0x8400] =	vst v63  }
0x3a: {  	s20 =	sand.u32 $0xFFFFF80, s21  }
0x3b: {  	s22 =	simm.s32 $0x4A00;
	s20 =	sadd.s32 s4, s20  }
0x3c: {  	[tilespmem:s22], [sflag:$0x1] =	stream.linear.gather [hbm4b:s20+s1], $0x400, $0x38;
	[tilespmem:$0x8400] =	vst v63  }
0x3d: {  	v16 =	vld.idx.msk [tilespmem:v2+s1+$0x0], $0xffff;
	_ =	sdelay $0x4  }
0x3e: {  	v16 =	vshll.u32 v16, $0x4  }
0x3f: {  	(v2sf) =	vpush v16, $0x0;
	_ =	sdelay $0x1  }
0x40: {  	(v2sf) =	vpush v16, $0x1;
	_ =	sdelay $0x2  }
0x41: {  	(v2sf) =	vpush v16, $0x2;
	_ =	sdelay $0x9  }
0x42: {  	s23 =	spop (v2sf)  }
0x43: {  	s20 =	sand.u32 $0xFFFFF80, s23  }
0x44: {  	s24 =	simm.s32 $0xE00;
	s25 =	spop (v2sf);
	s20 =	sadd.s32 s4, s20  }
0x45: {  	[tilespmem:s24], [sflag:$0x1] =	stream.linear.gather [hbm4b:s20+s1], $0x400, $0x38;
	[tilespmem:$0x8400] =	vst v63  }
0x46: {  	s20 =	sand.u32 $0xFFFFF80, s25  }
0x47: {  	s26 =	simm.s32 $0x2E00;
	s21 =	spop (v2sf);
	s20 =	sadd.s32 s3, s20  }
0x48: {  	[tilespmem:s26], [sflag:$0x1] =	stream.linear.gather [hbm4b:s20+s1], $0x400, $0x38;
	[tilespmem:$0x8400] =	vst v63  }
0x49: {  	s20 =	sand.u32 $0xFFFFF80, s21  }
0x4a: {  	s22 =	simm.s32 $0x4E00;
	s20 =	sadd.s32 s4, s20  }
0x4b: {  	[tilespmem:s22], [sflag:$0x1] =	stream.linear.gather [hbm4b:s20+s1], $0x400, $0x38;
	[tilespmem:$0x8400] =	vst v63  }
0x4c: {  	v16 =	vld.idx.msk [tilespmem:v3+s1+$0x0], $0xffff;
	_ =	sdelay $0x4  }
0x4d: {  	v16 =	vshll.u32 v16, $0x4  }
0x4e: {  	(v2sf) =	vpush v16, $0x0;
	_ =	sdelay $0x1  }
0x4f: {  	(v2sf) =	vpush v16, $0x1;
	_ =	sdelay $0x2  }
0x50: {  	(v2sf) =	vpush v16, $0x2;
	_ =	sdelay $0x9  }
0x51: {  	s23 =	spop (v2sf)  }
0x52: {  	s20 =	sand.u32 $0xFFFFF80, s23  }
0x53: {  	s24 =	simm.s32 $0x1200;
	s25 =	spop (v2sf);
	s20 =	sadd.s32 s4, s20  }
0x54: {  	[tilespmem:s24], [sflag:$0x1] =	stream.linear.gather [hbm4b:s20+s1], $0x400, $0x38;
	[tilespmem:$0x8400] =	vst v63  }
0x55: {  	s20 =	sand.u32 $0xFFFFF80, s25  }
0x56: {  	s26 =	simm.s32 $0x3200;
	s21 =	spop (v2sf);
	s20 =	sadd.s32 s3, s20  }
0x57: {  	[tilespmem:s26], [sflag:$0x1] =	stream.linear.gather [hbm4b:s20+s1], $0x400, $0x38;
	[tilespmem:$0x8400] =	vst v63  }
0x58: {  	s20 =	sand.u32 $0xFFFFF80, s21  }
0x59: {  	s22 =	simm.s32 $0x5200;
	s20 =	sadd.s32 s4, s20  }
0x5a: {  	[tilespmem:s22], [sflag:$0x1] =	stream.linear.gather [hbm4b:s20+s1], $0x400, $0x38;
	[tilespmem:$0x8400] =	vst v63  }
0x5b: {  	v16 =	vld.idx.msk [tilespmem:v4+s1+$0x0], $0xffff;
	_ =	sdelay $0x4  }
0x5c: {  	v16 =	vshll.u32 v16, $0x4  }
0x5d: {  	(v2sf) =	vpush v16, $0x0;
	_ =	sdelay $0x1  }
0x5e: {  	(v2sf) =	vpush v16, $0x1;
	_ =	sdelay $0x2  }
0x5f: {  	(v2sf) =	vpush v16, $0x2;
	_ =	sdelay $0x9  }
0x60: {  	s23 =	spop (v2sf)  }
0x61: {  	s20 =	sand.u32 $0xFFFFF80, s23  }
0x62: {  	s24 =	simm.s32 $0x1600;
	s25 =	spop (v2sf);
	s20 =	sadd.s32 s4, s20  }
0x63: {  	[tilespmem:s24], [sflag:$0x1] =	stream.linear.gather [hbm4b:s20+s1], $0x400, $0x38;
	[tilespmem:$0x8400] =	vst v63  }
0x64: {  	s20 =	sand.u32 $0xFFFFF80, s25  }
0x65: {  	s26 =	simm.s32 $0x3600;
	s22 =	spop (v2sf);
	s20 =	sadd.s32 s3, s20  }
0x66: {  	[tilespmem:s26], [sflag:$0x1] =	stream.linear.gather [hbm4b:s20+s1], $0x400, $0x38;
	[tilespmem:$0x8400] =	vst v63  }
0x67: {  	s20 =	sand.u32 $0xFFFFF80, s22  }
0x68: {  	s20 =	sadd.s32 s4, s20  }
0x69: {  	[tilespmem:s28], [sflag:$0x1] =	stream.linear.gather [hbm4b:s20+s1], $0x400, $0x38;
	[tilespmem:$0x8400] =	vst v63  }
0x6a: {  	v16 =	vld.idx.msk [tilespmem:v5+s1+$0x0], $0xffff;
	_ =	sdelay $0x4  }
0x6b: {  	v16 =	vshll.u32 v16, $0x4  }
0x6c: {  	(v2sf) =	vpush v16, $0x0;
	_ =	sdelay $0x1  }
0x6d: {  	(v2sf) =	vpush v16, $0x1;
	_ =	sdelay $0x2  }
0x6e: {  	(v2sf) =	vpush v16, $0x2;
	_ =	sdelay $0x9  }
0x6f: {  	s23 =	spop (v2sf)  }
0x70: {  	s20 =	sand.u32 $0xFFFFF80, s23  }
0x71: {  	s24 =	spop (v2sf);
	s20 =	sadd.s32 s4, s20  }
0x72: {  	[tilespmem:s29], [sflag:$0x1] =	stream.linear.gather [hbm4b:s20+s1], $0x400, $0x38;
	[tilespmem:$0x8400] =	vst v63  }
0x73: {  	s20 =	sand.u32 $0xFFFFF80, s24  }
0x74: {  	s25 =	spop (v2sf);
	s20 =	sadd.s32 s3, s20  }
0x75: {  	[tilespmem:s30], [sflag:$0x1] =	stream.linear.gather [hbm4b:s20+s1], $0x400, $0x38;
	[tilespmem:$0x8400] =	vst v63  }
0x76: {  	s20 =	sand.u32 $0xFFFFF80, s25  }
0x77: {  	s20 =	sadd.s32 s4, s20  }
0x78: {  	[tilespmem:s31], [sflag:$0x1] =	stream.linear.gather [hbm4b:s20+s1], $0x400, $0x38;
	[tilespmem:$0x8400] =	vst v63  }
0x79: {  	v16 =	vld.idx.msk [tilespmem:v6+s1+$0x0], $0xffff;
	_ =	sdelay $0x4  }
0x7a: {  	v16 =	vshll.u32 v16, $0x4  }
0x7b: {  	(v2sf) =	vpush v16, $0x0;
	_ =	sdelay $0x1  }
0x7c: {  	(v2sf) =	vpush v16, $0x1;
	_ =	sdelay $0x2  }
0x7d: {  	(v2sf) =	vpush v16, $0x2;
	_ =	sdelay $0x9  }
0x7e: {  	s26 =	spop (v2sf)  }
0x7f: {  	s20 =	sand.u32 $0xFFFFF80, s26  }
0x80: {  	s21 =	spop (v2sf);
	s20 =	sadd.s32 s4, s20  }
0x81: {  	[tilespmem:s0], [sflag:$0x1] =	stream.linear.gather [hbm4b:s20+s1], $0x400, $0x38;
	[tilespmem:$0x8400] =	vst v63  }
0x82: {  	s20 =	sand.u32 $0xFFFFF80, s21  }
0x83: {  	s22 =	spop (v2sf);
	s20 =	sadd.s32 s3, s20  }
0x84: {  	[tilespmem:s2], [sflag:$0x1] =	stream.linear.gather [hbm4b:s20+s1], $0x400, $0x38;
	[tilespmem:$0x8400] =	vst v63  }
0x85: {  	s20 =	sand.u32 $0xFFFFF80, s22  }
0x86: {  	s20 =	sadd.s32 s4, s20  }
0x87: {  	[tilespmem:s7], [sflag:$0x1] =	stream.linear.gather [hbm4b:s20+s1], $0x400, $0x38;
	[tilespmem:$0x8400] =	vst v63  }
0x88: {  	v16 =	vld.idx.msk [tilespmem:v7+s1+$0x0], $0xffff;
	_ =	sdelay $0x4  }
0x89: {  	v16 =	vshll.u32 v16, $0x4  }
0x8a: {  	(v2sf) =	vpush v16, $0x0  }
0x8b: {  	(v2sf) =	vpush v16, $0x1;
	_ =	sdelay $0x2  }
0x8c: {  	(v2sf) =	vpush v16, $0x2;
	_ =	sdelay $0xa  }
0x8d: {  	s23 =	spop (v2sf)  }
0x8e: {  	s20 =	sand.u32 $0xFFFFF80, s23;
	s24 =	spop (v2sf)  }
0x8f: {  	s20 =	sadd.s32 s4, s20;
	s25 =	sand.u32 $0xFFFFF80, s24  }
0x90: {  	[tilespmem:s8], [sflag:$0x1] =	stream.linear.gather [hbm4b:s20+s1], $0x400, $0x38;
	[tilespmem:$0x8400] =	vst v63  }
0x91: {  	s26 =	spop (v2sf);
	s20 =	sadd.s32 s3, s25  }
0x92: {  	[tilespmem:s9], [sflag:$0x1] =	stream.linear.gather [hbm4b:s20+s1], $0x400, $0x38;
	[tilespmem:$0x8400] =	vst v63  }
0x93: {  	s20 =	sand.u32 $0xFFFFF80, s26  }
0x94: {  	s20 =	sadd.s32 s4, s20  }
0x95: {  	[tilespmem:s13], [sflag:$0x1] =	stream.linear.gather [hbm4b:s20+s1], $0x400, $0x38;
	[tilespmem:$0x8400] =	vst v63  }
0x96: {  	s21 =	simm.s32 $0x0;
	s22 =	simm.s32 $0x0;
	s20 =	simm.s32 $0x0  }
.LBB2_2:
0x97: {  	v16 =	vmov s22  }
0x98: {  	_ =	swait.ge [sflag:s14], $0x400;
	s23 =	sand.u32 $0xFFFFFF80, s22;
	v17 =	vand.u32 $0x7F, v16  }
0x99: {  	[sflag:s14] =	ssyncset.done $0x0;
	v17 =	vor.u32 s23, v17  }
0x9a: {  	[sflag:s14] =	ssyncadd.s32 $0xFFFFFC00;
	v17 =	vbroadcast v17, $0x0  }
0x9b: {  	_ =	swait.ge [sflag:s14], $0x400  }
0x9c: {  	[sflag:s14] =	ssyncset.done $0x0;
	v17 =	vor.u32 v0, v17  }
0x9d: {  	[sflag:s14] =	ssyncadd.s32 $0xFFFFFC00  }
0x9e: {  	_ =	swait.ge [sflag:s14], $0x400  }
0x9f: {  	[sflag:s14] =	ssyncset.done $0x0  }
0xa0: {  	[sflag:s14] =	ssyncadd.s32 $0xFFFFFC00  }
0xa1: {  	v17 =	vld.idx.msk [tilespmem:v17+s1+$0x0], $0xffff;
	_ =	sdelay $0x4  }
0xa2: {  	(v2sf) =	vpush v17, $0x0;
	_ =	sdelay $0x3  }
0xa3: {  	(v2sf) =	vpush v17, $0x1;
	_ =	sdelay $0x1  }
0xa4: {  	(v2sf) =	vpush v17, $0x2;
	_ =	sdelay $0x8  }
0xa5: {  	s25 =	spop (v2sf)  }
0xa6: {  	s24 =	sand.u32 $0x38, s20;
	s23 =	sand.u32 $0x7, s25  }
0xa7: {  	s23 =	sor.u32 s24, s23  }
0xa8: {  	s23 =	sshll.u32 s23, $0x7  }
0xa9: {  	s25 =	spop (v2sf);
	v17 =	vor.u32 s23, v8  }
0xaa: {  	s25 =	sand.u32 $0x7, s25;
	v18 =	vor.u32 s23, v9  }
0xab: {  	s26 =	spop (v2sf);
	s25 =	sor.u32 s24, s25;
	v19 =	vor.u32 s23, v10  }
0xac: {  	s26 =	sand.u32 $0x7, s26;
	v21 =	vor.u32 s23, v11;
	s23 =	sshll.u32 s25, $0x7  }
0xad: {  	s24 =	sor.u32 s24, s26;
	v22 =	vor.u32 s23, v8  }
0xae: {  	v23 =	vor.u32 s23, v9;
	s24 =	sshll.u32 s24, $0x7;
	v17 =	vld.idx.msk [tilespmem:v17+s10+$0x0], $0xffff  }
0xaf: {  	v25 =	vor.u32 s24, v8;
	v18 =	vld.idx.msk [tilespmem:v18+s10+$0x0], $0xffff  }
0xb0: {  	v36 =	vor.u32 s24, v9;
	v20 =	vld.idx.msk [tilespmem:v19+s10+$0x0], $0xffff  }
0xb1: {  	v26 =	vor.u32 s23, v10;
	v21 =	vld.idx.msk [tilespmem:v21+s10+$0x0], $0xffff  }
0xb2: {  	v29 =	vor.u32 s24, v10;
	v24 =	vld.idx.msk [tilespmem:v22+s11+$0x0], $0xffff  }
0xb3: {  	v37 =	vor.u32 s23, v11;
	v22 =	vld.idx.msk [tilespmem:v23+s11+$0x0], $0xffff  }
0xb4: {  	v38 =	vor.u32 s24, v11;
	v28 =	vld.idx.msk [tilespmem:v25+s12+$0x0], $0xffff  }
0xb5: {  	v19 =	vld.idx.msk [tilespmem:v36+s12+$0x0], $0xffff  }
0xb6: {  	v27 =	vld.idx.msk [tilespmem:v26+s11+$0x0], $0xffff  }
0xb7: {  	p0 =	sgt.u32 s22, $0x1F7;
	v29 =	vld.idx.msk [tilespmem:v29+s12+$0x0], $0xffff;
	v39 =	vmul.f32 v17, v17  }
0xb8: {  	s23 =	sadd.s32 @!p0 $0x8, s22;
	v31 =	vld.idx.msk [tilespmem:v37+s11+$0x0], $0xffff;
	v30 =	vmul.f32 v18, v18;
	v32 =	vmul.f32 v20, v20  }
0xb9: {  	v23 =	vmov @!p0 s23;
	v40 =	vld.idx.msk [tilespmem:v38+s12+$0x0], $0xffff;
	v41 =	vmul.f32 v24, v24;
	v33 =	vmul.f32 v22, v22  }
0xba: {  	v26 =	vadd.f32 v30, v39;
	v42 =	vmul.f32 v28, v28;
	v34 =	vmul.f32 v19, v19  }
0xbb: {  	v35 =	vmul.f32 v21, v21;
	v43 =	vmul.f32 v27, v27;
	v25 =	vadd.f32 v33, v41  }
0xbc: {  	v44 =	vmul.f32 v29, v29;
	v26 =	vadd.f32 v32, v26;
	v32 =	vadd.f32 v34, v42  }
0xbd: {  	v23 =	vand.u32 @!p0 $0x7F, v23;
	v45 =	vmul.f32 v31, v31;
	v25 =	vadd.f32 v43, v25  }
0xbe: {  	s23 =	sand.u32 @!p0 $0xFFFFFF80, s23;
	v46 =	vmul.f32 v40, v40;
	v26 =	vadd.f32 v35, v26;
	v32 =	vadd.f32 v44, v32  }
0xbf: {  	vm0 =	vcmask @!p0 $0x300;
	v23 =	vor.u32 @!p0 s23, v23;
	v25 =	vadd.f32 v45, v25  }
0xc0: {  	v35 =	vimm.s32 @!p0 $0x400;
	v36 =	vperm.xlane v26, v12;
	v32 =	vadd.f32 v46, v32  }
0xc1: {  	v23 =	vbroadcast @!p0 v23, $0x0;
	v33 =	vsel @!p0 vm0, $0x0, v35;
	v47 =	vperm.xlane v25, v12  }
0xc2: {  	vm0 =	vcmask @!p0 $0x704;
	v26 =	vadd.f32 v36, v26;
	v48 =	vperm.xlane v32, v12  }
0xc3: {  	v33 =	vsel @!p0 vm0, $0x200, v33;
	v25 =	vadd.f32 v47, v25  }
0xc4: {  	v23 =	vadd.s32 @!p0 v33, v23;
	v49 =	vperm.xlane v26, v13;
	v32 =	vadd.f32 v48, v32  }
0xc5: {  	v50 =	vperm.xlane v25, v13  }
0xc6: {  	v26 =	vadd.f32 v49, v26;
	v51 =	vperm.xlane v32, v13  }
0xc7: {  	v25 =	vadd.f32 v50, v25  }
0xc8: {  	s23 =	simm.s32 @!p0 $0x0;
	v52 =	vperm.xlane v26, v14;
	v32 =	vadd.f32 v51, v32  }
0xc9: {  	v23 =	vld.idx.msk @!p0 [tilespmem:v23+s23+$0x0], $0xffff;
	v33 =	vperm.xlane v25, v14  }
0xca: {  	v26 =	vadd.f32 v52, v26;
	v34 =	vperm.xlane v32, v14  }
0xcb: {  	v25 =	vadd.f32 v33, v25  }
0xcc: {  	v35 =	vperm.xlane v26, v15;
	v32 =	vadd.f32 v34, v32  }
0xcd: {  	v33 =	vperm.xlane v25, v15  }
0xce: {  	v23 =	vshll.u32 @!p0 v23, $0x4;
	v26 =	vadd.f32 v35, v26;
	v34 =	vperm.xlane v32, v15  }
0xcf: {  	(v2sf) =	vpush @!p0 v23, $0x0;
	v25 =	vadd.f32 v33, v25  }
0xd0: {  	(v2sf) =	vpush @!p0 v23, $0x1;
	v26 =	vmax.f32 v26, $1.000000020e-24;
	v32 =	vadd.f32 v34, v32  }
0xd1: {  	v53 =	vshra.s32 v26, $0x1;
	v25 =	vmax.f32 v25, $1.000000020e-24;
	v26 =	vmul.f32 $5.000000000e-01, v26  }
0xd2: {  	v33 =	vsub.s32 $0x5F3759DF, v53;
	v54 =	vshra.s32 v25, $0x1;
	v32 =	vmax.f32 v32, $1.000000020e-24  }
0xd3: {  	v25 =	vmul.f32 $5.000000000e-01, v25;
	v55 =	vshra.s32 v32, $0x1;
	v32 =	vmul.f32 $5.000000000e-01, v32  }
0xd4: {  	v56 =	vmul.f32 v33, v26;
	v34 =	vsub.s32 $0x5F3759DF, v54;
	v35 =	vsub.s32 $0x5F3759DF, v55  }
0xd5: {  	v37 =	vmul.f32 v34, v25;
	v38 =	vmul.f32 v35, v32  }
0xd6: {  	v57 =	vmul.f32 v33, v56  }
0xd7: {  	v58 =	vmul.f32 v34, v37;
	v59 =	vmul.f32 v35, v38  }
0xd8: {  	(v2sf) =	vpush @!p0 v23, $0x2;
	v23 =	vsub.f32 $1.500000000e+00, v57  }
0xd9: {  	v36 =	vsub.f32 $1.500000000e+00, v58;
	v37 =	vsub.f32 $1.500000000e+00, v59  }
0xda: {  	v23 =	vmul.f32 v33, v23  }
0xdb: {  	v60 =	vmul.f32 v34, v36;
	v61 =	vmul.f32 v35, v37  }
0xdc: {  	v62 =	vmul.f32 v23, v26  }
0xdd: {  	v36 =	vmul.f32 v60, v25;
	v37 =	vmul.f32 v61, v32  }
0xde: {  	v35 =	vmul.f32 v62, v23  }
0xdf: {  	s24 =	spop @!p0 (v2sf);
	v36 =	vmul.f32 v36, v60;
	v37 =	vmul.f32 v37, v61  }
0xe0: {  	s25 =	sand.u32 @!p0 $0x1C00, s21;
	s24 =	sand.u32 @!p0 $0xFFFFF80, s24;
	v35 =	vsub.f32 $1.500000000e+00, v35  }
0xe1: {  	s26 =	sadd.s32 @!p0 $0x600, s25;
	s24 =	sadd.s32 @!p0 s4, s24;
	v36 =	vsub.f32 $1.500000000e+00, v36;
	v37 =	vsub.f32 $1.500000000e+00, v37  }
0xe2: {  	[tilespmem:s26], [sflag:$0x1] =	stream.linear.gather @!p0 [hbm4b:s24+s23], $0x400, $0x38;
	v23 =	vmul.f32 v35, v23;
	[tilespmem:$0x8400] =	vst v63  }
0xe3: {  	s24 =	spop @!p0 (v2sf);
	v33 =	vmul.f32 v36, v60;
	v34 =	vmul.f32 v37, v61  }
0xe4: {  	s24 =	sand.u32 @!p0 $0xFFFFF80, s24;
	v26 =	vmul.f32 v23, v26  }
0xe5: {  	s26 =	sadd.s32 @!p0 $0x2600, s25;
	s24 =	sadd.s32 @!p0 s3, s24;
	v25 =	vmul.f32 v33, v25;
	v32 =	vmul.f32 v34, v32  }
0xe6: {  	[tilespmem:s26], [sflag:$0x1] =	stream.linear.gather @!p0 [hbm4b:s24+s23], $0x400, $0x38;
	v26 =	vmul.f32 v26, v23;
	[tilespmem:$0x8400] =	vst v63  }
0xe7: {  	s24 =	spop @!p0 (v2sf);
	v25 =	vmul.f32 v25, v33;
	v32 =	vmul.f32 v32, v34  }
0xe8: {  	s24 =	sand.u32 @!p0 $0xFFFFF80, s24;
	v26 =	vsub.f32 $1.500000000e+00, v26  }
0xe9: {  	s25 =	sadd.s32 @!p0 $0x4600, s25;
	s24 =	sadd.s32 @!p0 s4, s24;
	v25 =	vsub.f32 $1.500000000e+00, v25;
	v32 =	vsub.f32 $1.500000000e+00, v32  }
0xea: {  	[tilespmem:s25], [sflag:$0x1] =	stream.linear.gather @!p0 [hbm4b:s24+s23], $0x400, $0x38;
	v43 =	vmul.f32 v26, v23;
	[tilespmem:$0x8400] =	vst v63  }
0xeb: {  	v63 =	vld [tilespmem:$0x6640];
	v33 =	vmul.f32 v25, v33;
	v32 =	vmul.f32 v32, v34  }
0xec: {  	v25 =	vmul.f32 v43, v17;
	v23 =	vmul.f32 v43, v18  }
0xed: {  	v20 =	vmul.f32 v43, v20;
	v17 =	vmul.f32 v43, v21  }
0xee: {  	v44 =	vld [tilespmem:$0x6650];
	v26 =	vmul.f32 v33, v24;
	v21 =	vmul.f32 v33, v27  }
0xef: {  	v41 =	vld [tilespmem:$0x66C0];
	v18 =	vmul.f32 v33, v31;
	v24 =	vmul.f32 v32, v28  }
0xf0: {  	v45 =	vld [tilespmem:$0x6660];
	v46 =	vmul.f32 v25, v63;
	v28 =	vmul.f32 v33, v22  }
0xf1: {  	v59 =	vld [tilespmem:$0x66D0];
	v27 =	vmul.f32 v32, v19;
	v22 =	vmul.f32 v32, v29  }
0xf2: {  	v19 =	vmul.f32 v32, v40;
	v52 =	vmul.f32 v23, v63  }
0xf3: {  	v39 =	vmul.f32 v20, v63;
	v57 =	vmul.f32 v17, v63  }
0xf4: {  	v43 =	vmul.f32 v20, v41;
	v47 =	vmul.f32 v26, v44  }
0xf5: {  	v40 =	vmul.f32 v21, v44;
	v58 =	vmul.f32 v18, v44  }
0xf6: {  	v37 =	vmul.f32 v18, v59;
	v49 =	vmul.f32 v24, v45  }
0xf7: {  	v63 =	vld [tilespmem:$0x66E0];
	v54 =	vmul.f32 v28, v44;
	v55 =	vmul.f32 v27, v45  }
0xf8: {  	v61 =	vmul.f32 v22, v45;
	v34 =	vmul.f32 v19, v45;
	v48 =	vadd.f32 v47, v46  }
0xf9: {  	v44 =	vmul.f32 v21, v59;
	v60 =	vadd.f32 v40, v39;
	v33 =	vadd.f32 v58, v57  }
0xfa: {  	v50 =	vld [tilespmem:$0x6600];
	v58 =	vmul.f32 v17, v41;
	v31 =	vadd.f32 v54, v52;
	v54 =	vmul.f32 v23, v41  }
0xfb: {  	v53 =	vld [tilespmem:$0x6610];
	v51 =	vadd.f32 v49, v48;
	v33 =	vadd.f32 v34, v33;
	v48 =	vmul.f32 v25, v41  }
0xfc: {  	v57 =	vld [tilespmem:$0x6750];
	v49 =	vmul.f32 v26, v59;
	v52 =	vmul.f32 v24, v63;
	v37 =	vadd.f32 v37, v58  }
0xfd: {  	v62 =	vld [tilespmem:$0x6630];
	v35 =	vmul.f32 v19, v63;
	v31 =	vadd.f32 v55, v31;
	v55 =	vmul.f32 v28, v59  }
0xfe: {  	v41 =	vld [tilespmem:$0x6760];
	v59 =	vadd.f32 v44, v43;
	v30 =	vmax.f32 v51, $0.0e+00;
	v51 =	vadd.f32 v49, v48  }
0xff: {  	v34 =	vld [tilespmem:$0x6740];
	v35 =	vadd.f32 v35, v37;
	v29 =	vmul.f32 v30, v50;
	v30 =	vadd.f32 v61, v60  }
0x100: {  	v58 =	vld [tilespmem:$0x67D0];
	v31 =	vmax.f32 v31, $0.0e+00;
	v50 =	vmax.f32 v33, $0.0e+00;
	v60 =	vmul.f32 v22, v63  }
0x101: {  	v56 =	vld [tilespmem:$0x6620];
	v38 =	vadd.f32 v55, v54;
	v45 =	vmul.f32 v57, v26;
	v31 =	vmul.f32 v31, v53  }
0x102: {  	v32 =	vmul.f32 v50, v62;
	v33 =	vadd.f32 v52, v51;
	v35 =	vmax.f32 v35, $0.0e+00  }
0x103: {  	v52 =	vmul.f32 v57, v28;
	v29 =	vadd.f32 $0.0e+00, v29;
	v47 =	vmul.f32 v24, v41  }
0x104: {  	v61 =	vld [tilespmem:$0x66A0];
	v30 =	vmax.f32 v30, $0.0e+00;
	v50 =	vmul.f32 v34, v23;
	v55 =	vmul.f32 v34, v20  }
0x105: {  	v53 =	vld [tilespmem:$0x6680];
	v36 =	vadd.f32 v60, v59;
	v60 =	vmul.f32 v22, v41;
	v44 =	vmul.f32 v58, v26  }
0x106: {  	v62 =	vld [tilespmem:$0x66B0];
	v40 =	vmul.f32 v58, v18;
	v30 =	vmul.f32 v30, v56;
	v31 =	vadd.f32 $0.0e+00, v31  }
0x107: {  	v56 =	vmul.f32 v27, v63;
	v33 =	vmax.f32 v33, $0.0e+00;
	v63 =	vmul.f32 v34, v25  }
0x108: {  	v34 =	vmul.f32 v34, v17;
	v36 =	vmax.f32 v36, $0.0e+00;
	v30 =	vadd.f32 $0.0e+00, v30  }
0x109: {  	v42 =	vld [tilespmem:$0x6690];
	v38 =	vadd.f32 v56, v38;
	v48 =	vmul.f32 v36, v61;
	v56 =	vmul.f32 v57, v21  }
0x10a: {  	v46 =	vadd.f32 v45, v63;
	v57 =	vmul.f32 v57, v18;
	v33 =	vmul.f32 v33, v53  }
0x10b: {  	v49 =	vld [tilespmem:$0x6700];
	v32 =	vadd.f32 $0.0e+00, v32;
	v35 =	vmul.f32 v35, v62;
	v53 =	vmul.f32 v27, v41  }
0x10c: {  	v63 =	vld [tilespmem:$0x67E0];
	v62 =	vmul.f32 v19, v41;
	v37 =	vadd.f32 v47, v46;
	v30 =	vadd.f32 v30, v48  }
0x10d: {  	v38 =	vmax.f32 v38, $0.0e+00;
	v59 =	vadd.f32 v56, v55;
	v34 =	vadd.f32 v57, v34  }
0x10e: {  	v46 =	vld [tilespmem:$0x67C0];
	v56 =	vmul.f32 v58, v21;
	v29 =	vadd.f32 v29, v33;
	v42 =	vmul.f32 v38, v42  }
0x10f: {  	v61 =	vld [tilespmem:$0x6730];
	v33 =	vadd.f32 v52, v50;
	v32 =	vadd.f32 v32, v35;
	v50 =	vmul.f32 v58, v28  }
0x110: {  	v37 =	vmax.f32 v37, $0.0e+00;
	v34 =	vadd.f32 v62, v34;
	v31 =	vadd.f32 v31, v42  }
0x111: {  	v51 =	vld [tilespmem:$0x6710];
	v36 =	vmul.f32 v37, v49;
	v33 =	vadd.f32 v53, v33;
	v47 =	vmul.f32 v63, v24  }
0x112: {  	v54 =	vld [tilespmem:$0x6720];
	v37 =	vadd.f32 v60, v59;
	v53 =	vmul.f32 v63, v27;
	v59 =	vmul.f32 v63, v22  }
0x113: {  	v34 =	vmax.f32 v34, $0.0e+00;
	v29 =	vadd.f32 v29, v36;
	v42 =	vmul.f32 v46, v25  }
0x114: {  	v38 =	vld [tilespmem:$0x6850];
	v33 =	vmax.f32 v33, $0.0e+00;
	v34 =	vmul.f32 v34, v61;
	v49 =	vmul.f32 v46, v23  }
0x115: {  	v35 =	vmax.f32 v37, $0.0e+00;
	v55 =	vmul.f32 v46, v20;
	v57 =	vmul.f32 v46, v17  }
0x116: {  	v48 =	vld [tilespmem:$0x6780];
	v33 =	vmul.f32 v33, v51;
	v36 =	vadd.f32 v44, v42;
	v32 =	vadd.f32 v32, v34  }
0x117: {  	v35 =	vmul.f32 v35, v54;
	v54 =	vld [tilespmem:$0x6790];
	v52 =	vadd.f32 v50, v49;
	v58 =	vadd.f32 v56, v55  }
0x118: {  	v61 =	vmul.f32 v63, v19;
	v44 =	vld [tilespmem:$0x6860];
	v37 =	vadd.f32 v40, v57;
	v51 =	vadd.f32 v47, v36  }
0x119: {  	v62 =	vld [tilespmem:$0x67B0];
	v57 =	vmul.f32 v38, v28;
	v31 =	vadd.f32 v31, v33;
	v34 =	vadd.f32 v53, v52  }
0x11a: {  	v30 =	vadd.f32 v30, v35;
	v36 =	vld [tilespmem:$0x6840];
	v50 =	vadd.f32 v61, v37;
	v35 =	vmax.f32 v51, $0.0e+00  }
0x11b: {  	v60 =	vld [tilespmem:$0x67A0];
	v61 =	vmul.f32 v38, v21;
	v34 =	vmax.f32 v34, $0.0e+00;
	v33 =	vmul.f32 v35, v48  }
0x11c: {  	v35 =	vadd.f32 v59, v58;
	v48 =	vmul.f32 v38, v26;
	v49 =	vmul.f32 v34, v54  }
0x11d: {  	v52 =	vmul.f32 v44, v24;
	v34 =	vmax.f32 v50, $0.0e+00;
	v58 =	vmul.f32 v44, v27  }
0x11e: {  	v39 =	vld [tilespmem:$0x68D0];
	v38 =	vmul.f32 v38, v18;
	v34 =	vmul.f32 v62, v34  }
0x11f: {  	v41 =	vld [tilespmem:$0x68E0];
	v63 =	vmul.f32 v36, v25;
	v35 =	vmax.f32 v35, $0.0e+00;
	v55 =	vmul.f32 v36, v23  }
0x120: {  	v46 =	vld [tilespmem:$0x68C0];
	v31 =	vadd.f32 v49, v31;
	v49 =	vmul.f32 v44, v19;
	v53 =	vmul.f32 v60, v35  }
0x121: {  	v29 =	vadd.f32 v33, v29;
	v60 =	vmul.f32 v36, v20;
	v36 =	vmul.f32 v36, v17  }
0x122: {  	v51 =	vadd.f32 v48, v63;
	v33 =	vadd.f32 v57, v55;
	v63 =	vmul.f32 v44, v22  }
0x123: {  	v56 =	vld [tilespmem:$0x6810];
	v57 =	vmul.f32 v39, v28;
	v30 =	vadd.f32 v53, v30;
	v62 =	vadd.f32 v61, v60  }
0x124: {  	v54 =	vld [tilespmem:$0x6800];
	v36 =	vadd.f32 v38, v36;
	v53 =	vmul.f32 v39, v26;
	v60 =	vmul.f32 v41, v27  }
0x125: {  	v37 =	vadd.f32 v52, v51;
	v33 =	vadd.f32 v58, v33;
	v52 =	vmul.f32 v46, v25  }
0x126: {  	v59 =	vld [tilespmem:$0x6820];
	v50 =	vadd.f32 v63, v62;
	v51 =	vadd.f32 v49, v36;
	v62 =	vmul.f32 v46, v20  }
0x127: {  	v63 =	vmul.f32 v39, v21;
	v39 =	vmul.f32 v39, v18;
	v37 =	vmax.f32 v37, $0.0e+00  }
0x128: {  	v48 =	vld [tilespmem:$0x6830];
	v33 =	vmax.f32 v33, $0.0e+00;
	v36 =	vadd.f32 v53, v52;
	v52 =	vmul.f32 v41, v19  }
0x129: {  	v32 =	vadd.f32 v34, v32;
	v55 =	vld [tilespmem:$0x6880];
	v35 =	vmul.f32 v37, v54;
	v33 =	vmul.f32 v33, v56  }
0x12a: {  	v44 =	vld [tilespmem:$0x6960];
	v34 =	vmax.f32 v50, $0.0e+00;
	v54 =	vmul.f32 v41, v24;
	v56 =	vmul.f32 v46, v23  }
0x12b: {  	v38 =	vld [tilespmem:$0x6950];
	v49 =	vadd.f32 v63, v62;
	v50 =	vmul.f32 v41, v22;
	v34 =	vmul.f32 v59, v34  }
0x12c: {  	v29 =	vadd.f32 v35, v29;
	v35 =	vmax.f32 v51, $0.0e+00;
	v58 =	vadd.f32 v54, v36  }
0x12d: {  	v31 =	vadd.f32 v33, v31;
	v36 =	vld [tilespmem:$0x6940];
	v59 =	vadd.f32 v57, v56;
	v35 =	vmul.f32 v48, v35  }
0x12e: {  	v30 =	vadd.f32 v34, v30;
	v48 =	vmul.f32 v46, v17;
	v34 =	vmax.f32 v58, $0.0e+00  }
0x12f: {  	v61 =	vld [tilespmem:$0x6890];
	v32 =	vadd.f32 v35, v32;
	v35 =	vadd.f32 v60, v59;
	v33 =	vmul.f32 v34, v55  }
0x130: {  	v51 =	vld [tilespmem:$0x68A0];
	v37 =	vadd.f32 v39, v48;
	v55 =	vmul.f32 v38, v26;
	v59 =	vmul.f32 v44, v24  }
0x131: {  	v34 =	vadd.f32 v50, v49;
	v49 =	vmul.f32 v38, v28;
	v50 =	vmul.f32 v44, v27  }
0x132: {  	v53 =	vld [tilespmem:$0x68B0];
	v35 =	vmax.f32 v35, $0.0e+00;
	v54 =	vmul.f32 v36, v25;
	v29 =	vadd.f32 v33, v29  }
0x133: {  	v46 =	vld [tilespmem:$0x69C0];
	v57 =	vadd.f32 v52, v37;
	v63 =	vmul.f32 v36, v23;
	v52 =	vmul.f32 v36, v20  }
0x134: {  	v39 =	vld [tilespmem:$0x69D0];
	v34 =	vmax.f32 v34, $0.0e+00;
	v36 =	vmul.f32 v36, v17;
	v56 =	vmul.f32 v35, v61  }
0x135: {  	v62 =	vld [tilespmem:$0x6900];
	v60 =	vmul.f32 v51, v34;
	v58 =	vadd.f32 v55, v54;
	v61 =	vmax.f32 v57, $0.0e+00  }
0x136: {  	v41 =	vld [tilespmem:$0x69E0];
	v33 =	vadd.f32 v49, v63;
	v55 =	vmul.f32 v44, v22;
	v57 =	vmul.f32 v44, v19  }
0x137: {  	v48 =	vld [tilespmem:$0x6910];
	v31 =	vadd.f32 v56, v31;
	v34 =	vmul.f32 v53, v61;
	v53 =	vmul.f32 v38, v21  }
0x138: {  	v30 =	vadd.f32 v60, v30;
	v38 =	vmul.f32 v38, v18;
	v60 =	vmul.f32 v46, v25  }
0x139: {  	v61 =	vmul.f32 v39, v26;
	v37 =	vadd.f32 v59, v58;
	v33 =	vadd.f32 v50, v33  }
0x13a: {  	v49 =	vmul.f32 v39, v28;
	v54 =	vadd.f32 v53, v52;
	v36 =	vadd.f32 v38, v36  }
0x13b: {  	v52 =	vmul.f32 v41, v27;
	v37 =	vmax.f32 v37, $0.0e+00;
	v33 =	vmax.f32 v33, $0.0e+00  }
0x13c: {  	v51 =	vld [tilespmem:$0x6920];
	v32 =	vadd.f32 v34, v32;
	v35 =	vmul.f32 v37, v62;
	v33 =	vmul.f32 v33, v48  }
0x13d: {  	v56 =	vld [tilespmem:$0x6930];
	v58 =	vadd.f32 v55, v54;
	v62 =	vmul.f32 v41, v24;
	v48 =	vmul.f32 v46, v23  }
0x13e: {  	v59 =	vadd.f32 v57, v36;
	v54 =	vmul.f32 v46, v20;
	v55 =	vmul.f32 v39, v21  }
0x13f: {  	v63 =	vld [tilespmem:$0x6980];
	v36 =	vadd.f32 v61, v60;
	v39 =	vmul.f32 v39, v18;
	v60 =	vmul.f32 v41, v19  }
0x140: {  	v44 =	vld [tilespmem:$0x6A60];
	v29 =	vadd.f32 v35, v29;
	v34 =	vmax.f32 v58, $0.0e+00;
	v35 =	vmax.f32 v59, $0.0e+00  }
0x141: {  	v38 =	vld [tilespmem:$0x6A50];
	v31 =	vadd.f32 v33, v31;
	v50 =	vadd.f32 v62, v36;
	v34 =	vmul.f32 v51, v34  }
0x142: {  	v36 =	vld [tilespmem:$0x6A40];
	v57 =	vadd.f32 v55, v54;
	v35 =	vmul.f32 v56, v35;
	v51 =	vadd.f32 v49, v48  }
0x143: {  	v58 =	vmul.f32 v41, v22;
	v56 =	vmul.f32 v46, v17;
	v30 =	vadd.f32 v34, v30  }
0x144: {  	v53 =	vld [tilespmem:$0x6990];
	v32 =	vadd.f32 v35, v32;
	v34 =	vmax.f32 v50, $0.0e+00;
	v35 =	vadd.f32 v52, v51  }
0x145: {  	v59 =	vld [tilespmem:$0x69A0];
	v37 =	vadd.f32 v39, v56;
	v51 =	vmul.f32 v44, v24;
	v33 =	vmul.f32 v34, v63  }
0x146: {  	v34 =	vadd.f32 v58, v57;
	v63 =	vmul.f32 v38, v26;
	v57 =	vmul.f32 v38, v28  }
0x147: {  	v61 =	vld [tilespmem:$0x69B0];
	v58 =	vmul.f32 v44, v27;
	v35 =	vmax.f32 v35, $0.0e+00;
	v62 =	vmul.f32 v36, v25  }
0x148: {  	v39 =	vld [tilespmem:$0x6AD0];
	v49 =	vadd.f32 v60, v37;
	v55 =	vmul.f32 v36, v23;
	v60 =	vmul.f32 v36, v20  }
0x149: {  	v36 =	vmul.f32 v36, v17;
	v29 =	vadd.f32 v33, v29;
	v34 =	vmax.f32 v34, $0.0e+00  }
0x14a: {  	v46 =	vld [tilespmem:$0x6AC0];
	v48 =	vmul.f32 v35, v53;
	v50 =	vadd.f32 v63, v62;
	v52 =	vmul.f32 v59, v34  }
0x14b: {  	v54 =	vld [tilespmem:$0x6A00];
	v53 =	vmax.f32 v49, $0.0e+00;
	v63 =	vmul.f32 v44, v22;
	v49 =	vmul.f32 v44, v19  }
0x14c: {  	v41 =	vld [tilespmem:$0x6AE0];
	v33 =	vadd.f32 v57, v55;
	v34 =	vmul.f32 v61, v53;
	v61 =	vmul.f32 v38, v21  }
0x14d: {  	v56 =	vld [tilespmem:$0x6A10];
	v31 =	vadd.f32 v48, v31;
	v38 =	vmul.f32 v38, v18;
	v53 =	vmul.f32 v39, v26  }
0x14e: {  	v57 =	vmul.f32 v39, v28;
	v37 =	vadd.f32 v51, v50;
	v30 =	vadd.f32 v52, v30  }
0x14f: {  	v33 =	vadd.f32 v58, v33;
	v52 =	vmul.f32 v46, v25;
	v62 =	vadd.f32 v61, v60  }
0x150: {  	v36 =	vadd.f32 v38, v36;
	v32 =	vadd.f32 v34, v32;
	v37 =	vmax.f32 v37, $0.0e+00  }
0x151: {  	v59 =	vld [tilespmem:$0x6A20];
	v60 =	vmul.f32 v41, v27;
	v33 =	vmax.f32 v33, $0.0e+00;
	v35 =	vmul.f32 v37, v54  }
0x152: {  	v48 =	vld [tilespmem:$0x6A30];
	v50 =	vadd.f32 v63, v62;
	v33 =	vmul.f32 v33, v56;
	v54 =	vmul.f32 v41, v24  }
0x153: {  	v51 =	vadd.f32 v49, v36;
	v56 =	vmul.f32 v46, v23;
	v62 =	vmul.f32 v46, v20  }
0x154: {  	v55 =	vld [tilespmem:$0x6A80];
	v36 =	vadd.f32 v53, v52;
	v63 =	vmul.f32 v39, v21;
	v39 =	vmul.f32 v39, v18  }
0x155: {  	v44 =	vld [tilespmem:$0x6B60];
	v52 =	vmul.f32 v41, v19;
	v29 =	vadd.f32 v35, v29;
	v34 =	vmax.f32 v50, $0.0e+00  }
0x156: {  	v38 =	vld [tilespmem:$0x6B50];
	v35 =	vmax.f32 v51, $0.0e+00;
	v31 =	vadd.f32 v33, v31;
	v58 =	vadd.f32 v54, v36  }
0x157: {  	v49 =	vadd.f32 v63, v62;
	v34 =	vmul.f32 v59, v34;
	v35 =	vmul.f32 v48, v35  }
0x158: {  	v36 =	vld [tilespmem:$0x6B40];
	v50 =	vmul.f32 v41, v22;
	v59 =	vadd.f32 v57, v56;
	v48 =	vmul.f32 v46, v17  }
0x159: {  	v30 =	vadd.f32 v34, v30;
	v32 =	vadd.f32 v35, v32;
	v34 =	vmax.f32 v58, $0.0e+00  }
0x15a: {  	v61 =	vld [tilespmem:$0x6A90];
	v35 =	vadd.f32 v60, v59;
	v37 =	vadd.f32 v39, v48;
	v59 =	vmul.f32 v44, v24  }
0x15b: {  	v51 =	vld [tilespmem:$0x6AA0];
	v33 =	vmul.f32 v34, v55;
	v34 =	vadd.f32 v50, v49;
	v55 =	vmul.f32 v38, v26  }
0x15c: {  	v53 =	vld [tilespmem:$0x6AB0];
	v49 =	vmul.f32 v38, v28;
	v50 =	vmul.f32 v44, v27;
	v35 =	vmax.f32 v35, $0.0e+00  }
0x15d: {  	v54 =	vmul.f32 v36, v25;
	v57 =	vadd.f32 v52, v37;
	v63 =	vmul.f32 v36, v23  }
0x15e: {  	v39 =	vld [tilespmem:$0x6BD0];
	v52 =	vmul.f32 v36, v20;
	v36 =	vmul.f32 v36, v17;
	v29 =	vadd.f32 v33, v29  }
0x15f: {  	v62 =	vld [tilespmem:$0x6B00];
	v56 =	vmul.f32 v35, v61;
	v34 =	vmax.f32 v34, $0.0e+00;
	v58 =	vadd.f32 v55, v54  }
0x160: {  	v46 =	vld [tilespmem:$0x6BC0];
	v60 =	vmul.f32 v51, v34;
	v61 =	vmax.f32 v57, $0.0e+00;
	v55 =	vmul.f32 v44, v22  }
0x161: {  	v41 =	vld [tilespmem:$0x6BE0];
	v33 =	vadd.f32 v49, v63;
	v57 =	vmul.f32 v44, v19;
	v34 =	vmul.f32 v53, v61  }
0x162: {  	v48 =	vld [tilespmem:$0x6B10];
	v31 =	vadd.f32 v56, v31;
	v53 =	vmul.f32 v38, v21;
	v38 =	vmul.f32 v38, v18  }
0x163: {  	v61 =	vmul.f32 v39, v26;
	v37 =	vadd.f32 v59, v58;
	v30 =	vadd.f32 v60, v30  }
0x164: {  	v49 =	vmul.f32 v39, v28;
	v33 =	vadd.f32 v50, v33;
	v54 =	vadd.f32 v53, v52  }
0x165: {  	v60 =	vmul.f32 v46, v25;
	v36 =	vadd.f32 v38, v36;
	v32 =	vadd.f32 v34, v32  }
0x166: {  	v51 =	vld [tilespmem:$0x6B20];
	v52 =	vmul.f32 v41, v27;
	v37 =	vmax.f32 v37, $0.0e+00;
	v33 =	vmax.f32 v33, $0.0e+00  }
0x167: {  	v56 =	vld [tilespmem:$0x6B30];
	v35 =	vmul.f32 v37, v62;
	v58 =	vadd.f32 v55, v54;
	v33 =	vmul.f32 v33, v48  }
0x168: {  	v59 =	vadd.f32 v57, v36;
	v62 =	vmul.f32 v41, v24;
	v48 =	vmul.f32 v46, v23  }
0x169: {  	v63 =	vld [tilespmem:$0x6B80];
	v36 =	vadd.f32 v61, v60;
	v54 =	vmul.f32 v46, v20;
	v55 =	vmul.f32 v39, v21  }
0x16a: {  	v44 =	vld [tilespmem:$0x6C60];
	v39 =	vmul.f32 v39, v18;
	v60 =	vmul.f32 v41, v19;
	v29 =	vadd.f32 v35, v29  }
0x16b: {  	v38 =	vld [tilespmem:$0x6C50];
	v34 =	vmax.f32 v58, $0.0e+00;
	v35 =	vmax.f32 v59, $0.0e+00;
	v31 =	vadd.f32 v33, v31  }
0x16c: {  	v50 =	vadd.f32 v62, v36;
	v34 =	vmul.f32 v51, v34;
	v35 =	vmul.f32 v56, v35  }
0x16d: {  	v36 =	vld [tilespmem:$0x6C40];
	v57 =	vadd.f32 v55, v54;
	v58 =	vmul.f32 v41, v22;
	v51 =	vadd.f32 v49, v48  }
0x16e: {  	v56 =	vmul.f32 v46, v17;
	v30 =	vadd.f32 v34, v30;
	v32 =	vadd.f32 v35, v32  }
0x16f: {  	v53 =	vld [tilespmem:$0x6B90];
	v34 =	vmax.f32 v50, $0.0e+00;
	v35 =	vadd.f32 v52, v51;
	v51 =	vmul.f32 v44, v24  }
0x170: {  	v59 =	vld [tilespmem:$0x6BA0];
	v37 =	vadd.f32 v39, v56;
	v33 =	vmul.f32 v34, v63;
	v63 =	vmul.f32 v38, v26  }
0x171: {  	v34 =	vadd.f32 v58, v57;
	v57 =	vmul.f32 v38, v28;
	v58 =	vmul.f32 v44, v27  }
0x172: {  	v61 =	vld [tilespmem:$0x6BB0];
	v35 =	vmax.f32 v35, $0.0e+00;
	v62 =	vmul.f32 v36, v25;
	v55 =	vmul.f32 v36, v23  }
0x173: {  	v39 =	vld [tilespmem:$0x6CD0];
	v49 =	vadd.f32 v60, v37;
	v60 =	vmul.f32 v36, v20;
	v36 =	vmul.f32 v36, v17  }
0x174: {  	v54 =	vld [tilespmem:$0x6C00];
	v29 =	vadd.f32 v33, v29;
	v48 =	vmul.f32 v35, v53;
	v34 =	vmax.f32 v34, $0.0e+00  }
0x175: {  	v46 =	vld [tilespmem:$0x6CC0];
	v50 =	vadd.f32 v63, v62;
	v52 =	vmul.f32 v59, v34;
	v53 =	vmax.f32 v49, $0.0e+00  }
0x176: {  	v41 =	vld [tilespmem:$0x6CE0];
	v33 =	vadd.f32 v57, v55;
	v63 =	vmul.f32 v44, v22;
	v49 =	vmul.f32 v44, v19  }
0x177: {  	v56 =	vld [tilespmem:$0x6C10];
	v31 =	vadd.f32 v48, v31;
	v34 =	vmul.f32 v61, v53;
	v61 =	vmul.f32 v38, v21  }
0x178: {  	v38 =	vmul.f32 v38, v18;
	v53 =	vmul.f32 v39, v26;
	v37 =	vadd.f32 v51, v50  }
0x179: {  	v57 =	vmul.f32 v39, v28;
	v30 =	vadd.f32 v52, v30;
	v33 =	vadd.f32 v58, v33  }
0x17a: {  	v52 =	vmul.f32 v46, v25;
	v62 =	vadd.f32 v61, v60;
	v36 =	vadd.f32 v38, v36  }
0x17b: {  	v60 =	vmul.f32 v41, v27;
	v37 =	vmax.f32 v37, $0.0e+00;
	v33 =	vmax.f32 v33, $0.0e+00  }
0x17c: {  	v59 =	vld [tilespmem:$0x6C20];
	v32 =	vadd.f32 v34, v32;
	v35 =	vmul.f32 v37, v54;
	v33 =	vmul.f32 v33, v56  }
0x17d: {  	v48 =	vld [tilespmem:$0x6C30];
	v50 =	vadd.f32 v63, v62;
	v54 =	vmul.f32 v41, v24;
	v56 =	vmul.f32 v46, v23  }
0x17e: {  	v51 =	vadd.f32 v49, v36;
	v62 =	vmul.f32 v46, v20;
	v63 =	vmul.f32 v39, v21  }
0x17f: {  	v55 =	vld [tilespmem:$0x6C80];
	v36 =	vadd.f32 v53, v52;
	v39 =	vmul.f32 v39, v18;
	v52 =	vmul.f32 v41, v19  }
0x180: {  	v44 =	vld [tilespmem:$0x6D60];
	v29 =	vadd.f32 v35, v29;
	v34 =	vmax.f32 v50, $0.0e+00;
	v35 =	vmax.f32 v51, $0.0e+00  }
0x181: {  	v38 =	vld [tilespmem:$0x6D50];
	v31 =	vadd.f32 v33, v31;
	v58 =	vadd.f32 v54, v36;
	v34 =	vmul.f32 v59, v34  }
0x182: {  	v36 =	vld [tilespmem:$0x6D40];
	v49 =	vadd.f32 v63, v62;
	v35 =	vmul.f32 v48, v35;
	v59 =	vadd.f32 v57, v56  }
0x183: {  	v50 =	vmul.f32 v41, v22;
	v48 =	vmul.f32 v46, v17;
	v30 =	vadd.f32 v34, v30  }
0x184: {  	v61 =	vld [tilespmem:$0x6C90];
	v32 =	vadd.f32 v35, v32;
	v34 =	vmax.f32 v58, $0.0e+00;
	v35 =	vadd.f32 v60, v59  }
0x185: {  	v51 =	vld [tilespmem:$0x6CA0];
	v37 =	vadd.f32 v39, v48;
	v59 =	vmul.f32 v44, v24;
	v33 =	vmul.f32 v34, v55  }
0x186: {  	v34 =	vadd.f32 v50, v49;
	v55 =	vmul.f32 v38, v26;
	v49 =	vmul.f32 v38, v28  }
0x187: {  	v53 =	vld [tilespmem:$0x6CB0];
	v50 =	vmul.f32 v44, v27;
	v35 =	vmax.f32 v35, $0.0e+00;
	v54 =	vmul.f32 v36, v25  }
0x188: {  	v39 =	vld [tilespmem:$0x6DD0];
	v57 =	vadd.f32 v52, v37;
	v63 =	vmul.f32 v36, v23;
	v52 =	vmul.f32 v36, v20  }
0x189: {  	v36 =	vmul.f32 v36, v17;
	v29 =	vadd.f32 v33, v29;
	v34 =	vmax.f32 v34, $0.0e+00  }
0x18a: {  	v46 =	vld [tilespmem:$0x6DC0];
	v56 =	vmul.f32 v35, v61;
	v58 =	vadd.f32 v55, v54;
	v60 =	vmul.f32 v51, v34  }
0x18b: {  	v62 =	vld [tilespmem:$0x6D00];
	v61 =	vmax.f32 v57, $0.0e+00;
	v55 =	vmul.f32 v44, v22;
	v57 =	vmul.f32 v44, v19  }
0x18c: {  	v41 =	vld [tilespmem:$0x6DE0];
	v33 =	vadd.f32 v49, v63;
	v34 =	vmul.f32 v53, v61;
	v53 =	vmul.f32 v38, v21  }
0x18d: {  	v48 =	vld [tilespmem:$0x6D10];
	v31 =	vadd.f32 v56, v31;
	v38 =	vmul.f32 v38, v18;
	v61 =	vmul.f32 v39, v26  }
0x18e: {  	v49 =	vmul.f32 v39, v28;
	v37 =	vadd.f32 v59, v58;
	v30 =	vadd.f32 v60, v30  }
0x18f: {  	v33 =	vadd.f32 v50, v33;
	v60 =	vmul.f32 v46, v25;
	v54 =	vadd.f32 v53, v52  }
0x190: {  	v36 =	vadd.f32 v38, v36;
	v32 =	vadd.f32 v34, v32;
	v37 =	vmax.f32 v37, $0.0e+00  }
0x191: {  	v51 =	vld [tilespmem:$0x6D20];
	v52 =	vmul.f32 v41, v27;
	v33 =	vmax.f32 v33, $0.0e+00;
	v35 =	vmul.f32 v37, v62  }
0x192: {  	v56 =	vld [tilespmem:$0x6D30];
	v58 =	vadd.f32 v55, v54;
	v33 =	vmul.f32 v33, v48;
	v62 =	vmul.f32 v41, v24  }
0x193: {  	v59 =	vadd.f32 v57, v36;
	v48 =	vmul.f32 v46, v23;
	v54 =	vmul.f32 v46, v20  }
0x194: {  	v63 =	vld [tilespmem:$0x6D80];
	v36 =	vadd.f32 v61, v60;
	v55 =	vmul.f32 v39, v21;
	v39 =	vmul.f32 v39, v18  }
0x195: {  	v44 =	vld [tilespmem:$0x6E60];
	v60 =	vmul.f32 v41, v19;
	v29 =	vadd.f32 v35, v29;
	v34 =	vmax.f32 v58, $0.0e+00  }
0x196: {  	v38 =	vld [tilespmem:$0x6E50];
	v35 =	vmax.f32 v59, $0.0e+00;
	v31 =	vadd.f32 v33, v31;
	v50 =	vadd.f32 v62, v36  }
0x197: {  	v57 =	vadd.f32 v55, v54;
	v34 =	vmul.f32 v51, v34;
	v35 =	vmul.f32 v56, v35  }
0x198: {  	v36 =	vld [tilespmem:$0x6E40];
	v58 =	vmul.f32 v41, v22;
	v51 =	vadd.f32 v49, v48;
	v56 =	vmul.f32 v46, v17  }
0x199: {  	v30 =	vadd.f32 v34, v30;
	v32 =	vadd.f32 v35, v32;
	v34 =	vmax.f32 v50, $0.0e+00  }
0x19a: {  	v53 =	vld [tilespmem:$0x6D90];
	v35 =	vadd.f32 v52, v51;
	v37 =	vadd.f32 v39, v56;
	v51 =	vmul.f32 v44, v24  }
0x19b: {  	v59 =	vld [tilespmem:$0x6DA0];
	v33 =	vmul.f32 v34, v63;
	v34 =	vadd.f32 v58, v57;
	v63 =	vmul.f32 v38, v26  }
0x19c: {  	v61 =	vld [tilespmem:$0x6DB0];
	v57 =	vmul.f32 v38, v28;
	v58 =	vmul.f32 v44, v27;
	v35 =	vmax.f32 v35, $0.0e+00  }
0x19d: {  	v62 =	vmul.f32 v36, v25;
	v49 =	vadd.f32 v60, v37;
	v55 =	vmul.f32 v36, v23  }
0x19e: {  	v39 =	vld [tilespmem:$0x6ED0];
	v60 =	vmul.f32 v36, v20;
	v36 =	vmul.f32 v36, v17;
	v29 =	vadd.f32 v33, v29  }
0x19f: {  	v54 =	vld [tilespmem:$0x6E00];
	v48 =	vmul.f32 v35, v53;
	v34 =	vmax.f32 v34, $0.0e+00;
	v50 =	vadd.f32 v63, v62  }
0x1a0: {  	v46 =	vld [tilespmem:$0x6EC0];
	v52 =	vmul.f32 v59, v34;
	v53 =	vmax.f32 v49, $0.0e+00;
	v63 =	vmul.f32 v44, v22  }
0x1a1: {  	v41 =	vld [tilespmem:$0x6EE0];
	v33 =	vadd.f32 v57, v55;
	v49 =	vmul.f32 v44, v19;
	v34 =	vmul.f32 v61, v53  }
0x1a2: {  	v56 =	vld [tilespmem:$0x6E10];
	v31 =	vadd.f32 v48, v31;
	v61 =	vmul.f32 v38, v21;
	v38 =	vmul.f32 v38, v18  }
0x1a3: {  	v53 =	vmul.f32 v39, v26;
	v37 =	vadd.f32 v51, v50;
	v30 =	vadd.f32 v52, v30  }
0x1a4: {  	v57 =	vmul.f32 v39, v28;
	v33 =	vadd.f32 v58, v33;
	v62 =	vadd.f32 v61, v60  }
0x1a5: {  	v52 =	vmul.f32 v46, v25;
	v36 =	vadd.f32 v38, v36;
	v32 =	vadd.f32 v34, v32  }
0x1a6: {  	v59 =	vld [tilespmem:$0x6E20];
	v60 =	vmul.f32 v41, v27;
	v37 =	vmax.f32 v37, $0.0e+00;
	v33 =	vmax.f32 v33, $0.0e+00  }
0x1a7: {  	v48 =	vld [tilespmem:$0x6E30];
	v35 =	vmul.f32 v37, v54;
	v50 =	vadd.f32 v63, v62;
	v33 =	vmul.f32 v33, v56  }
0x1a8: {  	v51 =	vadd.f32 v49, v36;
	v54 =	vmul.f32 v41, v24;
	v56 =	vmul.f32 v46, v23  }
0x1a9: {  	v55 =	vld [tilespmem:$0x6E80];
	v36 =	vadd.f32 v53, v52;
	v62 =	vmul.f32 v46, v20;
	v63 =	vmul.f32 v39, v21  }
0x1aa: {  	v44 =	vld [tilespmem:$0x6F60];
	v39 =	vmul.f32 v39, v18;
	v52 =	vmul.f32 v41, v19;
	v29 =	vadd.f32 v35, v29  }
0x1ab: {  	v38 =	vld [tilespmem:$0x6F50];
	v34 =	vmax.f32 v50, $0.0e+00;
	v35 =	vmax.f32 v51, $0.0e+00;
	v31 =	vadd.f32 v33, v31  }
0x1ac: {  	v58 =	vadd.f32 v54, v36;
	v34 =	vmul.f32 v59, v34;
	v35 =	vmul.f32 v48, v35  }
0x1ad: {  	v36 =	vld [tilespmem:$0x6F40];
	v49 =	vadd.f32 v63, v62;
	v50 =	vmul.f32 v41, v22;
	v59 =	vadd.f32 v57, v56  }
0x1ae: {  	v48 =	vmul.f32 v46, v17;
	v30 =	vadd.f32 v34, v30;
	v32 =	vadd.f32 v35, v32  }
0x1af: {  	v61 =	vld [tilespmem:$0x6E90];
	v34 =	vmax.f32 v58, $0.0e+00;
	v35 =	vadd.f32 v60, v59;
	v59 =	vmul.f32 v44, v24  }
0x1b0: {  	v51 =	vld [tilespmem:$0x6EA0];
	v37 =	vadd.f32 v39, v48;
	v33 =	vmul.f32 v34, v55;
	v55 =	vmul.f32 v38, v26  }
0x1b1: {  	v34 =	vadd.f32 v50, v49;
	v49 =	vmul.f32 v38, v28;
	v50 =	vmul.f32 v44, v27  }
0x1b2: {  	v53 =	vld [tilespmem:$0x6EB0];
	v35 =	vmax.f32 v35, $0.0e+00;
	v54 =	vmul.f32 v36, v25;
	v63 =	vmul.f32 v36, v23  }
0x1b3: {  	v39 =	vld [tilespmem:$0x6FD0];
	v57 =	vadd.f32 v52, v37;
	v52 =	vmul.f32 v36, v20;
	v36 =	vmul.f32 v36, v17  }
0x1b4: {  	v62 =	vld [tilespmem:$0x6F00];
	v29 =	vadd.f32 v33, v29;
	v56 =	vmul.f32 v35, v61;
	v34 =	vmax.f32 v34, $0.0e+00  }
0x1b5: {  	v46 =	vld [tilespmem:$0x6FC0];
	v58 =	vadd.f32 v55, v54;
	v60 =	vmul.f32 v51, v34;
	v61 =	vmax.f32 v57, $0.0e+00  }
0x1b6: {  	v41 =	vld [tilespmem:$0x6FE0];
	v33 =	vadd.f32 v49, v63;
	v55 =	vmul.f32 v44, v22;
	v57 =	vmul.f32 v44, v19  }
0x1b7: {  	v48 =	vld [tilespmem:$0x6F10];
	v31 =	vadd.f32 v56, v31;
	v34 =	vmul.f32 v53, v61;
	v53 =	vmul.f32 v38, v21  }
0x1b8: {  	v38 =	vmul.f32 v38, v18;
	v61 =	vmul.f32 v39, v26;
	v37 =	vadd.f32 v59, v58  }
0x1b9: {  	v49 =	vmul.f32 v39, v28;
	v30 =	vadd.f32 v60, v30;
	v33 =	vadd.f32 v50, v33  }
0x1ba: {  	v60 =	vmul.f32 v46, v25;
	v54 =	vadd.f32 v53, v52;
	v36 =	vadd.f32 v38, v36  }
0x1bb: {  	v52 =	vmul.f32 v41, v27;
	v37 =	vmax.f32 v37, $0.0e+00;
	v33 =	vmax.f32 v33, $0.0e+00  }
0x1bc: {  	v51 =	vld [tilespmem:$0x6F20];
	v32 =	vadd.f32 v34, v32;
	v35 =	vmul.f32 v37, v62;
	v33 =	vmul.f32 v33, v48  }
0x1bd: {  	v56 =	vld [tilespmem:$0x6F30];
	v58 =	vadd.f32 v55, v54;
	v62 =	vmul.f32 v41, v24;
	v48 =	vmul.f32 v46, v23  }
0x1be: {  	v59 =	vadd.f32 v57, v36;
	v54 =	vmul.f32 v46, v20;
	v55 =	vmul.f32 v39, v21  }
0x1bf: {  	v63 =	vld [tilespmem:$0x6F80];
	v36 =	vadd.f32 v61, v60;
	v39 =	vmul.f32 v39, v18;
	v60 =	vmul.f32 v41, v19  }
0x1c0: {  	v44 =	vld [tilespmem:$0x7060];
	v29 =	vadd.f32 v35, v29;
	v34 =	vmax.f32 v58, $0.0e+00;
	v35 =	vmax.f32 v59, $0.0e+00  }
0x1c1: {  	v38 =	vld [tilespmem:$0x7050];
	v31 =	vadd.f32 v33, v31;
	v50 =	vadd.f32 v62, v36;
	v34 =	vmul.f32 v51, v34  }
0x1c2: {  	v36 =	vld [tilespmem:$0x7040];
	v57 =	vadd.f32 v55, v54;
	v35 =	vmul.f32 v56, v35;
	v51 =	vadd.f32 v49, v48  }
0x1c3: {  	v58 =	vmul.f32 v41, v22;
	v56 =	vmul.f32 v46, v17;
	v30 =	vadd.f32 v34, v30  }
0x1c4: {  	v53 =	vld [tilespmem:$0x6F90];
	v32 =	vadd.f32 v35, v32;
	v34 =	vmax.f32 v50, $0.0e+00;
	v35 =	vadd.f32 v52, v51  }
0x1c5: {  	v59 =	vld [tilespmem:$0x6FA0];
	v37 =	vadd.f32 v39, v56;
	v51 =	vmul.f32 v44, v24;
	v33 =	vmul.f32 v34, v63  }
0x1c6: {  	v34 =	vadd.f32 v58, v57;
	v63 =	vmul.f32 v38, v26;
	v57 =	vmul.f32 v38, v28  }
0x1c7: {  	v61 =	vld [tilespmem:$0x6FB0];
	v58 =	vmul.f32 v44, v27;
	v35 =	vmax.f32 v35, $0.0e+00;
	v62 =	vmul.f32 v36, v25  }
0x1c8: {  	v39 =	vld [tilespmem:$0x70D0];
	v49 =	vadd.f32 v60, v37;
	v55 =	vmul.f32 v36, v23;
	v60 =	vmul.f32 v36, v20  }
0x1c9: {  	v36 =	vmul.f32 v36, v17;
	v29 =	vadd.f32 v33, v29;
	v34 =	vmax.f32 v34, $0.0e+00  }
0x1ca: {  	v46 =	vld [tilespmem:$0x70C0];
	v48 =	vmul.f32 v35, v53;
	v50 =	vadd.f32 v63, v62;
	v52 =	vmul.f32 v59, v34  }
0x1cb: {  	v54 =	vld [tilespmem:$0x7000];
	v53 =	vmax.f32 v49, $0.0e+00;
	v63 =	vmul.f32 v44, v22;
	v49 =	vmul.f32 v44, v19  }
0x1cc: {  	v41 =	vld [tilespmem:$0x70E0];
	v33 =	vadd.f32 v57, v55;
	v34 =	vmul.f32 v61, v53;
	v61 =	vmul.f32 v38, v21  }
0x1cd: {  	v56 =	vld [tilespmem:$0x7010];
	v31 =	vadd.f32 v48, v31;
	v38 =	vmul.f32 v38, v18;
	v53 =	vmul.f32 v39, v26  }
0x1ce: {  	v57 =	vmul.f32 v39, v28;
	v37 =	vadd.f32 v51, v50;
	v30 =	vadd.f32 v52, v30  }
0x1cf: {  	v33 =	vadd.f32 v58, v33;
	v52 =	vmul.f32 v46, v25;
	v62 =	vadd.f32 v61, v60  }
0x1d0: {  	v36 =	vadd.f32 v38, v36;
	v32 =	vadd.f32 v34, v32;
	v37 =	vmax.f32 v37, $0.0e+00  }
0x1d1: {  	v59 =	vld [tilespmem:$0x7020];
	v60 =	vmul.f32 v41, v27;
	v33 =	vmax.f32 v33, $0.0e+00;
	v35 =	vmul.f32 v37, v54  }
0x1d2: {  	v48 =	vld [tilespmem:$0x7030];
	v50 =	vadd.f32 v63, v62;
	v33 =	vmul.f32 v33, v56;
	v54 =	vmul.f32 v41, v24  }
0x1d3: {  	v51 =	vadd.f32 v49, v36;
	v56 =	vmul.f32 v46, v23;
	v62 =	vmul.f32 v46, v20  }
0x1d4: {  	v55 =	vld [tilespmem:$0x7080];
	v36 =	vadd.f32 v53, v52;
	v63 =	vmul.f32 v39, v21;
	v39 =	vmul.f32 v39, v18  }
0x1d5: {  	v44 =	vld [tilespmem:$0x7160];
	v52 =	vmul.f32 v41, v19;
	v29 =	vadd.f32 v35, v29;
	v34 =	vmax.f32 v50, $0.0e+00  }
0x1d6: {  	v38 =	vld [tilespmem:$0x7150];
	v35 =	vmax.f32 v51, $0.0e+00;
	v31 =	vadd.f32 v33, v31;
	v58 =	vadd.f32 v54, v36  }
0x1d7: {  	v49 =	vadd.f32 v63, v62;
	v34 =	vmul.f32 v59, v34;
	v35 =	vmul.f32 v48, v35  }
0x1d8: {  	v36 =	vld [tilespmem:$0x7140];
	v50 =	vmul.f32 v41, v22;
	v59 =	vadd.f32 v57, v56;
	v48 =	vmul.f32 v46, v17  }
0x1d9: {  	v30 =	vadd.f32 v34, v30;
	v32 =	vadd.f32 v35, v32;
	v34 =	vmax.f32 v58, $0.0e+00  }
0x1da: {  	v61 =	vld [tilespmem:$0x7090];
	v35 =	vadd.f32 v60, v59;
	v37 =	vadd.f32 v39, v48;
	v59 =	vmul.f32 v44, v24  }
0x1db: {  	v51 =	vld [tilespmem:$0x70A0];
	v33 =	vmul.f32 v34, v55;
	v34 =	vadd.f32 v50, v49;
	v55 =	vmul.f32 v38, v26  }
0x1dc: {  	v53 =	vld [tilespmem:$0x70B0];
	v49 =	vmul.f32 v38, v28;
	v50 =	vmul.f32 v44, v27;
	v35 =	vmax.f32 v35, $0.0e+00  }
0x1dd: {  	v54 =	vmul.f32 v36, v25;
	v57 =	vadd.f32 v52, v37;
	v63 =	vmul.f32 v36, v23  }
0x1de: {  	v39 =	vld [tilespmem:$0x71D0];
	v52 =	vmul.f32 v36, v20;
	v36 =	vmul.f32 v36, v17;
	v29 =	vadd.f32 v33, v29  }
0x1df: {  	v62 =	vld [tilespmem:$0x7100];
	v56 =	vmul.f32 v35, v61;
	v34 =	vmax.f32 v34, $0.0e+00;
	v58 =	vadd.f32 v55, v54  }
0x1e0: {  	v46 =	vld [tilespmem:$0x71C0];
	v60 =	vmul.f32 v51, v34;
	v61 =	vmax.f32 v57, $0.0e+00;
	v55 =	vmul.f32 v44, v22  }
0x1e1: {  	v41 =	vld [tilespmem:$0x71E0];
	v33 =	vadd.f32 v49, v63;
	v57 =	vmul.f32 v44, v19;
	v34 =	vmul.f32 v53, v61  }
0x1e2: {  	v48 =	vld [tilespmem:$0x7110];
	v31 =	vadd.f32 v56, v31;
	v53 =	vmul.f32 v38, v21;
	v38 =	vmul.f32 v38, v18  }
0x1e3: {  	v61 =	vmul.f32 v39, v26;
	v37 =	vadd.f32 v59, v58;
	v30 =	vadd.f32 v60, v30  }
0x1e4: {  	v49 =	vmul.f32 v39, v28;
	v33 =	vadd.f32 v50, v33;
	v54 =	vadd.f32 v53, v52  }
0x1e5: {  	v60 =	vmul.f32 v46, v25;
	v36 =	vadd.f32 v38, v36;
	v32 =	vadd.f32 v34, v32  }
0x1e6: {  	v51 =	vld [tilespmem:$0x7120];
	v52 =	vmul.f32 v41, v27;
	v37 =	vmax.f32 v37, $0.0e+00;
	v33 =	vmax.f32 v33, $0.0e+00  }
0x1e7: {  	v56 =	vld [tilespmem:$0x7130];
	v35 =	vmul.f32 v37, v62;
	v58 =	vadd.f32 v55, v54;
	v33 =	vmul.f32 v33, v48  }
0x1e8: {  	v59 =	vadd.f32 v57, v36;
	v62 =	vmul.f32 v41, v24;
	v48 =	vmul.f32 v46, v23  }
0x1e9: {  	v63 =	vld [tilespmem:$0x7180];
	v36 =	vadd.f32 v61, v60;
	v54 =	vmul.f32 v46, v20;
	v55 =	vmul.f32 v39, v21  }
0x1ea: {  	v44 =	vld [tilespmem:$0x7260];
	v39 =	vmul.f32 v39, v18;
	v60 =	vmul.f32 v41, v19;
	v29 =	vadd.f32 v35, v29  }
0x1eb: {  	v38 =	vld [tilespmem:$0x7250];
	v34 =	vmax.f32 v58, $0.0e+00;
	v35 =	vmax.f32 v59, $0.0e+00;
	v31 =	vadd.f32 v33, v31  }
0x1ec: {  	v50 =	vadd.f32 v62, v36;
	v34 =	vmul.f32 v51, v34;
	v35 =	vmul.f32 v56, v35  }
0x1ed: {  	v36 =	vld [tilespmem:$0x7240];
	v57 =	vadd.f32 v55, v54;
	v58 =	vmul.f32 v41, v22;
	v51 =	vadd.f32 v49, v48  }
0x1ee: {  	v56 =	vmul.f32 v46, v17;
	v30 =	vadd.f32 v34, v30;
	v32 =	vadd.f32 v35, v32  }
0x1ef: {  	v53 =	vld [tilespmem:$0x7190];
	v34 =	vmax.f32 v50, $0.0e+00;
	v35 =	vadd.f32 v52, v51;
	v51 =	vmul.f32 v44, v24  }
0x1f0: {  	v59 =	vld [tilespmem:$0x71A0];
	v37 =	vadd.f32 v39, v56;
	v33 =	vmul.f32 v34, v63;
	v63 =	vmul.f32 v38, v26  }
0x1f1: {  	v34 =	vadd.f32 v58, v57;
	v57 =	vmul.f32 v38, v28;
	v58 =	vmul.f32 v44, v27  }
0x1f2: {  	v61 =	vld [tilespmem:$0x71B0];
	v35 =	vmax.f32 v35, $0.0e+00;
	v62 =	vmul.f32 v36, v25;
	v55 =	vmul.f32 v36, v23  }
0x1f3: {  	v39 =	vld [tilespmem:$0x72D0];
	v49 =	vadd.f32 v60, v37;
	v60 =	vmul.f32 v36, v20;
	v36 =	vmul.f32 v36, v17  }
0x1f4: {  	v54 =	vld [tilespmem:$0x7200];
	v29 =	vadd.f32 v33, v29;
	v48 =	vmul.f32 v35, v53;
	v34 =	vmax.f32 v34, $0.0e+00  }
0x1f5: {  	v46 =	vld [tilespmem:$0x72C0];
	v50 =	vadd.f32 v63, v62;
	v52 =	vmul.f32 v59, v34;
	v53 =	vmax.f32 v49, $0.0e+00  }
0x1f6: {  	v41 =	vld [tilespmem:$0x72E0];
	v33 =	vadd.f32 v57, v55;
	v63 =	vmul.f32 v44, v22;
	v49 =	vmul.f32 v44, v19  }
0x1f7: {  	v56 =	vld [tilespmem:$0x7210];
	v31 =	vadd.f32 v48, v31;
	v34 =	vmul.f32 v61, v53;
	v61 =	vmul.f32 v38, v21  }
0x1f8: {  	v38 =	vmul.f32 v38, v18;
	v53 =	vmul.f32 v39, v26;
	v37 =	vadd.f32 v51, v50  }
0x1f9: {  	v57 =	vmul.f32 v39, v28;
	v30 =	vadd.f32 v52, v30;
	v33 =	vadd.f32 v58, v33  }
0x1fa: {  	v52 =	vmul.f32 v46, v25;
	v62 =	vadd.f32 v61, v60;
	v36 =	vadd.f32 v38, v36  }
0x1fb: {  	v60 =	vmul.f32 v41, v27;
	v37 =	vmax.f32 v37, $0.0e+00;
	v33 =	vmax.f32 v33, $0.0e+00  }
0x1fc: {  	v59 =	vld [tilespmem:$0x7220];
	v32 =	vadd.f32 v34, v32;
	v35 =	vmul.f32 v37, v54;
	v33 =	vmul.f32 v33, v56  }
0x1fd: {  	v48 =	vld [tilespmem:$0x7230];
	v50 =	vadd.f32 v63, v62;
	v54 =	vmul.f32 v41, v24;
	v56 =	vmul.f32 v46, v23  }
0x1fe: {  	v51 =	vadd.f32 v49, v36;
	v62 =	vmul.f32 v46, v20;
	v63 =	vmul.f32 v39, v21  }
0x1ff: {  	v55 =	vld [tilespmem:$0x7280];
	v36 =	vadd.f32 v53, v52;
	v39 =	vmul.f32 v39, v18;
	v52 =	vmul.f32 v41, v19  }
0x200: {  	v44 =	vld [tilespmem:$0x7360];
	v29 =	vadd.f32 v35, v29;
	v34 =	vmax.f32 v50, $0.0e+00;
	v35 =	vmax.f32 v51, $0.0e+00  }
0x201: {  	v38 =	vld [tilespmem:$0x7350];
	v31 =	vadd.f32 v33, v31;
	v58 =	vadd.f32 v54, v36;
	v34 =	vmul.f32 v59, v34  }
0x202: {  	v36 =	vld [tilespmem:$0x7340];
	v49 =	vadd.f32 v63, v62;
	v35 =	vmul.f32 v48, v35;
	v59 =	vadd.f32 v57, v56  }
0x203: {  	v50 =	vmul.f32 v41, v22;
	v48 =	vmul.f32 v46, v17;
	v30 =	vadd.f32 v34, v30  }
0x204: {  	v61 =	vld [tilespmem:$0x7290];
	v32 =	vadd.f32 v35, v32;
	v34 =	vmax.f32 v58, $0.0e+00;
	v35 =	vadd.f32 v60, v59  }
0x205: {  	v51 =	vld [tilespmem:$0x72A0];
	v37 =	vadd.f32 v39, v48;
	v59 =	vmul.f32 v44, v24;
	v33 =	vmul.f32 v34, v55  }
0x206: {  	v34 =	vadd.f32 v50, v49;
	v55 =	vmul.f32 v38, v26;
	v49 =	vmul.f32 v38, v28  }
0x207: {  	v53 =	vld [tilespmem:$0x72B0];
	v50 =	vmul.f32 v44, v27;
	v35 =	vmax.f32 v35, $0.0e+00;
	v54 =	vmul.f32 v36, v25  }
0x208: {  	v39 =	vld [tilespmem:$0x73D0];
	v57 =	vadd.f32 v52, v37;
	v63 =	vmul.f32 v36, v23;
	v52 =	vmul.f32 v36, v20  }
0x209: {  	v36 =	vmul.f32 v36, v17;
	v29 =	vadd.f32 v33, v29;
	v34 =	vmax.f32 v34, $0.0e+00  }
0x20a: {  	v46 =	vld [tilespmem:$0x73C0];
	v56 =	vmul.f32 v35, v61;
	v58 =	vadd.f32 v55, v54;
	v60 =	vmul.f32 v51, v34  }
0x20b: {  	v62 =	vld [tilespmem:$0x7300];
	v61 =	vmax.f32 v57, $0.0e+00;
	v55 =	vmul.f32 v44, v22;
	v57 =	vmul.f32 v44, v19  }
0x20c: {  	v41 =	vld [tilespmem:$0x73E0];
	v33 =	vadd.f32 v49, v63;
	v34 =	vmul.f32 v53, v61;
	v53 =	vmul.f32 v38, v21  }
0x20d: {  	v48 =	vld [tilespmem:$0x7310];
	v31 =	vadd.f32 v56, v31;
	v38 =	vmul.f32 v38, v18;
	v61 =	vmul.f32 v39, v26  }
0x20e: {  	v49 =	vmul.f32 v39, v28;
	v37 =	vadd.f32 v59, v58;
	v30 =	vadd.f32 v60, v30  }
0x20f: {  	v33 =	vadd.f32 v50, v33;
	v60 =	vmul.f32 v46, v25;
	v54 =	vadd.f32 v53, v52  }
0x210: {  	v36 =	vadd.f32 v38, v36;
	v32 =	vadd.f32 v34, v32;
	v37 =	vmax.f32 v37, $0.0e+00  }
0x211: {  	v51 =	vld [tilespmem:$0x7320];
	v52 =	vmul.f32 v41, v27;
	v33 =	vmax.f32 v33, $0.0e+00;
	v35 =	vmul.f32 v37, v62  }
0x212: {  	v56 =	vld [tilespmem:$0x7330];
	v58 =	vadd.f32 v55, v54;
	v33 =	vmul.f32 v33, v48;
	v62 =	vmul.f32 v41, v24  }
0x213: {  	v59 =	vadd.f32 v57, v36;
	v48 =	vmul.f32 v46, v23;
	v54 =	vmul.f32 v46, v20  }
0x214: {  	v63 =	vld [tilespmem:$0x7380];
	v36 =	vadd.f32 v61, v60;
	v55 =	vmul.f32 v39, v21;
	v39 =	vmul.f32 v39, v18  }
0x215: {  	v44 =	vld [tilespmem:$0x7460];
	v60 =	vmul.f32 v41, v19;
	v29 =	vadd.f32 v35, v29;
	v34 =	vmax.f32 v58, $0.0e+00  }
0x216: {  	v38 =	vld [tilespmem:$0x7450];
	v35 =	vmax.f32 v59, $0.0e+00;
	v31 =	vadd.f32 v33, v31;
	v50 =	vadd.f32 v62, v36  }
0x217: {  	v57 =	vadd.f32 v55, v54;
	v34 =	vmul.f32 v51, v34;
	v35 =	vmul.f32 v56, v35  }
0x218: {  	v36 =	vld [tilespmem:$0x7440];
	v58 =	vmul.f32 v41, v22;
	v51 =	vadd.f32 v49, v48;
	v56 =	vmul.f32 v46, v17  }
0x219: {  	v30 =	vadd.f32 v34, v30;
	v32 =	vadd.f32 v35, v32;
	v34 =	vmax.f32 v50, $0.0e+00  }
0x21a: {  	v53 =	vld [tilespmem:$0x7390];
	v35 =	vadd.f32 v52, v51;
	v37 =	vadd.f32 v39, v56;
	v51 =	vmul.f32 v44, v24  }
0x21b: {  	v59 =	vld [tilespmem:$0x73A0];
	v33 =	vmul.f32 v34, v63;
	v34 =	vadd.f32 v58, v57;
	v63 =	vmul.f32 v38, v26  }
0x21c: {  	v61 =	vld [tilespmem:$0x73B0];
	v57 =	vmul.f32 v38, v28;
	v58 =	vmul.f32 v44, v27;
	v35 =	vmax.f32 v35, $0.0e+00  }
0x21d: {  	v62 =	vmul.f32 v36, v25;
	v49 =	vadd.f32 v60, v37;
	v55 =	vmul.f32 v36, v23  }
0x21e: {  	v39 =	vld [tilespmem:$0x74D0];
	v60 =	vmul.f32 v36, v20;
	v36 =	vmul.f32 v36, v17;
	v29 =	vadd.f32 v33, v29  }
0x21f: {  	v54 =	vld [tilespmem:$0x7400];
	v48 =	vmul.f32 v35, v53;
	v34 =	vmax.f32 v34, $0.0e+00;
	v50 =	vadd.f32 v63, v62  }
0x220: {  	v46 =	vld [tilespmem:$0x74C0];
	v52 =	vmul.f32 v59, v34;
	v53 =	vmax.f32 v49, $0.0e+00;
	v63 =	vmul.f32 v44, v22  }
0x221: {  	v41 =	vld [tilespmem:$0x74E0];
	v33 =	vadd.f32 v57, v55;
	v49 =	vmul.f32 v44, v19;
	v34 =	vmul.f32 v61, v53  }
0x222: {  	v56 =	vld [tilespmem:$0x7410];
	v31 =	vadd.f32 v48, v31;
	v61 =	vmul.f32 v38, v21;
	v38 =	vmul.f32 v38, v18  }
0x223: {  	v53 =	vmul.f32 v39, v26;
	v37 =	vadd.f32 v51, v50;
	v30 =	vadd.f32 v52, v30  }
0x224: {  	v57 =	vmul.f32 v39, v28;
	v33 =	vadd.f32 v58, v33;
	v62 =	vadd.f32 v61, v60  }
0x225: {  	v52 =	vmul.f32 v46, v25;
	v36 =	vadd.f32 v38, v36;
	v32 =	vadd.f32 v34, v32  }
0x226: {  	v59 =	vld [tilespmem:$0x7420];
	v60 =	vmul.f32 v41, v27;
	v37 =	vmax.f32 v37, $0.0e+00;
	v33 =	vmax.f32 v33, $0.0e+00  }
0x227: {  	v48 =	vld [tilespmem:$0x7430];
	v35 =	vmul.f32 v37, v54;
	v50 =	vadd.f32 v63, v62;
	v33 =	vmul.f32 v33, v56  }
0x228: {  	v51 =	vadd.f32 v49, v36;
	v54 =	vmul.f32 v41, v24;
	v56 =	vmul.f32 v46, v23  }
0x229: {  	v55 =	vld [tilespmem:$0x7480];
	v36 =	vadd.f32 v53, v52;
	v62 =	vmul.f32 v46, v20;
	v63 =	vmul.f32 v39, v21  }
0x22a: {  	v44 =	vld [tilespmem:$0x7560];
	v39 =	vmul.f32 v39, v18;
	v52 =	vmul.f32 v41, v19;
	v29 =	vadd.f32 v35, v29  }
0x22b: {  	v38 =	vld [tilespmem:$0x7550];
	v34 =	vmax.f32 v50, $0.0e+00;
	v35 =	vmax.f32 v51, $0.0e+00;
	v31 =	vadd.f32 v33, v31  }
0x22c: {  	v58 =	vadd.f32 v54, v36;
	v34 =	vmul.f32 v59, v34;
	v35 =	vmul.f32 v48, v35  }
0x22d: {  	v36 =	vld [tilespmem:$0x7540];
	v49 =	vadd.f32 v63, v62;
	v50 =	vmul.f32 v41, v22;
	v59 =	vadd.f32 v57, v56  }
0x22e: {  	v48 =	vmul.f32 v46, v17;
	v30 =	vadd.f32 v34, v30;
	v32 =	vadd.f32 v35, v32  }
0x22f: {  	v61 =	vld [tilespmem:$0x7490];
	v34 =	vmax.f32 v58, $0.0e+00;
	v35 =	vadd.f32 v60, v59;
	v59 =	vmul.f32 v44, v24  }
0x230: {  	v51 =	vld [tilespmem:$0x74A0];
	v37 =	vadd.f32 v39, v48;
	v33 =	vmul.f32 v34, v55;
	v55 =	vmul.f32 v38, v26  }
0x231: {  	v34 =	vadd.f32 v50, v49;
	v49 =	vmul.f32 v38, v28;
	v50 =	vmul.f32 v44, v27  }
0x232: {  	v53 =	vld [tilespmem:$0x74B0];
	v35 =	vmax.f32 v35, $0.0e+00;
	v54 =	vmul.f32 v36, v25;
	v63 =	vmul.f32 v36, v23  }
0x233: {  	v39 =	vld [tilespmem:$0x75D0];
	v57 =	vadd.f32 v52, v37;
	v52 =	vmul.f32 v36, v20;
	v36 =	vmul.f32 v36, v17  }
0x234: {  	v62 =	vld [tilespmem:$0x7500];
	v29 =	vadd.f32 v33, v29;
	v56 =	vmul.f32 v35, v61;
	v34 =	vmax.f32 v34, $0.0e+00  }
0x235: {  	v46 =	vld [tilespmem:$0x75C0];
	v58 =	vadd.f32 v55, v54;
	v60 =	vmul.f32 v51, v34;
	v61 =	vmax.f32 v57, $0.0e+00  }
0x236: {  	v41 =	vld [tilespmem:$0x75E0];
	v33 =	vadd.f32 v49, v63;
	v55 =	vmul.f32 v44, v22;
	v57 =	vmul.f32 v44, v19  }
0x237: {  	v48 =	vld [tilespmem:$0x7510];
	v31 =	vadd.f32 v56, v31;
	v34 =	vmul.f32 v53, v61;
	v53 =	vmul.f32 v38, v21  }
0x238: {  	v38 =	vmul.f32 v38, v18;
	v61 =	vmul.f32 v39, v26;
	v37 =	vadd.f32 v59, v58  }
0x239: {  	v49 =	vmul.f32 v39, v28;
	v30 =	vadd.f32 v60, v30;
	v33 =	vadd.f32 v50, v33  }
0x23a: {  	v60 =	vmul.f32 v46, v25;
	v54 =	vadd.f32 v53, v52;
	v36 =	vadd.f32 v38, v36  }
0x23b: {  	v52 =	vmul.f32 v41, v27;
	v37 =	vmax.f32 v37, $0.0e+00;
	v33 =	vmax.f32 v33, $0.0e+00  }
0x23c: {  	v51 =	vld [tilespmem:$0x7520];
	v32 =	vadd.f32 v34, v32;
	v35 =	vmul.f32 v37, v62;
	v33 =	vmul.f32 v33, v48  }
0x23d: {  	v56 =	vld [tilespmem:$0x7530];
	v58 =	vadd.f32 v55, v54;
	v62 =	vmul.f32 v41, v24;
	v48 =	vmul.f32 v46, v23  }
0x23e: {  	v59 =	vadd.f32 v57, v36;
	v54 =	vmul.f32 v46, v20;
	v55 =	vmul.f32 v39, v21  }
0x23f: {  	v63 =	vld [tilespmem:$0x7580];
	v36 =	vadd.f32 v61, v60;
	v39 =	vmul.f32 v39, v18;
	v60 =	vmul.f32 v41, v19  }
0x240: {  	v44 =	vld [tilespmem:$0x7660];
	v29 =	vadd.f32 v35, v29;
	v34 =	vmax.f32 v58, $0.0e+00;
	v35 =	vmax.f32 v59, $0.0e+00  }
0x241: {  	v38 =	vld [tilespmem:$0x7650];
	v31 =	vadd.f32 v33, v31;
	v50 =	vadd.f32 v62, v36;
	v34 =	vmul.f32 v51, v34  }
0x242: {  	v36 =	vld [tilespmem:$0x7640];
	v57 =	vadd.f32 v55, v54;
	v35 =	vmul.f32 v56, v35;
	v51 =	vadd.f32 v49, v48  }
0x243: {  	v58 =	vmul.f32 v41, v22;
	v56 =	vmul.f32 v46, v17;
	v30 =	vadd.f32 v34, v30  }
0x244: {  	v53 =	vld [tilespmem:$0x7590];
	v32 =	vadd.f32 v35, v32;
	v34 =	vmax.f32 v50, $0.0e+00;
	v35 =	vadd.f32 v52, v51  }
0x245: {  	v59 =	vld [tilespmem:$0x75A0];
	v37 =	vadd.f32 v39, v56;
	v51 =	vmul.f32 v44, v24;
	v33 =	vmul.f32 v34, v63  }
0x246: {  	v34 =	vadd.f32 v58, v57;
	v63 =	vmul.f32 v38, v26;
	v57 =	vmul.f32 v38, v28  }
0x247: {  	v61 =	vld [tilespmem:$0x75B0];
	v58 =	vmul.f32 v44, v27;
	v35 =	vmax.f32 v35, $0.0e+00;
	v62 =	vmul.f32 v36, v25  }
0x248: {  	v39 =	vld [tilespmem:$0x76D0];
	v49 =	vadd.f32 v60, v37;
	v55 =	vmul.f32 v36, v23;
	v60 =	vmul.f32 v36, v20  }
0x249: {  	v36 =	vmul.f32 v36, v17;
	v29 =	vadd.f32 v33, v29;
	v34 =	vmax.f32 v34, $0.0e+00  }
0x24a: {  	v46 =	vld [tilespmem:$0x76C0];
	v48 =	vmul.f32 v35, v53;
	v50 =	vadd.f32 v63, v62;
	v52 =	vmul.f32 v59, v34  }
0x24b: {  	v54 =	vld [tilespmem:$0x7600];
	v53 =	vmax.f32 v49, $0.0e+00;
	v63 =	vmul.f32 v44, v22;
	v49 =	vmul.f32 v44, v19  }
0x24c: {  	v41 =	vld [tilespmem:$0x76E0];
	v33 =	vadd.f32 v57, v55;
	v34 =	vmul.f32 v61, v53;
	v61 =	vmul.f32 v38, v21  }
0x24d: {  	v56 =	vld [tilespmem:$0x7610];
	v31 =	vadd.f32 v48, v31;
	v38 =	vmul.f32 v38, v18;
	v53 =	vmul.f32 v39, v26  }
0x24e: {  	v57 =	vmul.f32 v39, v28;
	v37 =	vadd.f32 v51, v50;
	v30 =	vadd.f32 v52, v30  }
0x24f: {  	v33 =	vadd.f32 v58, v33;
	v52 =	vmul.f32 v46, v25;
	v62 =	vadd.f32 v61, v60  }
0x250: {  	v36 =	vadd.f32 v38, v36;
	v32 =	vadd.f32 v34, v32;
	v37 =	vmax.f32 v37, $0.0e+00  }
0x251: {  	v59 =	vld [tilespmem:$0x7620];
	v60 =	vmul.f32 v41, v27;
	v33 =	vmax.f32 v33, $0.0e+00;
	v35 =	vmul.f32 v37, v54  }
0x252: {  	v48 =	vld [tilespmem:$0x7630];
	v50 =	vadd.f32 v63, v62;
	v33 =	vmul.f32 v33, v56;
	v54 =	vmul.f32 v41, v24  }
0x253: {  	v51 =	vadd.f32 v49, v36;
	v56 =	vmul.f32 v46, v23;
	v62 =	vmul.f32 v46, v20  }
0x254: {  	v55 =	vld [tilespmem:$0x7680];
	v36 =	vadd.f32 v53, v52;
	v63 =	vmul.f32 v39, v21;
	v39 =	vmul.f32 v39, v18  }
0x255: {  	v44 =	vld [tilespmem:$0x7760];
	v52 =	vmul.f32 v41, v19;
	v29 =	vadd.f32 v35, v29;
	v34 =	vmax.f32 v50, $0.0e+00  }
0x256: {  	v38 =	vld [tilespmem:$0x7750];
	v35 =	vmax.f32 v51, $0.0e+00;
	v31 =	vadd.f32 v33, v31;
	v58 =	vadd.f32 v54, v36  }
0x257: {  	v49 =	vadd.f32 v63, v62;
	v34 =	vmul.f32 v59, v34;
	v35 =	vmul.f32 v48, v35  }
0x258: {  	v36 =	vld [tilespmem:$0x7740];
	v50 =	vmul.f32 v41, v22;
	v59 =	vadd.f32 v57, v56;
	v48 =	vmul.f32 v46, v17  }
0x259: {  	v30 =	vadd.f32 v34, v30;
	v32 =	vadd.f32 v35, v32;
	v34 =	vmax.f32 v58, $0.0e+00  }
0x25a: {  	v61 =	vld [tilespmem:$0x7690];
	v35 =	vadd.f32 v60, v59;
	v37 =	vadd.f32 v39, v48;
	v59 =	vmul.f32 v44, v24  }
0x25b: {  	v51 =	vld [tilespmem:$0x76A0];
	v33 =	vmul.f32 v34, v55;
	v34 =	vadd.f32 v50, v49;
	v55 =	vmul.f32 v38, v26  }
0x25c: {  	v53 =	vld [tilespmem:$0x76B0];
	v49 =	vmul.f32 v38, v28;
	v50 =	vmul.f32 v44, v27;
	v35 =	vmax.f32 v35, $0.0e+00  }
0x25d: {  	v54 =	vmul.f32 v36, v25;
	v57 =	vadd.f32 v52, v37;
	v63 =	vmul.f32 v36, v23  }
0x25e: {  	v39 =	vld [tilespmem:$0x77D0];
	v52 =	vmul.f32 v36, v20;
	v36 =	vmul.f32 v36, v17;
	v29 =	vadd.f32 v33, v29  }
0x25f: {  	v62 =	vld [tilespmem:$0x7700];
	v56 =	vmul.f32 v35, v61;
	v34 =	vmax.f32 v34, $0.0e+00;
	v58 =	vadd.f32 v55, v54  }
0x260: {  	v46 =	vld [tilespmem:$0x77C0];
	v60 =	vmul.f32 v51, v34;
	v61 =	vmax.f32 v57, $0.0e+00;
	v55 =	vmul.f32 v44, v22  }
0x261: {  	v41 =	vld [tilespmem:$0x77E0];
	v33 =	vadd.f32 v49, v63;
	v57 =	vmul.f32 v44, v19;
	v34 =	vmul.f32 v53, v61  }
0x262: {  	v48 =	vld [tilespmem:$0x7710];
	v31 =	vadd.f32 v56, v31;
	v53 =	vmul.f32 v38, v21;
	v38 =	vmul.f32 v38, v18  }
0x263: {  	v61 =	vmul.f32 v39, v26;
	v37 =	vadd.f32 v59, v58;
	v30 =	vadd.f32 v60, v30  }
0x264: {  	v49 =	vmul.f32 v39, v28;
	v33 =	vadd.f32 v50, v33;
	v54 =	vadd.f32 v53, v52  }
0x265: {  	v60 =	vmul.f32 v46, v25;
	v36 =	vadd.f32 v38, v36;
	v32 =	vadd.f32 v34, v32  }
0x266: {  	v51 =	vld [tilespmem:$0x7720];
	v52 =	vmul.f32 v41, v27;
	v37 =	vmax.f32 v37, $0.0e+00;
	v33 =	vmax.f32 v33, $0.0e+00  }
0x267: {  	v56 =	vld [tilespmem:$0x7730];
	v35 =	vmul.f32 v37, v62;
	v58 =	vadd.f32 v55, v54;
	v33 =	vmul.f32 v33, v48  }
0x268: {  	v59 =	vadd.f32 v57, v36;
	v62 =	vmul.f32 v41, v24;
	v48 =	vmul.f32 v46, v23  }
0x269: {  	v63 =	vld [tilespmem:$0x7780];
	v36 =	vadd.f32 v61, v60;
	v54 =	vmul.f32 v46, v20;
	v55 =	vmul.f32 v39, v21  }
0x26a: {  	v44 =	vld [tilespmem:$0x7860];
	v39 =	vmul.f32 v39, v18;
	v60 =	vmul.f32 v41, v19;
	v29 =	vadd.f32 v35, v29  }
0x26b: {  	v38 =	vld [tilespmem:$0x7850];
	v34 =	vmax.f32 v58, $0.0e+00;
	v35 =	vmax.f32 v59, $0.0e+00;
	v31 =	vadd.f32 v33, v31  }
0x26c: {  	v50 =	vadd.f32 v62, v36;
	v34 =	vmul.f32 v51, v34;
	v35 =	vmul.f32 v56, v35  }
0x26d: {  	v36 =	vld [tilespmem:$0x7840];
	v57 =	vadd.f32 v55, v54;
	v58 =	vmul.f32 v41, v22;
	v51 =	vadd.f32 v49, v48  }
0x26e: {  	v56 =	vmul.f32 v46, v17;
	v30 =	vadd.f32 v34, v30;
	v32 =	vadd.f32 v35, v32  }
0x26f: {  	v53 =	vld [tilespmem:$0x7790];
	v34 =	vmax.f32 v50, $0.0e+00;
	v35 =	vadd.f32 v52, v51;
	v51 =	vmul.f32 v44, v24  }
0x270: {  	v59 =	vld [tilespmem:$0x77A0];
	v37 =	vadd.f32 v39, v56;
	v33 =	vmul.f32 v34, v63;
	v63 =	vmul.f32 v38, v26  }
0x271: {  	v34 =	vadd.f32 v58, v57;
	v57 =	vmul.f32 v38, v28;
	v58 =	vmul.f32 v44, v27  }
0x272: {  	v61 =	vld [tilespmem:$0x77B0];
	v35 =	vmax.f32 v35, $0.0e+00;
	v62 =	vmul.f32 v36, v25;
	v55 =	vmul.f32 v36, v23  }
0x273: {  	v39 =	vld [tilespmem:$0x78D0];
	v49 =	vadd.f32 v60, v37;
	v60 =	vmul.f32 v36, v20;
	v36 =	vmul.f32 v36, v17  }
0x274: {  	v54 =	vld [tilespmem:$0x7800];
	v29 =	vadd.f32 v33, v29;
	v48 =	vmul.f32 v35, v53;
	v34 =	vmax.f32 v34, $0.0e+00  }
0x275: {  	v46 =	vld [tilespmem:$0x78C0];
	v50 =	vadd.f32 v63, v62;
	v52 =	vmul.f32 v59, v34;
	v53 =	vmax.f32 v49, $0.0e+00  }
0x276: {  	v41 =	vld [tilespmem:$0x78E0];
	v33 =	vadd.f32 v57, v55;
	v63 =	vmul.f32 v44, v22;
	v49 =	vmul.f32 v44, v19  }
0x277: {  	v56 =	vld [tilespmem:$0x7810];
	v31 =	vadd.f32 v48, v31;
	v34 =	vmul.f32 v61, v53;
	v61 =	vmul.f32 v38, v21  }
0x278: {  	v38 =	vmul.f32 v38, v18;
	v53 =	vmul.f32 v39, v26;
	v37 =	vadd.f32 v51, v50  }
0x279: {  	v57 =	vmul.f32 v39, v28;
	v30 =	vadd.f32 v52, v30;
	v33 =	vadd.f32 v58, v33  }
0x27a: {  	v52 =	vmul.f32 v46, v25;
	v62 =	vadd.f32 v61, v60;
	v36 =	vadd.f32 v38, v36  }
0x27b: {  	v60 =	vmul.f32 v41, v27;
	v37 =	vmax.f32 v37, $0.0e+00;
	v33 =	vmax.f32 v33, $0.0e+00  }
0x27c: {  	v59 =	vld [tilespmem:$0x7820];
	v32 =	vadd.f32 v34, v32;
	v35 =	vmul.f32 v37, v54;
	v33 =	vmul.f32 v33, v56  }
0x27d: {  	v48 =	vld [tilespmem:$0x7830];
	v50 =	vadd.f32 v63, v62;
	v54 =	vmul.f32 v41, v24;
	v56 =	vmul.f32 v46, v23  }
0x27e: {  	v51 =	vadd.f32 v49, v36;
	v62 =	vmul.f32 v46, v20;
	v63 =	vmul.f32 v39, v21  }
0x27f: {  	v55 =	vld [tilespmem:$0x7880];
	v36 =	vadd.f32 v53, v52;
	v39 =	vmul.f32 v39, v18;
	v52 =	vmul.f32 v41, v19  }
0x280: {  	v44 =	vld [tilespmem:$0x7960];
	v29 =	vadd.f32 v35, v29;
	v34 =	vmax.f32 v50, $0.0e+00;
	v35 =	vmax.f32 v51, $0.0e+00  }
0x281: {  	v38 =	vld [tilespmem:$0x7950];
	v31 =	vadd.f32 v33, v31;
	v58 =	vadd.f32 v54, v36;
	v34 =	vmul.f32 v59, v34  }
0x282: {  	v36 =	vld [tilespmem:$0x7940];
	v49 =	vadd.f32 v63, v62;
	v35 =	vmul.f32 v48, v35;
	v59 =	vadd.f32 v57, v56  }
0x283: {  	v50 =	vmul.f32 v41, v22;
	v48 =	vmul.f32 v46, v17;
	v30 =	vadd.f32 v34, v30  }
0x284: {  	v61 =	vld [tilespmem:$0x7890];
	v32 =	vadd.f32 v35, v32;
	v34 =	vmax.f32 v58, $0.0e+00;
	v35 =	vadd.f32 v60, v59  }
0x285: {  	v51 =	vld [tilespmem:$0x78A0];
	v37 =	vadd.f32 v39, v48;
	v59 =	vmul.f32 v44, v24;
	v33 =	vmul.f32 v34, v55  }
0x286: {  	v34 =	vadd.f32 v50, v49;
	v55 =	vmul.f32 v38, v26;
	v49 =	vmul.f32 v38, v28  }
0x287: {  	v53 =	vld [tilespmem:$0x78B0];
	v50 =	vmul.f32 v44, v27;
	v35 =	vmax.f32 v35, $0.0e+00;
	v54 =	vmul.f32 v36, v25  }
0x288: {  	v39 =	vld [tilespmem:$0x79D0];
	v57 =	vadd.f32 v52, v37;
	v63 =	vmul.f32 v36, v23;
	v52 =	vmul.f32 v36, v20  }
0x289: {  	v36 =	vmul.f32 v36, v17;
	v29 =	vadd.f32 v33, v29;
	v34 =	vmax.f32 v34, $0.0e+00  }
0x28a: {  	v46 =	vld [tilespmem:$0x79C0];
	v56 =	vmul.f32 v35, v61;
	v58 =	vadd.f32 v55, v54;
	v60 =	vmul.f32 v51, v34  }
0x28b: {  	v62 =	vld [tilespmem:$0x7900];
	v61 =	vmax.f32 v57, $0.0e+00;
	v55 =	vmul.f32 v44, v22;
	v57 =	vmul.f32 v44, v19  }
0x28c: {  	v41 =	vld [tilespmem:$0x79E0];
	v33 =	vadd.f32 v49, v63;
	v34 =	vmul.f32 v53, v61;
	v53 =	vmul.f32 v38, v21  }
0x28d: {  	v48 =	vld [tilespmem:$0x7910];
	v31 =	vadd.f32 v56, v31;
	v38 =	vmul.f32 v38, v18;
	v61 =	vmul.f32 v39, v26  }
0x28e: {  	v49 =	vmul.f32 v39, v28;
	v37 =	vadd.f32 v59, v58;
	v30 =	vadd.f32 v60, v30  }
0x28f: {  	v33 =	vadd.f32 v50, v33;
	v60 =	vmul.f32 v46, v25;
	v54 =	vadd.f32 v53, v52  }
0x290: {  	v36 =	vadd.f32 v38, v36;
	v32 =	vadd.f32 v34, v32;
	v37 =	vmax.f32 v37, $0.0e+00  }
0x291: {  	v51 =	vld [tilespmem:$0x7920];
	v52 =	vmul.f32 v41, v27;
	v33 =	vmax.f32 v33, $0.0e+00;
	v35 =	vmul.f32 v37, v62  }
0x292: {  	v56 =	vld [tilespmem:$0x7930];
	v58 =	vadd.f32 v55, v54;
	v33 =	vmul.f32 v33, v48;
	v62 =	vmul.f32 v41, v24  }
0x293: {  	v59 =	vadd.f32 v57, v36;
	v48 =	vmul.f32 v46, v23;
	v54 =	vmul.f32 v46, v20  }
0x294: {  	v63 =	vld [tilespmem:$0x7980];
	v36 =	vadd.f32 v61, v60;
	v55 =	vmul.f32 v39, v21;
	v39 =	vmul.f32 v39, v18  }
0x295: {  	v44 =	vld [tilespmem:$0x7A60];
	v60 =	vmul.f32 v41, v19;
	v29 =	vadd.f32 v35, v29;
	v34 =	vmax.f32 v58, $0.0e+00  }
0x296: {  	v38 =	vld [tilespmem:$0x7A50];
	v35 =	vmax.f32 v59, $0.0e+00;
	v31 =	vadd.f32 v33, v31;
	v50 =	vadd.f32 v62, v36  }
0x297: {  	v57 =	vadd.f32 v55, v54;
	v34 =	vmul.f32 v51, v34;
	v35 =	vmul.f32 v56, v35  }
0x298: {  	v36 =	vld [tilespmem:$0x7A40];
	v58 =	vmul.f32 v41, v22;
	v51 =	vadd.f32 v49, v48;
	v56 =	vmul.f32 v46, v17  }
0x299: {  	v30 =	vadd.f32 v34, v30;
	v32 =	vadd.f32 v35, v32;
	v34 =	vmax.f32 v50, $0.0e+00  }
0x29a: {  	v53 =	vld [tilespmem:$0x7990];
	v35 =	vadd.f32 v52, v51;
	v37 =	vadd.f32 v39, v56;
	v51 =	vmul.f32 v44, v24  }
0x29b: {  	v59 =	vld [tilespmem:$0x79A0];
	v33 =	vmul.f32 v34, v63;
	v34 =	vadd.f32 v58, v57;
	v63 =	vmul.f32 v38, v26  }
0x29c: {  	v61 =	vld [tilespmem:$0x79B0];
	v57 =	vmul.f32 v38, v28;
	v58 =	vmul.f32 v44, v27;
	v35 =	vmax.f32 v35, $0.0e+00  }
0x29d: {  	v62 =	vmul.f32 v36, v25;
	v49 =	vadd.f32 v60, v37;
	v55 =	vmul.f32 v36, v23  }
0x29e: {  	v39 =	vld [tilespmem:$0x7AD0];
	v60 =	vmul.f32 v36, v20;
	v36 =	vmul.f32 v36, v17;
	v29 =	vadd.f32 v33, v29  }
0x29f: {  	v54 =	vld [tilespmem:$0x7A00];
	v48 =	vmul.f32 v35, v53;
	v34 =	vmax.f32 v34, $0.0e+00;
	v50 =	vadd.f32 v63, v62  }
0x2a0: {  	v46 =	vld [tilespmem:$0x7AC0];
	v52 =	vmul.f32 v59, v34;
	v53 =	vmax.f32 v49, $0.0e+00;
	v63 =	vmul.f32 v44, v22  }
0x2a1: {  	v41 =	vld [tilespmem:$0x7AE0];
	v33 =	vadd.f32 v57, v55;
	v49 =	vmul.f32 v44, v19;
	v34 =	vmul.f32 v61, v53  }
0x2a2: {  	v56 =	vld [tilespmem:$0x7A10];
	v31 =	vadd.f32 v48, v31;
	v61 =	vmul.f32 v38, v21;
	v38 =	vmul.f32 v38, v18  }
0x2a3: {  	v53 =	vmul.f32 v39, v26;
	v37 =	vadd.f32 v51, v50;
	v30 =	vadd.f32 v52, v30  }
0x2a4: {  	v57 =	vmul.f32 v39, v28;
	v33 =	vadd.f32 v58, v33;
	v62 =	vadd.f32 v61, v60  }
0x2a5: {  	v52 =	vmul.f32 v46, v25;
	v36 =	vadd.f32 v38, v36;
	v32 =	vadd.f32 v34, v32  }
0x2a6: {  	v59 =	vld [tilespmem:$0x7A20];
	v60 =	vmul.f32 v41, v27;
	v37 =	vmax.f32 v37, $0.0e+00;
	v33 =	vmax.f32 v33, $0.0e+00  }
0x2a7: {  	v48 =	vld [tilespmem:$0x7A30];
	v35 =	vmul.f32 v37, v54;
	v50 =	vadd.f32 v63, v62;
	v33 =	vmul.f32 v33, v56  }
0x2a8: {  	v51 =	vadd.f32 v49, v36;
	v54 =	vmul.f32 v41, v24;
	v56 =	vmul.f32 v46, v23  }
0x2a9: {  	v55 =	vld [tilespmem:$0x7A80];
	v36 =	vadd.f32 v53, v52;
	v62 =	vmul.f32 v46, v20;
	v63 =	vmul.f32 v39, v21  }
0x2aa: {  	v44 =	vld [tilespmem:$0x7B60];
	v39 =	vmul.f32 v39, v18;
	v52 =	vmul.f32 v41, v19;
	v29 =	vadd.f32 v35, v29  }
0x2ab: {  	v38 =	vld [tilespmem:$0x7B50];
	v34 =	vmax.f32 v50, $0.0e+00;
	v35 =	vmax.f32 v51, $0.0e+00;
	v31 =	vadd.f32 v33, v31  }
0x2ac: {  	v58 =	vadd.f32 v54, v36;
	v34 =	vmul.f32 v59, v34;
	v35 =	vmul.f32 v48, v35  }
0x2ad: {  	v36 =	vld [tilespmem:$0x7B40];
	v49 =	vadd.f32 v63, v62;
	v50 =	vmul.f32 v41, v22;
	v59 =	vadd.f32 v57, v56  }
0x2ae: {  	v48 =	vmul.f32 v46, v17;
	v30 =	vadd.f32 v34, v30;
	v32 =	vadd.f32 v35, v32  }
0x2af: {  	v61 =	vld [tilespmem:$0x7A90];
	v34 =	vmax.f32 v58, $0.0e+00;
	v35 =	vadd.f32 v60, v59;
	v59 =	vmul.f32 v44, v24  }
0x2b0: {  	v51 =	vld [tilespmem:$0x7AA0];
	v37 =	vadd.f32 v39, v48;
	v33 =	vmul.f32 v34, v55;
	v55 =	vmul.f32 v38, v26  }
0x2b1: {  	v34 =	vadd.f32 v50, v49;
	v49 =	vmul.f32 v38, v28;
	v50 =	vmul.f32 v44, v27  }
0x2b2: {  	v53 =	vld [tilespmem:$0x7AB0];
	v35 =	vmax.f32 v35, $0.0e+00;
	v54 =	vmul.f32 v36, v25;
	v63 =	vmul.f32 v36, v23  }
0x2b3: {  	v39 =	vld [tilespmem:$0x7BD0];
	v57 =	vadd.f32 v52, v37;
	v52 =	vmul.f32 v36, v20;
	v36 =	vmul.f32 v36, v17  }
0x2b4: {  	v62 =	vld [tilespmem:$0x7B00];
	v29 =	vadd.f32 v33, v29;
	v56 =	vmul.f32 v35, v61;
	v34 =	vmax.f32 v34, $0.0e+00  }
0x2b5: {  	v46 =	vld [tilespmem:$0x7BC0];
	v58 =	vadd.f32 v55, v54;
	v60 =	vmul.f32 v51, v34;
	v61 =	vmax.f32 v57, $0.0e+00  }
0x2b6: {  	v41 =	vld [tilespmem:$0x7BE0];
	v33 =	vadd.f32 v49, v63;
	v55 =	vmul.f32 v44, v22;
	v57 =	vmul.f32 v44, v19  }
0x2b7: {  	v48 =	vld [tilespmem:$0x7B10];
	v31 =	vadd.f32 v56, v31;
	v34 =	vmul.f32 v53, v61;
	v53 =	vmul.f32 v38, v21  }
0x2b8: {  	v38 =	vmul.f32 v38, v18;
	v61 =	vmul.f32 v39, v26;
	v37 =	vadd.f32 v59, v58  }
0x2b9: {  	v49 =	vmul.f32 v39, v28;
	v30 =	vadd.f32 v60, v30;
	v33 =	vadd.f32 v50, v33  }
0x2ba: {  	v60 =	vmul.f32 v46, v25;
	v54 =	vadd.f32 v53, v52;
	v36 =	vadd.f32 v38, v36  }
0x2bb: {  	v52 =	vmul.f32 v41, v27;
	v37 =	vmax.f32 v37, $0.0e+00;
	v33 =	vmax.f32 v33, $0.0e+00  }
0x2bc: {  	v51 =	vld [tilespmem:$0x7B20];
	v32 =	vadd.f32 v34, v32;
	v35 =	vmul.f32 v37, v62;
	v33 =	vmul.f32 v33, v48  }
0x2bd: {  	v56 =	vld [tilespmem:$0x7B30];
	v58 =	vadd.f32 v55, v54;
	v62 =	vmul.f32 v41, v24;
	v48 =	vmul.f32 v46, v23  }
0x2be: {  	v59 =	vadd.f32 v57, v36;
	v54 =	vmul.f32 v46, v20;
	v55 =	vmul.f32 v39, v21  }
0x2bf: {  	v44 =	vld [tilespmem:$0x7C60];
	v36 =	vadd.f32 v61, v60;
	v39 =	vmul.f32 v39, v18;
	v60 =	vmul.f32 v41, v19  }
0x2c0: {  	v38 =	vld [tilespmem:$0x7C50];
	v29 =	vadd.f32 v35, v29;
	v34 =	vmax.f32 v58, $0.0e+00;
	v35 =	vmax.f32 v59, $0.0e+00  }
0x2c1: {  	v63 =	vld [tilespmem:$0x7B80];
	v31 =	vadd.f32 v33, v31;
	v50 =	vadd.f32 v62, v36;
	v34 =	vmul.f32 v51, v34  }
0x2c2: {  	v36 =	vld [tilespmem:$0x7C40];
	v57 =	vadd.f32 v55, v54;
	v35 =	vmul.f32 v56, v35;
	v51 =	vadd.f32 v49, v48  }
0x2c3: {  	v58 =	vmul.f32 v41, v22;
	v56 =	vmul.f32 v46, v17;
	v30 =	vadd.f32 v34, v30  }
0x2c4: {  	v53 =	vld [tilespmem:$0x7B90];
	v32 =	vadd.f32 v35, v32;
	v34 =	vmax.f32 v50, $0.0e+00;
	v35 =	vadd.f32 v52, v51  }
0x2c5: {  	v59 =	vld [tilespmem:$0x7BA0];
	v37 =	vadd.f32 v39, v56;
	v50 =	vmul.f32 v44, v24;
	v56 =	vmul.f32 v38, v28  }
0x2c6: {  	v33 =	vmul.f32 v34, v63;
	v34 =	vadd.f32 v58, v57;
	v63 =	vmul.f32 v38, v26  }
0x2c7: {  	v61 =	vld [tilespmem:$0x7BB0];
	v57 =	vmul.f32 v44, v27;
	v35 =	vmax.f32 v35, $0.0e+00;
	v62 =	vmul.f32 v36, v25  }
0x2c8: {  	v39 =	vld [tilespmem:$0x7CD0];
	v48 =	vadd.f32 v60, v37;
	v54 =	vmul.f32 v36, v23;
	v60 =	vmul.f32 v38, v21  }
0x2c9: {  	v38 =	vmul.f32 v38, v18;
	v29 =	vadd.f32 v33, v29;
	v34 =	vmax.f32 v34, $0.0e+00  }
0x2ca: {  	v42 =	vld [tilespmem:$0x7D40];
	v47 =	vmul.f32 v35, v53;
	v49 =	vadd.f32 v63, v62;
	v51 =	vmul.f32 v59, v34  }
0x2cb: {  	v46 =	vld [tilespmem:$0x7CC0];
	v52 =	vmax.f32 v48, $0.0e+00;
	v59 =	vmul.f32 v36, v20;
	v36 =	vmul.f32 v36, v17  }
0x2cc: {  	v33 =	vadd.f32 v56, v54;
	v62 =	vmul.f32 v44, v22;
	v48 =	vmul.f32 v44, v19  }
0x2cd: {  	v55 =	vld [tilespmem:$0x7C10];
	v31 =	vadd.f32 v47, v31;
	v34 =	vmul.f32 v61, v52;
	v52 =	vmul.f32 v39, v26  }
0x2ce: {  	v41 =	vld [tilespmem:$0x7CE0];
	v56 =	vmul.f32 v39, v28;
	v37 =	vadd.f32 v50, v49;
	v30 =	vadd.f32 v51, v30  }
0x2cf: {  	v53 =	vld [tilespmem:$0x7C00];
	v47 =	vmul.f32 v42, v23;
	v61 =	vadd.f32 v60, v59;
	v33 =	vadd.f32 v57, v33  }
0x2d0: {  	v36 =	vadd.f32 v38, v36;
	v51 =	vmul.f32 v46, v25;
	v59 =	vmul.f32 v46, v20  }
0x2d1: {  	v58 =	vld [tilespmem:$0x7C20];
	v60 =	vmul.f32 v39, v21;
	v39 =	vmul.f32 v39, v18;
	v37 =	vmax.f32 v37, $0.0e+00  }
0x2d2: {  	v49 =	vadd.f32 v62, v61;
	v33 =	vmax.f32 v33, $0.0e+00;
	v50 =	vadd.f32 v48, v36  }
0x2d3: {  	v63 =	vld [tilespmem:$0x7C30];
	v36 =	vadd.f32 v52, v51;
	v61 =	vmul.f32 v41, v22;
	v51 =	vmul.f32 v42, v17  }
0x2d4: {  	v38 =	vld [tilespmem:$0x7D60];
	v32 =	vadd.f32 v34, v32;
	v35 =	vmul.f32 v37, v53;
	v33 =	vmul.f32 v33, v55  }
0x2d5: {  	v53 =	vmul.f32 v41, v24;
	v55 =	vmul.f32 v46, v23;
	v34 =	vmax.f32 v49, $0.0e+00  }
0x2d6: {  	v29 =	vadd.f32 v35, v29;
	v34 =	vmul.f32 v58, v34;
	v35 =	vmax.f32 v50, $0.0e+00  }
0x2d7: {  	v54 =	vld [tilespmem:$0x7C80];
	v31 =	vadd.f32 v33, v31;
	v57 =	vadd.f32 v53, v36;
	v58 =	vmul.f32 v41, v27  }
0x2d8: {  	v36 =	vld [tilespmem:$0x7D50];
	v33 =	vadd.f32 v56, v55;
	v53 =	vmul.f32 v42, v25;
	v56 =	vmul.f32 v41, v19  }
0x2d9: {  	v62 =	vld [tilespmem:$0x7C90];
	v37 =	vadd.f32 v60, v59;
	v59 =	vmul.f32 v38, v24;
	v35 =	vmul.f32 v63, v35  }
0x2da: {  	v60 =	vmul.f32 v38, v27;
	v63 =	vmul.f32 v46, v17;
	v30 =	vadd.f32 v34, v30  }
0x2db: {  	v52 =	vld [tilespmem:$0x7CA0];
	v34 =	vmax.f32 v57, $0.0e+00;
	v33 =	vadd.f32 v58, v33;
	v32 =	vadd.f32 v35, v32  }
0x2dc: {  	v41 =	vld [tilespmem:$0x7DC0];
	v34 =	vmul.f32 v34, v54;
	v35 =	vadd.f32 v61, v37;
	v39 =	vadd.f32 v39, v63  }
0x2dd: {  	v33 =	vmax.f32 v33, $0.0e+00;
	v54 =	vmul.f32 v36, v26;
	v48 =	vmul.f32 v36, v28  }
0x2de: {  	v55 =	vld [tilespmem:$0x7CB0];
	v29 =	vadd.f32 v34, v29;
	v33 =	vmul.f32 v33, v62;
	v61 =	vadd.f32 v56, v39  }
0x2df: {  	v35 =	vmax.f32 v35, $0.0e+00;
	v50 =	vmul.f32 v36, v21;
	v36 =	vmul.f32 v36, v18  }
0x2e0: {  	v56 =	vmul.f32 v38, v19;
	v43 =	vmul.f32 v52, v35;
	v35 =	vld [tilespmem:$0x7DD0];
	v57 =	vadd.f32 v54, v53  }
0x2e1: {  	v52 =	vmul.f32 v41, v25;
	v47 =	vadd.f32 v48, v47;
	v31 =	vadd.f32 v33, v31  }
0x2e2: {  	v49 =	vld [tilespmem:$0x7D10];
	v34 =	vmax.f32 v61, $0.0e+00;
	v54 =	vmul.f32 v38, v22;
	v33 =	vadd.f32 v36, v51  }
0x2e3: {  	v58 =	vld [tilespmem:$0x7D00];
	v34 =	vmul.f32 v55, v34;
	v30 =	vadd.f32 v43, v30;
	v62 =	vadd.f32 v59, v57  }
0x2e4: {  	v39 =	vld [tilespmem:$0x7DE0];
	v63 =	vadd.f32 v60, v47;
	v60 =	vmul.f32 v41, v23;
	v33 =	vadd.f32 v56, v33  }
0x2e5: {  	v32 =	vadd.f32 v34, v32;
	v44 =	vmax.f32 v62, $0.0e+00;
	v53 =	vmul.f32 v35, v26  }
0x2e6: {  	v57 =	vld [tilespmem:$0x7D30];
	v46 =	vmax.f32 v63, $0.0e+00;
	v61 =	vmul.f32 v35, v28;
	v51 =	vmul.f32 v35, v21  }
0x2e7: {  	v33 =	vmax.f32 v33, $0.0e+00;
	v35 =	vmul.f32 v35, v18;
	v48 =	vmul.f32 v46, v49  }
0x2e8: {  	v47 =	vmul.f32 v44, v58;
	v49 =	vmul.f32 v42, v20;
	v37 =	vadd.f32 v53, v52  }
0x2e9: {  	v58 =	vmul.f32 v39, v24;
	v46 =	vld [tilespmem:$0x7E50];
	v63 =	vadd.f32 v61, v60;
	v31 =	vadd.f32 v48, v31  }
0x2ea: {  	v43 =	vld [tilespmem:$0x7E40];
	v34 =	vadd.f32 v50, v49;
	v48 =	vmul.f32 v39, v27;
	v50 =	vmul.f32 v41, v20  }
0x2eb: {  	v59 =	vld [tilespmem:$0x7D80];
	v29 =	vadd.f32 v47, v29;
	v33 =	vmul.f32 v57, v33;
	v57 =	vmul.f32 v41, v17  }
0x2ec: {  	v55 =	vld [tilespmem:$0x7D20];
	v62 =	vadd.f32 v58, v37;
	v58 =	vmul.f32 v39, v19;
	v34 =	vadd.f32 v54, v34  }
0x2ed: {  	v49 =	vld [tilespmem:$0x7D90];
	v37 =	vadd.f32 v48, v63;
	v53 =	vadd.f32 v51, v50;
	v54 =	vmul.f32 v39, v22  }
0x2ee: {  	v32 =	vadd.f32 v33, v32;
	v35 =	vadd.f32 v35, v57;
	v60 =	vmul.f32 v46, v26  }
0x2ef: {  	v40 =	vld [tilespmem:$0x7DB0];
	v36 =	vmax.f32 v62, $0.0e+00;
	v62 =	vmul.f32 v43, v23;
	v63 =	vmul.f32 v46, v28  }
0x2f0: {  	v33 =	vld [tilespmem:$0x7DA0];
	v34 =	vmax.f32 v34, $0.0e+00;
	v52 =	vmul.f32 v36, v59;
	v37 =	vmax.f32 v37, $0.0e+00  }
0x2f1: {  	v56 =	vadd.f32 v54, v53;
	v59 =	vmul.f32 v43, v25;
	v53 =	vmul.f32 v46, v21  }
0x2f2: {  	v36 =	vld [tilespmem:$0x7E60];
	v35 =	vadd.f32 v58, v35;
	v34 =	vmul.f32 v55, v34;
	v55 =	vmul.f32 v37, v49  }
0x2f3: {  	v50 =	vld [tilespmem:$0x7EE0];
	v29 =	vadd.f32 v52, v29;
	v39 =	vadd.f32 v60, v59;
	v52 =	vmul.f32 v43, v20  }
0x2f4: {  	v60 =	vmax.f32 v35, $0.0e+00;
	v30 =	vadd.f32 v34, v30;
	v34 =	vmax.f32 v56, $0.0e+00  }
0x2f5: {  	v54 =	vadd.f32 v63, v62;
	v62 =	vld [tilespmem:$0x7ED0];
	v33 =	vmul.f32 v33, v34;
	v34 =	vmul.f32 v40, v60  }
0x2f6: {  	v57 =	vadd.f32 v53, v52;
	v52 =	vmul.f32 v43, v17;
	v53 =	vmul.f32 v46, v18  }
0x2f7: {  	v59 =	vld [tilespmem:$0x7EC0];
	v31 =	vadd.f32 v55, v31;
	v61 =	vmul.f32 v36, v24;
	v55 =	vmul.f32 v36, v27  }
0x2f8: {  	v58 =	vmul.f32 v36, v22;
	v24 =	vmul.f32 v50, v24  }
0x2f9: {  	v27 =	vmul.f32 v50, v27;
	v22 =	vmul.f32 v50, v22  }
0x2fa: {  	v30 =	vadd.f32 v33, v30;
	v26 =	vmul.f32 v62, v26;
	v28 =	vmul.f32 v62, v28  }
0x2fb: {  	v32 =	vadd.f32 v34, v32;
	v21 =	vmul.f32 v62, v21;
	v18 =	vmul.f32 v62, v18  }
0x2fc: {  	v56 =	vld [tilespmem:$0x7E20];
	v39 =	vadd.f32 v61, v39;
	v25 =	vmul.f32 v59, v25;
	v23 =	vmul.f32 v59, v23  }
0x2fd: {  	v37 =	vld [tilespmem:$0x7E00];
	v61 =	vadd.f32 v55, v54;
	v54 =	vmul.f32 v36, v19;
	v20 =	vmul.f32 v59, v20  }
0x2fe: {  	v41 =	vld [tilespmem:$0x7E10];
	v63 =	vadd.f32 v58, v57;
	v17 =	vmul.f32 v59, v17;
	v59 =	vmul.f32 v50, v19  }
0x2ff: {  	v39 =	vmax.f32 v39, $0.0e+00;
	v35 =	vmax.f32 v61, $0.0e+00;
	v25 =	vadd.f32 v26, v25  }
0x300: {  	v55 =	vld [tilespmem:$0x7E80];
	v49 =	vmax.f32 v63, $0.0e+00;
	v23 =	vadd.f32 v28, v23;
	v26 =	vadd.f32 v53, v52  }
0x301: {  	v20 =	vadd.f32 v21, v20;
	v17 =	vadd.f32 v18, v17;
	v51 =	vmul.f32 v56, v49;
	v56 =	vld [tilespmem:$0x7E90]  }
0x302: {  	v57 =	vld [tilespmem:$0x7E30];
	v44 =	vmul.f32 v39, v37;
	v24 =	vadd.f32 v24, v25;
	v23 =	vadd.f32 v27, v23  }
0x303: {  	v58 =	vld [tilespmem:$0x7EA0];
	v47 =	vmul.f32 v35, v41;
	v26 =	vadd.f32 v54, v26;
	v20 =	vadd.f32 v22, v20  }
0x304: {  	v17 =	vadd.f32 v59, v17;
	v29 =	vadd.f32 v44, v29  }
0x305: {  	v60 =	vld [tilespmem:$0x7EB0];
	v31 =	vadd.f32 v47, v31;
	v24 =	vmax.f32 v24, $0.0e+00;
	v23 =	vmax.f32 v23, $0.0e+00  }
0x306: {  	v61 =	vmax.f32 v26, $0.0e+00;
	v24 =	vmul.f32 v24, v55;
	v23 =	vmul.f32 v23, v56  }
0x307: {  	v30 =	vadd.f32 v51, v30;
	v20 =	vmax.f32 v20, $0.0e+00;
	v22 =	vmul.f32 v57, v61  }
0x308: {  	v20 =	vmul.f32 v58, v20;
	v62 =	vadd.f32 v24, v29;
	v23 =	vadd.f32 v23, v31  }
0x309: {  	v17 =	vmax.f32 v17, $0.0e+00;
	v63 =	vadd.f32 v22, v32  }
0x30a: {  	v17 =	vmul.f32 v60, v17;
	v20 =	vadd.f32 v20, v30;
	v18 =	vadd.f32 v23, v62;
	_ =	sdelay $0x1  }
0x30b: {  	v17 =	vadd.f32 v17, v63;
	v18 =	vadd.f32 v18, v20;
	_ =	sdelay $0x1  }
0x30c: {  	v17 =	vadd.f32 v18, v17;
	_ =	sdelay $0x1  }
0x30d: {  	v18 =	vperm.xlane v17, v12;
	_ =	sdelay $0x1  }
0x30e: {  	v17 =	vadd.f32 v17, v18;
	_ =	sdelay $0x1  }
0x30f: {  	v18 =	vperm.xlane v17, v13;
	_ =	sdelay $0x1  }
0x310: {  	v17 =	vadd.f32 v17, v18;
	_ =	sdelay $0x1  }
0x311: {  	v18 =	vperm.xlane v17, v14;
	_ =	sdelay $0x1  }
0x312: {  	v17 =	vadd.f32 v17, v18;
	_ =	sdelay $0x1  }
0x313: {  	v16 =	vbroadcast v16, $0x0;
	s22 =	sadd.s32 $0x1, s22;
	v18 =	vperm.xlane v17, v15  }
0x314: {  	p0 =	sne.s32 s22, $0x200  }
.Ltmp0:
0x315: {  	v17 =	vadd.f32 v17, v18;
	(pc) =	sbr.rel @p0 .LBB2_2-.Ltmp0, $3  }
0x316: {  	_ = 	snop  }
0x317: {  	v17 =	vsub.f32 $0.0e+00, v17;
	_ =	sdelay $0x1  }
0x318: {  	s20 =	sadd.s32 $0x8, s20;
	s21 =	sadd.s32 $0x400, s21;
	[tilespmem:v16+s15+$0x0] =	vst.idx.msk $0x1, v17  }
0x319: {  	s19 =	sadd.s32 $0x1, s19  }
0x31a: {  	p0 =	sne.s32 s19, s17  }
.Ltmp1:
0x31b: {  	_ = 	snop;
	(pc) =	sbr.rel @p0 .LBB2_1-.Ltmp1, $4  }
0x31c: {  	[hbm4b:s16+s1] =	stream.linear.scatter [tilespmem:s15], [sflag:$0x2], $0x200, $0x38;
	[tilespmem:$0x8400] =	vst v63  }
0x31d: {  	_ =	swait.ge [sflag:s18], $0x200  }
0x31e: {  	[sflag:s18] =	ssyncset.done $0x0  }
0x31f: {  	[sflag:s18] =	ssyncadd.s32 $0xFFFFFE00  }
0x320: {  	_ =	sfence.sel $0x180000  }
0x321: {  	[bflag:$0x0] =	sbarrier.arrive $0xFFFF  }
0x322: {  	_ =	strace $0x90000047  }
0x323: {  	s0 =	stileid.u32;
	[bflag:$0x2] =	sbarrier.arrive $0xFFFF  }
0x324: {  	p0 =	sne.s32 s0, $0x0;
	s0 =	rddreg [dreg:$0x2]  }
0x325: {  	s0 =	sadd.s32 @!p0 $0x100000, s0  }
0x326: {  	[sflag:s0] =	ssyncadd.tile.s32 @!p0 $0x1;
	_ =	shalt  }
.Lfunc_end2:
_tile_overlayer_lowered:
.L_overlay_start_2:
0x327: {  	(tag) =	ssettag $0x2  }
0x328: {  	s0 =	rddreg [dreg:$0x0];
	s2 =	stileid.u32  }
0x329: {  	s1 =	rddreg [dreg:$0x1];
	p0 =	sne.s32 s2, $0x0  }
0x32a: {  	s3 =	rddreg [dreg:$0x2];
	[bflag:$0x3] =	sbarrier.arrive $0xFFFF;
	s2 =	simm.s32 @!p0 $0x1C02  }
0x32b: {  	[timem:s3], [sflag:s2] =	dma.local @!p0 [hbm:s0], s1  }
0x32c: {  	s0 =	simm.s32 @!p0 $0x2  }
0x32d: {  	_ =	swait.ge @!p0 [sflag:s0], s1  }
0x32e: {  	s1 =	ssub.s32 @!p0 $0x0, s1;
	[sflag:s0] =	ssyncset.done @!p0 $0x0  }
0x32f: {  	[sflag:s0] =	ssyncadd.s32 @!p0 s1  }
0x330: {  	[bflag:$0x3] =	sbarrier.arrive $0xFFFF  }
0x331: {  	_ =	shalt  }

</sc_bundles>
